<compile_context>
chip_gen: v7x
topology: tpu7x:2x2x1
jax: 0.10.2.dev20260603
libtpu: 0.0.44.dev20260713+nightly
codegen_flags: <defaults>
</compile_context>

<pallas_src>
import functools

import jax
import jax.numpy as jnp
from jax import lax
from jax.experimental import pallas as pl
from jax.experimental.pallas import tpu as pltpu
from jax.experimental.pallas import tpu_sc as plsc

_K = 10
_L = 20
_D = _L * _K
_LANES = 16
_NC = 2
_NS = 16
_NW = _NC * _NS
_CT = 64
_NGROUPS = _CT // _LANES


def _compute_tile(t1, t2, to):
    for gpair in range(_NGROUPS // 2):
        sls = [pl.ds((2 * gpair + h) * _LANES, _LANES) for h in range(2)]

        def step(i, bds):
            nbds = []
            for h in range(2):
                sl = sls[h]
                bd0, bd1 = bds[h]
                xs = [t1[x * _L + i, sl] for x in range(_K)]
                ys = [t2[y * _L + i, sl] for y in range(_K)]
                m0 = []
                for v in range(_K):
                    acc = xs[0] * ys[(0 - v) % _K]
                    for x in range(1, _K):
                        acc = acc + xs[x] * ys[(x - v) % _K]
                    m0.append(acc)
                tot = m0[0]
                for v in range(1, _K):
                    tot = tot + m0[v]
                r0v = m0[0]
                p = xs[0]
                nmass = p * ys[1]
                for y in range(2, _K):
                    p = p + xs[y - 1]
                    nmass = nmass + p * ys[y]
                for v in range(_K):
                    to[v * _L + i, sl] = bd0 * m0[v] + bd1 * m0[(v + 1) % _K]
                tmn = tot - nmass
                nb0 = bd0 * tmn + bd1 * (tmn - r0v)
                nb1 = bd0 * nmass + bd1 * (nmass + r0v)
                nbds.append((nb0, nb1))
            return tuple(nbds)

        lax.fori_loop(
            0, _L, step,
            tuple(
                (jnp.ones((16,), jnp.float32), jnp.zeros((16,), jnp.float32))
                for _ in range(2)
            ),
        )


def _sc_run(b_rows, op1_ref, op2_ref, out_ref,
            t1a, t2a, toa, t1b, t2b, tob, sin_a, sin_b, sout_a, sout_b):
    cols_per_w = b_rows // _NW
    ntiles = cols_per_w // _CT
    wid = lax.axis_index("s") * _NC + lax.axis_index("c")
    base = wid * cols_per_w
    bufs = ((t1a, t2a, toa, sin_a, sout_a), (t1b, t2b, tob, sin_b, sout_b))

    def start_in(tix, t1, t2, sem):
        c0 = base + tix * _CT
        pltpu.make_async_copy(op1_ref.at[:, pl.ds(c0, _CT)], t1, sem).start()
        pltpu.make_async_copy(op2_ref.at[:, pl.ds(c0, _CT)], t2, sem).start()

    def wait_in(t1, t2, sem):
        pltpu.make_async_copy(op1_ref.at[:, pl.ds(0, _CT)], t1, sem).wait()
        pltpu.make_async_copy(op2_ref.at[:, pl.ds(0, _CT)], t2, sem).wait()

    start_in(0, t1a, t2a, sin_a)

    def pair(p, carry):
        for par in range(2):
            t1, t2, to, sin, sout = bufs[par]
            n1, n2, _, nsin, _ = bufs[1 - par]
            b = p * 2 + par
            wait_in(t1, t2, sin)

            @pl.when(b + 1 < ntiles)
            def _():
                c1 = base + (b + 1) * _CT
                pltpu.make_async_copy(op1_ref.at[:, pl.ds(c1, _CT)], n1, nsin).start()
                pltpu.make_async_copy(op2_ref.at[:, pl.ds(c1, _CT)], n2, nsin).start()

            @pl.when(b >= 2)
            def _():
                c2 = base + (b - 2) * _CT
                pltpu.make_async_copy(to, out_ref.at[:, pl.ds(c2, _CT)], sout).wait()

            _compute_tile(t1, t2, to)
            c0 = base + b * _CT
            pltpu.make_async_copy(to, out_ref.at[:, pl.ds(c0, _CT)], sout).start()
        return carry

    lax.fori_loop(0, ntiles // 2, pair, 0)
    ce = base + (ntiles - 2) * _CT
    pltpu.make_async_copy(toa, out_ref.at[:, pl.ds(ce, _CT)], sout_a).wait()
    cf = base + (ntiles - 1) * _CT
    pltpu.make_async_copy(tob, out_ref.at[:, pl.ds(cf, _CT)], sout_b).wait()


def kernel(op1, op2, sub_table, borrow_table):
    b_rows = op1.shape[0]
    op1t = jnp.transpose(op1, (2, 1, 0)).reshape(_D, b_rows)
    op2t = jnp.transpose(op2, (2, 1, 0)).reshape(_D, b_rows)
    mesh = plsc.VectorSubcoreMesh(
        core_axis_name="c", subcore_axis_name="s", num_cores=_NC, num_subcores=_NS
    )
    run = pl.kernel(
        functools.partial(_sc_run, b_rows),
        out_type=jax.ShapeDtypeStruct((_D, b_rows), jnp.float32),
        mesh=mesh,
        scratch_types=[
            pltpu.VMEM((_D, _CT), jnp.float32),
            pltpu.VMEM((_D, _CT), jnp.float32),
            pltpu.VMEM((_D, _CT), jnp.float32),
            pltpu.VMEM((_D, _CT), jnp.float32),
            pltpu.VMEM((_D, _CT), jnp.float32),
            pltpu.VMEM((_D, _CT), jnp.float32),
            pltpu.SemaphoreType.DMA,
            pltpu.SemaphoreType.DMA,
            pltpu.SemaphoreType.DMA,
            pltpu.SemaphoreType.DMA,
        ],
        compiler_params=pltpu.CompilerParams(
            use_tc_tiling_on_sc=False, needs_layout_passes=False
        ),
    )
    out = run(op1t, op2t)
    return jnp.transpose(out.reshape(_K, _L, b_rows), (2, 1, 0))

# --- scband reference (transcript-rebuilt; emitter-appended) ---
"""Pipeline reference for scband-subtest-31318901522626 (READ-ONLY COPY).

The authoritative reference and input builder live on the scoring server;
editing this copy changes nothing except your own understanding.
"""

import jax, jax.numpy as jnp
import numpy as np

K = 10
L = 20
B = 16384

def _make_tables(k):
    sub = np.zeros((k, k, 2), dtype=np.int32)
    borrow = np.zeros((k, k, 2), dtype=np.int32)
    for x in range(k):
        for y in range(k):
            for b in range(2):
                o = x - y - b
                sub[x, y, b] = o if o >= 0 else k + o
                borrow[x, y, b] = 1 if (x - y - b) < 0 else 0
    return sub, borrow

def setup_inputs(seed: int = 0) -> dict:
    key = jax.random.key(seed)
    k1, k2 = jax.random.split(key)
    op1 = jax.random.uniform(k1, (B, L, K), dtype=jnp.float32)
    op2 = jax.random.uniform(k2, (B, L, K), dtype=jnp.float32)
    sub_np, borrow_np = _make_tables(K)
    return {
        "op1": op1,
        "op2": op2,
        "sub_table": jnp.asarray(sub_np),
        "borrow_table": jnp.asarray(borrow_np),
    }

def reference(op1, op2, sub_table, borrow_table):
    Bc, l, k = op1.shape
    sub_idx = sub_table.reshape(-1)      # int32 [k*k*2], values in [0, k)
    borrow_idx = borrow_table.reshape(-1)  # int32 [k*k*2], values in {0, 1}
    borrow_dist = jnp.zeros((Bc, 2), dtype=op1.dtype).at[:, 0].set(1.0)
    results = []
    for i in range(l):
        # prob_t[b, x, y, c] = op1[b,i,x] * op2[b,i,y] * borrow_dist[b,c]
        prob_t = op1[:, i, :, None, None] * op2[:, i, None, :, None] * borrow_dist[:, None, None, :]
        flat = prob_t.reshape(Bc, -1)  # [B, k*k*2]
        # scatter-add of joint mass into result digit bins (== masked sums over sub_table==v)
        res_i = jax.ops.segment_sum(flat.T, sub_idx, num_segments=k).T  # [B, k]
        results.append(res_i)
        # scatter-add into borrow bins for the next digit position
        borrow_dist = jax.ops.segment_sum(flat.T, borrow_idx, num_segments=2).T  # [B, 2]
    result_dist = jnp.stack(results, axis=1)  # [B, l, k]
    return result_dist

if __name__ == "__main__":
    import jax
    _d = setup_inputs()
    print(jax.jit(kernel)(*tuple(_d.values())))

</pallas_src>

<mosaic_0001>
#map = affine_map<(d0, d1) -> (0, 0)>
module attributes {stable_mosaic.version = 14 : i64} {
  func.func @_sc_run(%arg0: i32, %arg1: i32, %arg2: memref<200x16384xf32, #tpu.memory_space<hbm>>, %arg3: memref<200x16384xf32, #tpu.memory_space<hbm>>, %arg4: memref<200x16384xf32, #tpu.memory_space<hbm>>, %arg5: memref<200x64xf32, #tpu.memory_space<vmem>>, %arg6: memref<200x64xf32, #tpu.memory_space<vmem>>, %arg7: memref<200x64xf32, #tpu.memory_space<vmem>>, %arg8: memref<200x64xf32, #tpu.memory_space<vmem>>, %arg9: memref<200x64xf32, #tpu.memory_space<vmem>>, %arg10: memref<200x64xf32, #tpu.memory_space<vmem>>, %arg11: memref<!tpu.dma_semaphore, #tpu.memory_space<semaphore_mem>>, %arg12: memref<!tpu.dma_semaphore, #tpu.memory_space<semaphore_mem>>, %arg13: memref<!tpu.dma_semaphore, #tpu.memory_space<semaphore_mem>>, %arg14: memref<!tpu.dma_semaphore, #tpu.memory_space<semaphore_mem>>) attributes {dimension_semantics = [#tpu.dimension_semantics<core_parallel>, #tpu.dimension_semantics<subcore_parallel>], iteration_bounds = array<i64: 2, 16>, scalar_prefetch = 0 : i64, scratch_operands = 10 : i64, tpu.core_type = #tpu.core_type<sc_vector_subcore>, window_params = [{transform_indices = #map}, {transform_indices = #map}, {transform_indices = #map}]} {
    %mul3A = arith.constant 2 : i32
    %mul3A_0 = arith.muli %arg1, %mul3A : i32
    %add3A = arith.addi %mul3A_0, %arg0 : i32
    %mul3A_1 = arith.constant 512 : i32
    %mul3A_2 = arith.muli %add3A, %mul3A_1 : i32
    %add3A_3 = arith.constant 0 : i32
    %add3A_4 = arith.addi %mul3A_2, %add3A_3 : i32
    %dma_start3A = arith.constant 0 : i32
    %dma_start3A_5 = tpu.memref_slice %arg2[%dma_start3A, %add3A_4] : memref<200x16384xf32, #tpu.memory_space<hbm>> -> memref<200x64xf32, #tpu.memory_space<hbm>>
    %dma_start3A_6 = arith.constant 0 : i32
    %dma_start3A_7 = tpu.memref_slice %arg2[%dma_start3A_6, %add3A_4] : memref<200x16384xf32, #tpu.memory_space<hbm>> -> memref<200x64xf32, #tpu.memory_space<hbm>>
    tpu.enqueue_dma source(%dma_start3A_7 : memref<200x64xf32, #tpu.memory_space<hbm>>) target(%arg5 : memref<200x64xf32, #tpu.memory_space<vmem>>) target_semaphore(%arg11 : memref<!tpu.dma_semaphore, #tpu.memory_space<semaphore_mem>>)
    %dma_start3A_8 = arith.constant 0 : i32
    %dma_start3A_9 = tpu.memref_slice %arg3[%dma_start3A_8, %add3A_4] : memref<200x16384xf32, #tpu.memory_space<hbm>> -> memref<200x64xf32, #tpu.memory_space<hbm>>
    %dma_start3A_10 = arith.constant 0 : i32
    %dma_start3A_11 = tpu.memref_slice %arg3[%dma_start3A_10, %add3A_4] : memref<200x16384xf32, #tpu.memory_space<hbm>> -> memref<200x64xf32, #tpu.memory_space<hbm>>
    tpu.enqueue_dma source(%dma_start3A_11 : memref<200x64xf32, #tpu.memory_space<hbm>>) target(%arg6 : memref<200x64xf32, #tpu.memory_space<vmem>>) target_semaphore(%arg11 : memref<!tpu.dma_semaphore, #tpu.memory_space<semaphore_mem>>)
    %scan3A = arith.constant 0 : i32
    %scan3A_12 = arith.constant 0 : i32
    %scan3A_13 = arith.constant 4 : i32
    %scan3A_14 = arith.addi %scan3A_12, %scan3A_13 : i32
    %scan3A_15 = arith.constant 1 : i32
    scf.for %scan3A_28 = %scan3A_12 to %scan3A_14 step %scan3A_15  : i32 {
      %mul3A_29 = arith.constant 2 : i32
      %mul3A_30 = arith.muli %scan3A_28, %mul3A_29 : i32
      %add3A_31 = arith.constant 0 : i32
      %add3A_32 = arith.addi %mul3A_30, %add3A_31 : i32
      %dma_wait3A_33 = arith.constant 0 : i32
      %dma_wait3A_34 = arith.constant 0 : i32
      %dma_wait3A_35 = tpu.memref_slice %arg2[%dma_wait3A_33, %dma_wait3A_34] : memref<200x16384xf32, #tpu.memory_space<hbm>> -> memref<200x64xf32, #tpu.memory_space<hbm>>
      %dma_wait3A_36 = arith.constant 0 : i32
      %dma_wait3A_37 = arith.constant 0 : i32
      %dma_wait3A_38 = tpu.memref_slice %arg2[%dma_wait3A_36, %dma_wait3A_37] : memref<200x16384xf32, #tpu.memory_space<hbm>> -> memref<200x64xf32, #tpu.memory_space<hbm>>
      tpu.wait_dma2 semaphore(%arg11 : memref<!tpu.dma_semaphore, #tpu.memory_space<semaphore_mem>>) src(%dma_wait3A_38 : memref<200x64xf32, #tpu.memory_space<hbm>>) dst(%arg5 : memref<200x64xf32, #tpu.memory_space<vmem>>)
      %dma_wait3A_39 = arith.constant 0 : i32
      %dma_wait3A_40 = arith.constant 0 : i32
      %dma_wait3A_41 = tpu.memref_slice %arg3[%dma_wait3A_39, %dma_wait3A_40] : memref<200x16384xf32, #tpu.memory_space<hbm>> -> memref<200x64xf32, #tpu.memory_space<hbm>>
      %dma_wait3A_42 = arith.constant 0 : i32
      %dma_wait3A_43 = arith.constant 0 : i32
      %dma_wait3A_44 = tpu.memref_slice %arg3[%dma_wait3A_42, %dma_wait3A_43] : memref<200x16384xf32, #tpu.memory_space<hbm>> -> memref<200x64xf32, #tpu.memory_space<hbm>>
      tpu.wait_dma2 semaphore(%arg11 : memref<!tpu.dma_semaphore, #tpu.memory_space<semaphore_mem>>) src(%dma_wait3A_44 : memref<200x64xf32, #tpu.memory_space<hbm>>) dst(%arg6 : memref<200x64xf32, #tpu.memory_space<vmem>>)
      %add3A_45 = arith.constant 1 : i32
      %add3A_46 = arith.addi %add3A_32, %add3A_45 : i32
      %lt3A = arith.constant 8 : i32
      %lt3A_47 = arith.cmpi slt, %add3A_46, %lt3A : i32
      %convert_element_type3A = arith.extui %lt3A_47 : i1 to i32
      %cond3A = arith.constant 0 : i32
      %cond3A_48 = arith.cmpi ne, %convert_element_type3A, %cond3A : i32
      scf.if %cond3A_48 {
        %add3A_150 = arith.constant 1 : i32
        %add3A_151 = arith.addi %add3A_32, %add3A_150 : i32
        %mul3A_152 = arith.constant 64 : i32
        %mul3A_153 = arith.muli %add3A_151, %mul3A_152 : i32
        %add3A_154 = arith.addi %mul3A_2, %mul3A_153 : i32
        %dma_start3A_155 = arith.constant 0 : i32
        %dma_start3A_156 = tpu.memref_slice %arg2[%dma_start3A_155, %add3A_154] : memref<200x16384xf32, #tpu.memory_space<hbm>> -> memref<200x64xf32, #tpu.memory_space<hbm>>
        %dma_start3A_157 = arith.constant 0 : i32
        %dma_start3A_158 = tpu.memref_slice %arg2[%dma_start3A_157, %add3A_154] : memref<200x16384xf32, #tpu.memory_space<hbm>> -> memref<200x64xf32, #tpu.memory_space<hbm>>
        tpu.enqueue_dma source(%dma_start3A_158 : memref<200x64xf32, #tpu.memory_space<hbm>>) target(%arg8 : memref<200x64xf32, #tpu.memory_space<vmem>>) target_semaphore(%arg12 : memref<!tpu.dma_semaphore, #tpu.memory_space<semaphore_mem>>)
        %dma_start3A_159 = arith.constant 0 : i32
        %dma_start3A_160 = tpu.memref_slice %arg3[%dma_start3A_159, %add3A_154] : memref<200x16384xf32, #tpu.memory_space<hbm>> -> memref<200x64xf32, #tpu.memory_space<hbm>>
        %dma_start3A_161 = arith.constant 0 : i32
        %dma_start3A_162 = tpu.memref_slice %arg3[%dma_start3A_161, %add3A_154] : memref<200x16384xf32, #tpu.memory_space<hbm>> -> memref<200x64xf32, #tpu.memory_space<hbm>>
        tpu.enqueue_dma source(%dma_start3A_162 : memref<200x64xf32, #tpu.memory_space<hbm>>) target(%arg9 : memref<200x64xf32, #tpu.memory_space<vmem>>) target_semaphore(%arg12 : memref<!tpu.dma_semaphore, #tpu.memory_space<semaphore_mem>>)
      } else {
      }
      %ge3A = arith.constant 2 : i32
      %ge3A_49 = arith.cmpi sge, %add3A_32, %ge3A : i32
      %convert_element_type3A_50 = arith.extui %ge3A_49 : i1 to i32
      %cond3A_51 = arith.constant 0 : i32
      %cond3A_52 = arith.cmpi ne, %convert_element_type3A_50, %cond3A_51 : i32
      scf.if %cond3A_52 {
        %sub3A = arith.constant 2 : i32
        %sub3A_150 = arith.subi %add3A_32, %sub3A : i32
        %mul3A_151 = arith.constant 64 : i32
        %mul3A_152 = arith.muli %sub3A_150, %mul3A_151 : i32
        %add3A_153 = arith.addi %mul3A_2, %mul3A_152 : i32
        %dma_wait3A_154 = arith.constant 0 : i32
        %dma_wait3A_155 = tpu.memref_slice %arg4[%dma_wait3A_154, %add3A_153] : memref<200x16384xf32, #tpu.memory_space<hbm>> -> memref<200x64xf32, #tpu.memory_space<hbm>>
        %dma_wait3A_156 = arith.constant 0 : i32
        %dma_wait3A_157 = tpu.memref_slice %arg4[%dma_wait3A_156, %add3A_153] : memref<200x16384xf32, #tpu.memory_space<hbm>> -> memref<200x64xf32, #tpu.memory_space<hbm>>
        tpu.wait_dma2 semaphore(%arg13 : memref<!tpu.dma_semaphore, #tpu.memory_space<semaphore_mem>>) src(%arg7 : memref<200x64xf32, #tpu.memory_space<vmem>>) dst(%dma_wait3A_157 : memref<200x64xf32, #tpu.memory_space<hbm>>)
      } else {
      }
      %broadcast_in_dim3A = arith.constant 1.000000e+00 : f32
      %broadcast_in_dim3A_53 = vector.broadcast %broadcast_in_dim3A : f32 to vector<16xf32>
      %broadcast_in_dim3A_54 = arith.constant 0.000000e+00 : f32
      %broadcast_in_dim3A_55 = vector.broadcast %broadcast_in_dim3A_54 : f32 to vector<16xf32>
      %broadcast_in_dim3A_56 = arith.constant 1.000000e+00 : f32
      %broadcast_in_dim3A_57 = vector.broadcast %broadcast_in_dim3A_56 : f32 to vector<16xf32>
      %broadcast_in_dim3A_58 = arith.constant 0.000000e+00 : f32
      %broadcast_in_dim3A_59 = vector.broadcast %broadcast_in_dim3A_58 : f32 to vector<16xf32>
      %scan3A_60 = arith.constant 0 : i32
      %scan3A_61 = arith.constant 20 : i32
      %scan3A_62 = arith.addi %scan3A_60, %scan3A_61 : i32
      %scan3A_63 = arith.constant 1 : i32
      %scan3A_64:4 = scf.for %scan3A_150 = %scan3A_60 to %scan3A_62 step %scan3A_63 iter_args(%scan3A_151 = %broadcast_in_dim3A_53, %scan3A_152 = %broadcast_in_dim3A_55, %scan3A_153 = %broadcast_in_dim3A_57, %scan3A_154 = %broadcast_in_dim3A_59) -> (vector<16xf32>, vector<16xf32>, vector<16xf32>, vector<16xf32>)  : i32 {
        %add3A_155 = arith.constant 0 : i32
        %add3A_156 = arith.addi %add3A_155, %scan3A_150 : i32
        %get3A = arith.index_cast %add3A_156 : i32 to index
        %get3A_157 = arith.constant 0 : index
        %get3A_158 = tpu.vector_load %arg5[%get3A, %get3A_157] {strides = array<i32>} : memref<200x64xf32, #tpu.memory_space<vmem>>, vector<16xf32>,
        %add3A_159 = arith.constant 20 : i32
        %add3A_160 = arith.addi %add3A_159, %scan3A_150 : i32
        %get3A_161 = arith.index_cast %add3A_160 : i32 to index
        %get3A_162 = arith.constant 0 : index
        %get3A_163 = tpu.vector_load %arg5[%get3A_161, %get3A_162] {strides = array<i32>} : memref<200x64xf32, #tpu.memory_space<vmem>>, vector<16xf32>,
        %add3A_164 = arith.constant 40 : i32
        %add3A_165 = arith.addi %add3A_164, %scan3A_150 : i32
        %get3A_166 = arith.index_cast %add3A_165 : i32 to index
        %get3A_167 = arith.constant 0 : index
        %get3A_168 = tpu.vector_load %arg5[%get3A_166, %get3A_167] {strides = array<i32>} : memref<200x64xf32, #tpu.memory_space<vmem>>, vector<16xf32>,
        %add3A_169 = arith.constant 60 : i32
        %add3A_170 = arith.addi %add3A_169, %scan3A_150 : i32
        %get3A_171 = arith.index_cast %add3A_170 : i32 to index
        %get3A_172 = arith.constant 0 : index
        %get3A_173 = tpu.vector_load %arg5[%get3A_171, %get3A_172] {strides = array<i32>} : memref<200x64xf32, #tpu.memory_space<vmem>>, vector<16xf32>,
        %add3A_174 = arith.constant 80 : i32
        %add3A_175 = arith.addi %add3A_174, %scan3A_150 : i32
        %get3A_176 = arith.index_cast %add3A_175 : i32 to index
        %get3A_177 = arith.constant 0 : index
        %get3A_178 = tpu.vector_load %arg5[%get3A_176, %get3A_177] {strides = array<i32>} : memref<200x64xf32, #tpu.memory_space<vmem>>, vector<16xf32>,
        %add3A_179 = arith.constant 100 : i32
        %add3A_180 = arith.addi %add3A_179, %scan3A_150 : i32
        %get3A_181 = arith.index_cast %add3A_180 : i32 to index
        %get3A_182 = arith.constant 0 : index
        %get3A_183 = tpu.vector_load %arg5[%get3A_181, %get3A_182] {strides = array<i32>} : memref<200x64xf32, #tpu.memory_space<vmem>>, vector<16xf32>,
        %add3A_184 = arith.constant 120 : i32
        %add3A_185 = arith.addi %add3A_184, %scan3A_150 : i32
        %get3A_186 = arith.index_cast %add3A_185 : i32 to index
        %get3A_187 = arith.constant 0 : index
        %get3A_188 = tpu.vector_load %arg5[%get3A_186, %get3A_187] {strides = array<i32>} : memref<200x64xf32, #tpu.memory_space<vmem>>, vector<16xf32>,
        %add3A_189 = arith.constant 140 : i32
        %add3A_190 = arith.addi %add3A_189, %scan3A_150 : i32
        %get3A_191 = arith.index_cast %add3A_190 : i32 to index
        %get3A_192 = arith.constant 0 : index
        %get3A_193 = tpu.vector_load %arg5[%get3A_191, %get3A_192] {strides = array<i32>} : memref<200x64xf32, #tpu.memory_space<vmem>>, vector<16xf32>,
        %add3A_194 = arith.constant 160 : i32
        %add3A_195 = arith.addi %add3A_194, %scan3A_150 : i32
        %get3A_196 = arith.index_cast %add3A_195 : i32 to index
        %get3A_197 = arith.constant 0 : index
        %get3A_198 = tpu.vector_load %arg5[%get3A_196, %get3A_197] {strides = array<i32>} : memref<200x64xf32, #tpu.memory_space<vmem>>, vector<16xf32>,
        %add3A_199 = arith.constant 180 : i32
        %add3A_200 = arith.addi %add3A_199, %scan3A_150 : i32
        %get3A_201 = arith.index_cast %add3A_200 : i32 to index
        %get3A_202 = arith.constant 0 : index
        %get3A_203 = tpu.vector_load %arg5[%get3A_201, %get3A_202] {strides = array<i32>} : memref<200x64xf32, #tpu.memory_space<vmem>>, vector<16xf32>,
        %add3A_204 = arith.constant 0 : i32
        %add3A_205 = arith.addi %add3A_204, %scan3A_150 : i32
        %get3A_206 = arith.index_cast %add3A_205 : i32 to index
        %get3A_207 = arith.constant 0 : index
        %get3A_208 = tpu.vector_load %arg6[%get3A_206, %get3A_207] {strides = array<i32>} : memref<200x64xf32, #tpu.memory_space<vmem>>, vector<16xf32>,
        %add3A_209 = arith.constant 20 : i32
        %add3A_210 = arith.addi %add3A_209, %scan3A_150 : i32
        %get3A_211 = arith.index_cast %add3A_210 : i32 to index
        %get3A_212 = arith.constant 0 : index
        %get3A_213 = tpu.vector_load %arg6[%get3A_211, %get3A_212] {strides = array<i32>} : memref<200x64xf32, #tpu.memory_space<vmem>>, vector<16xf32>,
        %add3A_214 = arith.constant 40 : i32
        %add3A_215 = arith.addi %add3A_214, %scan3A_150 : i32
        %get3A_216 = arith.index_cast %add3A_215 : i32 to index
        %get3A_217 = arith.constant 0 : index
        %get3A_218 = tpu.vector_load %arg6[%get3A_216, %get3A_217] {strides = array<i32>} : memref<200x64xf32, #tpu.memory_space<vmem>>, vector<16xf32>,
        %add3A_219 = arith.constant 60 : i32
        %add3A_220 = arith.addi %add3A_219, %scan3A_150 : i32
        %get3A_221 = arith.index_cast %add3A_220 : i32 to index
        %get3A_222 = arith.constant 0 : index
        %get3A_223 = tpu.vector_load %arg6[%get3A_221, %get3A_222] {strides = array<i32>} : memref<200x64xf32, #tpu.memory_space<vmem>>, vector<16xf32>,
        %add3A_224 = arith.constant 80 : i32
        %add3A_225 = arith.addi %add3A_224, %scan3A_150 : i32
        %get3A_226 = arith.index_cast %add3A_225 : i32 to index
        %get3A_227 = arith.constant 0 : index
        %get3A_228 = tpu.vector_load %arg6[%get3A_226, %get3A_227] {strides = array<i32>} : memref<200x64xf32, #tpu.memory_space<vmem>>, vector<16xf32>,
        %add3A_229 = arith.constant 100 : i32
        %add3A_230 = arith.addi %add3A_229, %scan3A_150 : i32
        %get3A_231 = arith.index_cast %add3A_230 : i32 to index
        %get3A_232 = arith.constant 0 : index
        %get3A_233 = tpu.vector_load %arg6[%get3A_231, %get3A_232] {strides = array<i32>} : memref<200x64xf32, #tpu.memory_space<vmem>>, vector<16xf32>,
        %add3A_234 = arith.constant 120 : i32
        %add3A_235 = arith.addi %add3A_234, %scan3A_150 : i32
        %get3A_236 = arith.index_cast %add3A_235 : i32 to index
        %get3A_237 = arith.constant 0 : index
        %get3A_238 = tpu.vector_load %arg6[%get3A_236, %get3A_237] {strides = array<i32>} : memref<200x64xf32, #tpu.memory_space<vmem>>, vector<16xf32>,
        %add3A_239 = arith.constant 140 : i32
        %add3A_240 = arith.addi %add3A_239, %scan3A_150 : i32
        %get3A_241 = arith.index_cast %add3A_240 : i32 to index
        %get3A_242 = arith.constant 0 : index
        %get3A_243 = tpu.vector_load %arg6[%get3A_241, %get3A_242] {strides = array<i32>} : memref<200x64xf32, #tpu.memory_space<vmem>>, vector<16xf32>,
        %add3A_244 = arith.constant 160 : i32
        %add3A_245 = arith.addi %add3A_244, %scan3A_150 : i32
        %get3A_246 = arith.index_cast %add3A_245 : i32 to index
        %get3A_247 = arith.constant 0 : index
        %get3A_248 = tpu.vector_load %arg6[%get3A_246, %get3A_247] {strides = array<i32>} : memref<200x64xf32, #tpu.memory_space<vmem>>, vector<16xf32>,
        %add3A_249 = arith.constant 180 : i32
        %add3A_250 = arith.addi %add3A_249, %scan3A_150 : i32
        %get3A_251 = arith.index_cast %add3A_250 : i32 to index
        %get3A_252 = arith.constant 0 : index
        %get3A_253 = tpu.vector_load %arg6[%get3A_251, %get3A_252] {strides = array<i32>} : memref<200x64xf32, #tpu.memory_space<vmem>>, vector<16xf32>,
        %mul3A_254 = arith.mulf %get3A_158, %get3A_208 : vector<16xf32>
        %mul3A_255 = arith.mulf %get3A_163, %get3A_213 : vector<16xf32>
        %add3A_256 = arith.addf %mul3A_254, %mul3A_255 : vector<16xf32>
        %mul3A_257 = arith.mulf %get3A_168, %get3A_218 : vector<16xf32>
        %add3A_258 = arith.addf %add3A_256, %mul3A_257 : vector<16xf32>
        %mul3A_259 = arith.mulf %get3A_173, %get3A_223 : vector<16xf32>
        %add3A_260 = arith.addf %add3A_258, %mul3A_259 : vector<16xf32>
        %mul3A_261 = arith.mulf %get3A_178, %get3A_228 : vector<16xf32>
        %add3A_262 = arith.addf %add3A_260, %mul3A_261 : vector<16xf32>
        %mul3A_263 = arith.mulf %get3A_183, %get3A_233 : vector<16xf32>
        %add3A_264 = arith.addf %add3A_262, %mul3A_263 : vector<16xf32>
        %mul3A_265 = arith.mulf %get3A_188, %get3A_238 : vector<16xf32>
        %add3A_266 = arith.addf %add3A_264, %mul3A_265 : vector<16xf32>
        %mul3A_267 = arith.mulf %get3A_193, %get3A_243 : vector<16xf32>
        %add3A_268 = arith.addf %add3A_266, %mul3A_267 : vector<16xf32>
        %mul3A_269 = arith.mulf %get3A_198, %get3A_248 : vector<16xf32>
        %add3A_270 = arith.addf %add3A_268, %mul3A_269 : vector<16xf32>
        %mul3A_271 = arith.mulf %get3A_203, %get3A_253 : vector<16xf32>
        %add3A_272 = arith.addf %add3A_270, %mul3A_271 : vector<16xf32>
        %mul3A_273 = arith.mulf %get3A_158, %get3A_253 : vector<16xf32>
        %mul3A_274 = arith.mulf %get3A_163, %get3A_208 : vector<16xf32>
        %add3A_275 = arith.addf %mul3A_273, %mul3A_274 : vector<16xf32>
        %mul3A_276 = arith.mulf %get3A_168, %get3A_213 : vector<16xf32>
        %add3A_277 = arith.addf %add3A_275, %mul3A_276 : vector<16xf32>
        %mul3A_278 = arith.mulf %get3A_173, %get3A_218 : vector<16xf32>
        %add3A_279 = arith.addf %add3A_277, %mul3A_278 : vector<16xf32>
        %mul3A_280 = arith.mulf %get3A_178, %get3A_223 : vector<16xf32>
        %add3A_281 = arith.addf %add3A_279, %mul3A_280 : vector<16xf32>
        %mul3A_282 = arith.mulf %get3A_183, %get3A_228 : vector<16xf32>
        %add3A_283 = arith.addf %add3A_281, %mul3A_282 : vector<16xf32>
        %mul3A_284 = arith.mulf %get3A_188, %get3A_233 : vector<16xf32>
        %add3A_285 = arith.addf %add3A_283, %mul3A_284 : vector<16xf32>
        %mul3A_286 = arith.mulf %get3A_193, %get3A_238 : vector<16xf32>
        %add3A_287 = arith.addf %add3A_285, %mul3A_286 : vector<16xf32>
        %mul3A_288 = arith.mulf %get3A_198, %get3A_243 : vector<16xf32>
        %add3A_289 = arith.addf %add3A_287, %mul3A_288 : vector<16xf32>
        %mul3A_290 = arith.mulf %get3A_203, %get3A_248 : vector<16xf32>
        %add3A_291 = arith.addf %add3A_289, %mul3A_290 : vector<16xf32>
        %mul3A_292 = arith.mulf %get3A_158, %get3A_248 : vector<16xf32>
        %mul3A_293 = arith.mulf %get3A_163, %get3A_253 : vector<16xf32>
        %add3A_294 = arith.addf %mul3A_292, %mul3A_293 : vector<16xf32>
        %mul3A_295 = arith.mulf %get3A_168, %get3A_208 : vector<16xf32>
        %add3A_296 = arith.addf %add3A_294, %mul3A_295 : vector<16xf32>
        %mul3A_297 = arith.mulf %get3A_173, %get3A_213 : vector<16xf32>
        %add3A_298 = arith.addf %add3A_296, %mul3A_297 : vector<16xf32>
        %mul3A_299 = arith.mulf %get3A_178, %get3A_218 : vector<16xf32>
        %add3A_300 = arith.addf %add3A_298, %mul3A_299 : vector<16xf32>
        %mul3A_301 = arith.mulf %get3A_183, %get3A_223 : vector<16xf32>
        %add3A_302 = arith.addf %add3A_300, %mul3A_301 : vector<16xf32>
        %mul3A_303 = arith.mulf %get3A_188, %get3A_228 : vector<16xf32>
        %add3A_304 = arith.addf %add3A_302, %mul3A_303 : vector<16xf32>
        %mul3A_305 = arith.mulf %get3A_193, %get3A_233 : vector<16xf32>
        %add3A_306 = arith.addf %add3A_304, %mul3A_305 : vector<16xf32>
        %mul3A_307 = arith.mulf %get3A_198, %get3A_238 : vector<16xf32>
        %add3A_308 = arith.addf %add3A_306, %mul3A_307 : vector<16xf32>
        %mul3A_309 = arith.mulf %get3A_203, %get3A_243 : vector<16xf32>
        %add3A_310 = arith.addf %add3A_308, %mul3A_309 : vector<16xf32>
        %mul3A_311 = arith.mulf %get3A_158, %get3A_243 : vector<16xf32>
        %mul3A_312 = arith.mulf %get3A_163, %get3A_248 : vector<16xf32>
        %add3A_313 = arith.addf %mul3A_311, %mul3A_312 : vector<16xf32>
        %mul3A_314 = arith.mulf %get3A_168, %get3A_253 : vector<16xf32>
        %add3A_315 = arith.addf %add3A_313, %mul3A_314 : vector<16xf32>
        %mul3A_316 = arith.mulf %get3A_173, %get3A_208 : vector<16xf32>
        %add3A_317 = arith.addf %add3A_315, %mul3A_316 : vector<16xf32>
        %mul3A_318 = arith.mulf %get3A_178, %get3A_213 : vector<16xf32>
        %add3A_319 = arith.addf %add3A_317, %mul3A_318 : vector<16xf32>
        %mul3A_320 = arith.mulf %get3A_183, %get3A_218 : vector<16xf32>
        %add3A_321 = arith.addf %add3A_319, %mul3A_320 : vector<16xf32>
        %mul3A_322 = arith.mulf %get3A_188, %get3A_223 : vector<16xf32>
        %add3A_323 = arith.addf %add3A_321, %mul3A_322 : vector<16xf32>
        %mul3A_324 = arith.mulf %get3A_193, %get3A_228 : vector<16xf32>
        %add3A_325 = arith.addf %add3A_323, %mul3A_324 : vector<16xf32>
        %mul3A_326 = arith.mulf %get3A_198, %get3A_233 : vector<16xf32>
        %add3A_327 = arith.addf %add3A_325, %mul3A_326 : vector<16xf32>
        %mul3A_328 = arith.mulf %get3A_203, %get3A_238 : vector<16xf32>
        %add3A_329 = arith.addf %add3A_327, %mul3A_328 : vector<16xf32>
        %mul3A_330 = arith.mulf %get3A_158, %get3A_238 : vector<16xf32>
        %mul3A_331 = arith.mulf %get3A_163, %get3A_243 : vector<16xf32>
        %add3A_332 = arith.addf %mul3A_330, %mul3A_331 : vector<16xf32>
        %mul3A_333 = arith.mulf %get3A_168, %get3A_248 : vector<16xf32>
        %add3A_334 = arith.addf %add3A_332, %mul3A_333 : vector<16xf32>
        %mul3A_335 = arith.mulf %get3A_173, %get3A_253 : vector<16xf32>
        %add3A_336 = arith.addf %add3A_334, %mul3A_335 : vector<16xf32>
        %mul3A_337 = arith.mulf %get3A_178, %get3A_208 : vector<16xf32>
        %add3A_338 = arith.addf %add3A_336, %mul3A_337 : vector<16xf32>
        %mul3A_339 = arith.mulf %get3A_183, %get3A_213 : vector<16xf32>
        %add3A_340 = arith.addf %add3A_338, %mul3A_339 : vector<16xf32>
        %mul3A_341 = arith.mulf %get3A_188, %get3A_218 : vector<16xf32>
        %add3A_342 = arith.addf %add3A_340, %mul3A_341 : vector<16xf32>
        %mul3A_343 = arith.mulf %get3A_193, %get3A_223 : vector<16xf32>
        %add3A_344 = arith.addf %add3A_342, %mul3A_343 : vector<16xf32>
        %mul3A_345 = arith.mulf %get3A_198, %get3A_228 : vector<16xf32>
        %add3A_346 = arith.addf %add3A_344, %mul3A_345 : vector<16xf32>
        %mul3A_347 = arith.mulf %get3A_203, %get3A_233 : vector<16xf32>
        %add3A_348 = arith.addf %add3A_346, %mul3A_347 : vector<16xf32>
        %mul3A_349 = arith.mulf %get3A_158, %get3A_233 : vector<16xf32>
        %mul3A_350 = arith.mulf %get3A_163, %get3A_238 : vector<16xf32>
        %add3A_351 = arith.addf %mul3A_349, %mul3A_350 : vector<16xf32>
        %mul3A_352 = arith.mulf %get3A_168, %get3A_243 : vector<16xf32>
        %add3A_353 = arith.addf %add3A_351, %mul3A_352 : vector<16xf32>
        %mul3A_354 = arith.mulf %get3A_173, %get3A_248 : vector<16xf32>
        %add3A_355 = arith.addf %add3A_353, %mul3A_354 : vector<16xf32>
        %mul3A_356 = arith.mulf %get3A_178, %get3A_253 : vector<16xf32>
        %add3A_357 = arith.addf %add3A_355, %mul3A_356 : vector<16xf32>
        %mul3A_358 = arith.mulf %get3A_183, %get3A_208 : vector<16xf32>
        %add3A_359 = arith.addf %add3A_357, %mul3A_358 : vector<16xf32>
        %mul3A_360 = arith.mulf %get3A_188, %get3A_213 : vector<16xf32>
        %add3A_361 = arith.addf %add3A_359, %mul3A_360 : vector<16xf32>
        %mul3A_362 = arith.mulf %get3A_193, %get3A_218 : vector<16xf32>
        %add3A_363 = arith.addf %add3A_361, %mul3A_362 : vector<16xf32>
        %mul3A_364 = arith.mulf %get3A_198, %get3A_223 : vector<16xf32>
        %add3A_365 = arith.addf %add3A_363, %mul3A_364 : vector<16xf32>
        %mul3A_366 = arith.mulf %get3A_203, %get3A_228 : vector<16xf32>
        %add3A_367 = arith.addf %add3A_365, %mul3A_366 : vector<16xf32>
        %mul3A_368 = arith.mulf %get3A_158, %get3A_228 : vector<16xf32>
        %mul3A_369 = arith.mulf %get3A_163, %get3A_233 : vector<16xf32>
        %add3A_370 = arith.addf %mul3A_368, %mul3A_369 : vector<16xf32>
        %mul3A_371 = arith.mulf %get3A_168, %get3A_238 : vector<16xf32>
        %add3A_372 = arith.addf %add3A_370, %mul3A_371 : vector<16xf32>
        %mul3A_373 = arith.mulf %get3A_173, %get3A_243 : vector<16xf32>
        %add3A_374 = arith.addf %add3A_372, %mul3A_373 : vector<16xf32>
        %mul3A_375 = arith.mulf %get3A_178, %get3A_248 : vector<16xf32>
        %add3A_376 = arith.addf %add3A_374, %mul3A_375 : vector<16xf32>
        %mul3A_377 = arith.mulf %get3A_183, %get3A_253 : vector<16xf32>
        %add3A_378 = arith.addf %add3A_376, %mul3A_377 : vector<16xf32>
        %mul3A_379 = arith.mulf %get3A_188, %get3A_208 : vector<16xf32>
        %add3A_380 = arith.addf %add3A_378, %mul3A_379 : vector<16xf32>
        %mul3A_381 = arith.mulf %get3A_193, %get3A_213 : vector<16xf32>
        %add3A_382 = arith.addf %add3A_380, %mul3A_381 : vector<16xf32>
        %mul3A_383 = arith.mulf %get3A_198, %get3A_218 : vector<16xf32>
        %add3A_384 = arith.addf %add3A_382, %mul3A_383 : vector<16xf32>
        %mul3A_385 = arith.mulf %get3A_203, %get3A_223 : vector<16xf32>
        %add3A_386 = arith.addf %add3A_384, %mul3A_385 : vector<16xf32>
        %mul3A_387 = arith.mulf %get3A_158, %get3A_223 : vector<16xf32>
        %mul3A_388 = arith.mulf %get3A_163, %get3A_228 : vector<16xf32>
        %add3A_389 = arith.addf %mul3A_387, %mul3A_388 : vector<16xf32>
        %mul3A_390 = arith.mulf %get3A_168, %get3A_233 : vector<16xf32>
        %add3A_391 = arith.addf %add3A_389, %mul3A_390 : vector<16xf32>
        %mul3A_392 = arith.mulf %get3A_173, %get3A_238 : vector<16xf32>
        %add3A_393 = arith.addf %add3A_391, %mul3A_392 : vector<16xf32>
        %mul3A_394 = arith.mulf %get3A_178, %get3A_243 : vector<16xf32>
        %add3A_395 = arith.addf %add3A_393, %mul3A_394 : vector<16xf32>
        %mul3A_396 = arith.mulf %get3A_183, %get3A_248 : vector<16xf32>
        %add3A_397 = arith.addf %add3A_395, %mul3A_396 : vector<16xf32>
        %mul3A_398 = arith.mulf %get3A_188, %get3A_253 : vector<16xf32>
        %add3A_399 = arith.addf %add3A_397, %mul3A_398 : vector<16xf32>
        %mul3A_400 = arith.mulf %get3A_193, %get3A_208 : vector<16xf32>
        %add3A_401 = arith.addf %add3A_399, %mul3A_400 : vector<16xf32>
        %mul3A_402 = arith.mulf %get3A_198, %get3A_213 : vector<16xf32>
        %add3A_403 = arith.addf %add3A_401, %mul3A_402 : vector<16xf32>
        %mul3A_404 = arith.mulf %get3A_203, %get3A_218 : vector<16xf32>
        %add3A_405 = arith.addf %add3A_403, %mul3A_404 : vector<16xf32>
        %mul3A_406 = arith.mulf %get3A_158, %get3A_218 : vector<16xf32>
        %mul3A_407 = arith.mulf %get3A_163, %get3A_223 : vector<16xf32>
        %add3A_408 = arith.addf %mul3A_406, %mul3A_407 : vector<16xf32>
        %mul3A_409 = arith.mulf %get3A_168, %get3A_228 : vector<16xf32>
        %add3A_410 = arith.addf %add3A_408, %mul3A_409 : vector<16xf32>
        %mul3A_411 = arith.mulf %get3A_173, %get3A_233 : vector<16xf32>
        %add3A_412 = arith.addf %add3A_410, %mul3A_411 : vector<16xf32>
        %mul3A_413 = arith.mulf %get3A_178, %get3A_238 : vector<16xf32>
        %add3A_414 = arith.addf %add3A_412, %mul3A_413 : vector<16xf32>
        %mul3A_415 = arith.mulf %get3A_183, %get3A_243 : vector<16xf32>
        %add3A_416 = arith.addf %add3A_414, %mul3A_415 : vector<16xf32>
        %mul3A_417 = arith.mulf %get3A_188, %get3A_248 : vector<16xf32>
        %add3A_418 = arith.addf %add3A_416, %mul3A_417 : vector<16xf32>
        %mul3A_419 = arith.mulf %get3A_193, %get3A_253 : vector<16xf32>
        %add3A_420 = arith.addf %add3A_418, %mul3A_419 : vector<16xf32>
        %mul3A_421 = arith.mulf %get3A_198, %get3A_208 : vector<16xf32>
        %add3A_422 = arith.addf %add3A_420, %mul3A_421 : vector<16xf32>
        %mul3A_423 = arith.mulf %get3A_203, %get3A_213 : vector<16xf32>
        %add3A_424 = arith.addf %add3A_422, %mul3A_423 : vector<16xf32>
        %mul3A_425 = arith.mulf %get3A_158, %get3A_213 : vector<16xf32>
        %mul3A_426 = arith.mulf %get3A_163, %get3A_218 : vector<16xf32>
        %add3A_427 = arith.addf %mul3A_425, %mul3A_426 : vector<16xf32>
        %mul3A_428 = arith.mulf %get3A_168, %get3A_223 : vector<16xf32>
        %add3A_429 = arith.addf %add3A_427, %mul3A_428 : vector<16xf32>
        %mul3A_430 = arith.mulf %get3A_173, %get3A_228 : vector<16xf32>
        %add3A_431 = arith.addf %add3A_429, %mul3A_430 : vector<16xf32>
        %mul3A_432 = arith.mulf %get3A_178, %get3A_233 : vector<16xf32>
        %add3A_433 = arith.addf %add3A_431, %mul3A_432 : vector<16xf32>
        %mul3A_434 = arith.mulf %get3A_183, %get3A_238 : vector<16xf32>
        %add3A_435 = arith.addf %add3A_433, %mul3A_434 : vector<16xf32>
        %mul3A_436 = arith.mulf %get3A_188, %get3A_243 : vector<16xf32>
        %add3A_437 = arith.addf %add3A_435, %mul3A_436 : vector<16xf32>
        %mul3A_438 = arith.mulf %get3A_193, %get3A_248 : vector<16xf32>
        %add3A_439 = arith.addf %add3A_437, %mul3A_438 : vector<16xf32>
        %mul3A_440 = arith.mulf %get3A_198, %get3A_253 : vector<16xf32>
        %add3A_441 = arith.addf %add3A_439, %mul3A_440 : vector<16xf32>
        %mul3A_442 = arith.mulf %get3A_203, %get3A_208 : vector<16xf32>
        %add3A_443 = arith.addf %add3A_441, %mul3A_442 : vector<16xf32>
        %add3A_444 = arith.addf %add3A_272, %add3A_291 : vector<16xf32>
        %add3A_445 = arith.addf %add3A_444, %add3A_310 : vector<16xf32>
        %add3A_446 = arith.addf %add3A_445, %add3A_329 : vector<16xf32>
        %add3A_447 = arith.addf %add3A_446, %add3A_348 : vector<16xf32>
        %add3A_448 = arith.addf %add3A_447, %add3A_367 : vector<16xf32>
        %add3A_449 = arith.addf %add3A_448, %add3A_386 : vector<16xf32>
        %add3A_450 = arith.addf %add3A_449, %add3A_405 : vector<16xf32>
        %add3A_451 = arith.addf %add3A_450, %add3A_424 : vector<16xf32>
        %add3A_452 = arith.addf %add3A_451, %add3A_443 : vector<16xf32>
        %mul3A_453 = arith.mulf %get3A_158, %get3A_213 : vector<16xf32>
        %add3A_454 = arith.addf %get3A_158, %get3A_163 : vector<16xf32>
        %mul3A_455 = arith.mulf %add3A_454, %get3A_218 : vector<16xf32>
        %add3A_456 = arith.addf %mul3A_453, %mul3A_455 : vector<16xf32>
        %add3A_457 = arith.addf %add3A_454, %get3A_168 : vector<16xf32>
        %mul3A_458 = arith.mulf %add3A_457, %get3A_223 : vector<16xf32>
        %add3A_459 = arith.addf %add3A_456, %mul3A_458 : vector<16xf32>
        %add3A_460 = arith.addf %add3A_457, %get3A_173 : vector<16xf32>
        %mul3A_461 = arith.mulf %add3A_460, %get3A_228 : vector<16xf32>
        %add3A_462 = arith.addf %add3A_459, %mul3A_461 : vector<16xf32>
        %add3A_463 = arith.addf %add3A_460, %get3A_178 : vector<16xf32>
        %mul3A_464 = arith.mulf %add3A_463, %get3A_233 : vector<16xf32>
        %add3A_465 = arith.addf %add3A_462, %mul3A_464 : vector<16xf32>
        %add3A_466 = arith.addf %add3A_463, %get3A_183 : vector<16xf32>
        %mul3A_467 = arith.mulf %add3A_466, %get3A_238 : vector<16xf32>
        %add3A_468 = arith.addf %add3A_465, %mul3A_467 : vector<16xf32>
        %add3A_469 = arith.addf %add3A_466, %get3A_188 : vector<16xf32>
        %mul3A_470 = arith.mulf %add3A_469, %get3A_243 : vector<16xf32>
        %add3A_471 = arith.addf %add3A_468, %mul3A_470 : vector<16xf32>
        %add3A_472 = arith.addf %add3A_469, %get3A_193 : vector<16xf32>
        %mul3A_473 = arith.mulf %add3A_472, %get3A_248 : vector<16xf32>
        %add3A_474 = arith.addf %add3A_471, %mul3A_473 : vector<16xf32>
        %add3A_475 = arith.addf %add3A_472, %get3A_198 : vector<16xf32>
        %mul3A_476 = arith.mulf %add3A_475, %get3A_253 : vector<16xf32>
        %add3A_477 = arith.addf %add3A_474, %mul3A_476 : vector<16xf32>
        %mul3A_478 = arith.mulf %scan3A_151, %add3A_272 : vector<16xf32>
        %mul3A_479 = arith.mulf %scan3A_152, %add3A_291 : vector<16xf32>
        %add3A_480 = arith.addf %mul3A_478, %mul3A_479 : vector<16xf32>
        %add3A_481 = arith.constant 0 : i32
        %add3A_482 = arith.addi %add3A_481, %scan3A_150 : i32
        %swap3A = arith.index_cast %add3A_482 : i32 to index
        %swap3A_483 = arith.constant 0 : index
        %swap3A_484 = tpu.vector_load %arg7[%swap3A, %swap3A_483] {strides = array<i32>} : memref<200x64xf32, #tpu.memory_space<vmem>>, vector<16xf32>,
        tpu.vector_store %arg7[%swap3A, %swap3A_483], %add3A_480 {strides = array<i32>} : memref<200x64xf32, #tpu.memory_space<vmem>>, vector<16xf32>,
        %mul3A_485 = arith.mulf %scan3A_151, %add3A_291 : vector<16xf32>
        %mul3A_486 = arith.mulf %scan3A_152, %add3A_310 : vector<16xf32>
        %add3A_487 = arith.addf %mul3A_485, %mul3A_486 : vector<16xf32>
        %add3A_488 = arith.constant 20 : i32
        %add3A_489 = arith.addi %add3A_488, %scan3A_150 : i32
        %swap3A_490 = arith.index_cast %add3A_489 : i32 to index
        %swap3A_491 = arith.constant 0 : index
        %swap3A_492 = tpu.vector_load %arg7[%swap3A_490, %swap3A_491] {strides = array<i32>} : memref<200x64xf32, #tpu.memory_space<vmem>>, vector<16xf32>,
        tpu.vector_store %arg7[%swap3A_490, %swap3A_491], %add3A_487 {strides = array<i32>} : memref<200x64xf32, #tpu.memory_space<vmem>>, vector<16xf32>,
        %mul3A_493 = arith.mulf %scan3A_151, %add3A_310 : vector<16xf32>
        %mul3A_494 = arith.mulf %scan3A_152, %add3A_329 : vector<16xf32>
        %add3A_495 = arith.addf %mul3A_493, %mul3A_494 : vector<16xf32>
        %add3A_496 = arith.constant 40 : i32
        %add3A_497 = arith.addi %add3A_496, %scan3A_150 : i32
        %swap3A_498 = arith.index_cast %add3A_497 : i32 to index
        %swap3A_499 = arith.constant 0 : index
        %swap3A_500 = tpu.vector_load %arg7[%swap3A_498, %swap3A_499] {strides = array<i32>} : memref<200x64xf32, #tpu.memory_space<vmem>>, vector<16xf32>,
        tpu.vector_store %arg7[%swap3A_498, %swap3A_499], %add3A_495 {strides = array<i32>} : memref<200x64xf32, #tpu.memory_space<vmem>>, vector<16xf32>,
        %mul3A_501 = arith.mulf %scan3A_151, %add3A_329 : vector<16xf32>
        %mul3A_502 = arith.mulf %scan3A_152, %add3A_348 : vector<16xf32>
        %add3A_503 = arith.addf %mul3A_501, %mul3A_502 : vector<16xf32>
        %add3A_504 = arith.constant 60 : i32
        %add3A_505 = arith.addi %add3A_504, %scan3A_150 : i32
        %swap3A_506 = arith.index_cast %add3A_505 : i32 to index
        %swap3A_507 = arith.constant 0 : index
        %swap3A_508 = tpu.vector_load %arg7[%swap3A_506, %swap3A_507] {strides = array<i32>} : memref<200x64xf32, #tpu.memory_space<vmem>>, vector<16xf32>,
        tpu.vector_store %arg7[%swap3A_506, %swap3A_507], %add3A_503 {strides = array<i32>} : memref<200x64xf32, #tpu.memory_space<vmem>>, vector<16xf32>,
        %mul3A_509 = arith.mulf %scan3A_151, %add3A_348 : vector<16xf32>
        %mul3A_510 = arith.mulf %scan3A_152, %add3A_367 : vector<16xf32>
        %add3A_511 = arith.addf %mul3A_509, %mul3A_510 : vector<16xf32>
        %add3A_512 = arith.constant 80 : i32
        %add3A_513 = arith.addi %add3A_512, %scan3A_150 : i32
        %swap3A_514 = arith.index_cast %add3A_513 : i32 to index
        %swap3A_515 = arith.constant 0 : index
        %swap3A_516 = tpu.vector_load %arg7[%swap3A_514, %swap3A_515] {strides = array<i32>} : memref<200x64xf32, #tpu.memory_space<vmem>>, vector<16xf32>,
        tpu.vector_store %arg7[%swap3A_514, %swap3A_515], %add3A_511 {strides = array<i32>} : memref<200x64xf32, #tpu.memory_space<vmem>>, vector<16xf32>,
        %mul3A_517 = arith.mulf %scan3A_151, %add3A_367 : vector<16xf32>
        %mul3A_518 = arith.mulf %scan3A_152, %add3A_386 : vector<16xf32>
        %add3A_519 = arith.addf %mul3A_517, %mul3A_518 : vector<16xf32>
        %add3A_520 = arith.constant 100 : i32
        %add3A_521 = arith.addi %add3A_520, %scan3A_150 : i32
        %swap3A_522 = arith.index_cast %add3A_521 : i32 to index
        %swap3A_523 = arith.constant 0 : index
        %swap3A_524 = tpu.vector_load %arg7[%swap3A_522, %swap3A_523] {strides = array<i32>} : memref<200x64xf32, #tpu.memory_space<vmem>>, vector<16xf32>,
        tpu.vector_store %arg7[%swap3A_522, %swap3A_523], %add3A_519 {strides = array<i32>} : memref<200x64xf32, #tpu.memory_space<vmem>>, vector<16xf32>,
        %mul3A_525 = arith.mulf %scan3A_151, %add3A_386 : vector<16xf32>
        %mul3A_526 = arith.mulf %scan3A_152, %add3A_405 : vector<16xf32>
        %add3A_527 = arith.addf %mul3A_525, %mul3A_526 : vector<16xf32>
        %add3A_528 = arith.constant 120 : i32
        %add3A_529 = arith.addi %add3A_528, %scan3A_150 : i32
        %swap3A_530 = arith.index_cast %add3A_529 : i32 to index
        %swap3A_531 = arith.constant 0 : index
        %swap3A_532 = tpu.vector_load %arg7[%swap3A_530, %swap3A_531] {strides = array<i32>} : memref<200x64xf32, #tpu.memory_space<vmem>>, vector<16xf32>,
        tpu.vector_store %arg7[%swap3A_530, %swap3A_531], %add3A_527 {strides = array<i32>} : memref<200x64xf32, #tpu.memory_space<vmem>>, vector<16xf32>,
        %mul3A_533 = arith.mulf %scan3A_151, %add3A_405 : vector<16xf32>
        %mul3A_534 = arith.mulf %scan3A_152, %add3A_424 : vector<16xf32>
        %add3A_535 = arith.addf %mul3A_533, %mul3A_534 : vector<16xf32>
        %add3A_536 = arith.constant 140 : i32
        %add3A_537 = arith.addi %add3A_536, %scan3A_150 : i32
        %swap3A_538 = arith.index_cast %add3A_537 : i32 to index
        %swap3A_539 = arith.constant 0 : index
        %swap3A_540 = tpu.vector_load %arg7[%swap3A_538, %swap3A_539] {strides = array<i32>} : memref<200x64xf32, #tpu.memory_space<vmem>>, vector<16xf32>,
        tpu.vector_store %arg7[%swap3A_538, %swap3A_539], %add3A_535 {strides = array<i32>} : memref<200x64xf32, #tpu.memory_space<vmem>>, vector<16xf32>,
        %mul3A_541 = arith.mulf %scan3A_151, %add3A_424 : vector<16xf32>
        %mul3A_542 = arith.mulf %scan3A_152, %add3A_443 : vector<16xf32>
        %add3A_543 = arith.addf %mul3A_541, %mul3A_542 : vector<16xf32>
        %add3A_544 = arith.constant 160 : i32
        %add3A_545 = arith.addi %add3A_544, %scan3A_150 : i32
        %swap3A_546 = arith.index_cast %add3A_545 : i32 to index
        %swap3A_547 = arith.constant 0 : index
        %swap3A_548 = tpu.vector_load %arg7[%swap3A_546, %swap3A_547] {strides = array<i32>} : memref<200x64xf32, #tpu.memory_space<vmem>>, vector<16xf32>,
        tpu.vector_store %arg7[%swap3A_546, %swap3A_547], %add3A_543 {strides = array<i32>} : memref<200x64xf32, #tpu.memory_space<vmem>>, vector<16xf32>,
        %mul3A_549 = arith.mulf %scan3A_151, %add3A_443 : vector<16xf32>
        %mul3A_550 = arith.mulf %scan3A_152, %add3A_272 : vector<16xf32>
        %add3A_551 = arith.addf %mul3A_549, %mul3A_550 : vector<16xf32>
        %add3A_552 = arith.constant 180 : i32
        %add3A_553 = arith.addi %add3A_552, %scan3A_150 : i32
        %swap3A_554 = arith.index_cast %add3A_553 : i32 to index
        %swap3A_555 = arith.constant 0 : index
        %swap3A_556 = tpu.vector_load %arg7[%swap3A_554, %swap3A_555] {strides = array<i32>} : memref<200x64xf32, #tpu.memory_space<vmem>>, vector<16xf32>,
        tpu.vector_store %arg7[%swap3A_554, %swap3A_555], %add3A_551 {strides = array<i32>} : memref<200x64xf32, #tpu.memory_space<vmem>>, vector<16xf32>,
        %sub3A = arith.subf %add3A_452, %add3A_477 : vector<16xf32>
        %mul3A_557 = arith.mulf %scan3A_151, %sub3A : vector<16xf32>
        %sub3A_558 = arith.subf %sub3A, %add3A_272 : vector<16xf32>
        %mul3A_559 = arith.mulf %scan3A_152, %sub3A_558 : vector<16xf32>
        %add3A_560 = arith.addf %mul3A_557, %mul3A_559 : vector<16xf32>
        %mul3A_561 = arith.mulf %scan3A_151, %add3A_477 : vector<16xf32>
        %add3A_562 = arith.addf %add3A_477, %add3A_272 : vector<16xf32>
        %mul3A_563 = arith.mulf %scan3A_152, %add3A_562 : vector<16xf32>
        %add3A_564 = arith.addf %mul3A_561, %mul3A_563 : vector<16xf32>
        %add3A_565 = arith.constant 0 : i32
        %add3A_566 = arith.addi %add3A_565, %scan3A_150 : i32
        %get3A_567 = arith.index_cast %add3A_566 : i32 to index
        %get3A_568 = arith.constant 16 : index
        %get3A_569 = tpu.vector_load %arg5[%get3A_567, %get3A_568] {strides = array<i32>} : memref<200x64xf32, #tpu.memory_space<vmem>>, vector<16xf32>,
        %add3A_570 = arith.constant 20 : i32
        %add3A_571 = arith.addi %add3A_570, %scan3A_150 : i32
        %get3A_572 = arith.index_cast %add3A_571 : i32 to index
        %get3A_573 = arith.constant 16 : index
        %get3A_574 = tpu.vector_load %arg5[%get3A_572, %get3A_573] {strides = array<i32>} : memref<200x64xf32, #tpu.memory_space<vmem>>, vector<16xf32>,
        %add3A_575 = arith.constant 40 : i32
        %add3A_576 = arith.addi %add3A_575, %scan3A_150 : i32
        %get3A_577 = arith.index_cast %add3A_576 : i32 to index
        %get3A_578 = arith.constant 16 : index
        %get3A_579 = tpu.vector_load %arg5[%get3A_577, %get3A_578] {strides = array<i32>} : memref<200x64xf32, #tpu.memory_space<vmem>>, vector<16xf32>,
        %add3A_580 = arith.constant 60 : i32
        %add3A_581 = arith.addi %add3A_580, %scan3A_150 : i32
        %get3A_582 = arith.index_cast %add3A_581 : i32 to index
        %get3A_583 = arith.constant 16 : index
        %get3A_584 = tpu.vector_load %arg5[%get3A_582, %get3A_583] {strides = array<i32>} : memref<200x64xf32, #tpu.memory_space<vmem>>, vector<16xf32>,
        %add3A_585 = arith.constant 80 : i32
        %add3A_586 = arith.addi %add3A_585, %scan3A_150 : i32
        %get3A_587 = arith.index_cast %add3A_586 : i32 to index
        %get3A_588 = arith.constant 16 : index
        %get3A_589 = tpu.vector_load %arg5[%get3A_587, %get3A_588] {strides = array<i32>} : memref<200x64xf32, #tpu.memory_space<vmem>>, vector<16xf32>,
        %add3A_590 = arith.constant 100 : i32
        %add3A_591 = arith.addi %add3A_590, %scan3A_150 : i32
        %get3A_592 = arith.index_cast %add3A_591 : i32 to index
        %get3A_593 = arith.constant 16 : index
        %get3A_594 = tpu.vector_load %arg5[%get3A_592, %get3A_593] {strides = array<i32>} : memref<200x64xf32, #tpu.memory_space<vmem>>, vector<16xf32>,
        %add3A_595 = arith.constant 120 : i32
        %add3A_596 = arith.addi %add3A_595, %scan3A_150 : i32
        %get3A_597 = arith.index_cast %add3A_596 : i32 to index
        %get3A_598 = arith.constant 16 : index
        %get3A_599 = tpu.vector_load %arg5[%get3A_597, %get3A_598] {strides = array<i32>} : memref<200x64xf32, #tpu.memory_space<vmem>>, vector<16xf32>,
        %add3A_600 = arith.constant 140 : i32
        %add3A_601 = arith.addi %add3A_600, %scan3A_150 : i32
        %get3A_602 = arith.index_cast %add3A_601 : i32 to index
        %get3A_603 = arith.constant 16 : index
        %get3A_604 = tpu.vector_load %arg5[%get3A_602, %get3A_603] {strides = array<i32>} : memref<200x64xf32, #tpu.memory_space<vmem>>, vector<16xf32>,
        %add3A_605 = arith.constant 160 : i32
        %add3A_606 = arith.addi %add3A_605, %scan3A_150 : i32
        %get3A_607 = arith.index_cast %add3A_606 : i32 to index
        %get3A_608 = arith.constant 16 : index
        %get3A_609 = tpu.vector_load %arg5[%get3A_607, %get3A_608] {strides = array<i32>} : memref<200x64xf32, #tpu.memory_space<vmem>>, vector<16xf32>,
        %add3A_610 = arith.constant 180 : i32
        %add3A_611 = arith.addi %add3A_610, %scan3A_150 : i32
        %get3A_612 = arith.index_cast %add3A_611 : i32 to index
        %get3A_613 = arith.constant 16 : index
        %get3A_614 = tpu.vector_load %arg5[%get3A_612, %get3A_613] {strides = array<i32>} : memref<200x64xf32, #tpu.memory_space<vmem>>, vector<16xf32>,
        %add3A_615 = arith.constant 0 : i32
        %add3A_616 = arith.addi %add3A_615, %scan3A_150 : i32
        %get3A_617 = arith.index_cast %add3A_616 : i32 to index
        %get3A_618 = arith.constant 16 : index
        %get3A_619 = tpu.vector_load %arg6[%get3A_617, %get3A_618] {strides = array<i32>} : memref<200x64xf32, #tpu.memory_space<vmem>>, vector<16xf32>,
        %add3A_620 = arith.constant 20 : i32
        %add3A_621 = arith.addi %add3A_620, %scan3A_150 : i32
        %get3A_622 = arith.index_cast %add3A_621 : i32 to index
        %get3A_623 = arith.constant 16 : index
        %get3A_624 = tpu.vector_load %arg6[%get3A_622, %get3A_623] {strides = array<i32>} : memref<200x64xf32, #tpu.memory_space<vmem>>, vector<16xf32>,
        %add3A_625 = arith.constant 40 : i32
        %add3A_626 = arith.addi %add3A_625, %scan3A_150 : i32
        %get3A_627 = arith.index_cast %add3A_626 : i32 to index
        %get3A_628 = arith.constant 16 : index
        %get3A_629 = tpu.vector_load %arg6[%get3A_627, %get3A_628] {strides = array<i32>} : memref<200x64xf32, #tpu.memory_space<vmem>>, vector<16xf32>,
        %add3A_630 = arith.constant 60 : i32
        %add3A_631 = arith.addi %add3A_630, %scan3A_150 : i32
        %get3A_632 = arith.index_cast %add3A_631 : i32 to index
        %get3A_633 = arith.constant 16 : index
        %get3A_634 = tpu.vector_load %arg6[%get3A_632, %get3A_633] {strides = array<i32>} : memref<200x64xf32, #tpu.memory_space<vmem>>, vector<16xf32>,
        %add3A_635 = arith.constant 80 : i32
        %add3A_636 = arith.addi %add3A_635, %scan3A_150 : i32
        %get3A_637 = arith.index_cast %add3A_636 : i32 to index
        %get3A_638 = arith.constant 16 : index
        %get3A_639 = tpu.vector_load %arg6[%get3A_637, %get3A_638] {strides = array<i32>} : memref<200x64xf32, #tpu.memory_space<vmem>>, vector<16xf32>,
        %add3A_640 = arith.constant 100 : i32
        %add3A_641 = arith.addi %add3A_640, %scan3A_150 : i32
        %get3A_642 = arith.index_cast %add3A_641 : i32 to index
        %get3A_643 = arith.constant 16 : index
        %get3A_644 = tpu.vector_load %arg6[%get3A_642, %get3A_643] {strides = array<i32>} : memref<200x64xf32, #tpu.memory_space<vmem>>, vector<16xf32>,
        %add3A_645 = arith.constant 120 : i32
        %add3A_646 = arith.addi %add3A_645, %scan3A_150 : i32
        %get3A_647 = arith.index_cast %add3A_646 : i32 to index
        %get3A_648 = arith.constant 16 : index
        %get3A_649 = tpu.vector_load %arg6[%get3A_647, %get3A_648] {strides = array<i32>} : memref<200x64xf32, #tpu.memory_space<vmem>>, vector<16xf32>,
        %add3A_650 = arith.constant 140 : i32
        %add3A_651 = arith.addi %add3A_650, %scan3A_150 : i32
        %get3A_652 = arith.index_cast %add3A_651 : i32 to index
        %get3A_653 = arith.constant 16 : index
        %get3A_654 = tpu.vector_load %arg6[%get3A_652, %get3A_653] {strides = array<i32>} : memref<200x64xf32, #tpu.memory_space<vmem>>, vector<16xf32>,
        %add3A_655 = arith.constant 160 : i32
        %add3A_656 = arith.addi %add3A_655, %scan3A_150 : i32
        %get3A_657 = arith.index_cast %add3A_656 : i32 to index
        %get3A_658 = arith.constant 16 : index
        %get3A_659 = tpu.vector_load %arg6[%get3A_657, %get3A_658] {strides = array<i32>} : memref<200x64xf32, #tpu.memory_space<vmem>>, vector<16xf32>,
        %add3A_660 = arith.constant 180 : i32
        %add3A_661 = arith.addi %add3A_660, %scan3A_150 : i32
        %get3A_662 = arith.index_cast %add3A_661 : i32 to index
        %get3A_663 = arith.constant 16 : index
        %get3A_664 = tpu.vector_load %arg6[%get3A_662, %get3A_663] {strides = array<i32>} : memref<200x64xf32, #tpu.memory_space<vmem>>, vector<16xf32>,
        %mul3A_665 = arith.mulf %get3A_569, %get3A_619 : vector<16xf32>
        %mul3A_666 = arith.mulf %get3A_574, %get3A_624 : vector<16xf32>
        %add3A_667 = arith.addf %mul3A_665, %mul3A_666 : vector<16xf32>
        %mul3A_668 = arith.mulf %get3A_579, %get3A_629 : vector<16xf32>
        %add3A_669 = arith.addf %add3A_667, %mul3A_668 : vector<16xf32>
        %mul3A_670 = arith.mulf %get3A_584, %get3A_634 : vector<16xf32>
        %add3A_671 = arith.addf %add3A_669, %mul3A_670 : vector<16xf32>
        %mul3A_672 = arith.mulf %get3A_589, %get3A_639 : vector<16xf32>
        %add3A_673 = arith.addf %add3A_671, %mul3A_672 : vector<16xf32>
        %mul3A_674 = arith.mulf %get3A_594, %get3A_644 : vector<16xf32>
        %add3A_675 = arith.addf %add3A_673, %mul3A_674 : vector<16xf32>
        %mul3A_676 = arith.mulf %get3A_599, %get3A_649 : vector<16xf32>
        %add3A_677 = arith.addf %add3A_675, %mul3A_676 : vector<16xf32>
        %mul3A_678 = arith.mulf %get3A_604, %get3A_654 : vector<16xf32>
        %add3A_679 = arith.addf %add3A_677, %mul3A_678 : vector<16xf32>
        %mul3A_680 = arith.mulf %get3A_609, %get3A_659 : vector<16xf32>
        %add3A_681 = arith.addf %add3A_679, %mul3A_680 : vector<16xf32>
        %mul3A_682 = arith.mulf %get3A_614, %get3A_664 : vector<16xf32>
        %add3A_683 = arith.addf %add3A_681, %mul3A_682 : vector<16xf32>
        %mul3A_684 = arith.mulf %get3A_569, %get3A_664 : vector<16xf32>
        %mul3A_685 = arith.mulf %get3A_574, %get3A_619 : vector<16xf32>
        %add3A_686 = arith.addf %mul3A_684, %mul3A_685 : vector<16xf32>
        %mul3A_687 = arith.mulf %get3A_579, %get3A_624 : vector<16xf32>
        %add3A_688 = arith.addf %add3A_686, %mul3A_687 : vector<16xf32>
        %mul3A_689 = arith.mulf %get3A_584, %get3A_629 : vector<16xf32>
        %add3A_690 = arith.addf %add3A_688, %mul3A_689 : vector<16xf32>
        %mul3A_691 = arith.mulf %get3A_589, %get3A_634 : vector<16xf32>
        %add3A_692 = arith.addf %add3A_690, %mul3A_691 : vector<16xf32>
        %mul3A_693 = arith.mulf %get3A_594, %get3A_639 : vector<16xf32>
        %add3A_694 = arith.addf %add3A_692, %mul3A_693 : vector<16xf32>
        %mul3A_695 = arith.mulf %get3A_599, %get3A_644 : vector<16xf32>
        %add3A_696 = arith.addf %add3A_694, %mul3A_695 : vector<16xf32>
        %mul3A_697 = arith.mulf %get3A_604, %get3A_649 : vector<16xf32>
        %add3A_698 = arith.addf %add3A_696, %mul3A_697 : vector<16xf32>
        %mul3A_699 = arith.mulf %get3A_609, %get3A_654 : vector<16xf32>
        %add3A_700 = arith.addf %add3A_698, %mul3A_699 : vector<16xf32>
        %mul3A_701 = arith.mulf %get3A_614, %get3A_659 : vector<16xf32>
        %add3A_702 = arith.addf %add3A_700, %mul3A_701 : vector<16xf32>
        %mul3A_703 = arith.mulf %get3A_569, %get3A_659 : vector<16xf32>
        %mul3A_704 = arith.mulf %get3A_574, %get3A_664 : vector<16xf32>
        %add3A_705 = arith.addf %mul3A_703, %mul3A_704 : vector<16xf32>
        %mul3A_706 = arith.mulf %get3A_579, %get3A_619 : vector<16xf32>
        %add3A_707 = arith.addf %add3A_705, %mul3A_706 : vector<16xf32>
        %mul3A_708 = arith.mulf %get3A_584, %get3A_624 : vector<16xf32>
        %add3A_709 = arith.addf %add3A_707, %mul3A_708 : vector<16xf32>
        %mul3A_710 = arith.mulf %get3A_589, %get3A_629 : vector<16xf32>
        %add3A_711 = arith.addf %add3A_709, %mul3A_710 : vector<16xf32>
        %mul3A_712 = arith.mulf %get3A_594, %get3A_634 : vector<16xf32>
        %add3A_713 = arith.addf %add3A_711, %mul3A_712 : vector<16xf32>
        %mul3A_714 = arith.mulf %get3A_599, %get3A_639 : vector<16xf32>
        %add3A_715 = arith.addf %add3A_713, %mul3A_714 : vector<16xf32>
        %mul3A_716 = arith.mulf %get3A_604, %get3A_644 : vector<16xf32>
        %add3A_717 = arith.addf %add3A_715, %mul3A_716 : vector<16xf32>
        %mul3A_718 = arith.mulf %get3A_609, %get3A_649 : vector<16xf32>
        %add3A_719 = arith.addf %add3A_717, %mul3A_718 : vector<16xf32>
        %mul3A_720 = arith.mulf %get3A_614, %get3A_654 : vector<16xf32>
        %add3A_721 = arith.addf %add3A_719, %mul3A_720 : vector<16xf32>
        %mul3A_722 = arith.mulf %get3A_569, %get3A_654 : vector<16xf32>
        %mul3A_723 = arith.mulf %get3A_574, %get3A_659 : vector<16xf32>
        %add3A_724 = arith.addf %mul3A_722, %mul3A_723 : vector<16xf32>
        %mul3A_725 = arith.mulf %get3A_579, %get3A_664 : vector<16xf32>
        %add3A_726 = arith.addf %add3A_724, %mul3A_725 : vector<16xf32>
        %mul3A_727 = arith.mulf %get3A_584, %get3A_619 : vector<16xf32>
        %add3A_728 = arith.addf %add3A_726, %mul3A_727 : vector<16xf32>
        %mul3A_729 = arith.mulf %get3A_589, %get3A_624 : vector<16xf32>
        %add3A_730 = arith.addf %add3A_728, %mul3A_729 : vector<16xf32>
        %mul3A_731 = arith.mulf %get3A_594, %get3A_629 : vector<16xf32>
        %add3A_732 = arith.addf %add3A_730, %mul3A_731 : vector<16xf32>
        %mul3A_733 = arith.mulf %get3A_599, %get3A_634 : vector<16xf32>
        %add3A_734 = arith.addf %add3A_732, %mul3A_733 : vector<16xf32>
        %mul3A_735 = arith.mulf %get3A_604, %get3A_639 : vector<16xf32>
        %add3A_736 = arith.addf %add3A_734, %mul3A_735 : vector<16xf32>
        %mul3A_737 = arith.mulf %get3A_609, %get3A_644 : vector<16xf32>
        %add3A_738 = arith.addf %add3A_736, %mul3A_737 : vector<16xf32>
        %mul3A_739 = arith.mulf %get3A_614, %get3A_649 : vector<16xf32>
        %add3A_740 = arith.addf %add3A_738, %mul3A_739 : vector<16xf32>
        %mul3A_741 = arith.mulf %get3A_569, %get3A_649 : vector<16xf32>
        %mul3A_742 = arith.mulf %get3A_574, %get3A_654 : vector<16xf32>
        %add3A_743 = arith.addf %mul3A_741, %mul3A_742 : vector<16xf32>
        %mul3A_744 = arith.mulf %get3A_579, %get3A_659 : vector<16xf32>
        %add3A_745 = arith.addf %add3A_743, %mul3A_744 : vector<16xf32>
        %mul3A_746 = arith.mulf %get3A_584, %get3A_664 : vector<16xf32>
        %add3A_747 = arith.addf %add3A_745, %mul3A_746 : vector<16xf32>
        %mul3A_748 = arith.mulf %get3A_589, %get3A_619 : vector<16xf32>
        %add3A_749 = arith.addf %add3A_747, %mul3A_748 : vector<16xf32>
        %mul3A_750 = arith.mulf %get3A_594, %get3A_624 : vector<16xf32>
        %add3A_751 = arith.addf %add3A_749, %mul3A_750 : vector<16xf32>
        %mul3A_752 = arith.mulf %get3A_599, %get3A_629 : vector<16xf32>
        %add3A_753 = arith.addf %add3A_751, %mul3A_752 : vector<16xf32>
        %mul3A_754 = arith.mulf %get3A_604, %get3A_634 : vector<16xf32>
        %add3A_755 = arith.addf %add3A_753, %mul3A_754 : vector<16xf32>
        %mul3A_756 = arith.mulf %get3A_609, %get3A_639 : vector<16xf32>
        %add3A_757 = arith.addf %add3A_755, %mul3A_756 : vector<16xf32>
        %mul3A_758 = arith.mulf %get3A_614, %get3A_644 : vector<16xf32>
        %add3A_759 = arith.addf %add3A_757, %mul3A_758 : vector<16xf32>
        %mul3A_760 = arith.mulf %get3A_569, %get3A_644 : vector<16xf32>
        %mul3A_761 = arith.mulf %get3A_574, %get3A_649 : vector<16xf32>
        %add3A_762 = arith.addf %mul3A_760, %mul3A_761 : vector<16xf32>
        %mul3A_763 = arith.mulf %get3A_579, %get3A_654 : vector<16xf32>
        %add3A_764 = arith.addf %add3A_762, %mul3A_763 : vector<16xf32>
        %mul3A_765 = arith.mulf %get3A_584, %get3A_659 : vector<16xf32>
        %add3A_766 = arith.addf %add3A_764, %mul3A_765 : vector<16xf32>
        %mul3A_767 = arith.mulf %get3A_589, %get3A_664 : vector<16xf32>
        %add3A_768 = arith.addf %add3A_766, %mul3A_767 : vector<16xf32>
        %mul3A_769 = arith.mulf %get3A_594, %get3A_619 : vector<16xf32>
        %add3A_770 = arith.addf %add3A_768, %mul3A_769 : vector<16xf32>
        %mul3A_771 = arith.mulf %get3A_599, %get3A_624 : vector<16xf32>
        %add3A_772 = arith.addf %add3A_770, %mul3A_771 : vector<16xf32>
        %mul3A_773 = arith.mulf %get3A_604, %get3A_629 : vector<16xf32>
        %add3A_774 = arith.addf %add3A_772, %mul3A_773 : vector<16xf32>
        %mul3A_775 = arith.mulf %get3A_609, %get3A_634 : vector<16xf32>
        %add3A_776 = arith.addf %add3A_774, %mul3A_775 : vector<16xf32>
        %mul3A_777 = arith.mulf %get3A_614, %get3A_639 : vector<16xf32>
        %add3A_778 = arith.addf %add3A_776, %mul3A_777 : vector<16xf32>
        %mul3A_779 = arith.mulf %get3A_569, %get3A_639 : vector<16xf32>
        %mul3A_780 = arith.mulf %get3A_574, %get3A_644 : vector<16xf32>
        %add3A_781 = arith.addf %mul3A_779, %mul3A_780 : vector<16xf32>
        %mul3A_782 = arith.mulf %get3A_579, %get3A_649 : vector<16xf32>
        %add3A_783 = arith.addf %add3A_781, %mul3A_782 : vector<16xf32>
        %mul3A_784 = arith.mulf %get3A_584, %get3A_654 : vector<16xf32>
        %add3A_785 = arith.addf %add3A_783, %mul3A_784 : vector<16xf32>
        %mul3A_786 = arith.mulf %get3A_589, %get3A_659 : vector<16xf32>
        %add3A_787 = arith.addf %add3A_785, %mul3A_786 : vector<16xf32>
        %mul3A_788 = arith.mulf %get3A_594, %get3A_664 : vector<16xf32>
        %add3A_789 = arith.addf %add3A_787, %mul3A_788 : vector<16xf32>
        %mul3A_790 = arith.mulf %get3A_599, %get3A_619 : vector<16xf32>
        %add3A_791 = arith.addf %add3A_789, %mul3A_790 : vector<16xf32>
        %mul3A_792 = arith.mulf %get3A_604, %get3A_624 : vector<16xf32>
        %add3A_793 = arith.addf %add3A_791, %mul3A_792 : vector<16xf32>
        %mul3A_794 = arith.mulf %get3A_609, %get3A_629 : vector<16xf32>
        %add3A_795 = arith.addf %add3A_793, %mul3A_794 : vector<16xf32>
        %mul3A_796 = arith.mulf %get3A_614, %get3A_634 : vector<16xf32>
        %add3A_797 = arith.addf %add3A_795, %mul3A_796 : vector<16xf32>
        %mul3A_798 = arith.mulf %get3A_569, %get3A_634 : vector<16xf32>
        %mul3A_799 = arith.mulf %get3A_574, %get3A_639 : vector<16xf32>
        %add3A_800 = arith.addf %mul3A_798, %mul3A_799 : vector<16xf32>
        %mul3A_801 = arith.mulf %get3A_579, %get3A_644 : vector<16xf32>
        %add3A_802 = arith.addf %add3A_800, %mul3A_801 : vector<16xf32>
        %mul3A_803 = arith.mulf %get3A_584, %get3A_649 : vector<16xf32>
        %add3A_804 = arith.addf %add3A_802, %mul3A_803 : vector<16xf32>
        %mul3A_805 = arith.mulf %get3A_589, %get3A_654 : vector<16xf32>
        %add3A_806 = arith.addf %add3A_804, %mul3A_805 : vector<16xf32>
        %mul3A_807 = arith.mulf %get3A_594, %get3A_659 : vector<16xf32>
        %add3A_808 = arith.addf %add3A_806, %mul3A_807 : vector<16xf32>
        %mul3A_809 = arith.mulf %get3A_599, %get3A_664 : vector<16xf32>
        %add3A_810 = arith.addf %add3A_808, %mul3A_809 : vector<16xf32>
        %mul3A_811 = arith.mulf %get3A_604, %get3A_619 : vector<16xf32>
        %add3A_812 = arith.addf %add3A_810, %mul3A_811 : vector<16xf32>
        %mul3A_813 = arith.mulf %get3A_609, %get3A_624 : vector<16xf32>
        %add3A_814 = arith.addf %add3A_812, %mul3A_813 : vector<16xf32>
        %mul3A_815 = arith.mulf %get3A_614, %get3A_629 : vector<16xf32>
        %add3A_816 = arith.addf %add3A_814, %mul3A_815 : vector<16xf32>
        %mul3A_817 = arith.mulf %get3A_569, %get3A_629 : vector<16xf32>
        %mul3A_818 = arith.mulf %get3A_574, %get3A_634 : vector<16xf32>
        %add3A_819 = arith.addf %mul3A_817, %mul3A_818 : vector<16xf32>
        %mul3A_820 = arith.mulf %get3A_579, %get3A_639 : vector<16xf32>
        %add3A_821 = arith.addf %add3A_819, %mul3A_820 : vector<16xf32>
        %mul3A_822 = arith.mulf %get3A_584, %get3A_644 : vector<16xf32>
        %add3A_823 = arith.addf %add3A_821, %mul3A_822 : vector<16xf32>
        %mul3A_824 = arith.mulf %get3A_589, %get3A_649 : vector<16xf32>
        %add3A_825 = arith.addf %add3A_823, %mul3A_824 : vector<16xf32>
        %mul3A_826 = arith.mulf %get3A_594, %get3A_654 : vector<16xf32>
        %add3A_827 = arith.addf %add3A_825, %mul3A_826 : vector<16xf32>
        %mul3A_828 = arith.mulf %get3A_599, %get3A_659 : vector<16xf32>
        %add3A_829 = arith.addf %add3A_827, %mul3A_828 : vector<16xf32>
        %mul3A_830 = arith.mulf %get3A_604, %get3A_664 : vector<16xf32>
        %add3A_831 = arith.addf %add3A_829, %mul3A_830 : vector<16xf32>
        %mul3A_832 = arith.mulf %get3A_609, %get3A_619 : vector<16xf32>
        %add3A_833 = arith.addf %add3A_831, %mul3A_832 : vector<16xf32>
        %mul3A_834 = arith.mulf %get3A_614, %get3A_624 : vector<16xf32>
        %add3A_835 = arith.addf %add3A_833, %mul3A_834 : vector<16xf32>
        %mul3A_836 = arith.mulf %get3A_569, %get3A_624 : vector<16xf32>
        %mul3A_837 = arith.mulf %get3A_574, %get3A_629 : vector<16xf32>
        %add3A_838 = arith.addf %mul3A_836, %mul3A_837 : vector<16xf32>
        %mul3A_839 = arith.mulf %get3A_579, %get3A_634 : vector<16xf32>
        %add3A_840 = arith.addf %add3A_838, %mul3A_839 : vector<16xf32>
        %mul3A_841 = arith.mulf %get3A_584, %get3A_639 : vector<16xf32>
        %add3A_842 = arith.addf %add3A_840, %mul3A_841 : vector<16xf32>
        %mul3A_843 = arith.mulf %get3A_589, %get3A_644 : vector<16xf32>
        %add3A_844 = arith.addf %add3A_842, %mul3A_843 : vector<16xf32>
        %mul3A_845 = arith.mulf %get3A_594, %get3A_649 : vector<16xf32>
        %add3A_846 = arith.addf %add3A_844, %mul3A_845 : vector<16xf32>
        %mul3A_847 = arith.mulf %get3A_599, %get3A_654 : vector<16xf32>
        %add3A_848 = arith.addf %add3A_846, %mul3A_847 : vector<16xf32>
        %mul3A_849 = arith.mulf %get3A_604, %get3A_659 : vector<16xf32>
        %add3A_850 = arith.addf %add3A_848, %mul3A_849 : vector<16xf32>
        %mul3A_851 = arith.mulf %get3A_609, %get3A_664 : vector<16xf32>
        %add3A_852 = arith.addf %add3A_850, %mul3A_851 : vector<16xf32>
        %mul3A_853 = arith.mulf %get3A_614, %get3A_619 : vector<16xf32>
        %add3A_854 = arith.addf %add3A_852, %mul3A_853 : vector<16xf32>
        %add3A_855 = arith.addf %add3A_683, %add3A_702 : vector<16xf32>
        %add3A_856 = arith.addf %add3A_855, %add3A_721 : vector<16xf32>
        %add3A_857 = arith.addf %add3A_856, %add3A_740 : vector<16xf32>
        %add3A_858 = arith.addf %add3A_857, %add3A_759 : vector<16xf32>
        %add3A_859 = arith.addf %add3A_858, %add3A_778 : vector<16xf32>
        %add3A_860 = arith.addf %add3A_859, %add3A_797 : vector<16xf32>
        %add3A_861 = arith.addf %add3A_860, %add3A_816 : vector<16xf32>
        %add3A_862 = arith.addf %add3A_861, %add3A_835 : vector<16xf32>
        %add3A_863 = arith.addf %add3A_862, %add3A_854 : vector<16xf32>
        %mul3A_864 = arith.mulf %get3A_569, %get3A_624 : vector<16xf32>
        %add3A_865 = arith.addf %get3A_569, %get3A_574 : vector<16xf32>
        %mul3A_866 = arith.mulf %add3A_865, %get3A_629 : vector<16xf32>
        %add3A_867 = arith.addf %mul3A_864, %mul3A_866 : vector<16xf32>
        %add3A_868 = arith.addf %add3A_865, %get3A_579 : vector<16xf32>
        %mul3A_869 = arith.mulf %add3A_868, %get3A_634 : vector<16xf32>
        %add3A_870 = arith.addf %add3A_867, %mul3A_869 : vector<16xf32>
        %add3A_871 = arith.addf %add3A_868, %get3A_584 : vector<16xf32>
        %mul3A_872 = arith.mulf %add3A_871, %get3A_639 : vector<16xf32>
        %add3A_873 = arith.addf %add3A_870, %mul3A_872 : vector<16xf32>
        %add3A_874 = arith.addf %add3A_871, %get3A_589 : vector<16xf32>
        %mul3A_875 = arith.mulf %add3A_874, %get3A_644 : vector<16xf32>
        %add3A_876 = arith.addf %add3A_873, %mul3A_875 : vector<16xf32>
        %add3A_877 = arith.addf %add3A_874, %get3A_594 : vector<16xf32>
        %mul3A_878 = arith.mulf %add3A_877, %get3A_649 : vector<16xf32>
        %add3A_879 = arith.addf %add3A_876, %mul3A_878 : vector<16xf32>
        %add3A_880 = arith.addf %add3A_877, %get3A_599 : vector<16xf32>
        %mul3A_881 = arith.mulf %add3A_880, %get3A_654 : vector<16xf32>
        %add3A_882 = arith.addf %add3A_879, %mul3A_881 : vector<16xf32>
        %add3A_883 = arith.addf %add3A_880, %get3A_604 : vector<16xf32>
        %mul3A_884 = arith.mulf %add3A_883, %get3A_659 : vector<16xf32>
        %add3A_885 = arith.addf %add3A_882, %mul3A_884 : vector<16xf32>
        %add3A_886 = arith.addf %add3A_883, %get3A_609 : vector<16xf32>
        %mul3A_887 = arith.mulf %add3A_886, %get3A_664 : vector<16xf32>
        %add3A_888 = arith.addf %add3A_885, %mul3A_887 : vector<16xf32>
        %mul3A_889 = arith.mulf %scan3A_153, %add3A_683 : vector<16xf32>
        %mul3A_890 = arith.mulf %scan3A_154, %add3A_702 : vector<16xf32>
        %add3A_891 = arith.addf %mul3A_889, %mul3A_890 : vector<16xf32>
        %add3A_892 = arith.constant 0 : i32
        %add3A_893 = arith.addi %add3A_892, %scan3A_150 : i32
        %swap3A_894 = arith.index_cast %add3A_893 : i32 to index
        %swap3A_895 = arith.constant 16 : index
        %swap3A_896 = tpu.vector_load %arg7[%swap3A_894, %swap3A_895] {strides = array<i32>} : memref<200x64xf32, #tpu.memory_space<vmem>>, vector<16xf32>,
        tpu.vector_store %arg7[%swap3A_894, %swap3A_895], %add3A_891 {strides = array<i32>} : memref<200x64xf32, #tpu.memory_space<vmem>>, vector<16xf32>,
        %mul3A_897 = arith.mulf %scan3A_153, %add3A_702 : vector<16xf32>
        %mul3A_898 = arith.mulf %scan3A_154, %add3A_721 : vector<16xf32>
        %add3A_899 = arith.addf %mul3A_897, %mul3A_898 : vector<16xf32>
        %add3A_900 = arith.constant 20 : i32
        %add3A_901 = arith.addi %add3A_900, %scan3A_150 : i32
        %swap3A_902 = arith.index_cast %add3A_901 : i32 to index
        %swap3A_903 = arith.constant 16 : index
        %swap3A_904 = tpu.vector_load %arg7[%swap3A_902, %swap3A_903] {strides = array<i32>} : memref<200x64xf32, #tpu.memory_space<vmem>>, vector<16xf32>,
        tpu.vector_store %arg7[%swap3A_902, %swap3A_903], %add3A_899 {strides = array<i32>} : memref<200x64xf32, #tpu.memory_space<vmem>>, vector<16xf32>,
        %mul3A_905 = arith.mulf %scan3A_153, %add3A_721 : vector<16xf32>
        %mul3A_906 = arith.mulf %scan3A_154, %add3A_740 : vector<16xf32>
        %add3A_907 = arith.addf %mul3A_905, %mul3A_906 : vector<16xf32>
        %add3A_908 = arith.constant 40 : i32
        %add3A_909 = arith.addi %add3A_908, %scan3A_150 : i32
        %swap3A_910 = arith.index_cast %add3A_909 : i32 to index
        %swap3A_911 = arith.constant 16 : index
        %swap3A_912 = tpu.vector_load %arg7[%swap3A_910, %swap3A_911] {strides = array<i32>} : memref<200x64xf32, #tpu.memory_space<vmem>>, vector<16xf32>,
        tpu.vector_store %arg7[%swap3A_910, %swap3A_911], %add3A_907 {strides = array<i32>} : memref<200x64xf32, #tpu.memory_space<vmem>>, vector<16xf32>,
        %mul3A_913 = arith.mulf %scan3A_153, %add3A_740 : vector<16xf32>
        %mul3A_914 = arith.mulf %scan3A_154, %add3A_759 : vector<16xf32>
        %add3A_915 = arith.addf %mul3A_913, %mul3A_914 : vector<16xf32>
        %add3A_916 = arith.constant 60 : i32
        %add3A_917 = arith.addi %add3A_916, %scan3A_150 : i32
        %swap3A_918 = arith.index_cast %add3A_917 : i32 to index
        %swap3A_919 = arith.constant 16 : index
        %swap3A_920 = tpu.vector_load %arg7[%swap3A_918, %swap3A_919] {strides = array<i32>} : memref<200x64xf32, #tpu.memory_space<vmem>>, vector<16xf32>,
        tpu.vector_store %arg7[%swap3A_918, %swap3A_919], %add3A_915 {strides = array<i32>} : memref<200x64xf32, #tpu.memory_space<vmem>>, vector<16xf32>,
        %mul3A_921 = arith.mulf %scan3A_153, %add3A_759 : vector<16xf32>
        %mul3A_922 = arith.mulf %scan3A_154, %add3A_778 : vector<16xf32>
        %add3A_923 = arith.addf %mul3A_921, %mul3A_922 : vector<16xf32>
        %add3A_924 = arith.constant 80 : i32
        %add3A_925 = arith.addi %add3A_924, %scan3A_150 : i32
        %swap3A_926 = arith.index_cast %add3A_925 : i32 to index
        %swap3A_927 = arith.constant 16 : index
        %swap3A_928 = tpu.vector_load %arg7[%swap3A_926, %swap3A_927] {strides = array<i32>} : memref<200x64xf32, #tpu.memory_space<vmem>>, vector<16xf32>,
        tpu.vector_store %arg7[%swap3A_926, %swap3A_927], %add3A_923 {strides = array<i32>} : memref<200x64xf32, #tpu.memory_space<vmem>>, vector<16xf32>,
        %mul3A_929 = arith.mulf %scan3A_153, %add3A_778 : vector<16xf32>
        %mul3A_930 = arith.mulf %scan3A_154, %add3A_797 : vector<16xf32>
        %add3A_931 = arith.addf %mul3A_929, %mul3A_930 : vector<16xf32>
        %add3A_932 = arith.constant 100 : i32
        %add3A_933 = arith.addi %add3A_932, %scan3A_150 : i32
        %swap3A_934 = arith.index_cast %add3A_933 : i32 to index
        %swap3A_935 = arith.constant 16 : index
        %swap3A_936 = tpu.vector_load %arg7[%swap3A_934, %swap3A_935] {strides = array<i32>} : memref<200x64xf32, #tpu.memory_space<vmem>>, vector<16xf32>,
        tpu.vector_store %arg7[%swap3A_934, %swap3A_935], %add3A_931 {strides = array<i32>} : memref<200x64xf32, #tpu.memory_space<vmem>>, vector<16xf32>,
        %mul3A_937 = arith.mulf %scan3A_153, %add3A_797 : vector<16xf32>
        %mul3A_938 = arith.mulf %scan3A_154, %add3A_816 : vector<16xf32>
        %add3A_939 = arith.addf %mul3A_937, %mul3A_938 : vector<16xf32>
        %add3A_940 = arith.constant 120 : i32
        %add3A_941 = arith.addi %add3A_940, %scan3A_150 : i32
        %swap3A_942 = arith.index_cast %add3A_941 : i32 to index
        %swap3A_943 = arith.constant 16 : index
        %swap3A_944 = tpu.vector_load %arg7[%swap3A_942, %swap3A_943] {strides = array<i32>} : memref<200x64xf32, #tpu.memory_space<vmem>>, vector<16xf32>,
        tpu.vector_store %arg7[%swap3A_942, %swap3A_943], %add3A_939 {strides = array<i32>} : memref<200x64xf32, #tpu.memory_space<vmem>>, vector<16xf32>,
        %mul3A_945 = arith.mulf %scan3A_153, %add3A_816 : vector<16xf32>
        %mul3A_946 = arith.mulf %scan3A_154, %add3A_835 : vector<16xf32>
        %add3A_947 = arith.addf %mul3A_945, %mul3A_946 : vector<16xf32>
        %add3A_948 = arith.constant 140 : i32
        %add3A_949 = arith.addi %add3A_948, %scan3A_150 : i32
        %swap3A_950 = arith.index_cast %add3A_949 : i32 to index
        %swap3A_951 = arith.constant 16 : index
        %swap3A_952 = tpu.vector_load %arg7[%swap3A_950, %swap3A_951] {strides = array<i32>} : memref<200x64xf32, #tpu.memory_space<vmem>>, vector<16xf32>,
        tpu.vector_store %arg7[%swap3A_950, %swap3A_951], %add3A_947 {strides = array<i32>} : memref<200x64xf32, #tpu.memory_space<vmem>>, vector<16xf32>,
        %mul3A_953 = arith.mulf %scan3A_153, %add3A_835 : vector<16xf32>
        %mul3A_954 = arith.mulf %scan3A_154, %add3A_854 : vector<16xf32>
        %add3A_955 = arith.addf %mul3A_953, %mul3A_954 : vector<16xf32>
        %add3A_956 = arith.constant 160 : i32
        %add3A_957 = arith.addi %add3A_956, %scan3A_150 : i32
        %swap3A_958 = arith.index_cast %add3A_957 : i32 to index
        %swap3A_959 = arith.constant 16 : index
        %swap3A_960 = tpu.vector_load %arg7[%swap3A_958, %swap3A_959] {strides = array<i32>} : memref<200x64xf32, #tpu.memory_space<vmem>>, vector<16xf32>,
        tpu.vector_store %arg7[%swap3A_958, %swap3A_959], %add3A_955 {strides = array<i32>} : memref<200x64xf32, #tpu.memory_space<vmem>>, vector<16xf32>,
        %mul3A_961 = arith.mulf %scan3A_153, %add3A_854 : vector<16xf32>
        %mul3A_962 = arith.mulf %scan3A_154, %add3A_683 : vector<16xf32>
        %add3A_963 = arith.addf %mul3A_961, %mul3A_962 : vector<16xf32>
        %add3A_964 = arith.constant 180 : i32
        %add3A_965 = arith.addi %add3A_964, %scan3A_150 : i32
        %swap3A_966 = arith.index_cast %add3A_965 : i32 to index
        %swap3A_967 = arith.constant 16 : index
        %swap3A_968 = tpu.vector_load %arg7[%swap3A_966, %swap3A_967] {strides = array<i32>} : memref<200x64xf32, #tpu.memory_space<vmem>>, vector<16xf32>,
        tpu.vector_store %arg7[%swap3A_966, %swap3A_967], %add3A_963 {strides = array<i32>} : memref<200x64xf32, #tpu.memory_space<vmem>>, vector<16xf32>,
        %sub3A_969 = arith.subf %add3A_863, %add3A_888 : vector<16xf32>
        %mul3A_970 = arith.mulf %scan3A_153, %sub3A_969 : vector<16xf32>
        %sub3A_971 = arith.subf %sub3A_969, %add3A_683 : vector<16xf32>
        %mul3A_972 = arith.mulf %scan3A_154, %sub3A_971 : vector<16xf32>
        %add3A_973 = arith.addf %mul3A_970, %mul3A_972 : vector<16xf32>
        %mul3A_974 = arith.mulf %scan3A_153, %add3A_888 : vector<16xf32>
        %add3A_975 = arith.addf %add3A_888, %add3A_683 : vector<16xf32>
        %mul3A_976 = arith.mulf %scan3A_154, %add3A_975 : vector<16xf32>
        %add3A_977 = arith.addf %mul3A_974, %mul3A_976 : vector<16xf32>
        scf.yield %add3A_560, %add3A_564, %add3A_973, %add3A_977 : vector<16xf32>, vector<16xf32>, vector<16xf32>, vector<16xf32>
      }
      %scan3A_65 = arith.constant 20 : i32
      %broadcast_in_dim3A_66 = arith.constant 1.000000e+00 : f32
      %broadcast_in_dim3A_67 = vector.broadcast %broadcast_in_dim3A_66 : f32 to vector<16xf32>
      %broadcast_in_dim3A_68 = arith.constant 0.000000e+00 : f32
      %broadcast_in_dim3A_69 = vector.broadcast %broadcast_in_dim3A_68 : f32 to vector<16xf32>
      %broadcast_in_dim3A_70 = arith.constant 1.000000e+00 : f32
      %broadcast_in_dim3A_71 = vector.broadcast %broadcast_in_dim3A_70 : f32 to vector<16xf32>
      %broadcast_in_dim3A_72 = arith.constant 0.000000e+00 : f32
      %broadcast_in_dim3A_73 = vector.broadcast %broadcast_in_dim3A_72 : f32 to vector<16xf32>
      %scan3A_74 = arith.constant 0 : i32
      %scan3A_75 = arith.constant 20 : i32
      %scan3A_76 = arith.addi %scan3A_74, %scan3A_75 : i32
      %scan3A_77 = arith.constant 1 : i32
      %scan3A_78:4 = scf.for %scan3A_150 = %scan3A_74 to %scan3A_76 step %scan3A_77 iter_args(%scan3A_151 = %broadcast_in_dim3A_67, %scan3A_152 = %broadcast_in_dim3A_69, %scan3A_153 = %broadcast_in_dim3A_71, %scan3A_154 = %broadcast_in_dim3A_73) -> (vector<16xf32>, vector<16xf32>, vector<16xf32>, vector<16xf32>)  : i32 {
        %add3A_155 = arith.constant 0 : i32
        %add3A_156 = arith.addi %add3A_155, %scan3A_150 : i32
        %get3A = arith.index_cast %add3A_156 : i32 to index
        %get3A_157 = arith.constant 32 : index
        %get3A_158 = tpu.vector_load %arg5[%get3A, %get3A_157] {strides = array<i32>} : memref<200x64xf32, #tpu.memory_space<vmem>>, vector<16xf32>,
        %add3A_159 = arith.constant 20 : i32
        %add3A_160 = arith.addi %add3A_159, %scan3A_150 : i32
        %get3A_161 = arith.index_cast %add3A_160 : i32 to index
        %get3A_162 = arith.constant 32 : index
        %get3A_163 = tpu.vector_load %arg5[%get3A_161, %get3A_162] {strides = array<i32>} : memref<200x64xf32, #tpu.memory_space<vmem>>, vector<16xf32>,
        %add3A_164 = arith.constant 40 : i32
        %add3A_165 = arith.addi %add3A_164, %scan3A_150 : i32
        %get3A_166 = arith.index_cast %add3A_165 : i32 to index
        %get3A_167 = arith.constant 32 : index
        %get3A_168 = tpu.vector_load %arg5[%get3A_166, %get3A_167] {strides = array<i32>} : memref<200x64xf32, #tpu.memory_space<vmem>>, vector<16xf32>,
        %add3A_169 = arith.constant 60 : i32
        %add3A_170 = arith.addi %add3A_169, %scan3A_150 : i32
        %get3A_171 = arith.index_cast %add3A_170 : i32 to index
        %get3A_172 = arith.constant 32 : index
        %get3A_173 = tpu.vector_load %arg5[%get3A_171, %get3A_172] {strides = array<i32>} : memref<200x64xf32, #tpu.memory_space<vmem>>, vector<16xf32>,
        %add3A_174 = arith.constant 80 : i32
        %add3A_175 = arith.addi %add3A_174, %scan3A_150 : i32
        %get3A_176 = arith.index_cast %add3A_175 : i32 to index
        %get3A_177 = arith.constant 32 : index
        %get3A_178 = tpu.vector_load %arg5[%get3A_176, %get3A_177] {strides = array<i32>} : memref<200x64xf32, #tpu.memory_space<vmem>>, vector<16xf32>,
        %add3A_179 = arith.constant 100 : i32
        %add3A_180 = arith.addi %add3A_179, %scan3A_150 : i32
        %get3A_181 = arith.index_cast %add3A_180 : i32 to index
        %get3A_182 = arith.constant 32 : index
        %get3A_183 = tpu.vector_load %arg5[%get3A_181, %get3A_182] {strides = array<i32>} : memref<200x64xf32, #tpu.memory_space<vmem>>, vector<16xf32>,
        %add3A_184 = arith.constant 120 : i32
        %add3A_185 = arith.addi %add3A_184, %scan3A_150 : i32
        %get3A_186 = arith.index_cast %add3A_185 : i32 to index
        %get3A_187 = arith.constant 32 : index
        %get3A_188 = tpu.vector_load %arg5[%get3A_186, %get3A_187] {strides = array<i32>} : memref<200x64xf32, #tpu.memory_space<vmem>>, vector<16xf32>,
        %add3A_189 = arith.constant 140 : i32
        %add3A_190 = arith.addi %add3A_189, %scan3A_150 : i32
        %get3A_191 = arith.index_cast %add3A_190 : i32 to index
        %get3A_192 = arith.constant 32 : index
        %get3A_193 = tpu.vector_load %arg5[%get3A_191, %get3A_192] {strides = array<i32>} : memref<200x64xf32, #tpu.memory_space<vmem>>, vector<16xf32>,
        %add3A_194 = arith.constant 160 : i32
        %add3A_195 = arith.addi %add3A_194, %scan3A_150 : i32
        %get3A_196 = arith.index_cast %add3A_195 : i32 to index
        %get3A_197 = arith.constant 32 : index
        %get3A_198 = tpu.vector_load %arg5[%get3A_196, %get3A_197] {strides = array<i32>} : memref<200x64xf32, #tpu.memory_space<vmem>>, vector<16xf32>,
        %add3A_199 = arith.constant 180 : i32
        %add3A_200 = arith.addi %add3A_199, %scan3A_150 : i32
        %get3A_201 = arith.index_cast %add3A_200 : i32 to index
        %get3A_202 = arith.constant 32 : index
        %get3A_203 = tpu.vector_load %arg5[%get3A_201, %get3A_202] {strides = array<i32>} : memref<200x64xf32, #tpu.memory_space<vmem>>, vector<16xf32>,
        %add3A_204 = arith.constant 0 : i32
        %add3A_205 = arith.addi %add3A_204, %scan3A_150 : i32
        %get3A_206 = arith.index_cast %add3A_205 : i32 to index
        %get3A_207 = arith.constant 32 : index
        %get3A_208 = tpu.vector_load %arg6[%get3A_206, %get3A_207] {strides = array<i32>} : memref<200x64xf32, #tpu.memory_space<vmem>>, vector<16xf32>,
        %add3A_209 = arith.constant 20 : i32
        %add3A_210 = arith.addi %add3A_209, %scan3A_150 : i32
        %get3A_211 = arith.index_cast %add3A_210 : i32 to index
        %get3A_212 = arith.constant 32 : index
        %get3A_213 = tpu.vector_load %arg6[%get3A_211, %get3A_212] {strides = array<i32>} : memref<200x64xf32, #tpu.memory_space<vmem>>, vector<16xf32>,
        %add3A_214 = arith.constant 40 : i32
        %add3A_215 = arith.addi %add3A_214, %scan3A_150 : i32
        %get3A_216 = arith.index_cast %add3A_215 : i32 to index
        %get3A_217 = arith.constant 32 : index
        %get3A_218 = tpu.vector_load %arg6[%get3A_216, %get3A_217] {strides = array<i32>} : memref<200x64xf32, #tpu.memory_space<vmem>>, vector<16xf32>,
        %add3A_219 = arith.constant 60 : i32
        %add3A_220 = arith.addi %add3A_219, %scan3A_150 : i32
        %get3A_221 = arith.index_cast %add3A_220 : i32 to index
        %get3A_222 = arith.constant 32 : index
        %get3A_223 = tpu.vector_load %arg6[%get3A_221, %get3A_222] {strides = array<i32>} : memref<200x64xf32, #tpu.memory_space<vmem>>, vector<16xf32>,
        %add3A_224 = arith.constant 80 : i32
        %add3A_225 = arith.addi %add3A_224, %scan3A_150 : i32
        %get3A_226 = arith.index_cast %add3A_225 : i32 to index
        %get3A_227 = arith.constant 32 : index
        %get3A_228 = tpu.vector_load %arg6[%get3A_226, %get3A_227] {strides = array<i32>} : memref<200x64xf32, #tpu.memory_space<vmem>>, vector<16xf32>,
        %add3A_229 = arith.constant 100 : i32
        %add3A_230 = arith.addi %add3A_229, %scan3A_150 : i32
        %get3A_231 = arith.index_cast %add3A_230 : i32 to index
        %get3A_232 = arith.constant 32 : index
        %get3A_233 = tpu.vector_load %arg6[%get3A_231, %get3A_232] {strides = array<i32>} : memref<200x64xf32, #tpu.memory_space<vmem>>, vector<16xf32>,
        %add3A_234 = arith.constant 120 : i32
        %add3A_235 = arith.addi %add3A_234, %scan3A_150 : i32
        %get3A_236 = arith.index_cast %add3A_235 : i32 to index
        %get3A_237 = arith.constant 32 : index
        %get3A_238 = tpu.vector_load %arg6[%get3A_236, %get3A_237] {strides = array<i32>} : memref<200x64xf32, #tpu.memory_space<vmem>>, vector<16xf32>,
        %add3A_239 = arith.constant 140 : i32
        %add3A_240 = arith.addi %add3A_239, %scan3A_150 : i32
        %get3A_241 = arith.index_cast %add3A_240 : i32 to index
        %get3A_242 = arith.constant 32 : index
        %get3A_243 = tpu.vector_load %arg6[%get3A_241, %get3A_242] {strides = array<i32>} : memref<200x64xf32, #tpu.memory_space<vmem>>, vector<16xf32>,
        %add3A_244 = arith.constant 160 : i32
        %add3A_245 = arith.addi %add3A_244, %scan3A_150 : i32
        %get3A_246 = arith.index_cast %add3A_245 : i32 to index
        %get3A_247 = arith.constant 32 : index
        %get3A_248 = tpu.vector_load %arg6[%get3A_246, %get3A_247] {strides = array<i32>} : memref<200x64xf32, #tpu.memory_space<vmem>>, vector<16xf32>,
        %add3A_249 = arith.constant 180 : i32
        %add3A_250 = arith.addi %add3A_249, %scan3A_150 : i32
        %get3A_251 = arith.index_cast %add3A_250 : i32 to index
        %get3A_252 = arith.constant 32 : index
        %get3A_253 = tpu.vector_load %arg6[%get3A_251, %get3A_252] {strides = array<i32>} : memref<200x64xf32, #tpu.memory_space<vmem>>, vector<16xf32>,
        %mul3A_254 = arith.mulf %get3A_158, %get3A_208 : vector<16xf32>
        %mul3A_255 = arith.mulf %get3A_163, %get3A_213 : vector<16xf32>
        %add3A_256 = arith.addf %mul3A_254, %mul3A_255 : vector<16xf32>
        %mul3A_257 = arith.mulf %get3A_168, %get3A_218 : vector<16xf32>
        %add3A_258 = arith.addf %add3A_256, %mul3A_257 : vector<16xf32>
        %mul3A_259 = arith.mulf %get3A_173, %get3A_223 : vector<16xf32>
        %add3A_260 = arith.addf %add3A_258, %mul3A_259 : vector<16xf32>
        %mul3A_261 = arith.mulf %get3A_178, %get3A_228 : vector<16xf32>
        %add3A_262 = arith.addf %add3A_260, %mul3A_261 : vector<16xf32>
        %mul3A_263 = arith.mulf %get3A_183, %get3A_233 : vector<16xf32>
        %add3A_264 = arith.addf %add3A_262, %mul3A_263 : vector<16xf32>
        %mul3A_265 = arith.mulf %get3A_188, %get3A_238 : vector<16xf32>
        %add3A_266 = arith.addf %add3A_264, %mul3A_265 : vector<16xf32>
        %mul3A_267 = arith.mulf %get3A_193, %get3A_243 : vector<16xf32>
        %add3A_268 = arith.addf %add3A_266, %mul3A_267 : vector<16xf32>
        %mul3A_269 = arith.mulf %get3A_198, %get3A_248 : vector<16xf32>
        %add3A_270 = arith.addf %add3A_268, %mul3A_269 : vector<16xf32>
        %mul3A_271 = arith.mulf %get3A_203, %get3A_253 : vector<16xf32>
        %add3A_272 = arith.addf %add3A_270, %mul3A_271 : vector<16xf32>
        %mul3A_273 = arith.mulf %get3A_158, %get3A_253 : vector<16xf32>
        %mul3A_274 = arith.mulf %get3A_163, %get3A_208 : vector<16xf32>
        %add3A_275 = arith.addf %mul3A_273, %mul3A_274 : vector<16xf32>
        %mul3A_276 = arith.mulf %get3A_168, %get3A_213 : vector<16xf32>
        %add3A_277 = arith.addf %add3A_275, %mul3A_276 : vector<16xf32>
        %mul3A_278 = arith.mulf %get3A_173, %get3A_218 : vector<16xf32>
        %add3A_279 = arith.addf %add3A_277, %mul3A_278 : vector<16xf32>
        %mul3A_280 = arith.mulf %get3A_178, %get3A_223 : vector<16xf32>
        %add3A_281 = arith.addf %add3A_279, %mul3A_280 : vector<16xf32>
        %mul3A_282 = arith.mulf %get3A_183, %get3A_228 : vector<16xf32>
        %add3A_283 = arith.addf %add3A_281, %mul3A_282 : vector<16xf32>
        %mul3A_284 = arith.mulf %get3A_188, %get3A_233 : vector<16xf32>
        %add3A_285 = arith.addf %add3A_283, %mul3A_284 : vector<16xf32>
        %mul3A_286 = arith.mulf %get3A_193, %get3A_238 : vector<16xf32>
        %add3A_287 = arith.addf %add3A_285, %mul3A_286 : vector<16xf32>
        %mul3A_288 = arith.mulf %get3A_198, %get3A_243 : vector<16xf32>
        %add3A_289 = arith.addf %add3A_287, %mul3A_288 : vector<16xf32>
        %mul3A_290 = arith.mulf %get3A_203, %get3A_248 : vector<16xf32>
        %add3A_291 = arith.addf %add3A_289, %mul3A_290 : vector<16xf32>
        %mul3A_292 = arith.mulf %get3A_158, %get3A_248 : vector<16xf32>
        %mul3A_293 = arith.mulf %get3A_163, %get3A_253 : vector<16xf32>
        %add3A_294 = arith.addf %mul3A_292, %mul3A_293 : vector<16xf32>
        %mul3A_295 = arith.mulf %get3A_168, %get3A_208 : vector<16xf32>
        %add3A_296 = arith.addf %add3A_294, %mul3A_295 : vector<16xf32>
        %mul3A_297 = arith.mulf %get3A_173, %get3A_213 : vector<16xf32>
        %add3A_298 = arith.addf %add3A_296, %mul3A_297 : vector<16xf32>
        %mul3A_299 = arith.mulf %get3A_178, %get3A_218 : vector<16xf32>
        %add3A_300 = arith.addf %add3A_298, %mul3A_299 : vector<16xf32>
        %mul3A_301 = arith.mulf %get3A_183, %get3A_223 : vector<16xf32>
        %add3A_302 = arith.addf %add3A_300, %mul3A_301 : vector<16xf32>
        %mul3A_303 = arith.mulf %get3A_188, %get3A_228 : vector<16xf32>
        %add3A_304 = arith.addf %add3A_302, %mul3A_303 : vector<16xf32>
        %mul3A_305 = arith.mulf %get3A_193, %get3A_233 : vector<16xf32>
        %add3A_306 = arith.addf %add3A_304, %mul3A_305 : vector<16xf32>
        %mul3A_307 = arith.mulf %get3A_198, %get3A_238 : vector<16xf32>
        %add3A_308 = arith.addf %add3A_306, %mul3A_307 : vector<16xf32>
        %mul3A_309 = arith.mulf %get3A_203, %get3A_243 : vector<16xf32>
        %add3A_310 = arith.addf %add3A_308, %mul3A_309 : vector<16xf32>
        %mul3A_311 = arith.mulf %get3A_158, %get3A_243 : vector<16xf32>
        %mul3A_312 = arith.mulf %get3A_163, %get3A_248 : vector<16xf32>
        %add3A_313 = arith.addf %mul3A_311, %mul3A_312 : vector<16xf32>
        %mul3A_314 = arith.mulf %get3A_168, %get3A_253 : vector<16xf32>
        %add3A_315 = arith.addf %add3A_313, %mul3A_314 : vector<16xf32>
        %mul3A_316 = arith.mulf %get3A_173, %get3A_208 : vector<16xf32>
        %add3A_317 = arith.addf %add3A_315, %mul3A_316 : vector<16xf32>
        %mul3A_318 = arith.mulf %get3A_178, %get3A_213 : vector<16xf32>
        %add3A_319 = arith.addf %add3A_317, %mul3A_318 : vector<16xf32>
        %mul3A_320 = arith.mulf %get3A_183, %get3A_218 : vector<16xf32>
        %add3A_321 = arith.addf %add3A_319, %mul3A_320 : vector<16xf32>
        %mul3A_322 = arith.mulf %get3A_188, %get3A_223 : vector<16xf32>
        %add3A_323 = arith.addf %add3A_321, %mul3A_322 : vector<16xf32>
        %mul3A_324 = arith.mulf %get3A_193, %get3A_228 : vector<16xf32>
        %add3A_325 = arith.addf %add3A_323, %mul3A_324 : vector<16xf32>
        %mul3A_326 = arith.mulf %get3A_198, %get3A_233 : vector<16xf32>
        %add3A_327 = arith.addf %add3A_325, %mul3A_326 : vector<16xf32>
        %mul3A_328 = arith.mulf %get3A_203, %get3A_238 : vector<16xf32>
        %add3A_329 = arith.addf %add3A_327, %mul3A_328 : vector<16xf32>
        %mul3A_330 = arith.mulf %get3A_158, %get3A_238 : vector<16xf32>
        %mul3A_331 = arith.mulf %get3A_163, %get3A_243 : vector<16xf32>
        %add3A_332 = arith.addf %mul3A_330, %mul3A_331 : vector<16xf32>
        %mul3A_333 = arith.mulf %get3A_168, %get3A_248 : vector<16xf32>
        %add3A_334 = arith.addf %add3A_332, %mul3A_333 : vector<16xf32>
        %mul3A_335 = arith.mulf %get3A_173, %get3A_253 : vector<16xf32>
        %add3A_336 = arith.addf %add3A_334, %mul3A_335 : vector<16xf32>
        %mul3A_337 = arith.mulf %get3A_178, %get3A_208 : vector<16xf32>
        %add3A_338 = arith.addf %add3A_336, %mul3A_337 : vector<16xf32>
        %mul3A_339 = arith.mulf %get3A_183, %get3A_213 : vector<16xf32>
        %add3A_340 = arith.addf %add3A_338, %mul3A_339 : vector<16xf32>
        %mul3A_341 = arith.mulf %get3A_188, %get3A_218 : vector<16xf32>
        %add3A_342 = arith.addf %add3A_340, %mul3A_341 : vector<16xf32>
        %mul3A_343 = arith.mulf %get3A_193, %get3A_223 : vector<16xf32>
        %add3A_344 = arith.addf %add3A_342, %mul3A_343 : vector<16xf32>
        %mul3A_345 = arith.mulf %get3A_198, %get3A_228 : vector<16xf32>
        %add3A_346 = arith.addf %add3A_344, %mul3A_345 : vector<16xf32>
        %mul3A_347 = arith.mulf %get3A_203, %get3A_233 : vector<16xf32>
        %add3A_348 = arith.addf %add3A_346, %mul3A_347 : vector<16xf32>
        %mul3A_349 = arith.mulf %get3A_158, %get3A_233 : vector<16xf32>
        %mul3A_350 = arith.mulf %get3A_163, %get3A_238 : vector<16xf32>
        %add3A_351 = arith.addf %mul3A_349, %mul3A_350 : vector<16xf32>
        %mul3A_352 = arith.mulf %get3A_168, %get3A_243 : vector<16xf32>
        %add3A_353 = arith.addf %add3A_351, %mul3A_352 : vector<16xf32>
        %mul3A_354 = arith.mulf %get3A_173, %get3A_248 : vector<16xf32>
        %add3A_355 = arith.addf %add3A_353, %mul3A_354 : vector<16xf32>
        %mul3A_356 = arith.mulf %get3A_178, %get3A_253 : vector<16xf32>
        %add3A_357 = arith.addf %add3A_355, %mul3A_356 : vector<16xf32>
        %mul3A_358 = arith.mulf %get3A_183, %get3A_208 : vector<16xf32>
        %add3A_359 = arith.addf %add3A_357, %mul3A_358 : vector<16xf32>
        %mul3A_360 = arith.mulf %get3A_188, %get3A_213 : vector<16xf32>
        %add3A_361 = arith.addf %add3A_359, %mul3A_360 : vector<16xf32>
        %mul3A_362 = arith.mulf %get3A_193, %get3A_218 : vector<16xf32>
        %add3A_363 = arith.addf %add3A_361, %mul3A_362 : vector<16xf32>
        %mul3A_364 = arith.mulf %get3A_198, %get3A_223 : vector<16xf32>
        %add3A_365 = arith.addf %add3A_363, %mul3A_364 : vector<16xf32>
        %mul3A_366 = arith.mulf %get3A_203, %get3A_228 : vector<16xf32>
        %add3A_367 = arith.addf %add3A_365, %mul3A_366 : vector<16xf32>
        %mul3A_368 = arith.mulf %get3A_158, %get3A_228 : vector<16xf32>
        %mul3A_369 = arith.mulf %get3A_163, %get3A_233 : vector<16xf32>
        %add3A_370 = arith.addf %mul3A_368, %mul3A_369 : vector<16xf32>
        %mul3A_371 = arith.mulf %get3A_168, %get3A_238 : vector<16xf32>
        %add3A_372 = arith.addf %add3A_370, %mul3A_371 : vector<16xf32>
        %mul3A_373 = arith.mulf %get3A_173, %get3A_243 : vector<16xf32>
        %add3A_374 = arith.addf %add3A_372, %mul3A_373 : vector<16xf32>
        %mul3A_375 = arith.mulf %get3A_178, %get3A_248 : vector<16xf32>
        %add3A_376 = arith.addf %add3A_374, %mul3A_375 : vector<16xf32>
        %mul3A_377 = arith.mulf %get3A_183, %get3A_253 : vector<16xf32>
        %add3A_378 = arith.addf %add3A_376, %mul3A_377 : vector<16xf32>
        %mul3A_379 = arith.mulf %get3A_188, %get3A_208 : vector<16xf32>
        %add3A_380 = arith.addf %add3A_378, %mul3A_379 : vector<16xf32>
        %mul3A_381 = arith.mulf %get3A_193, %get3A_213 : vector<16xf32>
        %add3A_382 = arith.addf %add3A_380, %mul3A_381 : vector<16xf32>
        %mul3A_383 = arith.mulf %get3A_198, %get3A_218 : vector<16xf32>
        %add3A_384 = arith.addf %add3A_382, %mul3A_383 : vector<16xf32>
        %mul3A_385 = arith.mulf %get3A_203, %get3A_223 : vector<16xf32>
        %add3A_386 = arith.addf %add3A_384, %mul3A_385 : vector<16xf32>
        %mul3A_387 = arith.mulf %get3A_158, %get3A_223 : vector<16xf32>
        %mul3A_388 = arith.mulf %get3A_163, %get3A_228 : vector<16xf32>
        %add3A_389 = arith.addf %mul3A_387, %mul3A_388 : vector<16xf32>
        %mul3A_390 = arith.mulf %get3A_168, %get3A_233 : vector<16xf32>
        %add3A_391 = arith.addf %add3A_389, %mul3A_390 : vector<16xf32>
        %mul3A_392 = arith.mulf %get3A_173, %get3A_238 : vector<16xf32>
        %add3A_393 = arith.addf %add3A_391, %mul3A_392 : vector<16xf32>
        %mul3A_394 = arith.mulf %get3A_178, %get3A_243 : vector<16xf32>
        %add3A_395 = arith.addf %add3A_393, %mul3A_394 : vector<16xf32>
        %mul3A_396 = arith.mulf %get3A_183, %get3A_248 : vector<16xf32>
        %add3A_397 = arith.addf %add3A_395, %mul3A_396 : vector<16xf32>
        %mul3A_398 = arith.mulf %get3A_188, %get3A_253 : vector<16xf32>
        %add3A_399 = arith.addf %add3A_397, %mul3A_398 : vector<16xf32>
        %mul3A_400 = arith.mulf %get3A_193, %get3A_208 : vector<16xf32>
        %add3A_401 = arith.addf %add3A_399, %mul3A_400 : vector<16xf32>
        %mul3A_402 = arith.mulf %get3A_198, %get3A_213 : vector<16xf32>
        %add3A_403 = arith.addf %add3A_401, %mul3A_402 : vector<16xf32>
        %mul3A_404 = arith.mulf %get3A_203, %get3A_218 : vector<16xf32>
        %add3A_405 = arith.addf %add3A_403, %mul3A_404 : vector<16xf32>
        %mul3A_406 = arith.mulf %get3A_158, %get3A_218 : vector<16xf32>
        %mul3A_407 = arith.mulf %get3A_163, %get3A_223 : vector<16xf32>
        %add3A_408 = arith.addf %mul3A_406, %mul3A_407 : vector<16xf32>
        %mul3A_409 = arith.mulf %get3A_168, %get3A_228 : vector<16xf32>
        %add3A_410 = arith.addf %add3A_408, %mul3A_409 : vector<16xf32>
        %mul3A_411 = arith.mulf %get3A_173, %get3A_233 : vector<16xf32>
        %add3A_412 = arith.addf %add3A_410, %mul3A_411 : vector<16xf32>
        %mul3A_413 = arith.mulf %get3A_178, %get3A_238 : vector<16xf32>
        %add3A_414 = arith.addf %add3A_412, %mul3A_413 : vector<16xf32>
        %mul3A_415 = arith.mulf %get3A_183, %get3A_243 : vector<16xf32>
        %add3A_416 = arith.addf %add3A_414, %mul3A_415 : vector<16xf32>
        %mul3A_417 = arith.mulf %get3A_188, %get3A_248 : vector<16xf32>
        %add3A_418 = arith.addf %add3A_416, %mul3A_417 : vector<16xf32>
        %mul3A_419 = arith.mulf %get3A_193, %get3A_253 : vector<16xf32>
        %add3A_420 = arith.addf %add3A_418, %mul3A_419 : vector<16xf32>
        %mul3A_421 = arith.mulf %get3A_198, %get3A_208 : vector<16xf32>
        %add3A_422 = arith.addf %add3A_420, %mul3A_421 : vector<16xf32>
        %mul3A_423 = arith.mulf %get3A_203, %get3A_213 : vector<16xf32>
        %add3A_424 = arith.addf %add3A_422, %mul3A_423 : vector<16xf32>
        %mul3A_425 = arith.mulf %get3A_158, %get3A_213 : vector<16xf32>
        %mul3A_426 = arith.mulf %get3A_163, %get3A_218 : vector<16xf32>
        %add3A_427 = arith.addf %mul3A_425, %mul3A_426 : vector<16xf32>
        %mul3A_428 = arith.mulf %get3A_168, %get3A_223 : vector<16xf32>
        %add3A_429 = arith.addf %add3A_427, %mul3A_428 : vector<16xf32>
        %mul3A_430 = arith.mulf %get3A_173, %get3A_228 : vector<16xf32>
        %add3A_431 = arith.addf %add3A_429, %mul3A_430 : vector<16xf32>
        %mul3A_432 = arith.mulf %get3A_178, %get3A_233 : vector<16xf32>
        %add3A_433 = arith.addf %add3A_431, %mul3A_432 : vector<16xf32>
        %mul3A_434 = arith.mulf %get3A_183, %get3A_238 : vector<16xf32>
        %add3A_435 = arith.addf %add3A_433, %mul3A_434 : vector<16xf32>
        %mul3A_436 = arith.mulf %get3A_188, %get3A_243 : vector<16xf32>
        %add3A_437 = arith.addf %add3A_435, %mul3A_436 : vector<16xf32>
        %mul3A_438 = arith.mulf %get3A_193, %get3A_248 : vector<16xf32>
        %add3A_439 = arith.addf %add3A_437, %mul3A_438 : vector<16xf32>
        %mul3A_440 = arith.mulf %get3A_198, %get3A_253 : vector<16xf32>
        %add3A_441 = arith.addf %add3A_439, %mul3A_440 : vector<16xf32>
        %mul3A_442 = arith.mulf %get3A_203, %get3A_208 : vector<16xf32>
        %add3A_443 = arith.addf %add3A_441, %mul3A_442 : vector<16xf32>
        %add3A_444 = arith.addf %add3A_272, %add3A_291 : vector<16xf32>
        %add3A_445 = arith.addf %add3A_444, %add3A_310 : vector<16xf32>
        %add3A_446 = arith.addf %add3A_445, %add3A_329 : vector<16xf32>
        %add3A_447 = arith.addf %add3A_446, %add3A_348 : vector<16xf32>
        %add3A_448 = arith.addf %add3A_447, %add3A_367 : vector<16xf32>
        %add3A_449 = arith.addf %add3A_448, %add3A_386 : vector<16xf32>
        %add3A_450 = arith.addf %add3A_449, %add3A_405 : vector<16xf32>
        %add3A_451 = arith.addf %add3A_450, %add3A_424 : vector<16xf32>
        %add3A_452 = arith.addf %add3A_451, %add3A_443 : vector<16xf32>
        %mul3A_453 = arith.mulf %get3A_158, %get3A_213 : vector<16xf32>
        %add3A_454 = arith.addf %get3A_158, %get3A_163 : vector<16xf32>
        %mul3A_455 = arith.mulf %add3A_454, %get3A_218 : vector<16xf32>
        %add3A_456 = arith.addf %mul3A_453, %mul3A_455 : vector<16xf32>
        %add3A_457 = arith.addf %add3A_454, %get3A_168 : vector<16xf32>
        %mul3A_458 = arith.mulf %add3A_457, %get3A_223 : vector<16xf32>
        %add3A_459 = arith.addf %add3A_456, %mul3A_458 : vector<16xf32>
        %add3A_460 = arith.addf %add3A_457, %get3A_173 : vector<16xf32>
        %mul3A_461 = arith.mulf %add3A_460, %get3A_228 : vector<16xf32>
        %add3A_462 = arith.addf %add3A_459, %mul3A_461 : vector<16xf32>
        %add3A_463 = arith.addf %add3A_460, %get3A_178 : vector<16xf32>
        %mul3A_464 = arith.mulf %add3A_463, %get3A_233 : vector<16xf32>
        %add3A_465 = arith.addf %add3A_462, %mul3A_464 : vector<16xf32>
        %add3A_466 = arith.addf %add3A_463, %get3A_183 : vector<16xf32>
        %mul3A_467 = arith.mulf %add3A_466, %get3A_238 : vector<16xf32>
        %add3A_468 = arith.addf %add3A_465, %mul3A_467 : vector<16xf32>
        %add3A_469 = arith.addf %add3A_466, %get3A_188 : vector<16xf32>
        %mul3A_470 = arith.mulf %add3A_469, %get3A_243 : vector<16xf32>
        %add3A_471 = arith.addf %add3A_468, %mul3A_470 : vector<16xf32>
        %add3A_472 = arith.addf %add3A_469, %get3A_193 : vector<16xf32>
        %mul3A_473 = arith.mulf %add3A_472, %get3A_248 : vector<16xf32>
        %add3A_474 = arith.addf %add3A_471, %mul3A_473 : vector<16xf32>
        %add3A_475 = arith.addf %add3A_472, %get3A_198 : vector<16xf32>
        %mul3A_476 = arith.mulf %add3A_475, %get3A_253 : vector<16xf32>
        %add3A_477 = arith.addf %add3A_474, %mul3A_476 : vector<16xf32>
        %mul3A_478 = arith.mulf %scan3A_151, %add3A_272 : vector<16xf32>
        %mul3A_479 = arith.mulf %scan3A_152, %add3A_291 : vector<16xf32>
        %add3A_480 = arith.addf %mul3A_478, %mul3A_479 : vector<16xf32>
        %add3A_481 = arith.constant 0 : i32
        %add3A_482 = arith.addi %add3A_481, %scan3A_150 : i32
        %swap3A = arith.index_cast %add3A_482 : i32 to index
        %swap3A_483 = arith.constant 32 : index
        %swap3A_484 = tpu.vector_load %arg7[%swap3A, %swap3A_483] {strides = array<i32>} : memref<200x64xf32, #tpu.memory_space<vmem>>, vector<16xf32>,
        tpu.vector_store %arg7[%swap3A, %swap3A_483], %add3A_480 {strides = array<i32>} : memref<200x64xf32, #tpu.memory_space<vmem>>, vector<16xf32>,
        %mul3A_485 = arith.mulf %scan3A_151, %add3A_291 : vector<16xf32>
        %mul3A_486 = arith.mulf %scan3A_152, %add3A_310 : vector<16xf32>
        %add3A_487 = arith.addf %mul3A_485, %mul3A_486 : vector<16xf32>
        %add3A_488 = arith.constant 20 : i32
        %add3A_489 = arith.addi %add3A_488, %scan3A_150 : i32
        %swap3A_490 = arith.index_cast %add3A_489 : i32 to index
        %swap3A_491 = arith.constant 32 : index
        %swap3A_492 = tpu.vector_load %arg7[%swap3A_490, %swap3A_491] {strides = array<i32>} : memref<200x64xf32, #tpu.memory_space<vmem>>, vector<16xf32>,
        tpu.vector_store %arg7[%swap3A_490, %swap3A_491], %add3A_487 {strides = array<i32>} : memref<200x64xf32, #tpu.memory_space<vmem>>, vector<16xf32>,
        %mul3A_493 = arith.mulf %scan3A_151, %add3A_310 : vector<16xf32>
        %mul3A_494 = arith.mulf %scan3A_152, %add3A_329 : vector<16xf32>
        %add3A_495 = arith.addf %mul3A_493, %mul3A_494 : vector<16xf32>
        %add3A_496 = arith.constant 40 : i32
        %add3A_497 = arith.addi %add3A_496, %scan3A_150 : i32
        %swap3A_498 = arith.index_cast %add3A_497 : i32 to index
        %swap3A_499 = arith.constant 32 : index
        %swap3A_500 = tpu.vector_load %arg7[%swap3A_498, %swap3A_499] {strides = array<i32>} : memref<200x64xf32, #tpu.memory_space<vmem>>, vector<16xf32>,
        tpu.vector_store %arg7[%swap3A_498, %swap3A_499], %add3A_495 {strides = array<i32>} : memref<200x64xf32, #tpu.memory_space<vmem>>, vector<16xf32>,
        %mul3A_501 = arith.mulf %scan3A_151, %add3A_329 : vector<16xf32>
        %mul3A_502 = arith.mulf %scan3A_152, %add3A_348 : vector<16xf32>
        %add3A_503 = arith.addf %mul3A_501, %mul3A_502 : vector<16xf32>
        %add3A_504 = arith.constant 60 : i32
        %add3A_505 = arith.addi %add3A_504, %scan3A_150 : i32
        %swap3A_506 = arith.index_cast %add3A_505 : i32 to index
        %swap3A_507 = arith.constant 32 : index
        %swap3A_508 = tpu.vector_load %arg7[%swap3A_506, %swap3A_507] {strides = array<i32>} : memref<200x64xf32, #tpu.memory_space<vmem>>, vector<16xf32>,
        tpu.vector_store %arg7[%swap3A_506, %swap3A_507], %add3A_503 {strides = array<i32>} : memref<200x64xf32, #tpu.memory_space<vmem>>, vector<16xf32>,
        %mul3A_509 = arith.mulf %scan3A_151, %add3A_348 : vector<16xf32>
        %mul3A_510 = arith.mulf %scan3A_152, %add3A_367 : vector<16xf32>
        %add3A_511 = arith.addf %mul3A_509, %mul3A_510 : vector<16xf32>
        %add3A_512 = arith.constant 80 : i32
        %add3A_513 = arith.addi %add3A_512, %scan3A_150 : i32
        %swap3A_514 = arith.index_cast %add3A_513 : i32 to index
        %swap3A_515 = arith.constant 32 : index
        %swap3A_516 = tpu.vector_load %arg7[%swap3A_514, %swap3A_515] {strides = array<i32>} : memref<200x64xf32, #tpu.memory_space<vmem>>, vector<16xf32>,
        tpu.vector_store %arg7[%swap3A_514, %swap3A_515], %add3A_511 {strides = array<i32>} : memref<200x64xf32, #tpu.memory_space<vmem>>, vector<16xf32>,
        %mul3A_517 = arith.mulf %scan3A_151, %add3A_367 : vector<16xf32>
        %mul3A_518 = arith.mulf %scan3A_152, %add3A_386 : vector<16xf32>
        %add3A_519 = arith.addf %mul3A_517, %mul3A_518 : vector<16xf32>
        %add3A_520 = arith.constant 100 : i32
        %add3A_521 = arith.addi %add3A_520, %scan3A_150 : i32
        %swap3A_522 = arith.index_cast %add3A_521 : i32 to index
        %swap3A_523 = arith.constant 32 : index
        %swap3A_524 = tpu.vector_load %arg7[%swap3A_522, %swap3A_523] {strides = array<i32>} : memref<200x64xf32, #tpu.memory_space<vmem>>, vector<16xf32>,
        tpu.vector_store %arg7[%swap3A_522, %swap3A_523], %add3A_519 {strides = array<i32>} : memref<200x64xf32, #tpu.memory_space<vmem>>, vector<16xf32>,
        %mul3A_525 = arith.mulf %scan3A_151, %add3A_386 : vector<16xf32>
        %mul3A_526 = arith.mulf %scan3A_152, %add3A_405 : vector<16xf32>
        %add3A_527 = arith.addf %mul3A_525, %mul3A_526 : vector<16xf32>
        %add3A_528 = arith.constant 120 : i32
        %add3A_529 = arith.addi %add3A_528, %scan3A_150 : i32
        %swap3A_530 = arith.index_cast %add3A_529 : i32 to index
        %swap3A_531 = arith.constant 32 : index
        %swap3A_532 = tpu.vector_load %arg7[%swap3A_530, %swap3A_531] {strides = array<i32>} : memref<200x64xf32, #tpu.memory_space<vmem>>, vector<16xf32>,
        tpu.vector_store %arg7[%swap3A_530, %swap3A_531], %add3A_527 {strides = array<i32>} : memref<200x64xf32, #tpu.memory_space<vmem>>, vector<16xf32>,
        %mul3A_533 = arith.mulf %scan3A_151, %add3A_405 : vector<16xf32>
        %mul3A_534 = arith.mulf %scan3A_152, %add3A_424 : vector<16xf32>
        %add3A_535 = arith.addf %mul3A_533, %mul3A_534 : vector<16xf32>
        %add3A_536 = arith.constant 140 : i32
        %add3A_537 = arith.addi %add3A_536, %scan3A_150 : i32
        %swap3A_538 = arith.index_cast %add3A_537 : i32 to index
        %swap3A_539 = arith.constant 32 : index
        %swap3A_540 = tpu.vector_load %arg7[%swap3A_538, %swap3A_539] {strides = array<i32>} : memref<200x64xf32, #tpu.memory_space<vmem>>, vector<16xf32>,
        tpu.vector_store %arg7[%swap3A_538, %swap3A_539], %add3A_535 {strides = array<i32>} : memref<200x64xf32, #tpu.memory_space<vmem>>, vector<16xf32>,
        %mul3A_541 = arith.mulf %scan3A_151, %add3A_424 : vector<16xf32>
        %mul3A_542 = arith.mulf %scan3A_152, %add3A_443 : vector<16xf32>
        %add3A_543 = arith.addf %mul3A_541, %mul3A_542 : vector<16xf32>
        %add3A_544 = arith.constant 160 : i32
        %add3A_545 = arith.addi %add3A_544, %scan3A_150 : i32
        %swap3A_546 = arith.index_cast %add3A_545 : i32 to index
        %swap3A_547 = arith.constant 32 : index
        %swap3A_548 = tpu.vector_load %arg7[%swap3A_546, %swap3A_547] {strides = array<i32>} : memref<200x64xf32, #tpu.memory_space<vmem>>, vector<16xf32>,
        tpu.vector_store %arg7[%swap3A_546, %swap3A_547], %add3A_543 {strides = array<i32>} : memref<200x64xf32, #tpu.memory_space<vmem>>, vector<16xf32>,
        %mul3A_549 = arith.mulf %scan3A_151, %add3A_443 : vector<16xf32>
        %mul3A_550 = arith.mulf %scan3A_152, %add3A_272 : vector<16xf32>
        %add3A_551 = arith.addf %mul3A_549, %mul3A_550 : vector<16xf32>
        %add3A_552 = arith.constant 180 : i32
        %add3A_553 = arith.addi %add3A_552, %scan3A_150 : i32
        %swap3A_554 = arith.index_cast %add3A_553 : i32 to index
        %swap3A_555 = arith.constant 32 : index
        %swap3A_556 = tpu.vector_load %arg7[%swap3A_554, %swap3A_555] {strides = array<i32>} : memref<200x64xf32, #tpu.memory_space<vmem>>, vector<16xf32>,
        tpu.vector_store %arg7[%swap3A_554, %swap3A_555], %add3A_551 {strides = array<i32>} : memref<200x64xf32, #tpu.memory_space<vmem>>, vector<16xf32>,
        %sub3A = arith.subf %add3A_452, %add3A_477 : vector<16xf32>
        %mul3A_557 = arith.mulf %scan3A_151, %sub3A : vector<16xf32>
        %sub3A_558 = arith.subf %sub3A, %add3A_272 : vector<16xf32>
        %mul3A_559 = arith.mulf %scan3A_152, %sub3A_558 : vector<16xf32>
        %add3A_560 = arith.addf %mul3A_557, %mul3A_559 : vector<16xf32>
        %mul3A_561 = arith.mulf %scan3A_151, %add3A_477 : vector<16xf32>
        %add3A_562 = arith.addf %add3A_477, %add3A_272 : vector<16xf32>
        %mul3A_563 = arith.mulf %scan3A_152, %add3A_562 : vector<16xf32>
        %add3A_564 = arith.addf %mul3A_561, %mul3A_563 : vector<16xf32>
        %add3A_565 = arith.constant 0 : i32
        %add3A_566 = arith.addi %add3A_565, %scan3A_150 : i32
        %get3A_567 = arith.index_cast %add3A_566 : i32 to index
        %get3A_568 = arith.constant 48 : index
        %get3A_569 = tpu.vector_load %arg5[%get3A_567, %get3A_568] {strides = array<i32>} : memref<200x64xf32, #tpu.memory_space<vmem>>, vector<16xf32>,
        %add3A_570 = arith.constant 20 : i32
        %add3A_571 = arith.addi %add3A_570, %scan3A_150 : i32
        %get3A_572 = arith.index_cast %add3A_571 : i32 to index
        %get3A_573 = arith.constant 48 : index
        %get3A_574 = tpu.vector_load %arg5[%get3A_572, %get3A_573] {strides = array<i32>} : memref<200x64xf32, #tpu.memory_space<vmem>>, vector<16xf32>,
        %add3A_575 = arith.constant 40 : i32
        %add3A_576 = arith.addi %add3A_575, %scan3A_150 : i32
        %get3A_577 = arith.index_cast %add3A_576 : i32 to index
        %get3A_578 = arith.constant 48 : index
        %get3A_579 = tpu.vector_load %arg5[%get3A_577, %get3A_578] {strides = array<i32>} : memref<200x64xf32, #tpu.memory_space<vmem>>, vector<16xf32>,
        %add3A_580 = arith.constant 60 : i32
        %add3A_581 = arith.addi %add3A_580, %scan3A_150 : i32
        %get3A_582 = arith.index_cast %add3A_581 : i32 to index
        %get3A_583 = arith.constant 48 : index
        %get3A_584 = tpu.vector_load %arg5[%get3A_582, %get3A_583] {strides = array<i32>} : memref<200x64xf32, #tpu.memory_space<vmem>>, vector<16xf32>,
        %add3A_585 = arith.constant 80 : i32
        %add3A_586 = arith.addi %add3A_585, %scan3A_150 : i32
        %get3A_587 = arith.index_cast %add3A_586 : i32 to index
        %get3A_588 = arith.constant 48 : index
        %get3A_589 = tpu.vector_load %arg5[%get3A_587, %get3A_588] {strides = array<i32>} : memref<200x64xf32, #tpu.memory_space<vmem>>, vector<16xf32>,
        %add3A_590 = arith.constant 100 : i32
        %add3A_591 = arith.addi %add3A_590, %scan3A_150 : i32
        %get3A_592 = arith.index_cast %add3A_591 : i32 to index
        %get3A_593 = arith.constant 48 : index
        %get3A_594 = tpu.vector_load %arg5[%get3A_592, %get3A_593] {strides = array<i32>} : memref<200x64xf32, #tpu.memory_space<vmem>>, vector<16xf32>,
        %add3A_595 = arith.constant 120 : i32
        %add3A_596 = arith.addi %add3A_595, %scan3A_150 : i32
        %get3A_597 = arith.index_cast %add3A_596 : i32 to index
        %get3A_598 = arith.constant 48 : index
        %get3A_599 = tpu.vector_load %arg5[%get3A_597, %get3A_598] {strides = array<i32>} : memref<200x64xf32, #tpu.memory_space<vmem>>, vector<16xf32>,
        %add3A_600 = arith.constant 140 : i32
        %add3A_601 = arith.addi %add3A_600, %scan3A_150 : i32
        %get3A_602 = arith.index_cast %add3A_601 : i32 to index
        %get3A_603 = arith.constant 48 : index
        %get3A_604 = tpu.vector_load %arg5[%get3A_602, %get3A_603] {strides = array<i32>} : memref<200x64xf32, #tpu.memory_space<vmem>>, vector<16xf32>,
        %add3A_605 = arith.constant 160 : i32
        %add3A_606 = arith.addi %add3A_605, %scan3A_150 : i32
        %get3A_607 = arith.index_cast %add3A_606 : i32 to index
        %get3A_608 = arith.constant 48 : index
        %get3A_609 = tpu.vector_load %arg5[%get3A_607, %get3A_608] {strides = array<i32>} : memref<200x64xf32, #tpu.memory_space<vmem>>, vector<16xf32>,
        %add3A_610 = arith.constant 180 : i32
        %add3A_611 = arith.addi %add3A_610, %scan3A_150 : i32
        %get3A_612 = arith.index_cast %add3A_611 : i32 to index
        %get3A_613 = arith.constant 48 : index
        %get3A_614 = tpu.vector_load %arg5[%get3A_612, %get3A_613] {strides = array<i32>} : memref<200x64xf32, #tpu.memory_space<vmem>>, vector<16xf32>,
        %add3A_615 = arith.constant 0 : i32
        %add3A_616 = arith.addi %add3A_615, %scan3A_150 : i32
        %get3A_617 = arith.index_cast %add3A_616 : i32 to index
        %get3A_618 = arith.constant 48 : index
        %get3A_619 = tpu.vector_load %arg6[%get3A_617, %get3A_618] {strides = array<i32>} : memref<200x64xf32, #tpu.memory_space<vmem>>, vector<16xf32>,
        %add3A_620 = arith.constant 20 : i32
        %add3A_621 = arith.addi %add3A_620, %scan3A_150 : i32
        %get3A_622 = arith.index_cast %add3A_621 : i32 to index
        %get3A_623 = arith.constant 48 : index
        %get3A_624 = tpu.vector_load %arg6[%get3A_622, %get3A_623] {strides = array<i32>} : memref<200x64xf32, #tpu.memory_space<vmem>>, vector<16xf32>,
        %add3A_625 = arith.constant 40 : i32
        %add3A_626 = arith.addi %add3A_625, %scan3A_150 : i32
        %get3A_627 = arith.index_cast %add3A_626 : i32 to index
        %get3A_628 = arith.constant 48 : index
        %get3A_629 = tpu.vector_load %arg6[%get3A_627, %get3A_628] {strides = array<i32>} : memref<200x64xf32, #tpu.memory_space<vmem>>, vector<16xf32>,
        %add3A_630 = arith.constant 60 : i32
        %add3A_631 = arith.addi %add3A_630, %scan3A_150 : i32
        %get3A_632 = arith.index_cast %add3A_631 : i32 to index
        %get3A_633 = arith.constant 48 : index
        %get3A_634 = tpu.vector_load %arg6[%get3A_632, %get3A_633] {strides = array<i32>} : memref<200x64xf32, #tpu.memory_space<vmem>>, vector<16xf32>,
        %add3A_635 = arith.constant 80 : i32
        %add3A_636 = arith.addi %add3A_635, %scan3A_150 : i32
        %get3A_637 = arith.index_cast %add3A_636 : i32 to index
        %get3A_638 = arith.constant 48 : index
        %get3A_639 = tpu.vector_load %arg6[%get3A_637, %get3A_638] {strides = array<i32>} : memref<200x64xf32, #tpu.memory_space<vmem>>, vector<16xf32>,
        %add3A_640 = arith.constant 100 : i32
        %add3A_641 = arith.addi %add3A_640, %scan3A_150 : i32
        %get3A_642 = arith.index_cast %add3A_641 : i32 to index
        %get3A_643 = arith.constant 48 : index
        %get3A_644 = tpu.vector_load %arg6[%get3A_642, %get3A_643] {strides = array<i32>} : memref<200x64xf32, #tpu.memory_space<vmem>>, vector<16xf32>,
        %add3A_645 = arith.constant 120 : i32
        %add3A_646 = arith.addi %add3A_645, %scan3A_150 : i32
        %get3A_647 = arith.index_cast %add3A_646 : i32 to index
        %get3A_648 = arith.constant 48 : index
        %get3A_649 = tpu.vector_load %arg6[%get3A_647, %get3A_648] {strides = array<i32>} : memref<200x64xf32, #tpu.memory_space<vmem>>, vector<16xf32>,
        %add3A_650 = arith.constant 140 : i32
        %add3A_651 = arith.addi %add3A_650, %scan3A_150 : i32
        %get3A_652 = arith.index_cast %add3A_651 : i32 to index
        %get3A_653 = arith.constant 48 : index
        %get3A_654 = tpu.vector_load %arg6[%get3A_652, %get3A_653] {strides = array<i32>} : memref<200x64xf32, #tpu.memory_space<vmem>>, vector<16xf32>,
        %add3A_655 = arith.constant 160 : i32
        %add3A_656 = arith.addi %add3A_655, %scan3A_150 : i32
        %get3A_657 = arith.index_cast %add3A_656 : i32 to index
        %get3A_658 = arith.constant 48 : index
        %get3A_659 = tpu.vector_load %arg6[%get3A_657, %get3A_658] {strides = array<i32>} : memref<200x64xf32, #tpu.memory_space<vmem>>, vector<16xf32>,
        %add3A_660 = arith.constant 180 : i32
        %add3A_661 = arith.addi %add3A_660, %scan3A_150 : i32
        %get3A_662 = arith.index_cast %add3A_661 : i32 to index
        %get3A_663 = arith.constant 48 : index
        %get3A_664 = tpu.vector_load %arg6[%get3A_662, %get3A_663] {strides = array<i32>} : memref<200x64xf32, #tpu.memory_space<vmem>>, vector<16xf32>,
        %mul3A_665 = arith.mulf %get3A_569, %get3A_619 : vector<16xf32>
        %mul3A_666 = arith.mulf %get3A_574, %get3A_624 : vector<16xf32>
        %add3A_667 = arith.addf %mul3A_665, %mul3A_666 : vector<16xf32>
        %mul3A_668 = arith.mulf %get3A_579, %get3A_629 : vector<16xf32>
        %add3A_669 = arith.addf %add3A_667, %mul3A_668 : vector<16xf32>
        %mul3A_670 = arith.mulf %get3A_584, %get3A_634 : vector<16xf32>
        %add3A_671 = arith.addf %add3A_669, %mul3A_670 : vector<16xf32>
        %mul3A_672 = arith.mulf %get3A_589, %get3A_639 : vector<16xf32>
        %add3A_673 = arith.addf %add3A_671, %mul3A_672 : vector<16xf32>
        %mul3A_674 = arith.mulf %get3A_594, %get3A_644 : vector<16xf32>
        %add3A_675 = arith.addf %add3A_673, %mul3A_674 : vector<16xf32>
        %mul3A_676 = arith.mulf %get3A_599, %get3A_649 : vector<16xf32>
        %add3A_677 = arith.addf %add3A_675, %mul3A_676 : vector<16xf32>
        %mul3A_678 = arith.mulf %get3A_604, %get3A_654 : vector<16xf32>
        %add3A_679 = arith.addf %add3A_677, %mul3A_678 : vector<16xf32>
        %mul3A_680 = arith.mulf %get3A_609, %get3A_659 : vector<16xf32>
        %add3A_681 = arith.addf %add3A_679, %mul3A_680 : vector<16xf32>
        %mul3A_682 = arith.mulf %get3A_614, %get3A_664 : vector<16xf32>
        %add3A_683 = arith.addf %add3A_681, %mul3A_682 : vector<16xf32>
        %mul3A_684 = arith.mulf %get3A_569, %get3A_664 : vector<16xf32>
        %mul3A_685 = arith.mulf %get3A_574, %get3A_619 : vector<16xf32>
        %add3A_686 = arith.addf %mul3A_684, %mul3A_685 : vector<16xf32>
        %mul3A_687 = arith.mulf %get3A_579, %get3A_624 : vector<16xf32>
        %add3A_688 = arith.addf %add3A_686, %mul3A_687 : vector<16xf32>
        %mul3A_689 = arith.mulf %get3A_584, %get3A_629 : vector<16xf32>
        %add3A_690 = arith.addf %add3A_688, %mul3A_689 : vector<16xf32>
        %mul3A_691 = arith.mulf %get3A_589, %get3A_634 : vector<16xf32>
        %add3A_692 = arith.addf %add3A_690, %mul3A_691 : vector<16xf32>
        %mul3A_693 = arith.mulf %get3A_594, %get3A_639 : vector<16xf32>
        %add3A_694 = arith.addf %add3A_692, %mul3A_693 : vector<16xf32>
        %mul3A_695 = arith.mulf %get3A_599, %get3A_644 : vector<16xf32>
        %add3A_696 = arith.addf %add3A_694, %mul3A_695 : vector<16xf32>
        %mul3A_697 = arith.mulf %get3A_604, %get3A_649 : vector<16xf32>
        %add3A_698 = arith.addf %add3A_696, %mul3A_697 : vector<16xf32>
        %mul3A_699 = arith.mulf %get3A_609, %get3A_654 : vector<16xf32>
        %add3A_700 = arith.addf %add3A_698, %mul3A_699 : vector<16xf32>
        %mul3A_701 = arith.mulf %get3A_614, %get3A_659 : vector<16xf32>
        %add3A_702 = arith.addf %add3A_700, %mul3A_701 : vector<16xf32>
        %mul3A_703 = arith.mulf %get3A_569, %get3A_659 : vector<16xf32>
        %mul3A_704 = arith.mulf %get3A_574, %get3A_664 : vector<16xf32>
        %add3A_705 = arith.addf %mul3A_703, %mul3A_704 : vector<16xf32>
        %mul3A_706 = arith.mulf %get3A_579, %get3A_619 : vector<16xf32>
        %add3A_707 = arith.addf %add3A_705, %mul3A_706 : vector<16xf32>
        %mul3A_708 = arith.mulf %get3A_584, %get3A_624 : vector<16xf32>
        %add3A_709 = arith.addf %add3A_707, %mul3A_708 : vector<16xf32>
        %mul3A_710 = arith.mulf %get3A_589, %get3A_629 : vector<16xf32>
        %add3A_711 = arith.addf %add3A_709, %mul3A_710 : vector<16xf32>
        %mul3A_712 = arith.mulf %get3A_594, %get3A_634 : vector<16xf32>
        %add3A_713 = arith.addf %add3A_711, %mul3A_712 : vector<16xf32>
        %mul3A_714 = arith.mulf %get3A_599, %get3A_639 : vector<16xf32>
        %add3A_715 = arith.addf %add3A_713, %mul3A_714 : vector<16xf32>
        %mul3A_716 = arith.mulf %get3A_604, %get3A_644 : vector<16xf32>
        %add3A_717 = arith.addf %add3A_715, %mul3A_716 : vector<16xf32>
        %mul3A_718 = arith.mulf %get3A_609, %get3A_649 : vector<16xf32>
        %add3A_719 = arith.addf %add3A_717, %mul3A_718 : vector<16xf32>
        %mul3A_720 = arith.mulf %get3A_614, %get3A_654 : vector<16xf32>
        %add3A_721 = arith.addf %add3A_719, %mul3A_720 : vector<16xf32>
        %mul3A_722 = arith.mulf %get3A_569, %get3A_654 : vector<16xf32>
        %mul3A_723 = arith.mulf %get3A_574, %get3A_659 : vector<16xf32>
        %add3A_724 = arith.addf %mul3A_722, %mul3A_723 : vector<16xf32>
        %mul3A_725 = arith.mulf %get3A_579, %get3A_664 : vector<16xf32>
        %add3A_726 = arith.addf %add3A_724, %mul3A_725 : vector<16xf32>
        %mul3A_727 = arith.mulf %get3A_584, %get3A_619 : vector<16xf32>
        %add3A_728 = arith.addf %add3A_726, %mul3A_727 : vector<16xf32>
        %mul3A_729 = arith.mulf %get3A_589, %get3A_624 : vector<16xf32>
        %add3A_730 = arith.addf %add3A_728, %mul3A_729 : vector<16xf32>
        %mul3A_731 = arith.mulf %get3A_594, %get3A_629 : vector<16xf32>
        %add3A_732 = arith.addf %add3A_730, %mul3A_731 : vector<16xf32>
        %mul3A_733 = arith.mulf %get3A_599, %get3A_634 : vector<16xf32>
        %add3A_734 = arith.addf %add3A_732, %mul3A_733 : vector<16xf32>
        %mul3A_735 = arith.mulf %get3A_604, %get3A_639 : vector<16xf32>
        %add3A_736 = arith.addf %add3A_734, %mul3A_735 : vector<16xf32>
        %mul3A_737 = arith.mulf %get3A_609, %get3A_644 : vector<16xf32>
        %add3A_738 = arith.addf %add3A_736, %mul3A_737 : vector<16xf32>
        %mul3A_739 = arith.mulf %get3A_614, %get3A_649 : vector<16xf32>
        %add3A_740 = arith.addf %add3A_738, %mul3A_739 : vector<16xf32>
        %mul3A_741 = arith.mulf %get3A_569, %get3A_649 : vector<16xf32>
        %mul3A_742 = arith.mulf %get3A_574, %get3A_654 : vector<16xf32>
        %add3A_743 = arith.addf %mul3A_741, %mul3A_742 : vector<16xf32>
        %mul3A_744 = arith.mulf %get3A_579, %get3A_659 : vector<16xf32>
        %add3A_745 = arith.addf %add3A_743, %mul3A_744 : vector<16xf32>
        %mul3A_746 = arith.mulf %get3A_584, %get3A_664 : vector<16xf32>
        %add3A_747 = arith.addf %add3A_745, %mul3A_746 : vector<16xf32>
        %mul3A_748 = arith.mulf %get3A_589, %get3A_619 : vector<16xf32>
        %add3A_749 = arith.addf %add3A_747, %mul3A_748 : vector<16xf32>
        %mul3A_750 = arith.mulf %get3A_594, %get3A_624 : vector<16xf32>
        %add3A_751 = arith.addf %add3A_749, %mul3A_750 : vector<16xf32>
        %mul3A_752 = arith.mulf %get3A_599, %get3A_629 : vector<16xf32>
        %add3A_753 = arith.addf %add3A_751, %mul3A_752 : vector<16xf32>
        %mul3A_754 = arith.mulf %get3A_604, %get3A_634 : vector<16xf32>
        %add3A_755 = arith.addf %add3A_753, %mul3A_754 : vector<16xf32>
        %mul3A_756 = arith.mulf %get3A_609, %get3A_639 : vector<16xf32>
        %add3A_757 = arith.addf %add3A_755, %mul3A_756 : vector<16xf32>
        %mul3A_758 = arith.mulf %get3A_614, %get3A_644 : vector<16xf32>
        %add3A_759 = arith.addf %add3A_757, %mul3A_758 : vector<16xf32>
        %mul3A_760 = arith.mulf %get3A_569, %get3A_644 : vector<16xf32>
        %mul3A_761 = arith.mulf %get3A_574, %get3A_649 : vector<16xf32>
        %add3A_762 = arith.addf %mul3A_760, %mul3A_761 : vector<16xf32>
        %mul3A_763 = arith.mulf %get3A_579, %get3A_654 : vector<16xf32>
        %add3A_764 = arith.addf %add3A_762, %mul3A_763 : vector<16xf32>
        %mul3A_765 = arith.mulf %get3A_584, %get3A_659 : vector<16xf32>
        %add3A_766 = arith.addf %add3A_764, %mul3A_765 : vector<16xf32>
        %mul3A_767 = arith.mulf %get3A_589, %get3A_664 : vector<16xf32>
        %add3A_768 = arith.addf %add3A_766, %mul3A_767 : vector<16xf32>
        %mul3A_769 = arith.mulf %get3A_594, %get3A_619 : vector<16xf32>
        %add3A_770 = arith.addf %add3A_768, %mul3A_769 : vector<16xf32>
        %mul3A_771 = arith.mulf %get3A_599, %get3A_624 : vector<16xf32>
        %add3A_772 = arith.addf %add3A_770, %mul3A_771 : vector<16xf32>
        %mul3A_773 = arith.mulf %get3A_604, %get3A_629 : vector<16xf32>
        %add3A_774 = arith.addf %add3A_772, %mul3A_773 : vector<16xf32>
        %mul3A_775 = arith.mulf %get3A_609, %get3A_634 : vector<16xf32>
        %add3A_776 = arith.addf %add3A_774, %mul3A_775 : vector<16xf32>
        %mul3A_777 = arith.mulf %get3A_614, %get3A_639 : vector<16xf32>
        %add3A_778 = arith.addf %add3A_776, %mul3A_777 : vector<16xf32>
        %mul3A_779 = arith.mulf %get3A_569, %get3A_639 : vector<16xf32>
        %mul3A_780 = arith.mulf %get3A_574, %get3A_644 : vector<16xf32>
        %add3A_781 = arith.addf %mul3A_779, %mul3A_780 : vector<16xf32>
        %mul3A_782 = arith.mulf %get3A_579, %get3A_649 : vector<16xf32>
        %add3A_783 = arith.addf %add3A_781, %mul3A_782 : vector<16xf32>
        %mul3A_784 = arith.mulf %get3A_584, %get3A_654 : vector<16xf32>
        %add3A_785 = arith.addf %add3A_783, %mul3A_784 : vector<16xf32>
        %mul3A_786 = arith.mulf %get3A_589, %get3A_659 : vector<16xf32>
        %add3A_787 = arith.addf %add3A_785, %mul3A_786 : vector<16xf32>
        %mul3A_788 = arith.mulf %get3A_594, %get3A_664 : vector<16xf32>
        %add3A_789 = arith.addf %add3A_787, %mul3A_788 : vector<16xf32>
        %mul3A_790 = arith.mulf %get3A_599, %get3A_619 : vector<16xf32>
        %add3A_791 = arith.addf %add3A_789, %mul3A_790 : vector<16xf32>
        %mul3A_792 = arith.mulf %get3A_604, %get3A_624 : vector<16xf32>
        %add3A_793 = arith.addf %add3A_791, %mul3A_792 : vector<16xf32>
        %mul3A_794 = arith.mulf %get3A_609, %get3A_629 : vector<16xf32>
        %add3A_795 = arith.addf %add3A_793, %mul3A_794 : vector<16xf32>
        %mul3A_796 = arith.mulf %get3A_614, %get3A_634 : vector<16xf32>
        %add3A_797 = arith.addf %add3A_795, %mul3A_796 : vector<16xf32>
        %mul3A_798 = arith.mulf %get3A_569, %get3A_634 : vector<16xf32>
        %mul3A_799 = arith.mulf %get3A_574, %get3A_639 : vector<16xf32>
        %add3A_800 = arith.addf %mul3A_798, %mul3A_799 : vector<16xf32>
        %mul3A_801 = arith.mulf %get3A_579, %get3A_644 : vector<16xf32>
        %add3A_802 = arith.addf %add3A_800, %mul3A_801 : vector<16xf32>
        %mul3A_803 = arith.mulf %get3A_584, %get3A_649 : vector<16xf32>
        %add3A_804 = arith.addf %add3A_802, %mul3A_803 : vector<16xf32>
        %mul3A_805 = arith.mulf %get3A_589, %get3A_654 : vector<16xf32>
        %add3A_806 = arith.addf %add3A_804, %mul3A_805 : vector<16xf32>
        %mul3A_807 = arith.mulf %get3A_594, %get3A_659 : vector<16xf32>
        %add3A_808 = arith.addf %add3A_806, %mul3A_807 : vector<16xf32>
        %mul3A_809 = arith.mulf %get3A_599, %get3A_664 : vector<16xf32>
        %add3A_810 = arith.addf %add3A_808, %mul3A_809 : vector<16xf32>
        %mul3A_811 = arith.mulf %get3A_604, %get3A_619 : vector<16xf32>
        %add3A_812 = arith.addf %add3A_810, %mul3A_811 : vector<16xf32>
        %mul3A_813 = arith.mulf %get3A_609, %get3A_624 : vector<16xf32>
        %add3A_814 = arith.addf %add3A_812, %mul3A_813 : vector<16xf32>
        %mul3A_815 = arith.mulf %get3A_614, %get3A_629 : vector<16xf32>
        %add3A_816 = arith.addf %add3A_814, %mul3A_815 : vector<16xf32>
        %mul3A_817 = arith.mulf %get3A_569, %get3A_629 : vector<16xf32>
        %mul3A_818 = arith.mulf %get3A_574, %get3A_634 : vector<16xf32>
        %add3A_819 = arith.addf %mul3A_817, %mul3A_818 : vector<16xf32>
        %mul3A_820 = arith.mulf %get3A_579, %get3A_639 : vector<16xf32>
        %add3A_821 = arith.addf %add3A_819, %mul3A_820 : vector<16xf32>
        %mul3A_822 = arith.mulf %get3A_584, %get3A_644 : vector<16xf32>
        %add3A_823 = arith.addf %add3A_821, %mul3A_822 : vector<16xf32>
        %mul3A_824 = arith.mulf %get3A_589, %get3A_649 : vector<16xf32>
        %add3A_825 = arith.addf %add3A_823, %mul3A_824 : vector<16xf32>
        %mul3A_826 = arith.mulf %get3A_594, %get3A_654 : vector<16xf32>
        %add3A_827 = arith.addf %add3A_825, %mul3A_826 : vector<16xf32>
        %mul3A_828 = arith.mulf %get3A_599, %get3A_659 : vector<16xf32>
        %add3A_829 = arith.addf %add3A_827, %mul3A_828 : vector<16xf32>
        %mul3A_830 = arith.mulf %get3A_604, %get3A_664 : vector<16xf32>
        %add3A_831 = arith.addf %add3A_829, %mul3A_830 : vector<16xf32>
        %mul3A_832 = arith.mulf %get3A_609, %get3A_619 : vector<16xf32>
        %add3A_833 = arith.addf %add3A_831, %mul3A_832 : vector<16xf32>
        %mul3A_834 = arith.mulf %get3A_614, %get3A_624 : vector<16xf32>
        %add3A_835 = arith.addf %add3A_833, %mul3A_834 : vector<16xf32>
        %mul3A_836 = arith.mulf %get3A_569, %get3A_624 : vector<16xf32>
        %mul3A_837 = arith.mulf %get3A_574, %get3A_629 : vector<16xf32>
        %add3A_838 = arith.addf %mul3A_836, %mul3A_837 : vector<16xf32>
        %mul3A_839 = arith.mulf %get3A_579, %get3A_634 : vector<16xf32>
        %add3A_840 = arith.addf %add3A_838, %mul3A_839 : vector<16xf32>
        %mul3A_841 = arith.mulf %get3A_584, %get3A_639 : vector<16xf32>
        %add3A_842 = arith.addf %add3A_840, %mul3A_841 : vector<16xf32>
        %mul3A_843 = arith.mulf %get3A_589, %get3A_644 : vector<16xf32>
        %add3A_844 = arith.addf %add3A_842, %mul3A_843 : vector<16xf32>
        %mul3A_845 = arith.mulf %get3A_594, %get3A_649 : vector<16xf32>
        %add3A_846 = arith.addf %add3A_844, %mul3A_845 : vector<16xf32>
        %mul3A_847 = arith.mulf %get3A_599, %get3A_654 : vector<16xf32>
        %add3A_848 = arith.addf %add3A_846, %mul3A_847 : vector<16xf32>
        %mul3A_849 = arith.mulf %get3A_604, %get3A_659 : vector<16xf32>
        %add3A_850 = arith.addf %add3A_848, %mul3A_849 : vector<16xf32>
        %mul3A_851 = arith.mulf %get3A_609, %get3A_664 : vector<16xf32>
        %add3A_852 = arith.addf %add3A_850, %mul3A_851 : vector<16xf32>
        %mul3A_853 = arith.mulf %get3A_614, %get3A_619 : vector<16xf32>
        %add3A_854 = arith.addf %add3A_852, %mul3A_853 : vector<16xf32>
        %add3A_855 = arith.addf %add3A_683, %add3A_702 : vector<16xf32>
        %add3A_856 = arith.addf %add3A_855, %add3A_721 : vector<16xf32>
        %add3A_857 = arith.addf %add3A_856, %add3A_740 : vector<16xf32>
        %add3A_858 = arith.addf %add3A_857, %add3A_759 : vector<16xf32>
        %add3A_859 = arith.addf %add3A_858, %add3A_778 : vector<16xf32>
        %add3A_860 = arith.addf %add3A_859, %add3A_797 : vector<16xf32>
        %add3A_861 = arith.addf %add3A_860, %add3A_816 : vector<16xf32>
        %add3A_862 = arith.addf %add3A_861, %add3A_835 : vector<16xf32>
        %add3A_863 = arith.addf %add3A_862, %add3A_854 : vector<16xf32>
        %mul3A_864 = arith.mulf %get3A_569, %get3A_624 : vector<16xf32>
        %add3A_865 = arith.addf %get3A_569, %get3A_574 : vector<16xf32>
        %mul3A_866 = arith.mulf %add3A_865, %get3A_629 : vector<16xf32>
        %add3A_867 = arith.addf %mul3A_864, %mul3A_866 : vector<16xf32>
        %add3A_868 = arith.addf %add3A_865, %get3A_579 : vector<16xf32>
        %mul3A_869 = arith.mulf %add3A_868, %get3A_634 : vector<16xf32>
        %add3A_870 = arith.addf %add3A_867, %mul3A_869 : vector<16xf32>
        %add3A_871 = arith.addf %add3A_868, %get3A_584 : vector<16xf32>
        %mul3A_872 = arith.mulf %add3A_871, %get3A_639 : vector<16xf32>
        %add3A_873 = arith.addf %add3A_870, %mul3A_872 : vector<16xf32>
        %add3A_874 = arith.addf %add3A_871, %get3A_589 : vector<16xf32>
        %mul3A_875 = arith.mulf %add3A_874, %get3A_644 : vector<16xf32>
        %add3A_876 = arith.addf %add3A_873, %mul3A_875 : vector<16xf32>
        %add3A_877 = arith.addf %add3A_874, %get3A_594 : vector<16xf32>
        %mul3A_878 = arith.mulf %add3A_877, %get3A_649 : vector<16xf32>
        %add3A_879 = arith.addf %add3A_876, %mul3A_878 : vector<16xf32>
        %add3A_880 = arith.addf %add3A_877, %get3A_599 : vector<16xf32>
        %mul3A_881 = arith.mulf %add3A_880, %get3A_654 : vector<16xf32>
        %add3A_882 = arith.addf %add3A_879, %mul3A_881 : vector<16xf32>
        %add3A_883 = arith.addf %add3A_880, %get3A_604 : vector<16xf32>
        %mul3A_884 = arith.mulf %add3A_883, %get3A_659 : vector<16xf32>
        %add3A_885 = arith.addf %add3A_882, %mul3A_884 : vector<16xf32>
        %add3A_886 = arith.addf %add3A_883, %get3A_609 : vector<16xf32>
        %mul3A_887 = arith.mulf %add3A_886, %get3A_664 : vector<16xf32>
        %add3A_888 = arith.addf %add3A_885, %mul3A_887 : vector<16xf32>
        %mul3A_889 = arith.mulf %scan3A_153, %add3A_683 : vector<16xf32>
        %mul3A_890 = arith.mulf %scan3A_154, %add3A_702 : vector<16xf32>
        %add3A_891 = arith.addf %mul3A_889, %mul3A_890 : vector<16xf32>
        %add3A_892 = arith.constant 0 : i32
        %add3A_893 = arith.addi %add3A_892, %scan3A_150 : i32
        %swap3A_894 = arith.index_cast %add3A_893 : i32 to index
        %swap3A_895 = arith.constant 48 : index
        %swap3A_896 = tpu.vector_load %arg7[%swap3A_894, %swap3A_895] {strides = array<i32>} : memref<200x64xf32, #tpu.memory_space<vmem>>, vector<16xf32>,
        tpu.vector_store %arg7[%swap3A_894, %swap3A_895], %add3A_891 {strides = array<i32>} : memref<200x64xf32, #tpu.memory_space<vmem>>, vector<16xf32>,
        %mul3A_897 = arith.mulf %scan3A_153, %add3A_702 : vector<16xf32>
        %mul3A_898 = arith.mulf %scan3A_154, %add3A_721 : vector<16xf32>
        %add3A_899 = arith.addf %mul3A_897, %mul3A_898 : vector<16xf32>
        %add3A_900 = arith.constant 20 : i32
        %add3A_901 = arith.addi %add3A_900, %scan3A_150 : i32
        %swap3A_902 = arith.index_cast %add3A_901 : i32 to index
        %swap3A_903 = arith.constant 48 : index
        %swap3A_904 = tpu.vector_load %arg7[%swap3A_902, %swap3A_903] {strides = array<i32>} : memref<200x64xf32, #tpu.memory_space<vmem>>, vector<16xf32>,
        tpu.vector_store %arg7[%swap3A_902, %swap3A_903], %add3A_899 {strides = array<i32>} : memref<200x64xf32, #tpu.memory_space<vmem>>, vector<16xf32>,
        %mul3A_905 = arith.mulf %scan3A_153, %add3A_721 : vector<16xf32>
        %mul3A_906 = arith.mulf %scan3A_154, %add3A_740 : vector<16xf32>
        %add3A_907 = arith.addf %mul3A_905, %mul3A_906 : vector<16xf32>
        %add3A_908 = arith.constant 40 : i32
        %add3A_909 = arith.addi %add3A_908, %scan3A_150 : i32
        %swap3A_910 = arith.index_cast %add3A_909 : i32 to index
        %swap3A_911 = arith.constant 48 : index
        %swap3A_912 = tpu.vector_load %arg7[%swap3A_910, %swap3A_911] {strides = array<i32>} : memref<200x64xf32, #tpu.memory_space<vmem>>, vector<16xf32>,
        tpu.vector_store %arg7[%swap3A_910, %swap3A_911], %add3A_907 {strides = array<i32>} : memref<200x64xf32, #tpu.memory_space<vmem>>, vector<16xf32>,
        %mul3A_913 = arith.mulf %scan3A_153, %add3A_740 : vector<16xf32>
        %mul3A_914 = arith.mulf %scan3A_154, %add3A_759 : vector<16xf32>
        %add3A_915 = arith.addf %mul3A_913, %mul3A_914 : vector<16xf32>
        %add3A_916 = arith.constant 60 : i32
        %add3A_917 = arith.addi %add3A_916, %scan3A_150 : i32
        %swap3A_918 = arith.index_cast %add3A_917 : i32 to index
        %swap3A_919 = arith.constant 48 : index
        %swap3A_920 = tpu.vector_load %arg7[%swap3A_918, %swap3A_919] {strides = array<i32>} : memref<200x64xf32, #tpu.memory_space<vmem>>, vector<16xf32>,
        tpu.vector_store %arg7[%swap3A_918, %swap3A_919], %add3A_915 {strides = array<i32>} : memref<200x64xf32, #tpu.memory_space<vmem>>, vector<16xf32>,
        %mul3A_921 = arith.mulf %scan3A_153, %add3A_759 : vector<16xf32>
        %mul3A_922 = arith.mulf %scan3A_154, %add3A_778 : vector<16xf32>
        %add3A_923 = arith.addf %mul3A_921, %mul3A_922 : vector<16xf32>
        %add3A_924 = arith.constant 80 : i32
        %add3A_925 = arith.addi %add3A_924, %scan3A_150 : i32
        %swap3A_926 = arith.index_cast %add3A_925 : i32 to index
        %swap3A_927 = arith.constant 48 : index
        %swap3A_928 = tpu.vector_load %arg7[%swap3A_926, %swap3A_927] {strides = array<i32>} : memref<200x64xf32, #tpu.memory_space<vmem>>, vector<16xf32>,
        tpu.vector_store %arg7[%swap3A_926, %swap3A_927], %add3A_923 {strides = array<i32>} : memref<200x64xf32, #tpu.memory_space<vmem>>, vector<16xf32>,
        %mul3A_929 = arith.mulf %scan3A_153, %add3A_778 : vector<16xf32>
        %mul3A_930 = arith.mulf %scan3A_154, %add3A_797 : vector<16xf32>
        %add3A_931 = arith.addf %mul3A_929, %mul3A_930 : vector<16xf32>
        %add3A_932 = arith.constant 100 : i32
        %add3A_933 = arith.addi %add3A_932, %scan3A_150 : i32
        %swap3A_934 = arith.index_cast %add3A_933 : i32 to index
        %swap3A_935 = arith.constant 48 : index
        %swap3A_936 = tpu.vector_load %arg7[%swap3A_934, %swap3A_935] {strides = array<i32>} : memref<200x64xf32, #tpu.memory_space<vmem>>, vector<16xf32>,
        tpu.vector_store %arg7[%swap3A_934, %swap3A_935], %add3A_931 {strides = array<i32>} : memref<200x64xf32, #tpu.memory_space<vmem>>, vector<16xf32>,
        %mul3A_937 = arith.mulf %scan3A_153, %add3A_797 : vector<16xf32>
        %mul3A_938 = arith.mulf %scan3A_154, %add3A_816 : vector<16xf32>
        %add3A_939 = arith.addf %mul3A_937, %mul3A_938 : vector<16xf32>
        %add3A_940 = arith.constant 120 : i32
        %add3A_941 = arith.addi %add3A_940, %scan3A_150 : i32
        %swap3A_942 = arith.index_cast %add3A_941 : i32 to index
        %swap3A_943 = arith.constant 48 : index
        %swap3A_944 = tpu.vector_load %arg7[%swap3A_942, %swap3A_943] {strides = array<i32>} : memref<200x64xf32, #tpu.memory_space<vmem>>, vector<16xf32>,
        tpu.vector_store %arg7[%swap3A_942, %swap3A_943], %add3A_939 {strides = array<i32>} : memref<200x64xf32, #tpu.memory_space<vmem>>, vector<16xf32>,
        %mul3A_945 = arith.mulf %scan3A_153, %add3A_816 : vector<16xf32>
        %mul3A_946 = arith.mulf %scan3A_154, %add3A_835 : vector<16xf32>
        %add3A_947 = arith.addf %mul3A_945, %mul3A_946 : vector<16xf32>
        %add3A_948 = arith.constant 140 : i32
        %add3A_949 = arith.addi %add3A_948, %scan3A_150 : i32
        %swap3A_950 = arith.index_cast %add3A_949 : i32 to index
        %swap3A_951 = arith.constant 48 : index
        %swap3A_952 = tpu.vector_load %arg7[%swap3A_950, %swap3A_951] {strides = array<i32>} : memref<200x64xf32, #tpu.memory_space<vmem>>, vector<16xf32>,
        tpu.vector_store %arg7[%swap3A_950, %swap3A_951], %add3A_947 {strides = array<i32>} : memref<200x64xf32, #tpu.memory_space<vmem>>, vector<16xf32>,
        %mul3A_953 = arith.mulf %scan3A_153, %add3A_835 : vector<16xf32>
        %mul3A_954 = arith.mulf %scan3A_154, %add3A_854 : vector<16xf32>
        %add3A_955 = arith.addf %mul3A_953, %mul3A_954 : vector<16xf32>
        %add3A_956 = arith.constant 160 : i32
        %add3A_957 = arith.addi %add3A_956, %scan3A_150 : i32
        %swap3A_958 = arith.index_cast %add3A_957 : i32 to index
        %swap3A_959 = arith.constant 48 : index
        %swap3A_960 = tpu.vector_load %arg7[%swap3A_958, %swap3A_959] {strides = array<i32>} : memref<200x64xf32, #tpu.memory_space<vmem>>, vector<16xf32>,
        tpu.vector_store %arg7[%swap3A_958, %swap3A_959], %add3A_955 {strides = array<i32>} : memref<200x64xf32, #tpu.memory_space<vmem>>, vector<16xf32>,
        %mul3A_961 = arith.mulf %scan3A_153, %add3A_854 : vector<16xf32>
        %mul3A_962 = arith.mulf %scan3A_154, %add3A_683 : vector<16xf32>
        %add3A_963 = arith.addf %mul3A_961, %mul3A_962 : vector<16xf32>
        %add3A_964 = arith.constant 180 : i32
        %add3A_965 = arith.addi %add3A_964, %scan3A_150 : i32
        %swap3A_966 = arith.index_cast %add3A_965 : i32 to index
        %swap3A_967 = arith.constant 48 : index
        %swap3A_968 = tpu.vector_load %arg7[%swap3A_966, %swap3A_967] {strides = array<i32>} : memref<200x64xf32, #tpu.memory_space<vmem>>, vector<16xf32>,
        tpu.vector_store %arg7[%swap3A_966, %swap3A_967], %add3A_963 {strides = array<i32>} : memref<200x64xf32, #tpu.memory_space<vmem>>, vector<16xf32>,
        %sub3A_969 = arith.subf %add3A_863, %add3A_888 : vector<16xf32>
        %mul3A_970 = arith.mulf %scan3A_153, %sub3A_969 : vector<16xf32>
        %sub3A_971 = arith.subf %sub3A_969, %add3A_683 : vector<16xf32>
        %mul3A_972 = arith.mulf %scan3A_154, %sub3A_971 : vector<16xf32>
        %add3A_973 = arith.addf %mul3A_970, %mul3A_972 : vector<16xf32>
        %mul3A_974 = arith.mulf %scan3A_153, %add3A_888 : vector<16xf32>
        %add3A_975 = arith.addf %add3A_888, %add3A_683 : vector<16xf32>
        %mul3A_976 = arith.mulf %scan3A_154, %add3A_975 : vector<16xf32>
        %add3A_977 = arith.addf %mul3A_974, %mul3A_976 : vector<16xf32>
        scf.yield %add3A_560, %add3A_564, %add3A_973, %add3A_977 : vector<16xf32>, vector<16xf32>, vector<16xf32>, vector<16xf32>
      }
      %scan3A_79 = arith.constant 20 : i32
      %mul3A_80 = arith.constant 64 : i32
      %mul3A_81 = arith.muli %add3A_32, %mul3A_80 : i32
      %add3A_82 = arith.addi %mul3A_2, %mul3A_81 : i32
      %dma_start3A_83 = arith.constant 0 : i32
      %dma_start3A_84 = tpu.memref_slice %arg4[%dma_start3A_83, %add3A_82] : memref<200x16384xf32, #tpu.memory_space<hbm>> -> memref<200x64xf32, #tpu.memory_space<hbm>>
      %dma_start3A_85 = arith.constant 0 : i32
      %dma_start3A_86 = tpu.memref_slice %arg4[%dma_start3A_85, %add3A_82] : memref<200x16384xf32, #tpu.memory_space<hbm>> -> memref<200x64xf32, #tpu.memory_space<hbm>>
      tpu.enqueue_dma source(%arg7 : memref<200x64xf32, #tpu.memory_space<vmem>>) target(%dma_start3A_86 : memref<200x64xf32, #tpu.memory_space<hbm>>) target_semaphore(%arg13 : memref<!tpu.dma_semaphore, #tpu.memory_space<semaphore_mem>>)
      %mul3A_87 = arith.constant 2 : i32
      %mul3A_88 = arith.muli %scan3A_28, %mul3A_87 : i32
      %add3A_89 = arith.constant 1 : i32
      %add3A_90 = arith.addi %mul3A_88, %add3A_89 : i32
      %dma_wait3A_91 = arith.constant 0 : i32
      %dma_wait3A_92 = arith.constant 0 : i32
      %dma_wait3A_93 = tpu.memref_slice %arg2[%dma_wait3A_91, %dma_wait3A_92] : memref<200x16384xf32, #tpu.memory_space<hbm>> -> memref<200x64xf32, #tpu.memory_space<hbm>>
      %dma_wait3A_94 = arith.constant 0 : i32
      %dma_wait3A_95 = arith.constant 0 : i32
      %dma_wait3A_96 = tpu.memref_slice %arg2[%dma_wait3A_94, %dma_wait3A_95] : memref<200x16384xf32, #tpu.memory_space<hbm>> -> memref<200x64xf32, #tpu.memory_space<hbm>>
      tpu.wait_dma2 semaphore(%arg12 : memref<!tpu.dma_semaphore, #tpu.memory_space<semaphore_mem>>) src(%dma_wait3A_96 : memref<200x64xf32, #tpu.memory_space<hbm>>) dst(%arg8 : memref<200x64xf32, #tpu.memory_space<vmem>>)
      %dma_wait3A_97 = arith.constant 0 : i32
      %dma_wait3A_98 = arith.constant 0 : i32
      %dma_wait3A_99 = tpu.memref_slice %arg3[%dma_wait3A_97, %dma_wait3A_98] : memref<200x16384xf32, #tpu.memory_space<hbm>> -> memref<200x64xf32, #tpu.memory_space<hbm>>
      %dma_wait3A_100 = arith.constant 0 : i32
      %dma_wait3A_101 = arith.constant 0 : i32
      %dma_wait3A_102 = tpu.memref_slice %arg3[%dma_wait3A_100, %dma_wait3A_101] : memref<200x16384xf32, #tpu.memory_space<hbm>> -> memref<200x64xf32, #tpu.memory_space<hbm>>
      tpu.wait_dma2 semaphore(%arg12 : memref<!tpu.dma_semaphore, #tpu.memory_space<semaphore_mem>>) src(%dma_wait3A_102 : memref<200x64xf32, #tpu.memory_space<hbm>>) dst(%arg9 : memref<200x64xf32, #tpu.memory_space<vmem>>)
      %add3A_103 = arith.constant 1 : i32
      %add3A_104 = arith.addi %add3A_90, %add3A_103 : i32
      %lt3A_105 = arith.constant 8 : i32
      %lt3A_106 = arith.cmpi slt, %add3A_104, %lt3A_105 : i32
      %convert_element_type3A_107 = arith.extui %lt3A_106 : i1 to i32
      %cond3A_108 = arith.constant 0 : i32
      %cond3A_109 = arith.cmpi ne, %convert_element_type3A_107, %cond3A_108 : i32
      scf.if %cond3A_109 {
        %add3A_150 = arith.constant 1 : i32
        %add3A_151 = arith.addi %add3A_90, %add3A_150 : i32
        %mul3A_152 = arith.constant 64 : i32
        %mul3A_153 = arith.muli %add3A_151, %mul3A_152 : i32
        %add3A_154 = arith.addi %mul3A_2, %mul3A_153 : i32
        %dma_start3A_155 = arith.constant 0 : i32
        %dma_start3A_156 = tpu.memref_slice %arg2[%dma_start3A_155, %add3A_154] : memref<200x16384xf32, #tpu.memory_space<hbm>> -> memref<200x64xf32, #tpu.memory_space<hbm>>
        %dma_start3A_157 = arith.constant 0 : i32
        %dma_start3A_158 = tpu.memref_slice %arg2[%dma_start3A_157, %add3A_154] : memref<200x16384xf32, #tpu.memory_space<hbm>> -> memref<200x64xf32, #tpu.memory_space<hbm>>
        tpu.enqueue_dma source(%dma_start3A_158 : memref<200x64xf32, #tpu.memory_space<hbm>>) target(%arg5 : memref<200x64xf32, #tpu.memory_space<vmem>>) target_semaphore(%arg11 : memref<!tpu.dma_semaphore, #tpu.memory_space<semaphore_mem>>)
        %dma_start3A_159 = arith.constant 0 : i32
        %dma_start3A_160 = tpu.memref_slice %arg3[%dma_start3A_159, %add3A_154] : memref<200x16384xf32, #tpu.memory_space<hbm>> -> memref<200x64xf32, #tpu.memory_space<hbm>>
        %dma_start3A_161 = arith.constant 0 : i32
        %dma_start3A_162 = tpu.memref_slice %arg3[%dma_start3A_161, %add3A_154] : memref<200x16384xf32, #tpu.memory_space<hbm>> -> memref<200x64xf32, #tpu.memory_space<hbm>>
        tpu.enqueue_dma source(%dma_start3A_162 : memref<200x64xf32, #tpu.memory_space<hbm>>) target(%arg6 : memref<200x64xf32, #tpu.memory_space<vmem>>) target_semaphore(%arg11 : memref<!tpu.dma_semaphore, #tpu.memory_space<semaphore_mem>>)
      } else {
      }
      %ge3A_110 = arith.constant 2 : i32
      %ge3A_111 = arith.cmpi sge, %add3A_90, %ge3A_110 : i32
      %convert_element_type3A_112 = arith.extui %ge3A_111 : i1 to i32
      %cond3A_113 = arith.constant 0 : i32
      %cond3A_114 = arith.cmpi ne, %convert_element_type3A_112, %cond3A_113 : i32
      scf.if %cond3A_114 {
        %sub3A = arith.constant 2 : i32
        %sub3A_150 = arith.subi %add3A_90, %sub3A : i32
        %mul3A_151 = arith.constant 64 : i32
        %mul3A_152 = arith.muli %sub3A_150, %mul3A_151 : i32
        %add3A_153 = arith.addi %mul3A_2, %mul3A_152 : i32
        %dma_wait3A_154 = arith.constant 0 : i32
        %dma_wait3A_155 = tpu.memref_slice %arg4[%dma_wait3A_154, %add3A_153] : memref<200x16384xf32, #tpu.memory_space<hbm>> -> memref<200x64xf32, #tpu.memory_space<hbm>>
        %dma_wait3A_156 = arith.constant 0 : i32
        %dma_wait3A_157 = tpu.memref_slice %arg4[%dma_wait3A_156, %add3A_153] : memref<200x16384xf32, #tpu.memory_space<hbm>> -> memref<200x64xf32, #tpu.memory_space<hbm>>
        tpu.wait_dma2 semaphore(%arg14 : memref<!tpu.dma_semaphore, #tpu.memory_space<semaphore_mem>>) src(%arg10 : memref<200x64xf32, #tpu.memory_space<vmem>>) dst(%dma_wait3A_157 : memref<200x64xf32, #tpu.memory_space<hbm>>)
      } else {
      }
      %broadcast_in_dim3A_115 = arith.constant 1.000000e+00 : f32
      %broadcast_in_dim3A_116 = vector.broadcast %broadcast_in_dim3A_115 : f32 to vector<16xf32>
      %broadcast_in_dim3A_117 = arith.constant 0.000000e+00 : f32
      %broadcast_in_dim3A_118 = vector.broadcast %broadcast_in_dim3A_117 : f32 to vector<16xf32>
      %broadcast_in_dim3A_119 = arith.constant 1.000000e+00 : f32
      %broadcast_in_dim3A_120 = vector.broadcast %broadcast_in_dim3A_119 : f32 to vector<16xf32>
      %broadcast_in_dim3A_121 = arith.constant 0.000000e+00 : f32
      %broadcast_in_dim3A_122 = vector.broadcast %broadcast_in_dim3A_121 : f32 to vector<16xf32>
      %scan3A_123 = arith.constant 0 : i32
      %scan3A_124 = arith.constant 20 : i32
      %scan3A_125 = arith.addi %scan3A_123, %scan3A_124 : i32
      %scan3A_126 = arith.constant 1 : i32
      %scan3A_127:4 = scf.for %scan3A_150 = %scan3A_123 to %scan3A_125 step %scan3A_126 iter_args(%scan3A_151 = %broadcast_in_dim3A_116, %scan3A_152 = %broadcast_in_dim3A_118, %scan3A_153 = %broadcast_in_dim3A_120, %scan3A_154 = %broadcast_in_dim3A_122) -> (vector<16xf32>, vector<16xf32>, vector<16xf32>, vector<16xf32>)  : i32 {
        %add3A_155 = arith.constant 0 : i32
        %add3A_156 = arith.addi %add3A_155, %scan3A_150 : i32
        %get3A = arith.index_cast %add3A_156 : i32 to index
        %get3A_157 = arith.constant 0 : index
        %get3A_158 = tpu.vector_load %arg8[%get3A, %get3A_157] {strides = array<i32>} : memref<200x64xf32, #tpu.memory_space<vmem>>, vector<16xf32>,
        %add3A_159 = arith.constant 20 : i32
        %add3A_160 = arith.addi %add3A_159, %scan3A_150 : i32
        %get3A_161 = arith.index_cast %add3A_160 : i32 to index
        %get3A_162 = arith.constant 0 : index
        %get3A_163 = tpu.vector_load %arg8[%get3A_161, %get3A_162] {strides = array<i32>} : memref<200x64xf32, #tpu.memory_space<vmem>>, vector<16xf32>,
        %add3A_164 = arith.constant 40 : i32
        %add3A_165 = arith.addi %add3A_164, %scan3A_150 : i32
        %get3A_166 = arith.index_cast %add3A_165 : i32 to index
        %get3A_167 = arith.constant 0 : index
        %get3A_168 = tpu.vector_load %arg8[%get3A_166, %get3A_167] {strides = array<i32>} : memref<200x64xf32, #tpu.memory_space<vmem>>, vector<16xf32>,
        %add3A_169 = arith.constant 60 : i32
        %add3A_170 = arith.addi %add3A_169, %scan3A_150 : i32
        %get3A_171 = arith.index_cast %add3A_170 : i32 to index
        %get3A_172 = arith.constant 0 : index
        %get3A_173 = tpu.vector_load %arg8[%get3A_171, %get3A_172] {strides = array<i32>} : memref<200x64xf32, #tpu.memory_space<vmem>>, vector<16xf32>,
        %add3A_174 = arith.constant 80 : i32
        %add3A_175 = arith.addi %add3A_174, %scan3A_150 : i32
        %get3A_176 = arith.index_cast %add3A_175 : i32 to index
        %get3A_177 = arith.constant 0 : index
        %get3A_178 = tpu.vector_load %arg8[%get3A_176, %get3A_177] {strides = array<i32>} : memref<200x64xf32, #tpu.memory_space<vmem>>, vector<16xf32>,
        %add3A_179 = arith.constant 100 : i32
        %add3A_180 = arith.addi %add3A_179, %scan3A_150 : i32
        %get3A_181 = arith.index_cast %add3A_180 : i32 to index
        %get3A_182 = arith.constant 0 : index
        %get3A_183 = tpu.vector_load %arg8[%get3A_181, %get3A_182] {strides = array<i32>} : memref<200x64xf32, #tpu.memory_space<vmem>>, vector<16xf32>,
        %add3A_184 = arith.constant 120 : i32
        %add3A_185 = arith.addi %add3A_184, %scan3A_150 : i32
        %get3A_186 = arith.index_cast %add3A_185 : i32 to index
        %get3A_187 = arith.constant 0 : index
        %get3A_188 = tpu.vector_load %arg8[%get3A_186, %get3A_187] {strides = array<i32>} : memref<200x64xf32, #tpu.memory_space<vmem>>, vector<16xf32>,
        %add3A_189 = arith.constant 140 : i32
        %add3A_190 = arith.addi %add3A_189, %scan3A_150 : i32
        %get3A_191 = arith.index_cast %add3A_190 : i32 to index
        %get3A_192 = arith.constant 0 : index
        %get3A_193 = tpu.vector_load %arg8[%get3A_191, %get3A_192] {strides = array<i32>} : memref<200x64xf32, #tpu.memory_space<vmem>>, vector<16xf32>,
        %add3A_194 = arith.constant 160 : i32
        %add3A_195 = arith.addi %add3A_194, %scan3A_150 : i32
        %get3A_196 = arith.index_cast %add3A_195 : i32 to index
        %get3A_197 = arith.constant 0 : index
        %get3A_198 = tpu.vector_load %arg8[%get3A_196, %get3A_197] {strides = array<i32>} : memref<200x64xf32, #tpu.memory_space<vmem>>, vector<16xf32>,
        %add3A_199 = arith.constant 180 : i32
        %add3A_200 = arith.addi %add3A_199, %scan3A_150 : i32
        %get3A_201 = arith.index_cast %add3A_200 : i32 to index
        %get3A_202 = arith.constant 0 : index
        %get3A_203 = tpu.vector_load %arg8[%get3A_201, %get3A_202] {strides = array<i32>} : memref<200x64xf32, #tpu.memory_space<vmem>>, vector<16xf32>,
        %add3A_204 = arith.constant 0 : i32
        %add3A_205 = arith.addi %add3A_204, %scan3A_150 : i32
        %get3A_206 = arith.index_cast %add3A_205 : i32 to index
        %get3A_207 = arith.constant 0 : index
        %get3A_208 = tpu.vector_load %arg9[%get3A_206, %get3A_207] {strides = array<i32>} : memref<200x64xf32, #tpu.memory_space<vmem>>, vector<16xf32>,
        %add3A_209 = arith.constant 20 : i32
        %add3A_210 = arith.addi %add3A_209, %scan3A_150 : i32
        %get3A_211 = arith.index_cast %add3A_210 : i32 to index
        %get3A_212 = arith.constant 0 : index
        %get3A_213 = tpu.vector_load %arg9[%get3A_211, %get3A_212] {strides = array<i32>} : memref<200x64xf32, #tpu.memory_space<vmem>>, vector<16xf32>,
        %add3A_214 = arith.constant 40 : i32
        %add3A_215 = arith.addi %add3A_214, %scan3A_150 : i32
        %get3A_216 = arith.index_cast %add3A_215 : i32 to index
        %get3A_217 = arith.constant 0 : index
        %get3A_218 = tpu.vector_load %arg9[%get3A_216, %get3A_217] {strides = array<i32>} : memref<200x64xf32, #tpu.memory_space<vmem>>, vector<16xf32>,
        %add3A_219 = arith.constant 60 : i32
        %add3A_220 = arith.addi %add3A_219, %scan3A_150 : i32
        %get3A_221 = arith.index_cast %add3A_220 : i32 to index
        %get3A_222 = arith.constant 0 : index
        %get3A_223 = tpu.vector_load %arg9[%get3A_221, %get3A_222] {strides = array<i32>} : memref<200x64xf32, #tpu.memory_space<vmem>>, vector<16xf32>,
        %add3A_224 = arith.constant 80 : i32
        %add3A_225 = arith.addi %add3A_224, %scan3A_150 : i32
        %get3A_226 = arith.index_cast %add3A_225 : i32 to index
        %get3A_227 = arith.constant 0 : index
        %get3A_228 = tpu.vector_load %arg9[%get3A_226, %get3A_227] {strides = array<i32>} : memref<200x64xf32, #tpu.memory_space<vmem>>, vector<16xf32>,
        %add3A_229 = arith.constant 100 : i32
        %add3A_230 = arith.addi %add3A_229, %scan3A_150 : i32
        %get3A_231 = arith.index_cast %add3A_230 : i32 to index
        %get3A_232 = arith.constant 0 : index
        %get3A_233 = tpu.vector_load %arg9[%get3A_231, %get3A_232] {strides = array<i32>} : memref<200x64xf32, #tpu.memory_space<vmem>>, vector<16xf32>,
        %add3A_234 = arith.constant 120 : i32
        %add3A_235 = arith.addi %add3A_234, %scan3A_150 : i32
        %get3A_236 = arith.index_cast %add3A_235 : i32 to index
        %get3A_237 = arith.constant 0 : index
        %get3A_238 = tpu.vector_load %arg9[%get3A_236, %get3A_237] {strides = array<i32>} : memref<200x64xf32, #tpu.memory_space<vmem>>, vector<16xf32>,
        %add3A_239 = arith.constant 140 : i32
        %add3A_240 = arith.addi %add3A_239, %scan3A_150 : i32
        %get3A_241 = arith.index_cast %add3A_240 : i32 to index
        %get3A_242 = arith.constant 0 : index
        %get3A_243 = tpu.vector_load %arg9[%get3A_241, %get3A_242] {strides = array<i32>} : memref<200x64xf32, #tpu.memory_space<vmem>>, vector<16xf32>,
        %add3A_244 = arith.constant 160 : i32
        %add3A_245 = arith.addi %add3A_244, %scan3A_150 : i32
        %get3A_246 = arith.index_cast %add3A_245 : i32 to index
        %get3A_247 = arith.constant 0 : index
        %get3A_248 = tpu.vector_load %arg9[%get3A_246, %get3A_247] {strides = array<i32>} : memref<200x64xf32, #tpu.memory_space<vmem>>, vector<16xf32>,
        %add3A_249 = arith.constant 180 : i32
        %add3A_250 = arith.addi %add3A_249, %scan3A_150 : i32
        %get3A_251 = arith.index_cast %add3A_250 : i32 to index
        %get3A_252 = arith.constant 0 : index
        %get3A_253 = tpu.vector_load %arg9[%get3A_251, %get3A_252] {strides = array<i32>} : memref<200x64xf32, #tpu.memory_space<vmem>>, vector<16xf32>,
        %mul3A_254 = arith.mulf %get3A_158, %get3A_208 : vector<16xf32>
        %mul3A_255 = arith.mulf %get3A_163, %get3A_213 : vector<16xf32>
        %add3A_256 = arith.addf %mul3A_254, %mul3A_255 : vector<16xf32>
        %mul3A_257 = arith.mulf %get3A_168, %get3A_218 : vector<16xf32>
        %add3A_258 = arith.addf %add3A_256, %mul3A_257 : vector<16xf32>
        %mul3A_259 = arith.mulf %get3A_173, %get3A_223 : vector<16xf32>
        %add3A_260 = arith.addf %add3A_258, %mul3A_259 : vector<16xf32>
        %mul3A_261 = arith.mulf %get3A_178, %get3A_228 : vector<16xf32>
        %add3A_262 = arith.addf %add3A_260, %mul3A_261 : vector<16xf32>
        %mul3A_263 = arith.mulf %get3A_183, %get3A_233 : vector<16xf32>
        %add3A_264 = arith.addf %add3A_262, %mul3A_263 : vector<16xf32>
        %mul3A_265 = arith.mulf %get3A_188, %get3A_238 : vector<16xf32>
        %add3A_266 = arith.addf %add3A_264, %mul3A_265 : vector<16xf32>
        %mul3A_267 = arith.mulf %get3A_193, %get3A_243 : vector<16xf32>
        %add3A_268 = arith.addf %add3A_266, %mul3A_267 : vector<16xf32>
        %mul3A_269 = arith.mulf %get3A_198, %get3A_248 : vector<16xf32>
        %add3A_270 = arith.addf %add3A_268, %mul3A_269 : vector<16xf32>
        %mul3A_271 = arith.mulf %get3A_203, %get3A_253 : vector<16xf32>
        %add3A_272 = arith.addf %add3A_270, %mul3A_271 : vector<16xf32>
        %mul3A_273 = arith.mulf %get3A_158, %get3A_253 : vector<16xf32>
        %mul3A_274 = arith.mulf %get3A_163, %get3A_208 : vector<16xf32>
        %add3A_275 = arith.addf %mul3A_273, %mul3A_274 : vector<16xf32>
        %mul3A_276 = arith.mulf %get3A_168, %get3A_213 : vector<16xf32>
        %add3A_277 = arith.addf %add3A_275, %mul3A_276 : vector<16xf32>
        %mul3A_278 = arith.mulf %get3A_173, %get3A_218 : vector<16xf32>
        %add3A_279 = arith.addf %add3A_277, %mul3A_278 : vector<16xf32>
        %mul3A_280 = arith.mulf %get3A_178, %get3A_223 : vector<16xf32>
        %add3A_281 = arith.addf %add3A_279, %mul3A_280 : vector<16xf32>
        %mul3A_282 = arith.mulf %get3A_183, %get3A_228 : vector<16xf32>
        %add3A_283 = arith.addf %add3A_281, %mul3A_282 : vector<16xf32>
        %mul3A_284 = arith.mulf %get3A_188, %get3A_233 : vector<16xf32>
        %add3A_285 = arith.addf %add3A_283, %mul3A_284 : vector<16xf32>
        %mul3A_286 = arith.mulf %get3A_193, %get3A_238 : vector<16xf32>
        %add3A_287 = arith.addf %add3A_285, %mul3A_286 : vector<16xf32>
        %mul3A_288 = arith.mulf %get3A_198, %get3A_243 : vector<16xf32>
        %add3A_289 = arith.addf %add3A_287, %mul3A_288 : vector<16xf32>
        %mul3A_290 = arith.mulf %get3A_203, %get3A_248 : vector<16xf32>
        %add3A_291 = arith.addf %add3A_289, %mul3A_290 : vector<16xf32>
        %mul3A_292 = arith.mulf %get3A_158, %get3A_248 : vector<16xf32>
        %mul3A_293 = arith.mulf %get3A_163, %get3A_253 : vector<16xf32>
        %add3A_294 = arith.addf %mul3A_292, %mul3A_293 : vector<16xf32>
        %mul3A_295 = arith.mulf %get3A_168, %get3A_208 : vector<16xf32>
        %add3A_296 = arith.addf %add3A_294, %mul3A_295 : vector<16xf32>
        %mul3A_297 = arith.mulf %get3A_173, %get3A_213 : vector<16xf32>
        %add3A_298 = arith.addf %add3A_296, %mul3A_297 : vector<16xf32>
        %mul3A_299 = arith.mulf %get3A_178, %get3A_218 : vector<16xf32>
        %add3A_300 = arith.addf %add3A_298, %mul3A_299 : vector<16xf32>
        %mul3A_301 = arith.mulf %get3A_183, %get3A_223 : vector<16xf32>
        %add3A_302 = arith.addf %add3A_300, %mul3A_301 : vector<16xf32>
        %mul3A_303 = arith.mulf %get3A_188, %get3A_228 : vector<16xf32>
        %add3A_304 = arith.addf %add3A_302, %mul3A_303 : vector<16xf32>
        %mul3A_305 = arith.mulf %get3A_193, %get3A_233 : vector<16xf32>
        %add3A_306 = arith.addf %add3A_304, %mul3A_305 : vector<16xf32>
        %mul3A_307 = arith.mulf %get3A_198, %get3A_238 : vector<16xf32>
        %add3A_308 = arith.addf %add3A_306, %mul3A_307 : vector<16xf32>
        %mul3A_309 = arith.mulf %get3A_203, %get3A_243 : vector<16xf32>
        %add3A_310 = arith.addf %add3A_308, %mul3A_309 : vector<16xf32>
        %mul3A_311 = arith.mulf %get3A_158, %get3A_243 : vector<16xf32>
        %mul3A_312 = arith.mulf %get3A_163, %get3A_248 : vector<16xf32>
        %add3A_313 = arith.addf %mul3A_311, %mul3A_312 : vector<16xf32>
        %mul3A_314 = arith.mulf %get3A_168, %get3A_253 : vector<16xf32>
        %add3A_315 = arith.addf %add3A_313, %mul3A_314 : vector<16xf32>
        %mul3A_316 = arith.mulf %get3A_173, %get3A_208 : vector<16xf32>
        %add3A_317 = arith.addf %add3A_315, %mul3A_316 : vector<16xf32>
        %mul3A_318 = arith.mulf %get3A_178, %get3A_213 : vector<16xf32>
        %add3A_319 = arith.addf %add3A_317, %mul3A_318 : vector<16xf32>
        %mul3A_320 = arith.mulf %get3A_183, %get3A_218 : vector<16xf32>
        %add3A_321 = arith.addf %add3A_319, %mul3A_320 : vector<16xf32>
        %mul3A_322 = arith.mulf %get3A_188, %get3A_223 : vector<16xf32>
        %add3A_323 = arith.addf %add3A_321, %mul3A_322 : vector<16xf32>
        %mul3A_324 = arith.mulf %get3A_193, %get3A_228 : vector<16xf32>
        %add3A_325 = arith.addf %add3A_323, %mul3A_324 : vector<16xf32>
        %mul3A_326 = arith.mulf %get3A_198, %get3A_233 : vector<16xf32>
        %add3A_327 = arith.addf %add3A_325, %mul3A_326 : vector<16xf32>
        %mul3A_328 = arith.mulf %get3A_203, %get3A_238 : vector<16xf32>
        %add3A_329 = arith.addf %add3A_327, %mul3A_328 : vector<16xf32>
        %mul3A_330 = arith.mulf %get3A_158, %get3A_238 : vector<16xf32>
        %mul3A_331 = arith.mulf %get3A_163, %get3A_243 : vector<16xf32>
        %add3A_332 = arith.addf %mul3A_330, %mul3A_331 : vector<16xf32>
        %mul3A_333 = arith.mulf %get3A_168, %get3A_248 : vector<16xf32>
        %add3A_334 = arith.addf %add3A_332, %mul3A_333 : vector<16xf32>
        %mul3A_335 = arith.mulf %get3A_173, %get3A_253 : vector<16xf32>
        %add3A_336 = arith.addf %add3A_334, %mul3A_335 : vector<16xf32>
        %mul3A_337 = arith.mulf %get3A_178, %get3A_208 : vector<16xf32>
        %add3A_338 = arith.addf %add3A_336, %mul3A_337 : vector<16xf32>
        %mul3A_339 = arith.mulf %get3A_183, %get3A_213 : vector<16xf32>
        %add3A_340 = arith.addf %add3A_338, %mul3A_339 : vector<16xf32>
        %mul3A_341 = arith.mulf %get3A_188, %get3A_218 : vector<16xf32>
        %add3A_342 = arith.addf %add3A_340, %mul3A_341 : vector<16xf32>
        %mul3A_343 = arith.mulf %get3A_193, %get3A_223 : vector<16xf32>
        %add3A_344 = arith.addf %add3A_342, %mul3A_343 : vector<16xf32>
        %mul3A_345 = arith.mulf %get3A_198, %get3A_228 : vector<16xf32>
        %add3A_346 = arith.addf %add3A_344, %mul3A_345 : vector<16xf32>
        %mul3A_347 = arith.mulf %get3A_203, %get3A_233 : vector<16xf32>
        %add3A_348 = arith.addf %add3A_346, %mul3A_347 : vector<16xf32>
        %mul3A_349 = arith.mulf %get3A_158, %get3A_233 : vector<16xf32>
        %mul3A_350 = arith.mulf %get3A_163, %get3A_238 : vector<16xf32>
        %add3A_351 = arith.addf %mul3A_349, %mul3A_350 : vector<16xf32>
        %mul3A_352 = arith.mulf %get3A_168, %get3A_243 : vector<16xf32>
        %add3A_353 = arith.addf %add3A_351, %mul3A_352 : vector<16xf32>
        %mul3A_354 = arith.mulf %get3A_173, %get3A_248 : vector<16xf32>
        %add3A_355 = arith.addf %add3A_353, %mul3A_354 : vector<16xf32>
        %mul3A_356 = arith.mulf %get3A_178, %get3A_253 : vector<16xf32>
        %add3A_357 = arith.addf %add3A_355, %mul3A_356 : vector<16xf32>
        %mul3A_358 = arith.mulf %get3A_183, %get3A_208 : vector<16xf32>
        %add3A_359 = arith.addf %add3A_357, %mul3A_358 : vector<16xf32>
        %mul3A_360 = arith.mulf %get3A_188, %get3A_213 : vector<16xf32>
        %add3A_361 = arith.addf %add3A_359, %mul3A_360 : vector<16xf32>
        %mul3A_362 = arith.mulf %get3A_193, %get3A_218 : vector<16xf32>
        %add3A_363 = arith.addf %add3A_361, %mul3A_362 : vector<16xf32>
        %mul3A_364 = arith.mulf %get3A_198, %get3A_223 : vector<16xf32>
        %add3A_365 = arith.addf %add3A_363, %mul3A_364 : vector<16xf32>
        %mul3A_366 = arith.mulf %get3A_203, %get3A_228 : vector<16xf32>
        %add3A_367 = arith.addf %add3A_365, %mul3A_366 : vector<16xf32>
        %mul3A_368 = arith.mulf %get3A_158, %get3A_228 : vector<16xf32>
        %mul3A_369 = arith.mulf %get3A_163, %get3A_233 : vector<16xf32>
        %add3A_370 = arith.addf %mul3A_368, %mul3A_369 : vector<16xf32>
        %mul3A_371 = arith.mulf %get3A_168, %get3A_238 : vector<16xf32>
        %add3A_372 = arith.addf %add3A_370, %mul3A_371 : vector<16xf32>
        %mul3A_373 = arith.mulf %get3A_173, %get3A_243 : vector<16xf32>
        %add3A_374 = arith.addf %add3A_372, %mul3A_373 : vector<16xf32>
        %mul3A_375 = arith.mulf %get3A_178, %get3A_248 : vector<16xf32>
        %add3A_376 = arith.addf %add3A_374, %mul3A_375 : vector<16xf32>
        %mul3A_377 = arith.mulf %get3A_183, %get3A_253 : vector<16xf32>
        %add3A_378 = arith.addf %add3A_376, %mul3A_377 : vector<16xf32>
        %mul3A_379 = arith.mulf %get3A_188, %get3A_208 : vector<16xf32>
        %add3A_380 = arith.addf %add3A_378, %mul3A_379 : vector<16xf32>
        %mul3A_381 = arith.mulf %get3A_193, %get3A_213 : vector<16xf32>
        %add3A_382 = arith.addf %add3A_380, %mul3A_381 : vector<16xf32>
        %mul3A_383 = arith.mulf %get3A_198, %get3A_218 : vector<16xf32>
        %add3A_384 = arith.addf %add3A_382, %mul3A_383 : vector<16xf32>
        %mul3A_385 = arith.mulf %get3A_203, %get3A_223 : vector<16xf32>
        %add3A_386 = arith.addf %add3A_384, %mul3A_385 : vector<16xf32>
        %mul3A_387 = arith.mulf %get3A_158, %get3A_223 : vector<16xf32>
        %mul3A_388 = arith.mulf %get3A_163, %get3A_228 : vector<16xf32>
        %add3A_389 = arith.addf %mul3A_387, %mul3A_388 : vector<16xf32>
        %mul3A_390 = arith.mulf %get3A_168, %get3A_233 : vector<16xf32>
        %add3A_391 = arith.addf %add3A_389, %mul3A_390 : vector<16xf32>
        %mul3A_392 = arith.mulf %get3A_173, %get3A_238 : vector<16xf32>
        %add3A_393 = arith.addf %add3A_391, %mul3A_392 : vector<16xf32>
        %mul3A_394 = arith.mulf %get3A_178, %get3A_243 : vector<16xf32>
        %add3A_395 = arith.addf %add3A_393, %mul3A_394 : vector<16xf32>
        %mul3A_396 = arith.mulf %get3A_183, %get3A_248 : vector<16xf32>
        %add3A_397 = arith.addf %add3A_395, %mul3A_396 : vector<16xf32>
        %mul3A_398 = arith.mulf %get3A_188, %get3A_253 : vector<16xf32>
        %add3A_399 = arith.addf %add3A_397, %mul3A_398 : vector<16xf32>
        %mul3A_400 = arith.mulf %get3A_193, %get3A_208 : vector<16xf32>
        %add3A_401 = arith.addf %add3A_399, %mul3A_400 : vector<16xf32>
        %mul3A_402 = arith.mulf %get3A_198, %get3A_213 : vector<16xf32>
        %add3A_403 = arith.addf %add3A_401, %mul3A_402 : vector<16xf32>
        %mul3A_404 = arith.mulf %get3A_203, %get3A_218 : vector<16xf32>
        %add3A_405 = arith.addf %add3A_403, %mul3A_404 : vector<16xf32>
        %mul3A_406 = arith.mulf %get3A_158, %get3A_218 : vector<16xf32>
        %mul3A_407 = arith.mulf %get3A_163, %get3A_223 : vector<16xf32>
        %add3A_408 = arith.addf %mul3A_406, %mul3A_407 : vector<16xf32>
        %mul3A_409 = arith.mulf %get3A_168, %get3A_228 : vector<16xf32>
        %add3A_410 = arith.addf %add3A_408, %mul3A_409 : vector<16xf32>
        %mul3A_411 = arith.mulf %get3A_173, %get3A_233 : vector<16xf32>
        %add3A_412 = arith.addf %add3A_410, %mul3A_411 : vector<16xf32>
        %mul3A_413 = arith.mulf %get3A_178, %get3A_238 : vector<16xf32>
        %add3A_414 = arith.addf %add3A_412, %mul3A_413 : vector<16xf32>
        %mul3A_415 = arith.mulf %get3A_183, %get3A_243 : vector<16xf32>
        %add3A_416 = arith.addf %add3A_414, %mul3A_415 : vector<16xf32>
        %mul3A_417 = arith.mulf %get3A_188, %get3A_248 : vector<16xf32>
        %add3A_418 = arith.addf %add3A_416, %mul3A_417 : vector<16xf32>
        %mul3A_419 = arith.mulf %get3A_193, %get3A_253 : vector<16xf32>
        %add3A_420 = arith.addf %add3A_418, %mul3A_419 : vector<16xf32>
        %mul3A_421 = arith.mulf %get3A_198, %get3A_208 : vector<16xf32>
        %add3A_422 = arith.addf %add3A_420, %mul3A_421 : vector<16xf32>
        %mul3A_423 = arith.mulf %get3A_203, %get3A_213 : vector<16xf32>
        %add3A_424 = arith.addf %add3A_422, %mul3A_423 : vector<16xf32>
        %mul3A_425 = arith.mulf %get3A_158, %get3A_213 : vector<16xf32>
        %mul3A_426 = arith.mulf %get3A_163, %get3A_218 : vector<16xf32>
        %add3A_427 = arith.addf %mul3A_425, %mul3A_426 : vector<16xf32>
        %mul3A_428 = arith.mulf %get3A_168, %get3A_223 : vector<16xf32>
        %add3A_429 = arith.addf %add3A_427, %mul3A_428 : vector<16xf32>
        %mul3A_430 = arith.mulf %get3A_173, %get3A_228 : vector<16xf32>
        %add3A_431 = arith.addf %add3A_429, %mul3A_430 : vector<16xf32>
        %mul3A_432 = arith.mulf %get3A_178, %get3A_233 : vector<16xf32>
        %add3A_433 = arith.addf %add3A_431, %mul3A_432 : vector<16xf32>
        %mul3A_434 = arith.mulf %get3A_183, %get3A_238 : vector<16xf32>
        %add3A_435 = arith.addf %add3A_433, %mul3A_434 : vector<16xf32>
        %mul3A_436 = arith.mulf %get3A_188, %get3A_243 : vector<16xf32>
        %add3A_437 = arith.addf %add3A_435, %mul3A_436 : vector<16xf32>
        %mul3A_438 = arith.mulf %get3A_193, %get3A_248 : vector<16xf32>
        %add3A_439 = arith.addf %add3A_437, %mul3A_438 : vector<16xf32>
        %mul3A_440 = arith.mulf %get3A_198, %get3A_253 : vector<16xf32>
        %add3A_441 = arith.addf %add3A_439, %mul3A_440 : vector<16xf32>
        %mul3A_442 = arith.mulf %get3A_203, %get3A_208 : vector<16xf32>
        %add3A_443 = arith.addf %add3A_441, %mul3A_442 : vector<16xf32>
        %add3A_444 = arith.addf %add3A_272, %add3A_291 : vector<16xf32>
        %add3A_445 = arith.addf %add3A_444, %add3A_310 : vector<16xf32>
        %add3A_446 = arith.addf %add3A_445, %add3A_329 : vector<16xf32>
        %add3A_447 = arith.addf %add3A_446, %add3A_348 : vector<16xf32>
        %add3A_448 = arith.addf %add3A_447, %add3A_367 : vector<16xf32>
        %add3A_449 = arith.addf %add3A_448, %add3A_386 : vector<16xf32>
        %add3A_450 = arith.addf %add3A_449, %add3A_405 : vector<16xf32>
        %add3A_451 = arith.addf %add3A_450, %add3A_424 : vector<16xf32>
        %add3A_452 = arith.addf %add3A_451, %add3A_443 : vector<16xf32>
        %mul3A_453 = arith.mulf %get3A_158, %get3A_213 : vector<16xf32>
        %add3A_454 = arith.addf %get3A_158, %get3A_163 : vector<16xf32>
        %mul3A_455 = arith.mulf %add3A_454, %get3A_218 : vector<16xf32>
        %add3A_456 = arith.addf %mul3A_453, %mul3A_455 : vector<16xf32>
        %add3A_457 = arith.addf %add3A_454, %get3A_168 : vector<16xf32>
        %mul3A_458 = arith.mulf %add3A_457, %get3A_223 : vector<16xf32>
        %add3A_459 = arith.addf %add3A_456, %mul3A_458 : vector<16xf32>
        %add3A_460 = arith.addf %add3A_457, %get3A_173 : vector<16xf32>
        %mul3A_461 = arith.mulf %add3A_460, %get3A_228 : vector<16xf32>
        %add3A_462 = arith.addf %add3A_459, %mul3A_461 : vector<16xf32>
        %add3A_463 = arith.addf %add3A_460, %get3A_178 : vector<16xf32>
        %mul3A_464 = arith.mulf %add3A_463, %get3A_233 : vector<16xf32>
        %add3A_465 = arith.addf %add3A_462, %mul3A_464 : vector<16xf32>
        %add3A_466 = arith.addf %add3A_463, %get3A_183 : vector<16xf32>
        %mul3A_467 = arith.mulf %add3A_466, %get3A_238 : vector<16xf32>
        %add3A_468 = arith.addf %add3A_465, %mul3A_467 : vector<16xf32>
        %add3A_469 = arith.addf %add3A_466, %get3A_188 : vector<16xf32>
        %mul3A_470 = arith.mulf %add3A_469, %get3A_243 : vector<16xf32>
        %add3A_471 = arith.addf %add3A_468, %mul3A_470 : vector<16xf32>
        %add3A_472 = arith.addf %add3A_469, %get3A_193 : vector<16xf32>
        %mul3A_473 = arith.mulf %add3A_472, %get3A_248 : vector<16xf32>
        %add3A_474 = arith.addf %add3A_471, %mul3A_473 : vector<16xf32>
        %add3A_475 = arith.addf %add3A_472, %get3A_198 : vector<16xf32>
        %mul3A_476 = arith.mulf %add3A_475, %get3A_253 : vector<16xf32>
        %add3A_477 = arith.addf %add3A_474, %mul3A_476 : vector<16xf32>
        %mul3A_478 = arith.mulf %scan3A_151, %add3A_272 : vector<16xf32>
        %mul3A_479 = arith.mulf %scan3A_152, %add3A_291 : vector<16xf32>
        %add3A_480 = arith.addf %mul3A_478, %mul3A_479 : vector<16xf32>
        %add3A_481 = arith.constant 0 : i32
        %add3A_482 = arith.addi %add3A_481, %scan3A_150 : i32
        %swap3A = arith.index_cast %add3A_482 : i32 to index
        %swap3A_483 = arith.constant 0 : index
        %swap3A_484 = tpu.vector_load %arg10[%swap3A, %swap3A_483] {strides = array<i32>} : memref<200x64xf32, #tpu.memory_space<vmem>>, vector<16xf32>,
        tpu.vector_store %arg10[%swap3A, %swap3A_483], %add3A_480 {strides = array<i32>} : memref<200x64xf32, #tpu.memory_space<vmem>>, vector<16xf32>,
        %mul3A_485 = arith.mulf %scan3A_151, %add3A_291 : vector<16xf32>
        %mul3A_486 = arith.mulf %scan3A_152, %add3A_310 : vector<16xf32>
        %add3A_487 = arith.addf %mul3A_485, %mul3A_486 : vector<16xf32>
        %add3A_488 = arith.constant 20 : i32
        %add3A_489 = arith.addi %add3A_488, %scan3A_150 : i32
        %swap3A_490 = arith.index_cast %add3A_489 : i32 to index
        %swap3A_491 = arith.constant 0 : index
        %swap3A_492 = tpu.vector_load %arg10[%swap3A_490, %swap3A_491] {strides = array<i32>} : memref<200x64xf32, #tpu.memory_space<vmem>>, vector<16xf32>,
        tpu.vector_store %arg10[%swap3A_490, %swap3A_491], %add3A_487 {strides = array<i32>} : memref<200x64xf32, #tpu.memory_space<vmem>>, vector<16xf32>,
        %mul3A_493 = arith.mulf %scan3A_151, %add3A_310 : vector<16xf32>
        %mul3A_494 = arith.mulf %scan3A_152, %add3A_329 : vector<16xf32>
        %add3A_495 = arith.addf %mul3A_493, %mul3A_494 : vector<16xf32>
        %add3A_496 = arith.constant 40 : i32
        %add3A_497 = arith.addi %add3A_496, %scan3A_150 : i32
        %swap3A_498 = arith.index_cast %add3A_497 : i32 to index
        %swap3A_499 = arith.constant 0 : index
        %swap3A_500 = tpu.vector_load %arg10[%swap3A_498, %swap3A_499] {strides = array<i32>} : memref<200x64xf32, #tpu.memory_space<vmem>>, vector<16xf32>,
        tpu.vector_store %arg10[%swap3A_498, %swap3A_499], %add3A_495 {strides = array<i32>} : memref<200x64xf32, #tpu.memory_space<vmem>>, vector<16xf32>,
        %mul3A_501 = arith.mulf %scan3A_151, %add3A_329 : vector<16xf32>
        %mul3A_502 = arith.mulf %scan3A_152, %add3A_348 : vector<16xf32>
        %add3A_503 = arith.addf %mul3A_501, %mul3A_502 : vector<16xf32>
        %add3A_504 = arith.constant 60 : i32
        %add3A_505 = arith.addi %add3A_504, %scan3A_150 : i32
        %swap3A_506 = arith.index_cast %add3A_505 : i32 to index
        %swap3A_507 = arith.constant 0 : index
        %swap3A_508 = tpu.vector_load %arg10[%swap3A_506, %swap3A_507] {strides = array<i32>} : memref<200x64xf32, #tpu.memory_space<vmem>>, vector<16xf32>,
        tpu.vector_store %arg10[%swap3A_506, %swap3A_507], %add3A_503 {strides = array<i32>} : memref<200x64xf32, #tpu.memory_space<vmem>>, vector<16xf32>,
        %mul3A_509 = arith.mulf %scan3A_151, %add3A_348 : vector<16xf32>
        %mul3A_510 = arith.mulf %scan3A_152, %add3A_367 : vector<16xf32>
        %add3A_511 = arith.addf %mul3A_509, %mul3A_510 : vector<16xf32>
        %add3A_512 = arith.constant 80 : i32
        %add3A_513 = arith.addi %add3A_512, %scan3A_150 : i32
        %swap3A_514 = arith.index_cast %add3A_513 : i32 to index
        %swap3A_515 = arith.constant 0 : index
        %swap3A_516 = tpu.vector_load %arg10[%swap3A_514, %swap3A_515] {strides = array<i32>} : memref<200x64xf32, #tpu.memory_space<vmem>>, vector<16xf32>,
        tpu.vector_store %arg10[%swap3A_514, %swap3A_515], %add3A_511 {strides = array<i32>} : memref<200x64xf32, #tpu.memory_space<vmem>>, vector<16xf32>,
        %mul3A_517 = arith.mulf %scan3A_151, %add3A_367 : vector<16xf32>
        %mul3A_518 = arith.mulf %scan3A_152, %add3A_386 : vector<16xf32>
        %add3A_519 = arith.addf %mul3A_517, %mul3A_518 : vector<16xf32>
        %add3A_520 = arith.constant 100 : i32
        %add3A_521 = arith.addi %add3A_520, %scan3A_150 : i32
        %swap3A_522 = arith.index_cast %add3A_521 : i32 to index
        %swap3A_523 = arith.constant 0 : index
        %swap3A_524 = tpu.vector_load %arg10[%swap3A_522, %swap3A_523] {strides = array<i32>} : memref<200x64xf32, #tpu.memory_space<vmem>>, vector<16xf32>,
        tpu.vector_store %arg10[%swap3A_522, %swap3A_523], %add3A_519 {strides = array<i32>} : memref<200x64xf32, #tpu.memory_space<vmem>>, vector<16xf32>,
        %mul3A_525 = arith.mulf %scan3A_151, %add3A_386 : vector<16xf32>
        %mul3A_526 = arith.mulf %scan3A_152, %add3A_405 : vector<16xf32>
        %add3A_527 = arith.addf %mul3A_525, %mul3A_526 : vector<16xf32>
        %add3A_528 = arith.constant 120 : i32
        %add3A_529 = arith.addi %add3A_528, %scan3A_150 : i32
        %swap3A_530 = arith.index_cast %add3A_529 : i32 to index
        %swap3A_531 = arith.constant 0 : index
        %swap3A_532 = tpu.vector_load %arg10[%swap3A_530, %swap3A_531] {strides = array<i32>} : memref<200x64xf32, #tpu.memory_space<vmem>>, vector<16xf32>,
        tpu.vector_store %arg10[%swap3A_530, %swap3A_531], %add3A_527 {strides = array<i32>} : memref<200x64xf32, #tpu.memory_space<vmem>>, vector<16xf32>,
        %mul3A_533 = arith.mulf %scan3A_151, %add3A_405 : vector<16xf32>
        %mul3A_534 = arith.mulf %scan3A_152, %add3A_424 : vector<16xf32>
        %add3A_535 = arith.addf %mul3A_533, %mul3A_534 : vector<16xf32>
        %add3A_536 = arith.constant 140 : i32
        %add3A_537 = arith.addi %add3A_536, %scan3A_150 : i32
        %swap3A_538 = arith.index_cast %add3A_537 : i32 to index
        %swap3A_539 = arith.constant 0 : index
        %swap3A_540 = tpu.vector_load %arg10[%swap3A_538, %swap3A_539] {strides = array<i32>} : memref<200x64xf32, #tpu.memory_space<vmem>>, vector<16xf32>,
        tpu.vector_store %arg10[%swap3A_538, %swap3A_539], %add3A_535 {strides = array<i32>} : memref<200x64xf32, #tpu.memory_space<vmem>>, vector<16xf32>,
        %mul3A_541 = arith.mulf %scan3A_151, %add3A_424 : vector<16xf32>
        %mul3A_542 = arith.mulf %scan3A_152, %add3A_443 : vector<16xf32>
        %add3A_543 = arith.addf %mul3A_541, %mul3A_542 : vector<16xf32>
        %add3A_544 = arith.constant 160 : i32
        %add3A_545 = arith.addi %add3A_544, %scan3A_150 : i32
        %swap3A_546 = arith.index_cast %add3A_545 : i32 to index
        %swap3A_547 = arith.constant 0 : index
        %swap3A_548 = tpu.vector_load %arg10[%swap3A_546, %swap3A_547] {strides = array<i32>} : memref<200x64xf32, #tpu.memory_space<vmem>>, vector<16xf32>,
        tpu.vector_store %arg10[%swap3A_546, %swap3A_547], %add3A_543 {strides = array<i32>} : memref<200x64xf32, #tpu.memory_space<vmem>>, vector<16xf32>,
        %mul3A_549 = arith.mulf %scan3A_151, %add3A_443 : vector<16xf32>
        %mul3A_550 = arith.mulf %scan3A_152, %add3A_272 : vector<16xf32>
        %add3A_551 = arith.addf %mul3A_549, %mul3A_550 : vector<16xf32>
        %add3A_552 = arith.constant 180 : i32
        %add3A_553 = arith.addi %add3A_552, %scan3A_150 : i32
        %swap3A_554 = arith.index_cast %add3A_553 : i32 to index
        %swap3A_555 = arith.constant 0 : index
        %swap3A_556 = tpu.vector_load %arg10[%swap3A_554, %swap3A_555] {strides = array<i32>} : memref<200x64xf32, #tpu.memory_space<vmem>>, vector<16xf32>,
        tpu.vector_store %arg10[%swap3A_554, %swap3A_555], %add3A_551 {strides = array<i32>} : memref<200x64xf32, #tpu.memory_space<vmem>>, vector<16xf32>,
        %sub3A = arith.subf %add3A_452, %add3A_477 : vector<16xf32>
        %mul3A_557 = arith.mulf %scan3A_151, %sub3A : vector<16xf32>
        %sub3A_558 = arith.subf %sub3A, %add3A_272 : vector<16xf32>
        %mul3A_559 = arith.mulf %scan3A_152, %sub3A_558 : vector<16xf32>
        %add3A_560 = arith.addf %mul3A_557, %mul3A_559 : vector<16xf32>
        %mul3A_561 = arith.mulf %scan3A_151, %add3A_477 : vector<16xf32>
        %add3A_562 = arith.addf %add3A_477, %add3A_272 : vector<16xf32>
        %mul3A_563 = arith.mulf %scan3A_152, %add3A_562 : vector<16xf32>
        %add3A_564 = arith.addf %mul3A_561, %mul3A_563 : vector<16xf32>
        %add3A_565 = arith.constant 0 : i32
        %add3A_566 = arith.addi %add3A_565, %scan3A_150 : i32
        %get3A_567 = arith.index_cast %add3A_566 : i32 to index
        %get3A_568 = arith.constant 16 : index
        %get3A_569 = tpu.vector_load %arg8[%get3A_567, %get3A_568] {strides = array<i32>} : memref<200x64xf32, #tpu.memory_space<vmem>>, vector<16xf32>,
        %add3A_570 = arith.constant 20 : i32
        %add3A_571 = arith.addi %add3A_570, %scan3A_150 : i32
        %get3A_572 = arith.index_cast %add3A_571 : i32 to index
        %get3A_573 = arith.constant 16 : index
        %get3A_574 = tpu.vector_load %arg8[%get3A_572, %get3A_573] {strides = array<i32>} : memref<200x64xf32, #tpu.memory_space<vmem>>, vector<16xf32>,
        %add3A_575 = arith.constant 40 : i32
        %add3A_576 = arith.addi %add3A_575, %scan3A_150 : i32
        %get3A_577 = arith.index_cast %add3A_576 : i32 to index
        %get3A_578 = arith.constant 16 : index
        %get3A_579 = tpu.vector_load %arg8[%get3A_577, %get3A_578] {strides = array<i32>} : memref<200x64xf32, #tpu.memory_space<vmem>>, vector<16xf32>,
        %add3A_580 = arith.constant 60 : i32
        %add3A_581 = arith.addi %add3A_580, %scan3A_150 : i32
        %get3A_582 = arith.index_cast %add3A_581 : i32 to index
        %get3A_583 = arith.constant 16 : index
        %get3A_584 = tpu.vector_load %arg8[%get3A_582, %get3A_583] {strides = array<i32>} : memref<200x64xf32, #tpu.memory_space<vmem>>, vector<16xf32>,
        %add3A_585 = arith.constant 80 : i32
        %add3A_586 = arith.addi %add3A_585, %scan3A_150 : i32
        %get3A_587 = arith.index_cast %add3A_586 : i32 to index
        %get3A_588 = arith.constant 16 : index
        %get3A_589 = tpu.vector_load %arg8[%get3A_587, %get3A_588] {strides = array<i32>} : memref<200x64xf32, #tpu.memory_space<vmem>>, vector<16xf32>,
        %add3A_590 = arith.constant 100 : i32
        %add3A_591 = arith.addi %add3A_590, %scan3A_150 : i32
        %get3A_592 = arith.index_cast %add3A_591 : i32 to index
        %get3A_593 = arith.constant 16 : index
        %get3A_594 = tpu.vector_load %arg8[%get3A_592, %get3A_593] {strides = array<i32>} : memref<200x64xf32, #tpu.memory_space<vmem>>, vector<16xf32>,
        %add3A_595 = arith.constant 120 : i32
        %add3A_596 = arith.addi %add3A_595, %scan3A_150 : i32
        %get3A_597 = arith.index_cast %add3A_596 : i32 to index
        %get3A_598 = arith.constant 16 : index
        %get3A_599 = tpu.vector_load %arg8[%get3A_597, %get3A_598] {strides = array<i32>} : memref<200x64xf32, #tpu.memory_space<vmem>>, vector<16xf32>,
        %add3A_600 = arith.constant 140 : i32
        %add3A_601 = arith.addi %add3A_600, %scan3A_150 : i32
        %get3A_602 = arith.index_cast %add3A_601 : i32 to index
        %get3A_603 = arith.constant 16 : index
        %get3A_604 = tpu.vector_load %arg8[%get3A_602, %get3A_603] {strides = array<i32>} : memref<200x64xf32, #tpu.memory_space<vmem>>, vector<16xf32>,
        %add3A_605 = arith.constant 160 : i32
        %add3A_606 = arith.addi %add3A_605, %scan3A_150 : i32
        %get3A_607 = arith.index_cast %add3A_606 : i32 to index
        %get3A_608 = arith.constant 16 : index
        %get3A_609 = tpu.vector_load %arg8[%get3A_607, %get3A_608] {strides = array<i32>} : memref<200x64xf32, #tpu.memory_space<vmem>>, vector<16xf32>,
        %add3A_610 = arith.constant 180 : i32
        %add3A_611 = arith.addi %add3A_610, %scan3A_150 : i32
        %get3A_612 = arith.index_cast %add3A_611 : i32 to index
        %get3A_613 = arith.constant 16 : index
        %get3A_614 = tpu.vector_load %arg8[%get3A_612, %get3A_613] {strides = array<i32>} : memref<200x64xf32, #tpu.memory_space<vmem>>, vector<16xf32>,
        %add3A_615 = arith.constant 0 : i32
        %add3A_616 = arith.addi %add3A_615, %scan3A_150 : i32
        %get3A_617 = arith.index_cast %add3A_616 : i32 to index
        %get3A_618 = arith.constant 16 : index
        %get3A_619 = tpu.vector_load %arg9[%get3A_617, %get3A_618] {strides = array<i32>} : memref<200x64xf32, #tpu.memory_space<vmem>>, vector<16xf32>,
        %add3A_620 = arith.constant 20 : i32
        %add3A_621 = arith.addi %add3A_620, %scan3A_150 : i32
        %get3A_622 = arith.index_cast %add3A_621 : i32 to index
        %get3A_623 = arith.constant 16 : index
        %get3A_624 = tpu.vector_load %arg9[%get3A_622, %get3A_623] {strides = array<i32>} : memref<200x64xf32, #tpu.memory_space<vmem>>, vector<16xf32>,
        %add3A_625 = arith.constant 40 : i32
        %add3A_626 = arith.addi %add3A_625, %scan3A_150 : i32
        %get3A_627 = arith.index_cast %add3A_626 : i32 to index
        %get3A_628 = arith.constant 16 : index
        %get3A_629 = tpu.vector_load %arg9[%get3A_627, %get3A_628] {strides = array<i32>} : memref<200x64xf32, #tpu.memory_space<vmem>>, vector<16xf32>,
        %add3A_630 = arith.constant 60 : i32
        %add3A_631 = arith.addi %add3A_630, %scan3A_150 : i32
        %get3A_632 = arith.index_cast %add3A_631 : i32 to index
        %get3A_633 = arith.constant 16 : index
        %get3A_634 = tpu.vector_load %arg9[%get3A_632, %get3A_633] {strides = array<i32>} : memref<200x64xf32, #tpu.memory_space<vmem>>, vector<16xf32>,
        %add3A_635 = arith.constant 80 : i32
        %add3A_636 = arith.addi %add3A_635, %scan3A_150 : i32
        %get3A_637 = arith.index_cast %add3A_636 : i32 to index
        %get3A_638 = arith.constant 16 : index
        %get3A_639 = tpu.vector_load %arg9[%get3A_637, %get3A_638] {strides = array<i32>} : memref<200x64xf32, #tpu.memory_space<vmem>>, vector<16xf32>,
        %add3A_640 = arith.constant 100 : i32
        %add3A_641 = arith.addi %add3A_640, %scan3A_150 : i32
        %get3A_642 = arith.index_cast %add3A_641 : i32 to index
        %get3A_643 = arith.constant 16 : index
        %get3A_644 = tpu.vector_load %arg9[%get3A_642, %get3A_643] {strides = array<i32>} : memref<200x64xf32, #tpu.memory_space<vmem>>, vector<16xf32>,
        %add3A_645 = arith.constant 120 : i32
        %add3A_646 = arith.addi %add3A_645, %scan3A_150 : i32
        %get3A_647 = arith.index_cast %add3A_646 : i32 to index
        %get3A_648 = arith.constant 16 : index
        %get3A_649 = tpu.vector_load %arg9[%get3A_647, %get3A_648] {strides = array<i32>} : memref<200x64xf32, #tpu.memory_space<vmem>>, vector<16xf32>,
        %add3A_650 = arith.constant 140 : i32
        %add3A_651 = arith.addi %add3A_650, %scan3A_150 : i32
        %get3A_652 = arith.index_cast %add3A_651 : i32 to index
        %get3A_653 = arith.constant 16 : index
        %get3A_654 = tpu.vector_load %arg9[%get3A_652, %get3A_653] {strides = array<i32>} : memref<200x64xf32, #tpu.memory_space<vmem>>, vector<16xf32>,
        %add3A_655 = arith.constant 160 : i32
        %add3A_656 = arith.addi %add3A_655, %scan3A_150 : i32
        %get3A_657 = arith.index_cast %add3A_656 : i32 to index
        %get3A_658 = arith.constant 16 : index
        %get3A_659 = tpu.vector_load %arg9[%get3A_657, %get3A_658] {strides = array<i32>} : memref<200x64xf32, #tpu.memory_space<vmem>>, vector<16xf32>,
        %add3A_660 = arith.constant 180 : i32
        %add3A_661 = arith.addi %add3A_660, %scan3A_150 : i32
        %get3A_662 = arith.index_cast %add3A_661 : i32 to index
        %get3A_663 = arith.constant 16 : index
        %get3A_664 = tpu.vector_load %arg9[%get3A_662, %get3A_663] {strides = array<i32>} : memref<200x64xf32, #tpu.memory_space<vmem>>, vector<16xf32>,
        %mul3A_665 = arith.mulf %get3A_569, %get3A_619 : vector<16xf32>
        %mul3A_666 = arith.mulf %get3A_574, %get3A_624 : vector<16xf32>
        %add3A_667 = arith.addf %mul3A_665, %mul3A_666 : vector<16xf32>
        %mul3A_668 = arith.mulf %get3A_579, %get3A_629 : vector<16xf32>
        %add3A_669 = arith.addf %add3A_667, %mul3A_668 : vector<16xf32>
        %mul3A_670 = arith.mulf %get3A_584, %get3A_634 : vector<16xf32>
        %add3A_671 = arith.addf %add3A_669, %mul3A_670 : vector<16xf32>
        %mul3A_672 = arith.mulf %get3A_589, %get3A_639 : vector<16xf32>
        %add3A_673 = arith.addf %add3A_671, %mul3A_672 : vector<16xf32>
        %mul3A_674 = arith.mulf %get3A_594, %get3A_644 : vector<16xf32>
        %add3A_675 = arith.addf %add3A_673, %mul3A_674 : vector<16xf32>
        %mul3A_676 = arith.mulf %get3A_599, %get3A_649 : vector<16xf32>
        %add3A_677 = arith.addf %add3A_675, %mul3A_676 : vector<16xf32>
        %mul3A_678 = arith.mulf %get3A_604, %get3A_654 : vector<16xf32>
        %add3A_679 = arith.addf %add3A_677, %mul3A_678 : vector<16xf32>
        %mul3A_680 = arith.mulf %get3A_609, %get3A_659 : vector<16xf32>
        %add3A_681 = arith.addf %add3A_679, %mul3A_680 : vector<16xf32>
        %mul3A_682 = arith.mulf %get3A_614, %get3A_664 : vector<16xf32>
        %add3A_683 = arith.addf %add3A_681, %mul3A_682 : vector<16xf32>
        %mul3A_684 = arith.mulf %get3A_569, %get3A_664 : vector<16xf32>
        %mul3A_685 = arith.mulf %get3A_574, %get3A_619 : vector<16xf32>
        %add3A_686 = arith.addf %mul3A_684, %mul3A_685 : vector<16xf32>
        %mul3A_687 = arith.mulf %get3A_579, %get3A_624 : vector<16xf32>
        %add3A_688 = arith.addf %add3A_686, %mul3A_687 : vector<16xf32>
        %mul3A_689 = arith.mulf %get3A_584, %get3A_629 : vector<16xf32>
        %add3A_690 = arith.addf %add3A_688, %mul3A_689 : vector<16xf32>
        %mul3A_691 = arith.mulf %get3A_589, %get3A_634 : vector<16xf32>
        %add3A_692 = arith.addf %add3A_690, %mul3A_691 : vector<16xf32>
        %mul3A_693 = arith.mulf %get3A_594, %get3A_639 : vector<16xf32>
        %add3A_694 = arith.addf %add3A_692, %mul3A_693 : vector<16xf32>
        %mul3A_695 = arith.mulf %get3A_599, %get3A_644 : vector<16xf32>
        %add3A_696 = arith.addf %add3A_694, %mul3A_695 : vector<16xf32>
        %mul3A_697 = arith.mulf %get3A_604, %get3A_649 : vector<16xf32>
        %add3A_698 = arith.addf %add3A_696, %mul3A_697 : vector<16xf32>
        %mul3A_699 = arith.mulf %get3A_609, %get3A_654 : vector<16xf32>
        %add3A_700 = arith.addf %add3A_698, %mul3A_699 : vector<16xf32>
        %mul3A_701 = arith.mulf %get3A_614, %get3A_659 : vector<16xf32>
        %add3A_702 = arith.addf %add3A_700, %mul3A_701 : vector<16xf32>
        %mul3A_703 = arith.mulf %get3A_569, %get3A_659 : vector<16xf32>
        %mul3A_704 = arith.mulf %get3A_574, %get3A_664 : vector<16xf32>
        %add3A_705 = arith.addf %mul3A_703, %mul3A_704 : vector<16xf32>
        %mul3A_706 = arith.mulf %get3A_579, %get3A_619 : vector<16xf32>
        %add3A_707 = arith.addf %add3A_705, %mul3A_706 : vector<16xf32>
        %mul3A_708 = arith.mulf %get3A_584, %get3A_624 : vector<16xf32>
        %add3A_709 = arith.addf %add3A_707, %mul3A_708 : vector<16xf32>
        %mul3A_710 = arith.mulf %get3A_589, %get3A_629 : vector<16xf32>
        %add3A_711 = arith.addf %add3A_709, %mul3A_710 : vector<16xf32>
        %mul3A_712 = arith.mulf %get3A_594, %get3A_634 : vector<16xf32>
        %add3A_713 = arith.addf %add3A_711, %mul3A_712 : vector<16xf32>
        %mul3A_714 = arith.mulf %get3A_599, %get3A_639 : vector<16xf32>
        %add3A_715 = arith.addf %add3A_713, %mul3A_714 : vector<16xf32>
        %mul3A_716 = arith.mulf %get3A_604, %get3A_644 : vector<16xf32>
        %add3A_717 = arith.addf %add3A_715, %mul3A_716 : vector<16xf32>
        %mul3A_718 = arith.mulf %get3A_609, %get3A_649 : vector<16xf32>
        %add3A_719 = arith.addf %add3A_717, %mul3A_718 : vector<16xf32>
        %mul3A_720 = arith.mulf %get3A_614, %get3A_654 : vector<16xf32>
        %add3A_721 = arith.addf %add3A_719, %mul3A_720 : vector<16xf32>
        %mul3A_722 = arith.mulf %get3A_569, %get3A_654 : vector<16xf32>
        %mul3A_723 = arith.mulf %get3A_574, %get3A_659 : vector<16xf32>
        %add3A_724 = arith.addf %mul3A_722, %mul3A_723 : vector<16xf32>
        %mul3A_725 = arith.mulf %get3A_579, %get3A_664 : vector<16xf32>
        %add3A_726 = arith.addf %add3A_724, %mul3A_725 : vector<16xf32>
        %mul3A_727 = arith.mulf %get3A_584, %get3A_619 : vector<16xf32>
        %add3A_728 = arith.addf %add3A_726, %mul3A_727 : vector<16xf32>
        %mul3A_729 = arith.mulf %get3A_589, %get3A_624 : vector<16xf32>
        %add3A_730 = arith.addf %add3A_728, %mul3A_729 : vector<16xf32>
        %mul3A_731 = arith.mulf %get3A_594, %get3A_629 : vector<16xf32>
        %add3A_732 = arith.addf %add3A_730, %mul3A_731 : vector<16xf32>
        %mul3A_733 = arith.mulf %get3A_599, %get3A_634 : vector<16xf32>
        %add3A_734 = arith.addf %add3A_732, %mul3A_733 : vector<16xf32>
        %mul3A_735 = arith.mulf %get3A_604, %get3A_639 : vector<16xf32>
        %add3A_736 = arith.addf %add3A_734, %mul3A_735 : vector<16xf32>
        %mul3A_737 = arith.mulf %get3A_609, %get3A_644 : vector<16xf32>
        %add3A_738 = arith.addf %add3A_736, %mul3A_737 : vector<16xf32>
        %mul3A_739 = arith.mulf %get3A_614, %get3A_649 : vector<16xf32>
        %add3A_740 = arith.addf %add3A_738, %mul3A_739 : vector<16xf32>
        %mul3A_741 = arith.mulf %get3A_569, %get3A_649 : vector<16xf32>
        %mul3A_742 = arith.mulf %get3A_574, %get3A_654 : vector<16xf32>
        %add3A_743 = arith.addf %mul3A_741, %mul3A_742 : vector<16xf32>
        %mul3A_744 = arith.mulf %get3A_579, %get3A_659 : vector<16xf32>
        %add3A_745 = arith.addf %add3A_743, %mul3A_744 : vector<16xf32>
        %mul3A_746 = arith.mulf %get3A_584, %get3A_664 : vector<16xf32>
        %add3A_747 = arith.addf %add3A_745, %mul3A_746 : vector<16xf32>
        %mul3A_748 = arith.mulf %get3A_589, %get3A_619 : vector<16xf32>
        %add3A_749 = arith.addf %add3A_747, %mul3A_748 : vector<16xf32>
        %mul3A_750 = arith.mulf %get3A_594, %get3A_624 : vector<16xf32>
        %add3A_751 = arith.addf %add3A_749, %mul3A_750 : vector<16xf32>
        %mul3A_752 = arith.mulf %get3A_599, %get3A_629 : vector<16xf32>
        %add3A_753 = arith.addf %add3A_751, %mul3A_752 : vector<16xf32>
        %mul3A_754 = arith.mulf %get3A_604, %get3A_634 : vector<16xf32>
        %add3A_755 = arith.addf %add3A_753, %mul3A_754 : vector<16xf32>
        %mul3A_756 = arith.mulf %get3A_609, %get3A_639 : vector<16xf32>
        %add3A_757 = arith.addf %add3A_755, %mul3A_756 : vector<16xf32>
        %mul3A_758 = arith.mulf %get3A_614, %get3A_644 : vector<16xf32>
        %add3A_759 = arith.addf %add3A_757, %mul3A_758 : vector<16xf32>
        %mul3A_760 = arith.mulf %get3A_569, %get3A_644 : vector<16xf32>
        %mul3A_761 = arith.mulf %get3A_574, %get3A_649 : vector<16xf32>
        %add3A_762 = arith.addf %mul3A_760, %mul3A_761 : vector<16xf32>
        %mul3A_763 = arith.mulf %get3A_579, %get3A_654 : vector<16xf32>
        %add3A_764 = arith.addf %add3A_762, %mul3A_763 : vector<16xf32>
        %mul3A_765 = arith.mulf %get3A_584, %get3A_659 : vector<16xf32>
        %add3A_766 = arith.addf %add3A_764, %mul3A_765 : vector<16xf32>
        %mul3A_767 = arith.mulf %get3A_589, %get3A_664 : vector<16xf32>
        %add3A_768 = arith.addf %add3A_766, %mul3A_767 : vector<16xf32>
        %mul3A_769 = arith.mulf %get3A_594, %get3A_619 : vector<16xf32>
        %add3A_770 = arith.addf %add3A_768, %mul3A_769 : vector<16xf32>
        %mul3A_771 = arith.mulf %get3A_599, %get3A_624 : vector<16xf32>
        %add3A_772 = arith.addf %add3A_770, %mul3A_771 : vector<16xf32>
        %mul3A_773 = arith.mulf %get3A_604, %get3A_629 : vector<16xf32>
        %add3A_774 = arith.addf %add3A_772, %mul3A_773 : vector<16xf32>
        %mul3A_775 = arith.mulf %get3A_609, %get3A_634 : vector<16xf32>
        %add3A_776 = arith.addf %add3A_774, %mul3A_775 : vector<16xf32>
        %mul3A_777 = arith.mulf %get3A_614, %get3A_639 : vector<16xf32>
        %add3A_778 = arith.addf %add3A_776, %mul3A_777 : vector<16xf32>
        %mul3A_779 = arith.mulf %get3A_569, %get3A_639 : vector<16xf32>
        %mul3A_780 = arith.mulf %get3A_574, %get3A_644 : vector<16xf32>
        %add3A_781 = arith.addf %mul3A_779, %mul3A_780 : vector<16xf32>
        %mul3A_782 = arith.mulf %get3A_579, %get3A_649 : vector<16xf32>
        %add3A_783 = arith.addf %add3A_781, %mul3A_782 : vector<16xf32>
        %mul3A_784 = arith.mulf %get3A_584, %get3A_654 : vector<16xf32>
        %add3A_785 = arith.addf %add3A_783, %mul3A_784 : vector<16xf32>
        %mul3A_786 = arith.mulf %get3A_589, %get3A_659 : vector<16xf32>
        %add3A_787 = arith.addf %add3A_785, %mul3A_786 : vector<16xf32>
        %mul3A_788 = arith.mulf %get3A_594, %get3A_664 : vector<16xf32>
        %add3A_789 = arith.addf %add3A_787, %mul3A_788 : vector<16xf32>
        %mul3A_790 = arith.mulf %get3A_599, %get3A_619 : vector<16xf32>
        %add3A_791 = arith.addf %add3A_789, %mul3A_790 : vector<16xf32>
        %mul3A_792 = arith.mulf %get3A_604, %get3A_624 : vector<16xf32>
        %add3A_793 = arith.addf %add3A_791, %mul3A_792 : vector<16xf32>
        %mul3A_794 = arith.mulf %get3A_609, %get3A_629 : vector<16xf32>
        %add3A_795 = arith.addf %add3A_793, %mul3A_794 : vector<16xf32>
        %mul3A_796 = arith.mulf %get3A_614, %get3A_634 : vector<16xf32>
        %add3A_797 = arith.addf %add3A_795, %mul3A_796 : vector<16xf32>
        %mul3A_798 = arith.mulf %get3A_569, %get3A_634 : vector<16xf32>
        %mul3A_799 = arith.mulf %get3A_574, %get3A_639 : vector<16xf32>
        %add3A_800 = arith.addf %mul3A_798, %mul3A_799 : vector<16xf32>
        %mul3A_801 = arith.mulf %get3A_579, %get3A_644 : vector<16xf32>
        %add3A_802 = arith.addf %add3A_800, %mul3A_801 : vector<16xf32>
        %mul3A_803 = arith.mulf %get3A_584, %get3A_649 : vector<16xf32>
        %add3A_804 = arith.addf %add3A_802, %mul3A_803 : vector<16xf32>
        %mul3A_805 = arith.mulf %get3A_589, %get3A_654 : vector<16xf32>
        %add3A_806 = arith.addf %add3A_804, %mul3A_805 : vector<16xf32>
        %mul3A_807 = arith.mulf %get3A_594, %get3A_659 : vector<16xf32>
        %add3A_808 = arith.addf %add3A_806, %mul3A_807 : vector<16xf32>
        %mul3A_809 = arith.mulf %get3A_599, %get3A_664 : vector<16xf32>
        %add3A_810 = arith.addf %add3A_808, %mul3A_809 : vector<16xf32>
        %mul3A_811 = arith.mulf %get3A_604, %get3A_619 : vector<16xf32>
        %add3A_812 = arith.addf %add3A_810, %mul3A_811 : vector<16xf32>
        %mul3A_813 = arith.mulf %get3A_609, %get3A_624 : vector<16xf32>
        %add3A_814 = arith.addf %add3A_812, %mul3A_813 : vector<16xf32>
        %mul3A_815 = arith.mulf %get3A_614, %get3A_629 : vector<16xf32>
        %add3A_816 = arith.addf %add3A_814, %mul3A_815 : vector<16xf32>
        %mul3A_817 = arith.mulf %get3A_569, %get3A_629 : vector<16xf32>
        %mul3A_818 = arith.mulf %get3A_574, %get3A_634 : vector<16xf32>
        %add3A_819 = arith.addf %mul3A_817, %mul3A_818 : vector<16xf32>
        %mul3A_820 = arith.mulf %get3A_579, %get3A_639 : vector<16xf32>
        %add3A_821 = arith.addf %add3A_819, %mul3A_820 : vector<16xf32>
        %mul3A_822 = arith.mulf %get3A_584, %get3A_644 : vector<16xf32>
        %add3A_823 = arith.addf %add3A_821, %mul3A_822 : vector<16xf32>
        %mul3A_824 = arith.mulf %get3A_589, %get3A_649 : vector<16xf32>
        %add3A_825 = arith.addf %add3A_823, %mul3A_824 : vector<16xf32>
        %mul3A_826 = arith.mulf %get3A_594, %get3A_654 : vector<16xf32>
        %add3A_827 = arith.addf %add3A_825, %mul3A_826 : vector<16xf32>
        %mul3A_828 = arith.mulf %get3A_599, %get3A_659 : vector<16xf32>
        %add3A_829 = arith.addf %add3A_827, %mul3A_828 : vector<16xf32>
        %mul3A_830 = arith.mulf %get3A_604, %get3A_664 : vector<16xf32>
        %add3A_831 = arith.addf %add3A_829, %mul3A_830 : vector<16xf32>
        %mul3A_832 = arith.mulf %get3A_609, %get3A_619 : vector<16xf32>
        %add3A_833 = arith.addf %add3A_831, %mul3A_832 : vector<16xf32>
        %mul3A_834 = arith.mulf %get3A_614, %get3A_624 : vector<16xf32>
        %add3A_835 = arith.addf %add3A_833, %mul3A_834 : vector<16xf32>
        %mul3A_836 = arith.mulf %get3A_569, %get3A_624 : vector<16xf32>
        %mul3A_837 = arith.mulf %get3A_574, %get3A_629 : vector<16xf32>
        %add3A_838 = arith.addf %mul3A_836, %mul3A_837 : vector<16xf32>
        %mul3A_839 = arith.mulf %get3A_579, %get3A_634 : vector<16xf32>
        %add3A_840 = arith.addf %add3A_838, %mul3A_839 : vector<16xf32>
        %mul3A_841 = arith.mulf %get3A_584, %get3A_639 : vector<16xf32>
        %add3A_842 = arith.addf %add3A_840, %mul3A_841 : vector<16xf32>
        %mul3A_843 = arith.mulf %get3A_589, %get3A_644 : vector<16xf32>
        %add3A_844 = arith.addf %add3A_842, %mul3A_843 : vector<16xf32>
        %mul3A_845 = arith.mulf %get3A_594, %get3A_649 : vector<16xf32>
        %add3A_846 = arith.addf %add3A_844, %mul3A_845 : vector<16xf32>
        %mul3A_847 = arith.mulf %get3A_599, %get3A_654 : vector<16xf32>
        %add3A_848 = arith.addf %add3A_846, %mul3A_847 : vector<16xf32>
        %mul3A_849 = arith.mulf %get3A_604, %get3A_659 : vector<16xf32>
        %add3A_850 = arith.addf %add3A_848, %mul3A_849 : vector<16xf32>
        %mul3A_851 = arith.mulf %get3A_609, %get3A_664 : vector<16xf32>
        %add3A_852 = arith.addf %add3A_850, %mul3A_851 : vector<16xf32>
        %mul3A_853 = arith.mulf %get3A_614, %get3A_619 : vector<16xf32>
        %add3A_854 = arith.addf %add3A_852, %mul3A_853 : vector<16xf32>
        %add3A_855 = arith.addf %add3A_683, %add3A_702 : vector<16xf32>
        %add3A_856 = arith.addf %add3A_855, %add3A_721 : vector<16xf32>
        %add3A_857 = arith.addf %add3A_856, %add3A_740 : vector<16xf32>
        %add3A_858 = arith.addf %add3A_857, %add3A_759 : vector<16xf32>
        %add3A_859 = arith.addf %add3A_858, %add3A_778 : vector<16xf32>
        %add3A_860 = arith.addf %add3A_859, %add3A_797 : vector<16xf32>
        %add3A_861 = arith.addf %add3A_860, %add3A_816 : vector<16xf32>
        %add3A_862 = arith.addf %add3A_861, %add3A_835 : vector<16xf32>
        %add3A_863 = arith.addf %add3A_862, %add3A_854 : vector<16xf32>
        %mul3A_864 = arith.mulf %get3A_569, %get3A_624 : vector<16xf32>
        %add3A_865 = arith.addf %get3A_569, %get3A_574 : vector<16xf32>
        %mul3A_866 = arith.mulf %add3A_865, %get3A_629 : vector<16xf32>
        %add3A_867 = arith.addf %mul3A_864, %mul3A_866 : vector<16xf32>
        %add3A_868 = arith.addf %add3A_865, %get3A_579 : vector<16xf32>
        %mul3A_869 = arith.mulf %add3A_868, %get3A_634 : vector<16xf32>
        %add3A_870 = arith.addf %add3A_867, %mul3A_869 : vector<16xf32>
        %add3A_871 = arith.addf %add3A_868, %get3A_584 : vector<16xf32>
        %mul3A_872 = arith.mulf %add3A_871, %get3A_639 : vector<16xf32>
        %add3A_873 = arith.addf %add3A_870, %mul3A_872 : vector<16xf32>
        %add3A_874 = arith.addf %add3A_871, %get3A_589 : vector<16xf32>
        %mul3A_875 = arith.mulf %add3A_874, %get3A_644 : vector<16xf32>
        %add3A_876 = arith.addf %add3A_873, %mul3A_875 : vector<16xf32>
        %add3A_877 = arith.addf %add3A_874, %get3A_594 : vector<16xf32>
        %mul3A_878 = arith.mulf %add3A_877, %get3A_649 : vector<16xf32>
        %add3A_879 = arith.addf %add3A_876, %mul3A_878 : vector<16xf32>
        %add3A_880 = arith.addf %add3A_877, %get3A_599 : vector<16xf32>
        %mul3A_881 = arith.mulf %add3A_880, %get3A_654 : vector<16xf32>
        %add3A_882 = arith.addf %add3A_879, %mul3A_881 : vector<16xf32>
        %add3A_883 = arith.addf %add3A_880, %get3A_604 : vector<16xf32>
        %mul3A_884 = arith.mulf %add3A_883, %get3A_659 : vector<16xf32>
        %add3A_885 = arith.addf %add3A_882, %mul3A_884 : vector<16xf32>
        %add3A_886 = arith.addf %add3A_883, %get3A_609 : vector<16xf32>
        %mul3A_887 = arith.mulf %add3A_886, %get3A_664 : vector<16xf32>
        %add3A_888 = arith.addf %add3A_885, %mul3A_887 : vector<16xf32>
        %mul3A_889 = arith.mulf %scan3A_153, %add3A_683 : vector<16xf32>
        %mul3A_890 = arith.mulf %scan3A_154, %add3A_702 : vector<16xf32>
        %add3A_891 = arith.addf %mul3A_889, %mul3A_890 : vector<16xf32>
        %add3A_892 = arith.constant 0 : i32
        %add3A_893 = arith.addi %add3A_892, %scan3A_150 : i32
        %swap3A_894 = arith.index_cast %add3A_893 : i32 to index
        %swap3A_895 = arith.constant 16 : index
        %swap3A_896 = tpu.vector_load %arg10[%swap3A_894, %swap3A_895] {strides = array<i32>} : memref<200x64xf32, #tpu.memory_space<vmem>>, vector<16xf32>,
        tpu.vector_store %arg10[%swap3A_894, %swap3A_895], %add3A_891 {strides = array<i32>} : memref<200x64xf32, #tpu.memory_space<vmem>>, vector<16xf32>,
        %mul3A_897 = arith.mulf %scan3A_153, %add3A_702 : vector<16xf32>
        %mul3A_898 = arith.mulf %scan3A_154, %add3A_721 : vector<16xf32>
        %add3A_899 = arith.addf %mul3A_897, %mul3A_898 : vector<16xf32>
        %add3A_900 = arith.constant 20 : i32
        %add3A_901 = arith.addi %add3A_900, %scan3A_150 : i32
        %swap3A_902 = arith.index_cast %add3A_901 : i32 to index
        %swap3A_903 = arith.constant 16 : index
        %swap3A_904 = tpu.vector_load %arg10[%swap3A_902, %swap3A_903] {strides = array<i32>} : memref<200x64xf32, #tpu.memory_space<vmem>>, vector<16xf32>,
        tpu.vector_store %arg10[%swap3A_902, %swap3A_903], %add3A_899 {strides = array<i32>} : memref<200x64xf32, #tpu.memory_space<vmem>>, vector<16xf32>,
        %mul3A_905 = arith.mulf %scan3A_153, %add3A_721 : vector<16xf32>
        %mul3A_906 = arith.mulf %scan3A_154, %add3A_740 : vector<16xf32>
        %add3A_907 = arith.addf %mul3A_905, %mul3A_906 : vector<16xf32>
        %add3A_908 = arith.constant 40 : i32
        %add3A_909 = arith.addi %add3A_908, %scan3A_150 : i32
        %swap3A_910 = arith.index_cast %add3A_909 : i32 to index
        %swap3A_911 = arith.constant 16 : index
        %swap3A_912 = tpu.vector_load %arg10[%swap3A_910, %swap3A_911] {strides = array<i32>} : memref<200x64xf32, #tpu.memory_space<vmem>>, vector<16xf32>,
        tpu.vector_store %arg10[%swap3A_910, %swap3A_911], %add3A_907 {strides = array<i32>} : memref<200x64xf32, #tpu.memory_space<vmem>>, vector<16xf32>,
        %mul3A_913 = arith.mulf %scan3A_153, %add3A_740 : vector<16xf32>
        %mul3A_914 = arith.mulf %scan3A_154, %add3A_759 : vector<16xf32>
        %add3A_915 = arith.addf %mul3A_913, %mul3A_914 : vector<16xf32>
        %add3A_916 = arith.constant 60 : i32
        %add3A_917 = arith.addi %add3A_916, %scan3A_150 : i32
        %swap3A_918 = arith.index_cast %add3A_917 : i32 to index
        %swap3A_919 = arith.constant 16 : index
        %swap3A_920 = tpu.vector_load %arg10[%swap3A_918, %swap3A_919] {strides = array<i32>} : memref<200x64xf32, #tpu.memory_space<vmem>>, vector<16xf32>,
        tpu.vector_store %arg10[%swap3A_918, %swap3A_919], %add3A_915 {strides = array<i32>} : memref<200x64xf32, #tpu.memory_space<vmem>>, vector<16xf32>,
        %mul3A_921 = arith.mulf %scan3A_153, %add3A_759 : vector<16xf32>
        %mul3A_922 = arith.mulf %scan3A_154, %add3A_778 : vector<16xf32>
        %add3A_923 = arith.addf %mul3A_921, %mul3A_922 : vector<16xf32>
        %add3A_924 = arith.constant 80 : i32
        %add3A_925 = arith.addi %add3A_924, %scan3A_150 : i32
        %swap3A_926 = arith.index_cast %add3A_925 : i32 to index
        %swap3A_927 = arith.constant 16 : index
        %swap3A_928 = tpu.vector_load %arg10[%swap3A_926, %swap3A_927] {strides = array<i32>} : memref<200x64xf32, #tpu.memory_space<vmem>>, vector<16xf32>,
        tpu.vector_store %arg10[%swap3A_926, %swap3A_927], %add3A_923 {strides = array<i32>} : memref<200x64xf32, #tpu.memory_space<vmem>>, vector<16xf32>,
        %mul3A_929 = arith.mulf %scan3A_153, %add3A_778 : vector<16xf32>
        %mul3A_930 = arith.mulf %scan3A_154, %add3A_797 : vector<16xf32>
        %add3A_931 = arith.addf %mul3A_929, %mul3A_930 : vector<16xf32>
        %add3A_932 = arith.constant 100 : i32
        %add3A_933 = arith.addi %add3A_932, %scan3A_150 : i32
        %swap3A_934 = arith.index_cast %add3A_933 : i32 to index
        %swap3A_935 = arith.constant 16 : index
        %swap3A_936 = tpu.vector_load %arg10[%swap3A_934, %swap3A_935] {strides = array<i32>} : memref<200x64xf32, #tpu.memory_space<vmem>>, vector<16xf32>,
        tpu.vector_store %arg10[%swap3A_934, %swap3A_935], %add3A_931 {strides = array<i32>} : memref<200x64xf32, #tpu.memory_space<vmem>>, vector<16xf32>,
        %mul3A_937 = arith.mulf %scan3A_153, %add3A_797 : vector<16xf32>
        %mul3A_938 = arith.mulf %scan3A_154, %add3A_816 : vector<16xf32>
        %add3A_939 = arith.addf %mul3A_937, %mul3A_938 : vector<16xf32>
        %add3A_940 = arith.constant 120 : i32
        %add3A_941 = arith.addi %add3A_940, %scan3A_150 : i32
        %swap3A_942 = arith.index_cast %add3A_941 : i32 to index
        %swap3A_943 = arith.constant 16 : index
        %swap3A_944 = tpu.vector_load %arg10[%swap3A_942, %swap3A_943] {strides = array<i32>} : memref<200x64xf32, #tpu.memory_space<vmem>>, vector<16xf32>,
        tpu.vector_store %arg10[%swap3A_942, %swap3A_943], %add3A_939 {strides = array<i32>} : memref<200x64xf32, #tpu.memory_space<vmem>>, vector<16xf32>,
        %mul3A_945 = arith.mulf %scan3A_153, %add3A_816 : vector<16xf32>
        %mul3A_946 = arith.mulf %scan3A_154, %add3A_835 : vector<16xf32>
        %add3A_947 = arith.addf %mul3A_945, %mul3A_946 : vector<16xf32>
        %add3A_948 = arith.constant 140 : i32
        %add3A_949 = arith.addi %add3A_948, %scan3A_150 : i32
        %swap3A_950 = arith.index_cast %add3A_949 : i32 to index
        %swap3A_951 = arith.constant 16 : index
        %swap3A_952 = tpu.vector_load %arg10[%swap3A_950, %swap3A_951] {strides = array<i32>} : memref<200x64xf32, #tpu.memory_space<vmem>>, vector<16xf32>,
        tpu.vector_store %arg10[%swap3A_950, %swap3A_951], %add3A_947 {strides = array<i32>} : memref<200x64xf32, #tpu.memory_space<vmem>>, vector<16xf32>,
        %mul3A_953 = arith.mulf %scan3A_153, %add3A_835 : vector<16xf32>
        %mul3A_954 = arith.mulf %scan3A_154, %add3A_854 : vector<16xf32>
        %add3A_955 = arith.addf %mul3A_953, %mul3A_954 : vector<16xf32>
        %add3A_956 = arith.constant 160 : i32
        %add3A_957 = arith.addi %add3A_956, %scan3A_150 : i32
        %swap3A_958 = arith.index_cast %add3A_957 : i32 to index
        %swap3A_959 = arith.constant 16 : index
        %swap3A_960 = tpu.vector_load %arg10[%swap3A_958, %swap3A_959] {strides = array<i32>} : memref<200x64xf32, #tpu.memory_space<vmem>>, vector<16xf32>,
        tpu.vector_store %arg10[%swap3A_958, %swap3A_959], %add3A_955 {strides = array<i32>} : memref<200x64xf32, #tpu.memory_space<vmem>>, vector<16xf32>,
        %mul3A_961 = arith.mulf %scan3A_153, %add3A_854 : vector<16xf32>
        %mul3A_962 = arith.mulf %scan3A_154, %add3A_683 : vector<16xf32>
        %add3A_963 = arith.addf %mul3A_961, %mul3A_962 : vector<16xf32>
        %add3A_964 = arith.constant 180 : i32
        %add3A_965 = arith.addi %add3A_964, %scan3A_150 : i32
        %swap3A_966 = arith.index_cast %add3A_965 : i32 to index
        %swap3A_967 = arith.constant 16 : index
        %swap3A_968 = tpu.vector_load %arg10[%swap3A_966, %swap3A_967] {strides = array<i32>} : memref<200x64xf32, #tpu.memory_space<vmem>>, vector<16xf32>,
        tpu.vector_store %arg10[%swap3A_966, %swap3A_967], %add3A_963 {strides = array<i32>} : memref<200x64xf32, #tpu.memory_space<vmem>>, vector<16xf32>,
        %sub3A_969 = arith.subf %add3A_863, %add3A_888 : vector<16xf32>
        %mul3A_970 = arith.mulf %scan3A_153, %sub3A_969 : vector<16xf32>
        %sub3A_971 = arith.subf %sub3A_969, %add3A_683 : vector<16xf32>
        %mul3A_972 = arith.mulf %scan3A_154, %sub3A_971 : vector<16xf32>
        %add3A_973 = arith.addf %mul3A_970, %mul3A_972 : vector<16xf32>
        %mul3A_974 = arith.mulf %scan3A_153, %add3A_888 : vector<16xf32>
        %add3A_975 = arith.addf %add3A_888, %add3A_683 : vector<16xf32>
        %mul3A_976 = arith.mulf %scan3A_154, %add3A_975 : vector<16xf32>
        %add3A_977 = arith.addf %mul3A_974, %mul3A_976 : vector<16xf32>
        scf.yield %add3A_560, %add3A_564, %add3A_973, %add3A_977 : vector<16xf32>, vector<16xf32>, vector<16xf32>, vector<16xf32>
      }
      %scan3A_128 = arith.constant 20 : i32
      %broadcast_in_dim3A_129 = arith.constant 1.000000e+00 : f32
      %broadcast_in_dim3A_130 = vector.broadcast %broadcast_in_dim3A_129 : f32 to vector<16xf32>
      %broadcast_in_dim3A_131 = arith.constant 0.000000e+00 : f32
      %broadcast_in_dim3A_132 = vector.broadcast %broadcast_in_dim3A_131 : f32 to vector<16xf32>
      %broadcast_in_dim3A_133 = arith.constant 1.000000e+00 : f32
      %broadcast_in_dim3A_134 = vector.broadcast %broadcast_in_dim3A_133 : f32 to vector<16xf32>
      %broadcast_in_dim3A_135 = arith.constant 0.000000e+00 : f32
      %broadcast_in_dim3A_136 = vector.broadcast %broadcast_in_dim3A_135 : f32 to vector<16xf32>
      %scan3A_137 = arith.constant 0 : i32
      %scan3A_138 = arith.constant 20 : i32
      %scan3A_139 = arith.addi %scan3A_137, %scan3A_138 : i32
      %scan3A_140 = arith.constant 1 : i32
      %scan3A_141:4 = scf.for %scan3A_150 = %scan3A_137 to %scan3A_139 step %scan3A_140 iter_args(%scan3A_151 = %broadcast_in_dim3A_130, %scan3A_152 = %broadcast_in_dim3A_132, %scan3A_153 = %broadcast_in_dim3A_134, %scan3A_154 = %broadcast_in_dim3A_136) -> (vector<16xf32>, vector<16xf32>, vector<16xf32>, vector<16xf32>)  : i32 {
        %add3A_155 = arith.constant 0 : i32
        %add3A_156 = arith.addi %add3A_155, %scan3A_150 : i32
        %get3A = arith.index_cast %add3A_156 : i32 to index
        %get3A_157 = arith.constant 32 : index
        %get3A_158 = tpu.vector_load %arg8[%get3A, %get3A_157] {strides = array<i32>} : memref<200x64xf32, #tpu.memory_space<vmem>>, vector<16xf32>,
        %add3A_159 = arith.constant 20 : i32
        %add3A_160 = arith.addi %add3A_159, %scan3A_150 : i32
        %get3A_161 = arith.index_cast %add3A_160 : i32 to index
        %get3A_162 = arith.constant 32 : index
        %get3A_163 = tpu.vector_load %arg8[%get3A_161, %get3A_162] {strides = array<i32>} : memref<200x64xf32, #tpu.memory_space<vmem>>, vector<16xf32>,
        %add3A_164 = arith.constant 40 : i32
        %add3A_165 = arith.addi %add3A_164, %scan3A_150 : i32
        %get3A_166 = arith.index_cast %add3A_165 : i32 to index
        %get3A_167 = arith.constant 32 : index
        %get3A_168 = tpu.vector_load %arg8[%get3A_166, %get3A_167] {strides = array<i32>} : memref<200x64xf32, #tpu.memory_space<vmem>>, vector<16xf32>,
        %add3A_169 = arith.constant 60 : i32
        %add3A_170 = arith.addi %add3A_169, %scan3A_150 : i32
        %get3A_171 = arith.index_cast %add3A_170 : i32 to index
        %get3A_172 = arith.constant 32 : index
        %get3A_173 = tpu.vector_load %arg8[%get3A_171, %get3A_172] {strides = array<i32>} : memref<200x64xf32, #tpu.memory_space<vmem>>, vector<16xf32>,
        %add3A_174 = arith.constant 80 : i32
        %add3A_175 = arith.addi %add3A_174, %scan3A_150 : i32
        %get3A_176 = arith.index_cast %add3A_175 : i32 to index
        %get3A_177 = arith.constant 32 : index
        %get3A_178 = tpu.vector_load %arg8[%get3A_176, %get3A_177] {strides = array<i32>} : memref<200x64xf32, #tpu.memory_space<vmem>>, vector<16xf32>,
        %add3A_179 = arith.constant 100 : i32
        %add3A_180 = arith.addi %add3A_179, %scan3A_150 : i32
        %get3A_181 = arith.index_cast %add3A_180 : i32 to index
        %get3A_182 = arith.constant 32 : index
        %get3A_183 = tpu.vector_load %arg8[%get3A_181, %get3A_182] {strides = array<i32>} : memref<200x64xf32, #tpu.memory_space<vmem>>, vector<16xf32>,
        %add3A_184 = arith.constant 120 : i32
        %add3A_185 = arith.addi %add3A_184, %scan3A_150 : i32
        %get3A_186 = arith.index_cast %add3A_185 : i32 to index
        %get3A_187 = arith.constant 32 : index
        %get3A_188 = tpu.vector_load %arg8[%get3A_186, %get3A_187] {strides = array<i32>} : memref<200x64xf32, #tpu.memory_space<vmem>>, vector<16xf32>,
        %add3A_189 = arith.constant 140 : i32
        %add3A_190 = arith.addi %add3A_189, %scan3A_150 : i32
        %get3A_191 = arith.index_cast %add3A_190 : i32 to index
        %get3A_192 = arith.constant 32 : index
        %get3A_193 = tpu.vector_load %arg8[%get3A_191, %get3A_192] {strides = array<i32>} : memref<200x64xf32, #tpu.memory_space<vmem>>, vector<16xf32>,
        %add3A_194 = arith.constant 160 : i32
        %add3A_195 = arith.addi %add3A_194, %scan3A_150 : i32
        %get3A_196 = arith.index_cast %add3A_195 : i32 to index
        %get3A_197 = arith.constant 32 : index
        %get3A_198 = tpu.vector_load %arg8[%get3A_196, %get3A_197] {strides = array<i32>} : memref<200x64xf32, #tpu.memory_space<vmem>>, vector<16xf32>,
        %add3A_199 = arith.constant 180 : i32
        %add3A_200 = arith.addi %add3A_199, %scan3A_150 : i32
        %get3A_201 = arith.index_cast %add3A_200 : i32 to index
        %get3A_202 = arith.constant 32 : index
        %get3A_203 = tpu.vector_load %arg8[%get3A_201, %get3A_202] {strides = array<i32>} : memref<200x64xf32, #tpu.memory_space<vmem>>, vector<16xf32>,
        %add3A_204 = arith.constant 0 : i32
        %add3A_205 = arith.addi %add3A_204, %scan3A_150 : i32
        %get3A_206 = arith.index_cast %add3A_205 : i32 to index
        %get3A_207 = arith.constant 32 : index
        %get3A_208 = tpu.vector_load %arg9[%get3A_206, %get3A_207] {strides = array<i32>} : memref<200x64xf32, #tpu.memory_space<vmem>>, vector<16xf32>,
        %add3A_209 = arith.constant 20 : i32
        %add3A_210 = arith.addi %add3A_209, %scan3A_150 : i32
        %get3A_211 = arith.index_cast %add3A_210 : i32 to index
        %get3A_212 = arith.constant 32 : index
        %get3A_213 = tpu.vector_load %arg9[%get3A_211, %get3A_212] {strides = array<i32>} : memref<200x64xf32, #tpu.memory_space<vmem>>, vector<16xf32>,
        %add3A_214 = arith.constant 40 : i32
        %add3A_215 = arith.addi %add3A_214, %scan3A_150 : i32
        %get3A_216 = arith.index_cast %add3A_215 : i32 to index
        %get3A_217 = arith.constant 32 : index
        %get3A_218 = tpu.vector_load %arg9[%get3A_216, %get3A_217] {strides = array<i32>} : memref<200x64xf32, #tpu.memory_space<vmem>>, vector<16xf32>,
        %add3A_219 = arith.constant 60 : i32
        %add3A_220 = arith.addi %add3A_219, %scan3A_150 : i32
        %get3A_221 = arith.index_cast %add3A_220 : i32 to index
        %get3A_222 = arith.constant 32 : index
        %get3A_223 = tpu.vector_load %arg9[%get3A_221, %get3A_222] {strides = array<i32>} : memref<200x64xf32, #tpu.memory_space<vmem>>, vector<16xf32>,
        %add3A_224 = arith.constant 80 : i32
        %add3A_225 = arith.addi %add3A_224, %scan3A_150 : i32
        %get3A_226 = arith.index_cast %add3A_225 : i32 to index
        %get3A_227 = arith.constant 32 : index
        %get3A_228 = tpu.vector_load %arg9[%get3A_226, %get3A_227] {strides = array<i32>} : memref<200x64xf32, #tpu.memory_space<vmem>>, vector<16xf32>,
        %add3A_229 = arith.constant 100 : i32
        %add3A_230 = arith.addi %add3A_229, %scan3A_150 : i32
        %get3A_231 = arith.index_cast %add3A_230 : i32 to index
        %get3A_232 = arith.constant 32 : index
        %get3A_233 = tpu.vector_load %arg9[%get3A_231, %get3A_232] {strides = array<i32>} : memref<200x64xf32, #tpu.memory_space<vmem>>, vector<16xf32>,
        %add3A_234 = arith.constant 120 : i32
        %add3A_235 = arith.addi %add3A_234, %scan3A_150 : i32
        %get3A_236 = arith.index_cast %add3A_235 : i32 to index
        %get3A_237 = arith.constant 32 : index
        %get3A_238 = tpu.vector_load %arg9[%get3A_236, %get3A_237] {strides = array<i32>} : memref<200x64xf32, #tpu.memory_space<vmem>>, vector<16xf32>,
        %add3A_239 = arith.constant 140 : i32
        %add3A_240 = arith.addi %add3A_239, %scan3A_150 : i32
        %get3A_241 = arith.index_cast %add3A_240 : i32 to index
        %get3A_242 = arith.constant 32 : index
        %get3A_243 = tpu.vector_load %arg9[%get3A_241, %get3A_242] {strides = array<i32>} : memref<200x64xf32, #tpu.memory_space<vmem>>, vector<16xf32>,
        %add3A_244 = arith.constant 160 : i32
        %add3A_245 = arith.addi %add3A_244, %scan3A_150 : i32
        %get3A_246 = arith.index_cast %add3A_245 : i32 to index
        %get3A_247 = arith.constant 32 : index
        %get3A_248 = tpu.vector_load %arg9[%get3A_246, %get3A_247] {strides = array<i32>} : memref<200x64xf32, #tpu.memory_space<vmem>>, vector<16xf32>,
        %add3A_249 = arith.constant 180 : i32
        %add3A_250 = arith.addi %add3A_249, %scan3A_150 : i32
        %get3A_251 = arith.index_cast %add3A_250 : i32 to index
        %get3A_252 = arith.constant 32 : index
        %get3A_253 = tpu.vector_load %arg9[%get3A_251, %get3A_252] {strides = array<i32>} : memref<200x64xf32, #tpu.memory_space<vmem>>, vector<16xf32>,
        %mul3A_254 = arith.mulf %get3A_158, %get3A_208 : vector<16xf32>
        %mul3A_255 = arith.mulf %get3A_163, %get3A_213 : vector<16xf32>
        %add3A_256 = arith.addf %mul3A_254, %mul3A_255 : vector<16xf32>
        %mul3A_257 = arith.mulf %get3A_168, %get3A_218 : vector<16xf32>
        %add3A_258 = arith.addf %add3A_256, %mul3A_257 : vector<16xf32>
        %mul3A_259 = arith.mulf %get3A_173, %get3A_223 : vector<16xf32>
        %add3A_260 = arith.addf %add3A_258, %mul3A_259 : vector<16xf32>
        %mul3A_261 = arith.mulf %get3A_178, %get3A_228 : vector<16xf32>
        %add3A_262 = arith.addf %add3A_260, %mul3A_261 : vector<16xf32>
        %mul3A_263 = arith.mulf %get3A_183, %get3A_233 : vector<16xf32>
        %add3A_264 = arith.addf %add3A_262, %mul3A_263 : vector<16xf32>
        %mul3A_265 = arith.mulf %get3A_188, %get3A_238 : vector<16xf32>
        %add3A_266 = arith.addf %add3A_264, %mul3A_265 : vector<16xf32>
        %mul3A_267 = arith.mulf %get3A_193, %get3A_243 : vector<16xf32>
        %add3A_268 = arith.addf %add3A_266, %mul3A_267 : vector<16xf32>
        %mul3A_269 = arith.mulf %get3A_198, %get3A_248 : vector<16xf32>
        %add3A_270 = arith.addf %add3A_268, %mul3A_269 : vector<16xf32>
        %mul3A_271 = arith.mulf %get3A_203, %get3A_253 : vector<16xf32>
        %add3A_272 = arith.addf %add3A_270, %mul3A_271 : vector<16xf32>
        %mul3A_273 = arith.mulf %get3A_158, %get3A_253 : vector<16xf32>
        %mul3A_274 = arith.mulf %get3A_163, %get3A_208 : vector<16xf32>
        %add3A_275 = arith.addf %mul3A_273, %mul3A_274 : vector<16xf32>
        %mul3A_276 = arith.mulf %get3A_168, %get3A_213 : vector<16xf32>
        %add3A_277 = arith.addf %add3A_275, %mul3A_276 : vector<16xf32>
        %mul3A_278 = arith.mulf %get3A_173, %get3A_218 : vector<16xf32>
        %add3A_279 = arith.addf %add3A_277, %mul3A_278 : vector<16xf32>
        %mul3A_280 = arith.mulf %get3A_178, %get3A_223 : vector<16xf32>
        %add3A_281 = arith.addf %add3A_279, %mul3A_280 : vector<16xf32>
        %mul3A_282 = arith.mulf %get3A_183, %get3A_228 : vector<16xf32>
        %add3A_283 = arith.addf %add3A_281, %mul3A_282 : vector<16xf32>
        %mul3A_284 = arith.mulf %get3A_188, %get3A_233 : vector<16xf32>
        %add3A_285 = arith.addf %add3A_283, %mul3A_284 : vector<16xf32>
        %mul3A_286 = arith.mulf %get3A_193, %get3A_238 : vector<16xf32>
        %add3A_287 = arith.addf %add3A_285, %mul3A_286 : vector<16xf32>
        %mul3A_288 = arith.mulf %get3A_198, %get3A_243 : vector<16xf32>
        %add3A_289 = arith.addf %add3A_287, %mul3A_288 : vector<16xf32>
        %mul3A_290 = arith.mulf %get3A_203, %get3A_248 : vector<16xf32>
        %add3A_291 = arith.addf %add3A_289, %mul3A_290 : vector<16xf32>
        %mul3A_292 = arith.mulf %get3A_158, %get3A_248 : vector<16xf32>
        %mul3A_293 = arith.mulf %get3A_163, %get3A_253 : vector<16xf32>
        %add3A_294 = arith.addf %mul3A_292, %mul3A_293 : vector<16xf32>
        %mul3A_295 = arith.mulf %get3A_168, %get3A_208 : vector<16xf32>
        %add3A_296 = arith.addf %add3A_294, %mul3A_295 : vector<16xf32>
        %mul3A_297 = arith.mulf %get3A_173, %get3A_213 : vector<16xf32>
        %add3A_298 = arith.addf %add3A_296, %mul3A_297 : vector<16xf32>
        %mul3A_299 = arith.mulf %get3A_178, %get3A_218 : vector<16xf32>
        %add3A_300 = arith.addf %add3A_298, %mul3A_299 : vector<16xf32>
        %mul3A_301 = arith.mulf %get3A_183, %get3A_223 : vector<16xf32>
        %add3A_302 = arith.addf %add3A_300, %mul3A_301 : vector<16xf32>
        %mul3A_303 = arith.mulf %get3A_188, %get3A_228 : vector<16xf32>
        %add3A_304 = arith.addf %add3A_302, %mul3A_303 : vector<16xf32>
        %mul3A_305 = arith.mulf %get3A_193, %get3A_233 : vector<16xf32>
        %add3A_306 = arith.addf %add3A_304, %mul3A_305 : vector<16xf32>
        %mul3A_307 = arith.mulf %get3A_198, %get3A_238 : vector<16xf32>
        %add3A_308 = arith.addf %add3A_306, %mul3A_307 : vector<16xf32>
        %mul3A_309 = arith.mulf %get3A_203, %get3A_243 : vector<16xf32>
        %add3A_310 = arith.addf %add3A_308, %mul3A_309 : vector<16xf32>
        %mul3A_311 = arith.mulf %get3A_158, %get3A_243 : vector<16xf32>
        %mul3A_312 = arith.mulf %get3A_163, %get3A_248 : vector<16xf32>
        %add3A_313 = arith.addf %mul3A_311, %mul3A_312 : vector<16xf32>
        %mul3A_314 = arith.mulf %get3A_168, %get3A_253 : vector<16xf32>
        %add3A_315 = arith.addf %add3A_313, %mul3A_314 : vector<16xf32>
        %mul3A_316 = arith.mulf %get3A_173, %get3A_208 : vector<16xf32>
        %add3A_317 = arith.addf %add3A_315, %mul3A_316 : vector<16xf32>
        %mul3A_318 = arith.mulf %get3A_178, %get3A_213 : vector<16xf32>
        %add3A_319 = arith.addf %add3A_317, %mul3A_318 : vector<16xf32>
        %mul3A_320 = arith.mulf %get3A_183, %get3A_218 : vector<16xf32>
        %add3A_321 = arith.addf %add3A_319, %mul3A_320 : vector<16xf32>
        %mul3A_322 = arith.mulf %get3A_188, %get3A_223 : vector<16xf32>
        %add3A_323 = arith.addf %add3A_321, %mul3A_322 : vector<16xf32>
        %mul3A_324 = arith.mulf %get3A_193, %get3A_228 : vector<16xf32>
        %add3A_325 = arith.addf %add3A_323, %mul3A_324 : vector<16xf32>
        %mul3A_326 = arith.mulf %get3A_198, %get3A_233 : vector<16xf32>
        %add3A_327 = arith.addf %add3A_325, %mul3A_326 : vector<16xf32>
        %mul3A_328 = arith.mulf %get3A_203, %get3A_238 : vector<16xf32>
        %add3A_329 = arith.addf %add3A_327, %mul3A_328 : vector<16xf32>
        %mul3A_330 = arith.mulf %get3A_158, %get3A_238 : vector<16xf32>
        %mul3A_331 = arith.mulf %get3A_163, %get3A_243 : vector<16xf32>
        %add3A_332 = arith.addf %mul3A_330, %mul3A_331 : vector<16xf32>
        %mul3A_333 = arith.mulf %get3A_168, %get3A_248 : vector<16xf32>
        %add3A_334 = arith.addf %add3A_332, %mul3A_333 : vector<16xf32>
        %mul3A_335 = arith.mulf %get3A_173, %get3A_253 : vector<16xf32>
        %add3A_336 = arith.addf %add3A_334, %mul3A_335 : vector<16xf32>
        %mul3A_337 = arith.mulf %get3A_178, %get3A_208 : vector<16xf32>
        %add3A_338 = arith.addf %add3A_336, %mul3A_337 : vector<16xf32>
        %mul3A_339 = arith.mulf %get3A_183, %get3A_213 : vector<16xf32>
        %add3A_340 = arith.addf %add3A_338, %mul3A_339 : vector<16xf32>
        %mul3A_341 = arith.mulf %get3A_188, %get3A_218 : vector<16xf32>
        %add3A_342 = arith.addf %add3A_340, %mul3A_341 : vector<16xf32>
        %mul3A_343 = arith.mulf %get3A_193, %get3A_223 : vector<16xf32>
        %add3A_344 = arith.addf %add3A_342, %mul3A_343 : vector<16xf32>
        %mul3A_345 = arith.mulf %get3A_198, %get3A_228 : vector<16xf32>
        %add3A_346 = arith.addf %add3A_344, %mul3A_345 : vector<16xf32>
        %mul3A_347 = arith.mulf %get3A_203, %get3A_233 : vector<16xf32>
        %add3A_348 = arith.addf %add3A_346, %mul3A_347 : vector<16xf32>
        %mul3A_349 = arith.mulf %get3A_158, %get3A_233 : vector<16xf32>
        %mul3A_350 = arith.mulf %get3A_163, %get3A_238 : vector<16xf32>
        %add3A_351 = arith.addf %mul3A_349, %mul3A_350 : vector<16xf32>
        %mul3A_352 = arith.mulf %get3A_168, %get3A_243 : vector<16xf32>
        %add3A_353 = arith.addf %add3A_351, %mul3A_352 : vector<16xf32>
        %mul3A_354 = arith.mulf %get3A_173, %get3A_248 : vector<16xf32>
        %add3A_355 = arith.addf %add3A_353, %mul3A_354 : vector<16xf32>
        %mul3A_356 = arith.mulf %get3A_178, %get3A_253 : vector<16xf32>
        %add3A_357 = arith.addf %add3A_355, %mul3A_356 : vector<16xf32>
        %mul3A_358 = arith.mulf %get3A_183, %get3A_208 : vector<16xf32>
        %add3A_359 = arith.addf %add3A_357, %mul3A_358 : vector<16xf32>
        %mul3A_360 = arith.mulf %get3A_188, %get3A_213 : vector<16xf32>
        %add3A_361 = arith.addf %add3A_359, %mul3A_360 : vector<16xf32>
        %mul3A_362 = arith.mulf %get3A_193, %get3A_218 : vector<16xf32>
        %add3A_363 = arith.addf %add3A_361, %mul3A_362 : vector<16xf32>
        %mul3A_364 = arith.mulf %get3A_198, %get3A_223 : vector<16xf32>
        %add3A_365 = arith.addf %add3A_363, %mul3A_364 : vector<16xf32>
        %mul3A_366 = arith.mulf %get3A_203, %get3A_228 : vector<16xf32>
        %add3A_367 = arith.addf %add3A_365, %mul3A_366 : vector<16xf32>
        %mul3A_368 = arith.mulf %get3A_158, %get3A_228 : vector<16xf32>
        %mul3A_369 = arith.mulf %get3A_163, %get3A_233 : vector<16xf32>
        %add3A_370 = arith.addf %mul3A_368, %mul3A_369 : vector<16xf32>
        %mul3A_371 = arith.mulf %get3A_168, %get3A_238 : vector<16xf32>
        %add3A_372 = arith.addf %add3A_370, %mul3A_371 : vector<16xf32>
        %mul3A_373 = arith.mulf %get3A_173, %get3A_243 : vector<16xf32>
        %add3A_374 = arith.addf %add3A_372, %mul3A_373 : vector<16xf32>
        %mul3A_375 = arith.mulf %get3A_178, %get3A_248 : vector<16xf32>
        %add3A_376 = arith.addf %add3A_374, %mul3A_375 : vector<16xf32>
        %mul3A_377 = arith.mulf %get3A_183, %get3A_253 : vector<16xf32>
        %add3A_378 = arith.addf %add3A_376, %mul3A_377 : vector<16xf32>
        %mul3A_379 = arith.mulf %get3A_188, %get3A_208 : vector<16xf32>
        %add3A_380 = arith.addf %add3A_378, %mul3A_379 : vector<16xf32>
        %mul3A_381 = arith.mulf %get3A_193, %get3A_213 : vector<16xf32>
        %add3A_382 = arith.addf %add3A_380, %mul3A_381 : vector<16xf32>
        %mul3A_383 = arith.mulf %get3A_198, %get3A_218 : vector<16xf32>
        %add3A_384 = arith.addf %add3A_382, %mul3A_383 : vector<16xf32>
        %mul3A_385 = arith.mulf %get3A_203, %get3A_223 : vector<16xf32>
        %add3A_386 = arith.addf %add3A_384, %mul3A_385 : vector<16xf32>
        %mul3A_387 = arith.mulf %get3A_158, %get3A_223 : vector<16xf32>
        %mul3A_388 = arith.mulf %get3A_163, %get3A_228 : vector<16xf32>
        %add3A_389 = arith.addf %mul3A_387, %mul3A_388 : vector<16xf32>
        %mul3A_390 = arith.mulf %get3A_168, %get3A_233 : vector<16xf32>
        %add3A_391 = arith.addf %add3A_389, %mul3A_390 : vector<16xf32>
        %mul3A_392 = arith.mulf %get3A_173, %get3A_238 : vector<16xf32>
        %add3A_393 = arith.addf %add3A_391, %mul3A_392 : vector<16xf32>
        %mul3A_394 = arith.mulf %get3A_178, %get3A_243 : vector<16xf32>
        %add3A_395 = arith.addf %add3A_393, %mul3A_394 : vector<16xf32>
        %mul3A_396 = arith.mulf %get3A_183, %get3A_248 : vector<16xf32>
        %add3A_397 = arith.addf %add3A_395, %mul3A_396 : vector<16xf32>
        %mul3A_398 = arith.mulf %get3A_188, %get3A_253 : vector<16xf32>
        %add3A_399 = arith.addf %add3A_397, %mul3A_398 : vector<16xf32>
        %mul3A_400 = arith.mulf %get3A_193, %get3A_208 : vector<16xf32>
        %add3A_401 = arith.addf %add3A_399, %mul3A_400 : vector<16xf32>
        %mul3A_402 = arith.mulf %get3A_198, %get3A_213 : vector<16xf32>
        %add3A_403 = arith.addf %add3A_401, %mul3A_402 : vector<16xf32>
        %mul3A_404 = arith.mulf %get3A_203, %get3A_218 : vector<16xf32>
        %add3A_405 = arith.addf %add3A_403, %mul3A_404 : vector<16xf32>
        %mul3A_406 = arith.mulf %get3A_158, %get3A_218 : vector<16xf32>
        %mul3A_407 = arith.mulf %get3A_163, %get3A_223 : vector<16xf32>
        %add3A_408 = arith.addf %mul3A_406, %mul3A_407 : vector<16xf32>
        %mul3A_409 = arith.mulf %get3A_168, %get3A_228 : vector<16xf32>
        %add3A_410 = arith.addf %add3A_408, %mul3A_409 : vector<16xf32>
        %mul3A_411 = arith.mulf %get3A_173, %get3A_233 : vector<16xf32>
        %add3A_412 = arith.addf %add3A_410, %mul3A_411 : vector<16xf32>
        %mul3A_413 = arith.mulf %get3A_178, %get3A_238 : vector<16xf32>
        %add3A_414 = arith.addf %add3A_412, %mul3A_413 : vector<16xf32>
        %mul3A_415 = arith.mulf %get3A_183, %get3A_243 : vector<16xf32>
        %add3A_416 = arith.addf %add3A_414, %mul3A_415 : vector<16xf32>
        %mul3A_417 = arith.mulf %get3A_188, %get3A_248 : vector<16xf32>
        %add3A_418 = arith.addf %add3A_416, %mul3A_417 : vector<16xf32>
        %mul3A_419 = arith.mulf %get3A_193, %get3A_253 : vector<16xf32>
        %add3A_420 = arith.addf %add3A_418, %mul3A_419 : vector<16xf32>
        %mul3A_421 = arith.mulf %get3A_198, %get3A_208 : vector<16xf32>
        %add3A_422 = arith.addf %add3A_420, %mul3A_421 : vector<16xf32>
        %mul3A_423 = arith.mulf %get3A_203, %get3A_213 : vector<16xf32>
        %add3A_424 = arith.addf %add3A_422, %mul3A_423 : vector<16xf32>
        %mul3A_425 = arith.mulf %get3A_158, %get3A_213 : vector<16xf32>
        %mul3A_426 = arith.mulf %get3A_163, %get3A_218 : vector<16xf32>
        %add3A_427 = arith.addf %mul3A_425, %mul3A_426 : vector<16xf32>
        %mul3A_428 = arith.mulf %get3A_168, %get3A_223 : vector<16xf32>
        %add3A_429 = arith.addf %add3A_427, %mul3A_428 : vector<16xf32>
        %mul3A_430 = arith.mulf %get3A_173, %get3A_228 : vector<16xf32>
        %add3A_431 = arith.addf %add3A_429, %mul3A_430 : vector<16xf32>
        %mul3A_432 = arith.mulf %get3A_178, %get3A_233 : vector<16xf32>
        %add3A_433 = arith.addf %add3A_431, %mul3A_432 : vector<16xf32>
        %mul3A_434 = arith.mulf %get3A_183, %get3A_238 : vector<16xf32>
        %add3A_435 = arith.addf %add3A_433, %mul3A_434 : vector<16xf32>
        %mul3A_436 = arith.mulf %get3A_188, %get3A_243 : vector<16xf32>
        %add3A_437 = arith.addf %add3A_435, %mul3A_436 : vector<16xf32>
        %mul3A_438 = arith.mulf %get3A_193, %get3A_248 : vector<16xf32>
        %add3A_439 = arith.addf %add3A_437, %mul3A_438 : vector<16xf32>
        %mul3A_440 = arith.mulf %get3A_198, %get3A_253 : vector<16xf32>
        %add3A_441 = arith.addf %add3A_439, %mul3A_440 : vector<16xf32>
        %mul3A_442 = arith.mulf %get3A_203, %get3A_208 : vector<16xf32>
        %add3A_443 = arith.addf %add3A_441, %mul3A_442 : vector<16xf32>
        %add3A_444 = arith.addf %add3A_272, %add3A_291 : vector<16xf32>
        %add3A_445 = arith.addf %add3A_444, %add3A_310 : vector<16xf32>
        %add3A_446 = arith.addf %add3A_445, %add3A_329 : vector<16xf32>
        %add3A_447 = arith.addf %add3A_446, %add3A_348 : vector<16xf32>
        %add3A_448 = arith.addf %add3A_447, %add3A_367 : vector<16xf32>
        %add3A_449 = arith.addf %add3A_448, %add3A_386 : vector<16xf32>
        %add3A_450 = arith.addf %add3A_449, %add3A_405 : vector<16xf32>
        %add3A_451 = arith.addf %add3A_450, %add3A_424 : vector<16xf32>
        %add3A_452 = arith.addf %add3A_451, %add3A_443 : vector<16xf32>
        %mul3A_453 = arith.mulf %get3A_158, %get3A_213 : vector<16xf32>
        %add3A_454 = arith.addf %get3A_158, %get3A_163 : vector<16xf32>
        %mul3A_455 = arith.mulf %add3A_454, %get3A_218 : vector<16xf32>
        %add3A_456 = arith.addf %mul3A_453, %mul3A_455 : vector<16xf32>
        %add3A_457 = arith.addf %add3A_454, %get3A_168 : vector<16xf32>
        %mul3A_458 = arith.mulf %add3A_457, %get3A_223 : vector<16xf32>
        %add3A_459 = arith.addf %add3A_456, %mul3A_458 : vector<16xf32>
        %add3A_460 = arith.addf %add3A_457, %get3A_173 : vector<16xf32>
        %mul3A_461 = arith.mulf %add3A_460, %get3A_228 : vector<16xf32>
        %add3A_462 = arith.addf %add3A_459, %mul3A_461 : vector<16xf32>
        %add3A_463 = arith.addf %add3A_460, %get3A_178 : vector<16xf32>
        %mul3A_464 = arith.mulf %add3A_463, %get3A_233 : vector<16xf32>
        %add3A_465 = arith.addf %add3A_462, %mul3A_464 : vector<16xf32>
        %add3A_466 = arith.addf %add3A_463, %get3A_183 : vector<16xf32>
        %mul3A_467 = arith.mulf %add3A_466, %get3A_238 : vector<16xf32>
        %add3A_468 = arith.addf %add3A_465, %mul3A_467 : vector<16xf32>
        %add3A_469 = arith.addf %add3A_466, %get3A_188 : vector<16xf32>
        %mul3A_470 = arith.mulf %add3A_469, %get3A_243 : vector<16xf32>
        %add3A_471 = arith.addf %add3A_468, %mul3A_470 : vector<16xf32>
        %add3A_472 = arith.addf %add3A_469, %get3A_193 : vector<16xf32>
        %mul3A_473 = arith.mulf %add3A_472, %get3A_248 : vector<16xf32>
        %add3A_474 = arith.addf %add3A_471, %mul3A_473 : vector<16xf32>
        %add3A_475 = arith.addf %add3A_472, %get3A_198 : vector<16xf32>
        %mul3A_476 = arith.mulf %add3A_475, %get3A_253 : vector<16xf32>
        %add3A_477 = arith.addf %add3A_474, %mul3A_476 : vector<16xf32>
        %mul3A_478 = arith.mulf %scan3A_151, %add3A_272 : vector<16xf32>
        %mul3A_479 = arith.mulf %scan3A_152, %add3A_291 : vector<16xf32>
        %add3A_480 = arith.addf %mul3A_478, %mul3A_479 : vector<16xf32>
        %add3A_481 = arith.constant 0 : i32
        %add3A_482 = arith.addi %add3A_481, %scan3A_150 : i32
        %swap3A = arith.index_cast %add3A_482 : i32 to index
        %swap3A_483 = arith.constant 32 : index
        %swap3A_484 = tpu.vector_load %arg10[%swap3A, %swap3A_483] {strides = array<i32>} : memref<200x64xf32, #tpu.memory_space<vmem>>, vector<16xf32>,
        tpu.vector_store %arg10[%swap3A, %swap3A_483], %add3A_480 {strides = array<i32>} : memref<200x64xf32, #tpu.memory_space<vmem>>, vector<16xf32>,
        %mul3A_485 = arith.mulf %scan3A_151, %add3A_291 : vector<16xf32>
        %mul3A_486 = arith.mulf %scan3A_152, %add3A_310 : vector<16xf32>
        %add3A_487 = arith.addf %mul3A_485, %mul3A_486 : vector<16xf32>
        %add3A_488 = arith.constant 20 : i32
        %add3A_489 = arith.addi %add3A_488, %scan3A_150 : i32
        %swap3A_490 = arith.index_cast %add3A_489 : i32 to index
        %swap3A_491 = arith.constant 32 : index
        %swap3A_492 = tpu.vector_load %arg10[%swap3A_490, %swap3A_491] {strides = array<i32>} : memref<200x64xf32, #tpu.memory_space<vmem>>, vector<16xf32>,
        tpu.vector_store %arg10[%swap3A_490, %swap3A_491], %add3A_487 {strides = array<i32>} : memref<200x64xf32, #tpu.memory_space<vmem>>, vector<16xf32>,
        %mul3A_493 = arith.mulf %scan3A_151, %add3A_310 : vector<16xf32>
        %mul3A_494 = arith.mulf %scan3A_152, %add3A_329 : vector<16xf32>
        %add3A_495 = arith.addf %mul3A_493, %mul3A_494 : vector<16xf32>
        %add3A_496 = arith.constant 40 : i32
        %add3A_497 = arith.addi %add3A_496, %scan3A_150 : i32
        %swap3A_498 = arith.index_cast %add3A_497 : i32 to index
        %swap3A_499 = arith.constant 32 : index
        %swap3A_500 = tpu.vector_load %arg10[%swap3A_498, %swap3A_499] {strides = array<i32>} : memref<200x64xf32, #tpu.memory_space<vmem>>, vector<16xf32>,
        tpu.vector_store %arg10[%swap3A_498, %swap3A_499], %add3A_495 {strides = array<i32>} : memref<200x64xf32, #tpu.memory_space<vmem>>, vector<16xf32>,
        %mul3A_501 = arith.mulf %scan3A_151, %add3A_329 : vector<16xf32>
        %mul3A_502 = arith.mulf %scan3A_152, %add3A_348 : vector<16xf32>
        %add3A_503 = arith.addf %mul3A_501, %mul3A_502 : vector<16xf32>
        %add3A_504 = arith.constant 60 : i32
        %add3A_505 = arith.addi %add3A_504, %scan3A_150 : i32
        %swap3A_506 = arith.index_cast %add3A_505 : i32 to index
        %swap3A_507 = arith.constant 32 : index
        %swap3A_508 = tpu.vector_load %arg10[%swap3A_506, %swap3A_507] {strides = array<i32>} : memref<200x64xf32, #tpu.memory_space<vmem>>, vector<16xf32>,
        tpu.vector_store %arg10[%swap3A_506, %swap3A_507], %add3A_503 {strides = array<i32>} : memref<200x64xf32, #tpu.memory_space<vmem>>, vector<16xf32>,
        %mul3A_509 = arith.mulf %scan3A_151, %add3A_348 : vector<16xf32>
        %mul3A_510 = arith.mulf %scan3A_152, %add3A_367 : vector<16xf32>
        %add3A_511 = arith.addf %mul3A_509, %mul3A_510 : vector<16xf32>
        %add3A_512 = arith.constant 80 : i32
        %add3A_513 = arith.addi %add3A_512, %scan3A_150 : i32
        %swap3A_514 = arith.index_cast %add3A_513 : i32 to index
        %swap3A_515 = arith.constant 32 : index
        %swap3A_516 = tpu.vector_load %arg10[%swap3A_514, %swap3A_515] {strides = array<i32>} : memref<200x64xf32, #tpu.memory_space<vmem>>, vector<16xf32>,
        tpu.vector_store %arg10[%swap3A_514, %swap3A_515], %add3A_511 {strides = array<i32>} : memref<200x64xf32, #tpu.memory_space<vmem>>, vector<16xf32>,
        %mul3A_517 = arith.mulf %scan3A_151, %add3A_367 : vector<16xf32>
        %mul3A_518 = arith.mulf %scan3A_152, %add3A_386 : vector<16xf32>
        %add3A_519 = arith.addf %mul3A_517, %mul3A_518 : vector<16xf32>
        %add3A_520 = arith.constant 100 : i32
        %add3A_521 = arith.addi %add3A_520, %scan3A_150 : i32
        %swap3A_522 = arith.index_cast %add3A_521 : i32 to index
        %swap3A_523 = arith.constant 32 : index
        %swap3A_524 = tpu.vector_load %arg10[%swap3A_522, %swap3A_523] {strides = array<i32>} : memref<200x64xf32, #tpu.memory_space<vmem>>, vector<16xf32>,
        tpu.vector_store %arg10[%swap3A_522, %swap3A_523], %add3A_519 {strides = array<i32>} : memref<200x64xf32, #tpu.memory_space<vmem>>, vector<16xf32>,
        %mul3A_525 = arith.mulf %scan3A_151, %add3A_386 : vector<16xf32>
        %mul3A_526 = arith.mulf %scan3A_152, %add3A_405 : vector<16xf32>
        %add3A_527 = arith.addf %mul3A_525, %mul3A_526 : vector<16xf32>
        %add3A_528 = arith.constant 120 : i32
        %add3A_529 = arith.addi %add3A_528, %scan3A_150 : i32
        %swap3A_530 = arith.index_cast %add3A_529 : i32 to index
        %swap3A_531 = arith.constant 32 : index
        %swap3A_532 = tpu.vector_load %arg10[%swap3A_530, %swap3A_531] {strides = array<i32>} : memref<200x64xf32, #tpu.memory_space<vmem>>, vector<16xf32>,
        tpu.vector_store %arg10[%swap3A_530, %swap3A_531], %add3A_527 {strides = array<i32>} : memref<200x64xf32, #tpu.memory_space<vmem>>, vector<16xf32>,
        %mul3A_533 = arith.mulf %scan3A_151, %add3A_405 : vector<16xf32>
        %mul3A_534 = arith.mulf %scan3A_152, %add3A_424 : vector<16xf32>
        %add3A_535 = arith.addf %mul3A_533, %mul3A_534 : vector<16xf32>
        %add3A_536 = arith.constant 140 : i32
        %add3A_537 = arith.addi %add3A_536, %scan3A_150 : i32
        %swap3A_538 = arith.index_cast %add3A_537 : i32 to index
        %swap3A_539 = arith.constant 32 : index
        %swap3A_540 = tpu.vector_load %arg10[%swap3A_538, %swap3A_539] {strides = array<i32>} : memref<200x64xf32, #tpu.memory_space<vmem>>, vector<16xf32>,
        tpu.vector_store %arg10[%swap3A_538, %swap3A_539], %add3A_535 {strides = array<i32>} : memref<200x64xf32, #tpu.memory_space<vmem>>, vector<16xf32>,
        %mul3A_541 = arith.mulf %scan3A_151, %add3A_424 : vector<16xf32>
        %mul3A_542 = arith.mulf %scan3A_152, %add3A_443 : vector<16xf32>
        %add3A_543 = arith.addf %mul3A_541, %mul3A_542 : vector<16xf32>
        %add3A_544 = arith.constant 160 : i32
        %add3A_545 = arith.addi %add3A_544, %scan3A_150 : i32
        %swap3A_546 = arith.index_cast %add3A_545 : i32 to index
        %swap3A_547 = arith.constant 32 : index
        %swap3A_548 = tpu.vector_load %arg10[%swap3A_546, %swap3A_547] {strides = array<i32>} : memref<200x64xf32, #tpu.memory_space<vmem>>, vector<16xf32>,
        tpu.vector_store %arg10[%swap3A_546, %swap3A_547], %add3A_543 {strides = array<i32>} : memref<200x64xf32, #tpu.memory_space<vmem>>, vector<16xf32>,
        %mul3A_549 = arith.mulf %scan3A_151, %add3A_443 : vector<16xf32>
        %mul3A_550 = arith.mulf %scan3A_152, %add3A_272 : vector<16xf32>
        %add3A_551 = arith.addf %mul3A_549, %mul3A_550 : vector<16xf32>
        %add3A_552 = arith.constant 180 : i32
        %add3A_553 = arith.addi %add3A_552, %scan3A_150 : i32
        %swap3A_554 = arith.index_cast %add3A_553 : i32 to index
        %swap3A_555 = arith.constant 32 : index
        %swap3A_556 = tpu.vector_load %arg10[%swap3A_554, %swap3A_555] {strides = array<i32>} : memref<200x64xf32, #tpu.memory_space<vmem>>, vector<16xf32>,
        tpu.vector_store %arg10[%swap3A_554, %swap3A_555], %add3A_551 {strides = array<i32>} : memref<200x64xf32, #tpu.memory_space<vmem>>, vector<16xf32>,
        %sub3A = arith.subf %add3A_452, %add3A_477 : vector<16xf32>
        %mul3A_557 = arith.mulf %scan3A_151, %sub3A : vector<16xf32>
        %sub3A_558 = arith.subf %sub3A, %add3A_272 : vector<16xf32>
        %mul3A_559 = arith.mulf %scan3A_152, %sub3A_558 : vector<16xf32>
        %add3A_560 = arith.addf %mul3A_557, %mul3A_559 : vector<16xf32>
        %mul3A_561 = arith.mulf %scan3A_151, %add3A_477 : vector<16xf32>
        %add3A_562 = arith.addf %add3A_477, %add3A_272 : vector<16xf32>
        %mul3A_563 = arith.mulf %scan3A_152, %add3A_562 : vector<16xf32>
        %add3A_564 = arith.addf %mul3A_561, %mul3A_563 : vector<16xf32>
        %add3A_565 = arith.constant 0 : i32
        %add3A_566 = arith.addi %add3A_565, %scan3A_150 : i32
        %get3A_567 = arith.index_cast %add3A_566 : i32 to index
        %get3A_568 = arith.constant 48 : index
        %get3A_569 = tpu.vector_load %arg8[%get3A_567, %get3A_568] {strides = array<i32>} : memref<200x64xf32, #tpu.memory_space<vmem>>, vector<16xf32>,
        %add3A_570 = arith.constant 20 : i32
        %add3A_571 = arith.addi %add3A_570, %scan3A_150 : i32
        %get3A_572 = arith.index_cast %add3A_571 : i32 to index
        %get3A_573 = arith.constant 48 : index
        %get3A_574 = tpu.vector_load %arg8[%get3A_572, %get3A_573] {strides = array<i32>} : memref<200x64xf32, #tpu.memory_space<vmem>>, vector<16xf32>,
        %add3A_575 = arith.constant 40 : i32
        %add3A_576 = arith.addi %add3A_575, %scan3A_150 : i32
        %get3A_577 = arith.index_cast %add3A_576 : i32 to index
        %get3A_578 = arith.constant 48 : index
        %get3A_579 = tpu.vector_load %arg8[%get3A_577, %get3A_578] {strides = array<i32>} : memref<200x64xf32, #tpu.memory_space<vmem>>, vector<16xf32>,
        %add3A_580 = arith.constant 60 : i32
        %add3A_581 = arith.addi %add3A_580, %scan3A_150 : i32
        %get3A_582 = arith.index_cast %add3A_581 : i32 to index
        %get3A_583 = arith.constant 48 : index
        %get3A_584 = tpu.vector_load %arg8[%get3A_582, %get3A_583] {strides = array<i32>} : memref<200x64xf32, #tpu.memory_space<vmem>>, vector<16xf32>,
        %add3A_585 = arith.constant 80 : i32
        %add3A_586 = arith.addi %add3A_585, %scan3A_150 : i32
        %get3A_587 = arith.index_cast %add3A_586 : i32 to index
        %get3A_588 = arith.constant 48 : index
        %get3A_589 = tpu.vector_load %arg8[%get3A_587, %get3A_588] {strides = array<i32>} : memref<200x64xf32, #tpu.memory_space<vmem>>, vector<16xf32>,
        %add3A_590 = arith.constant 100 : i32
        %add3A_591 = arith.addi %add3A_590, %scan3A_150 : i32
        %get3A_592 = arith.index_cast %add3A_591 : i32 to index
        %get3A_593 = arith.constant 48 : index
        %get3A_594 = tpu.vector_load %arg8[%get3A_592, %get3A_593] {strides = array<i32>} : memref<200x64xf32, #tpu.memory_space<vmem>>, vector<16xf32>,
        %add3A_595 = arith.constant 120 : i32
        %add3A_596 = arith.addi %add3A_595, %scan3A_150 : i32
        %get3A_597 = arith.index_cast %add3A_596 : i32 to index
        %get3A_598 = arith.constant 48 : index
        %get3A_599 = tpu.vector_load %arg8[%get3A_597, %get3A_598] {strides = array<i32>} : memref<200x64xf32, #tpu.memory_space<vmem>>, vector<16xf32>,
        %add3A_600 = arith.constant 140 : i32
        %add3A_601 = arith.addi %add3A_600, %scan3A_150 : i32
        %get3A_602 = arith.index_cast %add3A_601 : i32 to index
        %get3A_603 = arith.constant 48 : index
        %get3A_604 = tpu.vector_load %arg8[%get3A_602, %get3A_603] {strides = array<i32>} : memref<200x64xf32, #tpu.memory_space<vmem>>, vector<16xf32>,
        %add3A_605 = arith.constant 160 : i32
        %add3A_606 = arith.addi %add3A_605, %scan3A_150 : i32
        %get3A_607 = arith.index_cast %add3A_606 : i32 to index
        %get3A_608 = arith.constant 48 : index
        %get3A_609 = tpu.vector_load %arg8[%get3A_607, %get3A_608] {strides = array<i32>} : memref<200x64xf32, #tpu.memory_space<vmem>>, vector<16xf32>,
        %add3A_610 = arith.constant 180 : i32
        %add3A_611 = arith.addi %add3A_610, %scan3A_150 : i32
        %get3A_612 = arith.index_cast %add3A_611 : i32 to index
        %get3A_613 = arith.constant 48 : index
        %get3A_614 = tpu.vector_load %arg8[%get3A_612, %get3A_613] {strides = array<i32>} : memref<200x64xf32, #tpu.memory_space<vmem>>, vector<16xf32>,
        %add3A_615 = arith.constant 0 : i32
        %add3A_616 = arith.addi %add3A_615, %scan3A_150 : i32
        %get3A_617 = arith.index_cast %add3A_616 : i32 to index
        %get3A_618 = arith.constant 48 : index
        %get3A_619 = tpu.vector_load %arg9[%get3A_617, %get3A_618] {strides = array<i32>} : memref<200x64xf32, #tpu.memory_space<vmem>>, vector<16xf32>,
        %add3A_620 = arith.constant 20 : i32
        %add3A_621 = arith.addi %add3A_620, %scan3A_150 : i32
        %get3A_622 = arith.index_cast %add3A_621 : i32 to index
        %get3A_623 = arith.constant 48 : index
        %get3A_624 = tpu.vector_load %arg9[%get3A_622, %get3A_623] {strides = array<i32>} : memref<200x64xf32, #tpu.memory_space<vmem>>, vector<16xf32>,
        %add3A_625 = arith.constant 40 : i32
        %add3A_626 = arith.addi %add3A_625, %scan3A_150 : i32
        %get3A_627 = arith.index_cast %add3A_626 : i32 to index
        %get3A_628 = arith.constant 48 : index
        %get3A_629 = tpu.vector_load %arg9[%get3A_627, %get3A_628] {strides = array<i32>} : memref<200x64xf32, #tpu.memory_space<vmem>>, vector<16xf32>,
        %add3A_630 = arith.constant 60 : i32
        %add3A_631 = arith.addi %add3A_630, %scan3A_150 : i32
        %get3A_632 = arith.index_cast %add3A_631 : i32 to index
        %get3A_633 = arith.constant 48 : index
        %get3A_634 = tpu.vector_load %arg9[%get3A_632, %get3A_633] {strides = array<i32>} : memref<200x64xf32, #tpu.memory_space<vmem>>, vector<16xf32>,
        %add3A_635 = arith.constant 80 : i32
        %add3A_636 = arith.addi %add3A_635, %scan3A_150 : i32
        %get3A_637 = arith.index_cast %add3A_636 : i32 to index
        %get3A_638 = arith.constant 48 : index
        %get3A_639 = tpu.vector_load %arg9[%get3A_637, %get3A_638] {strides = array<i32>} : memref<200x64xf32, #tpu.memory_space<vmem>>, vector<16xf32>,
        %add3A_640 = arith.constant 100 : i32
        %add3A_641 = arith.addi %add3A_640, %scan3A_150 : i32
        %get3A_642 = arith.index_cast %add3A_641 : i32 to index
        %get3A_643 = arith.constant 48 : index
        %get3A_644 = tpu.vector_load %arg9[%get3A_642, %get3A_643] {strides = array<i32>} : memref<200x64xf32, #tpu.memory_space<vmem>>, vector<16xf32>,
        %add3A_645 = arith.constant 120 : i32
        %add3A_646 = arith.addi %add3A_645, %scan3A_150 : i32
        %get3A_647 = arith.index_cast %add3A_646 : i32 to index
        %get3A_648 = arith.constant 48 : index
        %get3A_649 = tpu.vector_load %arg9[%get3A_647, %get3A_648] {strides = array<i32>} : memref<200x64xf32, #tpu.memory_space<vmem>>, vector<16xf32>,
        %add3A_650 = arith.constant 140 : i32
        %add3A_651 = arith.addi %add3A_650, %scan3A_150 : i32
        %get3A_652 = arith.index_cast %add3A_651 : i32 to index
        %get3A_653 = arith.constant 48 : index
        %get3A_654 = tpu.vector_load %arg9[%get3A_652, %get3A_653] {strides = array<i32>} : memref<200x64xf32, #tpu.memory_space<vmem>>, vector<16xf32>,
        %add3A_655 = arith.constant 160 : i32
        %add3A_656 = arith.addi %add3A_655, %scan3A_150 : i32
        %get3A_657 = arith.index_cast %add3A_656 : i32 to index
        %get3A_658 = arith.constant 48 : index
        %get3A_659 = tpu.vector_load %arg9[%get3A_657, %get3A_658] {strides = array<i32>} : memref<200x64xf32, #tpu.memory_space<vmem>>, vector<16xf32>,
        %add3A_660 = arith.constant 180 : i32
        %add3A_661 = arith.addi %add3A_660, %scan3A_150 : i32
        %get3A_662 = arith.index_cast %add3A_661 : i32 to index
        %get3A_663 = arith.constant 48 : index
        %get3A_664 = tpu.vector_load %arg9[%get3A_662, %get3A_663] {strides = array<i32>} : memref<200x64xf32, #tpu.memory_space<vmem>>, vector<16xf32>,
        %mul3A_665 = arith.mulf %get3A_569, %get3A_619 : vector<16xf32>
        %mul3A_666 = arith.mulf %get3A_574, %get3A_624 : vector<16xf32>
        %add3A_667 = arith.addf %mul3A_665, %mul3A_666 : vector<16xf32>
        %mul3A_668 = arith.mulf %get3A_579, %get3A_629 : vector<16xf32>
        %add3A_669 = arith.addf %add3A_667, %mul3A_668 : vector<16xf32>
        %mul3A_670 = arith.mulf %get3A_584, %get3A_634 : vector<16xf32>
        %add3A_671 = arith.addf %add3A_669, %mul3A_670 : vector<16xf32>
        %mul3A_672 = arith.mulf %get3A_589, %get3A_639 : vector<16xf32>
        %add3A_673 = arith.addf %add3A_671, %mul3A_672 : vector<16xf32>
        %mul3A_674 = arith.mulf %get3A_594, %get3A_644 : vector<16xf32>
        %add3A_675 = arith.addf %add3A_673, %mul3A_674 : vector<16xf32>
        %mul3A_676 = arith.mulf %get3A_599, %get3A_649 : vector<16xf32>
        %add3A_677 = arith.addf %add3A_675, %mul3A_676 : vector<16xf32>
        %mul3A_678 = arith.mulf %get3A_604, %get3A_654 : vector<16xf32>
        %add3A_679 = arith.addf %add3A_677, %mul3A_678 : vector<16xf32>
        %mul3A_680 = arith.mulf %get3A_609, %get3A_659 : vector<16xf32>
        %add3A_681 = arith.addf %add3A_679, %mul3A_680 : vector<16xf32>
        %mul3A_682 = arith.mulf %get3A_614, %get3A_664 : vector<16xf32>
        %add3A_683 = arith.addf %add3A_681, %mul3A_682 : vector<16xf32>
        %mul3A_684 = arith.mulf %get3A_569, %get3A_664 : vector<16xf32>
        %mul3A_685 = arith.mulf %get3A_574, %get3A_619 : vector<16xf32>
        %add3A_686 = arith.addf %mul3A_684, %mul3A_685 : vector<16xf32>
        %mul3A_687 = arith.mulf %get3A_579, %get3A_624 : vector<16xf32>
        %add3A_688 = arith.addf %add3A_686, %mul3A_687 : vector<16xf32>
        %mul3A_689 = arith.mulf %get3A_584, %get3A_629 : vector<16xf32>
        %add3A_690 = arith.addf %add3A_688, %mul3A_689 : vector<16xf32>
        %mul3A_691 = arith.mulf %get3A_589, %get3A_634 : vector<16xf32>
        %add3A_692 = arith.addf %add3A_690, %mul3A_691 : vector<16xf32>
        %mul3A_693 = arith.mulf %get3A_594, %get3A_639 : vector<16xf32>
        %add3A_694 = arith.addf %add3A_692, %mul3A_693 : vector<16xf32>
        %mul3A_695 = arith.mulf %get3A_599, %get3A_644 : vector<16xf32>
        %add3A_696 = arith.addf %add3A_694, %mul3A_695 : vector<16xf32>
        %mul3A_697 = arith.mulf %get3A_604, %get3A_649 : vector<16xf32>
        %add3A_698 = arith.addf %add3A_696, %mul3A_697 : vector<16xf32>
        %mul3A_699 = arith.mulf %get3A_609, %get3A_654 : vector<16xf32>
        %add3A_700 = arith.addf %add3A_698, %mul3A_699 : vector<16xf32>
        %mul3A_701 = arith.mulf %get3A_614, %get3A_659 : vector<16xf32>
        %add3A_702 = arith.addf %add3A_700, %mul3A_701 : vector<16xf32>
        %mul3A_703 = arith.mulf %get3A_569, %get3A_659 : vector<16xf32>
        %mul3A_704 = arith.mulf %get3A_574, %get3A_664 : vector<16xf32>
        %add3A_705 = arith.addf %mul3A_703, %mul3A_704 : vector<16xf32>
        %mul3A_706 = arith.mulf %get3A_579, %get3A_619 : vector<16xf32>
        %add3A_707 = arith.addf %add3A_705, %mul3A_706 : vector<16xf32>
        %mul3A_708 = arith.mulf %get3A_584, %get3A_624 : vector<16xf32>
        %add3A_709 = arith.addf %add3A_707, %mul3A_708 : vector<16xf32>
        %mul3A_710 = arith.mulf %get3A_589, %get3A_629 : vector<16xf32>
        %add3A_711 = arith.addf %add3A_709, %mul3A_710 : vector<16xf32>
        %mul3A_712 = arith.mulf %get3A_594, %get3A_634 : vector<16xf32>
        %add3A_713 = arith.addf %add3A_711, %mul3A_712 : vector<16xf32>
        %mul3A_714 = arith.mulf %get3A_599, %get3A_639 : vector<16xf32>
        %add3A_715 = arith.addf %add3A_713, %mul3A_714 : vector<16xf32>
        %mul3A_716 = arith.mulf %get3A_604, %get3A_644 : vector<16xf32>
        %add3A_717 = arith.addf %add3A_715, %mul3A_716 : vector<16xf32>
        %mul3A_718 = arith.mulf %get3A_609, %get3A_649 : vector<16xf32>
        %add3A_719 = arith.addf %add3A_717, %mul3A_718 : vector<16xf32>
        %mul3A_720 = arith.mulf %get3A_614, %get3A_654 : vector<16xf32>
        %add3A_721 = arith.addf %add3A_719, %mul3A_720 : vector<16xf32>
        %mul3A_722 = arith.mulf %get3A_569, %get3A_654 : vector<16xf32>
        %mul3A_723 = arith.mulf %get3A_574, %get3A_659 : vector<16xf32>
        %add3A_724 = arith.addf %mul3A_722, %mul3A_723 : vector<16xf32>
        %mul3A_725 = arith.mulf %get3A_579, %get3A_664 : vector<16xf32>
        %add3A_726 = arith.addf %add3A_724, %mul3A_725 : vector<16xf32>
        %mul3A_727 = arith.mulf %get3A_584, %get3A_619 : vector<16xf32>
        %add3A_728 = arith.addf %add3A_726, %mul3A_727 : vector<16xf32>
        %mul3A_729 = arith.mulf %get3A_589, %get3A_624 : vector<16xf32>
        %add3A_730 = arith.addf %add3A_728, %mul3A_729 : vector<16xf32>
        %mul3A_731 = arith.mulf %get3A_594, %get3A_629 : vector<16xf32>
        %add3A_732 = arith.addf %add3A_730, %mul3A_731 : vector<16xf32>
        %mul3A_733 = arith.mulf %get3A_599, %get3A_634 : vector<16xf32>
        %add3A_734 = arith.addf %add3A_732, %mul3A_733 : vector<16xf32>
        %mul3A_735 = arith.mulf %get3A_604, %get3A_639 : vector<16xf32>
        %add3A_736 = arith.addf %add3A_734, %mul3A_735 : vector<16xf32>
        %mul3A_737 = arith.mulf %get3A_609, %get3A_644 : vector<16xf32>
        %add3A_738 = arith.addf %add3A_736, %mul3A_737 : vector<16xf32>
        %mul3A_739 = arith.mulf %get3A_614, %get3A_649 : vector<16xf32>
        %add3A_740 = arith.addf %add3A_738, %mul3A_739 : vector<16xf32>
        %mul3A_741 = arith.mulf %get3A_569, %get3A_649 : vector<16xf32>
        %mul3A_742 = arith.mulf %get3A_574, %get3A_654 : vector<16xf32>
        %add3A_743 = arith.addf %mul3A_741, %mul3A_742 : vector<16xf32>
        %mul3A_744 = arith.mulf %get3A_579, %get3A_659 : vector<16xf32>
        %add3A_745 = arith.addf %add3A_743, %mul3A_744 : vector<16xf32>
        %mul3A_746 = arith.mulf %get3A_584, %get3A_664 : vector<16xf32>
        %add3A_747 = arith.addf %add3A_745, %mul3A_746 : vector<16xf32>
        %mul3A_748 = arith.mulf %get3A_589, %get3A_619 : vector<16xf32>
        %add3A_749 = arith.addf %add3A_747, %mul3A_748 : vector<16xf32>
        %mul3A_750 = arith.mulf %get3A_594, %get3A_624 : vector<16xf32>
        %add3A_751 = arith.addf %add3A_749, %mul3A_750 : vector<16xf32>
        %mul3A_752 = arith.mulf %get3A_599, %get3A_629 : vector<16xf32>
        %add3A_753 = arith.addf %add3A_751, %mul3A_752 : vector<16xf32>
        %mul3A_754 = arith.mulf %get3A_604, %get3A_634 : vector<16xf32>
        %add3A_755 = arith.addf %add3A_753, %mul3A_754 : vector<16xf32>
        %mul3A_756 = arith.mulf %get3A_609, %get3A_639 : vector<16xf32>
        %add3A_757 = arith.addf %add3A_755, %mul3A_756 : vector<16xf32>
        %mul3A_758 = arith.mulf %get3A_614, %get3A_644 : vector<16xf32>
        %add3A_759 = arith.addf %add3A_757, %mul3A_758 : vector<16xf32>
        %mul3A_760 = arith.mulf %get3A_569, %get3A_644 : vector<16xf32>
        %mul3A_761 = arith.mulf %get3A_574, %get3A_649 : vector<16xf32>
        %add3A_762 = arith.addf %mul3A_760, %mul3A_761 : vector<16xf32>
        %mul3A_763 = arith.mulf %get3A_579, %get3A_654 : vector<16xf32>
        %add3A_764 = arith.addf %add3A_762, %mul3A_763 : vector<16xf32>
        %mul3A_765 = arith.mulf %get3A_584, %get3A_659 : vector<16xf32>
        %add3A_766 = arith.addf %add3A_764, %mul3A_765 : vector<16xf32>
        %mul3A_767 = arith.mulf %get3A_589, %get3A_664 : vector<16xf32>
        %add3A_768 = arith.addf %add3A_766, %mul3A_767 : vector<16xf32>
        %mul3A_769 = arith.mulf %get3A_594, %get3A_619 : vector<16xf32>
        %add3A_770 = arith.addf %add3A_768, %mul3A_769 : vector<16xf32>
        %mul3A_771 = arith.mulf %get3A_599, %get3A_624 : vector<16xf32>
        %add3A_772 = arith.addf %add3A_770, %mul3A_771 : vector<16xf32>
        %mul3A_773 = arith.mulf %get3A_604, %get3A_629 : vector<16xf32>
        %add3A_774 = arith.addf %add3A_772, %mul3A_773 : vector<16xf32>
        %mul3A_775 = arith.mulf %get3A_609, %get3A_634 : vector<16xf32>
        %add3A_776 = arith.addf %add3A_774, %mul3A_775 : vector<16xf32>
        %mul3A_777 = arith.mulf %get3A_614, %get3A_639 : vector<16xf32>
        %add3A_778 = arith.addf %add3A_776, %mul3A_777 : vector<16xf32>
        %mul3A_779 = arith.mulf %get3A_569, %get3A_639 : vector<16xf32>
        %mul3A_780 = arith.mulf %get3A_574, %get3A_644 : vector<16xf32>
        %add3A_781 = arith.addf %mul3A_779, %mul3A_780 : vector<16xf32>
        %mul3A_782 = arith.mulf %get3A_579, %get3A_649 : vector<16xf32>
        %add3A_783 = arith.addf %add3A_781, %mul3A_782 : vector<16xf32>
        %mul3A_784 = arith.mulf %get3A_584, %get3A_654 : vector<16xf32>
        %add3A_785 = arith.addf %add3A_783, %mul3A_784 : vector<16xf32>
        %mul3A_786 = arith.mulf %get3A_589, %get3A_659 : vector<16xf32>
        %add3A_787 = arith.addf %add3A_785, %mul3A_786 : vector<16xf32>
        %mul3A_788 = arith.mulf %get3A_594, %get3A_664 : vector<16xf32>
        %add3A_789 = arith.addf %add3A_787, %mul3A_788 : vector<16xf32>
        %mul3A_790 = arith.mulf %get3A_599, %get3A_619 : vector<16xf32>
        %add3A_791 = arith.addf %add3A_789, %mul3A_790 : vector<16xf32>
        %mul3A_792 = arith.mulf %get3A_604, %get3A_624 : vector<16xf32>
        %add3A_793 = arith.addf %add3A_791, %mul3A_792 : vector<16xf32>
        %mul3A_794 = arith.mulf %get3A_609, %get3A_629 : vector<16xf32>
        %add3A_795 = arith.addf %add3A_793, %mul3A_794 : vector<16xf32>
        %mul3A_796 = arith.mulf %get3A_614, %get3A_634 : vector<16xf32>
        %add3A_797 = arith.addf %add3A_795, %mul3A_796 : vector<16xf32>
        %mul3A_798 = arith.mulf %get3A_569, %get3A_634 : vector<16xf32>
        %mul3A_799 = arith.mulf %get3A_574, %get3A_639 : vector<16xf32>
        %add3A_800 = arith.addf %mul3A_798, %mul3A_799 : vector<16xf32>
        %mul3A_801 = arith.mulf %get3A_579, %get3A_644 : vector<16xf32>
        %add3A_802 = arith.addf %add3A_800, %mul3A_801 : vector<16xf32>
        %mul3A_803 = arith.mulf %get3A_584, %get3A_649 : vector<16xf32>
        %add3A_804 = arith.addf %add3A_802, %mul3A_803 : vector<16xf32>
        %mul3A_805 = arith.mulf %get3A_589, %get3A_654 : vector<16xf32>
        %add3A_806 = arith.addf %add3A_804, %mul3A_805 : vector<16xf32>
        %mul3A_807 = arith.mulf %get3A_594, %get3A_659 : vector<16xf32>
        %add3A_808 = arith.addf %add3A_806, %mul3A_807 : vector<16xf32>
        %mul3A_809 = arith.mulf %get3A_599, %get3A_664 : vector<16xf32>
        %add3A_810 = arith.addf %add3A_808, %mul3A_809 : vector<16xf32>
        %mul3A_811 = arith.mulf %get3A_604, %get3A_619 : vector<16xf32>
        %add3A_812 = arith.addf %add3A_810, %mul3A_811 : vector<16xf32>
        %mul3A_813 = arith.mulf %get3A_609, %get3A_624 : vector<16xf32>
        %add3A_814 = arith.addf %add3A_812, %mul3A_813 : vector<16xf32>
        %mul3A_815 = arith.mulf %get3A_614, %get3A_629 : vector<16xf32>
        %add3A_816 = arith.addf %add3A_814, %mul3A_815 : vector<16xf32>
        %mul3A_817 = arith.mulf %get3A_569, %get3A_629 : vector<16xf32>
        %mul3A_818 = arith.mulf %get3A_574, %get3A_634 : vector<16xf32>
        %add3A_819 = arith.addf %mul3A_817, %mul3A_818 : vector<16xf32>
        %mul3A_820 = arith.mulf %get3A_579, %get3A_639 : vector<16xf32>
        %add3A_821 = arith.addf %add3A_819, %mul3A_820 : vector<16xf32>
        %mul3A_822 = arith.mulf %get3A_584, %get3A_644 : vector<16xf32>
        %add3A_823 = arith.addf %add3A_821, %mul3A_822 : vector<16xf32>
        %mul3A_824 = arith.mulf %get3A_589, %get3A_649 : vector<16xf32>
        %add3A_825 = arith.addf %add3A_823, %mul3A_824 : vector<16xf32>
        %mul3A_826 = arith.mulf %get3A_594, %get3A_654 : vector<16xf32>
        %add3A_827 = arith.addf %add3A_825, %mul3A_826 : vector<16xf32>
        %mul3A_828 = arith.mulf %get3A_599, %get3A_659 : vector<16xf32>
        %add3A_829 = arith.addf %add3A_827, %mul3A_828 : vector<16xf32>
        %mul3A_830 = arith.mulf %get3A_604, %get3A_664 : vector<16xf32>
        %add3A_831 = arith.addf %add3A_829, %mul3A_830 : vector<16xf32>
        %mul3A_832 = arith.mulf %get3A_609, %get3A_619 : vector<16xf32>
        %add3A_833 = arith.addf %add3A_831, %mul3A_832 : vector<16xf32>
        %mul3A_834 = arith.mulf %get3A_614, %get3A_624 : vector<16xf32>
        %add3A_835 = arith.addf %add3A_833, %mul3A_834 : vector<16xf32>
        %mul3A_836 = arith.mulf %get3A_569, %get3A_624 : vector<16xf32>
        %mul3A_837 = arith.mulf %get3A_574, %get3A_629 : vector<16xf32>
        %add3A_838 = arith.addf %mul3A_836, %mul3A_837 : vector<16xf32>
        %mul3A_839 = arith.mulf %get3A_579, %get3A_634 : vector<16xf32>
        %add3A_840 = arith.addf %add3A_838, %mul3A_839 : vector<16xf32>
        %mul3A_841 = arith.mulf %get3A_584, %get3A_639 : vector<16xf32>
        %add3A_842 = arith.addf %add3A_840, %mul3A_841 : vector<16xf32>
        %mul3A_843 = arith.mulf %get3A_589, %get3A_644 : vector<16xf32>
        %add3A_844 = arith.addf %add3A_842, %mul3A_843 : vector<16xf32>
        %mul3A_845 = arith.mulf %get3A_594, %get3A_649 : vector<16xf32>
        %add3A_846 = arith.addf %add3A_844, %mul3A_845 : vector<16xf32>
        %mul3A_847 = arith.mulf %get3A_599, %get3A_654 : vector<16xf32>
        %add3A_848 = arith.addf %add3A_846, %mul3A_847 : vector<16xf32>
        %mul3A_849 = arith.mulf %get3A_604, %get3A_659 : vector<16xf32>
        %add3A_850 = arith.addf %add3A_848, %mul3A_849 : vector<16xf32>
        %mul3A_851 = arith.mulf %get3A_609, %get3A_664 : vector<16xf32>
        %add3A_852 = arith.addf %add3A_850, %mul3A_851 : vector<16xf32>
        %mul3A_853 = arith.mulf %get3A_614, %get3A_619 : vector<16xf32>
        %add3A_854 = arith.addf %add3A_852, %mul3A_853 : vector<16xf32>
        %add3A_855 = arith.addf %add3A_683, %add3A_702 : vector<16xf32>
        %add3A_856 = arith.addf %add3A_855, %add3A_721 : vector<16xf32>
        %add3A_857 = arith.addf %add3A_856, %add3A_740 : vector<16xf32>
        %add3A_858 = arith.addf %add3A_857, %add3A_759 : vector<16xf32>
        %add3A_859 = arith.addf %add3A_858, %add3A_778 : vector<16xf32>
        %add3A_860 = arith.addf %add3A_859, %add3A_797 : vector<16xf32>
        %add3A_861 = arith.addf %add3A_860, %add3A_816 : vector<16xf32>
        %add3A_862 = arith.addf %add3A_861, %add3A_835 : vector<16xf32>
        %add3A_863 = arith.addf %add3A_862, %add3A_854 : vector<16xf32>
        %mul3A_864 = arith.mulf %get3A_569, %get3A_624 : vector<16xf32>
        %add3A_865 = arith.addf %get3A_569, %get3A_574 : vector<16xf32>
        %mul3A_866 = arith.mulf %add3A_865, %get3A_629 : vector<16xf32>
        %add3A_867 = arith.addf %mul3A_864, %mul3A_866 : vector<16xf32>
        %add3A_868 = arith.addf %add3A_865, %get3A_579 : vector<16xf32>
        %mul3A_869 = arith.mulf %add3A_868, %get3A_634 : vector<16xf32>
        %add3A_870 = arith.addf %add3A_867, %mul3A_869 : vector<16xf32>
        %add3A_871 = arith.addf %add3A_868, %get3A_584 : vector<16xf32>
        %mul3A_872 = arith.mulf %add3A_871, %get3A_639 : vector<16xf32>
        %add3A_873 = arith.addf %add3A_870, %mul3A_872 : vector<16xf32>
        %add3A_874 = arith.addf %add3A_871, %get3A_589 : vector<16xf32>
        %mul3A_875 = arith.mulf %add3A_874, %get3A_644 : vector<16xf32>
        %add3A_876 = arith.addf %add3A_873, %mul3A_875 : vector<16xf32>
        %add3A_877 = arith.addf %add3A_874, %get3A_594 : vector<16xf32>
        %mul3A_878 = arith.mulf %add3A_877, %get3A_649 : vector<16xf32>
        %add3A_879 = arith.addf %add3A_876, %mul3A_878 : vector<16xf32>
        %add3A_880 = arith.addf %add3A_877, %get3A_599 : vector<16xf32>
        %mul3A_881 = arith.mulf %add3A_880, %get3A_654 : vector<16xf32>
        %add3A_882 = arith.addf %add3A_879, %mul3A_881 : vector<16xf32>
        %add3A_883 = arith.addf %add3A_880, %get3A_604 : vector<16xf32>
        %mul3A_884 = arith.mulf %add3A_883, %get3A_659 : vector<16xf32>
        %add3A_885 = arith.addf %add3A_882, %mul3A_884 : vector<16xf32>
        %add3A_886 = arith.addf %add3A_883, %get3A_609 : vector<16xf32>
        %mul3A_887 = arith.mulf %add3A_886, %get3A_664 : vector<16xf32>
        %add3A_888 = arith.addf %add3A_885, %mul3A_887 : vector<16xf32>
        %mul3A_889 = arith.mulf %scan3A_153, %add3A_683 : vector<16xf32>
        %mul3A_890 = arith.mulf %scan3A_154, %add3A_702 : vector<16xf32>
        %add3A_891 = arith.addf %mul3A_889, %mul3A_890 : vector<16xf32>
        %add3A_892 = arith.constant 0 : i32
        %add3A_893 = arith.addi %add3A_892, %scan3A_150 : i32
        %swap3A_894 = arith.index_cast %add3A_893 : i32 to index
        %swap3A_895 = arith.constant 48 : index
        %swap3A_896 = tpu.vector_load %arg10[%swap3A_894, %swap3A_895] {strides = array<i32>} : memref<200x64xf32, #tpu.memory_space<vmem>>, vector<16xf32>,
        tpu.vector_store %arg10[%swap3A_894, %swap3A_895], %add3A_891 {strides = array<i32>} : memref<200x64xf32, #tpu.memory_space<vmem>>, vector<16xf32>,
        %mul3A_897 = arith.mulf %scan3A_153, %add3A_702 : vector<16xf32>
        %mul3A_898 = arith.mulf %scan3A_154, %add3A_721 : vector<16xf32>
        %add3A_899 = arith.addf %mul3A_897, %mul3A_898 : vector<16xf32>
        %add3A_900 = arith.constant 20 : i32
        %add3A_901 = arith.addi %add3A_900, %scan3A_150 : i32
        %swap3A_902 = arith.index_cast %add3A_901 : i32 to index
        %swap3A_903 = arith.constant 48 : index
        %swap3A_904 = tpu.vector_load %arg10[%swap3A_902, %swap3A_903] {strides = array<i32>} : memref<200x64xf32, #tpu.memory_space<vmem>>, vector<16xf32>,
        tpu.vector_store %arg10[%swap3A_902, %swap3A_903], %add3A_899 {strides = array<i32>} : memref<200x64xf32, #tpu.memory_space<vmem>>, vector<16xf32>,
        %mul3A_905 = arith.mulf %scan3A_153, %add3A_721 : vector<16xf32>
        %mul3A_906 = arith.mulf %scan3A_154, %add3A_740 : vector<16xf32>
        %add3A_907 = arith.addf %mul3A_905, %mul3A_906 : vector<16xf32>
        %add3A_908 = arith.constant 40 : i32
        %add3A_909 = arith.addi %add3A_908, %scan3A_150 : i32
        %swap3A_910 = arith.index_cast %add3A_909 : i32 to index
        %swap3A_911 = arith.constant 48 : index
        %swap3A_912 = tpu.vector_load %arg10[%swap3A_910, %swap3A_911] {strides = array<i32>} : memref<200x64xf32, #tpu.memory_space<vmem>>, vector<16xf32>,
        tpu.vector_store %arg10[%swap3A_910, %swap3A_911], %add3A_907 {strides = array<i32>} : memref<200x64xf32, #tpu.memory_space<vmem>>, vector<16xf32>,
        %mul3A_913 = arith.mulf %scan3A_153, %add3A_740 : vector<16xf32>
        %mul3A_914 = arith.mulf %scan3A_154, %add3A_759 : vector<16xf32>
        %add3A_915 = arith.addf %mul3A_913, %mul3A_914 : vector<16xf32>
        %add3A_916 = arith.constant 60 : i32
        %add3A_917 = arith.addi %add3A_916, %scan3A_150 : i32
        %swap3A_918 = arith.index_cast %add3A_917 : i32 to index
        %swap3A_919 = arith.constant 48 : index
        %swap3A_920 = tpu.vector_load %arg10[%swap3A_918, %swap3A_919] {strides = array<i32>} : memref<200x64xf32, #tpu.memory_space<vmem>>, vector<16xf32>,
        tpu.vector_store %arg10[%swap3A_918, %swap3A_919], %add3A_915 {strides = array<i32>} : memref<200x64xf32, #tpu.memory_space<vmem>>, vector<16xf32>,
        %mul3A_921 = arith.mulf %scan3A_153, %add3A_759 : vector<16xf32>
        %mul3A_922 = arith.mulf %scan3A_154, %add3A_778 : vector<16xf32>
        %add3A_923 = arith.addf %mul3A_921, %mul3A_922 : vector<16xf32>
        %add3A_924 = arith.constant 80 : i32
        %add3A_925 = arith.addi %add3A_924, %scan3A_150 : i32
        %swap3A_926 = arith.index_cast %add3A_925 : i32 to index
        %swap3A_927 = arith.constant 48 : index
        %swap3A_928 = tpu.vector_load %arg10[%swap3A_926, %swap3A_927] {strides = array<i32>} : memref<200x64xf32, #tpu.memory_space<vmem>>, vector<16xf32>,
        tpu.vector_store %arg10[%swap3A_926, %swap3A_927], %add3A_923 {strides = array<i32>} : memref<200x64xf32, #tpu.memory_space<vmem>>, vector<16xf32>,
        %mul3A_929 = arith.mulf %scan3A_153, %add3A_778 : vector<16xf32>
        %mul3A_930 = arith.mulf %scan3A_154, %add3A_797 : vector<16xf32>
        %add3A_931 = arith.addf %mul3A_929, %mul3A_930 : vector<16xf32>
        %add3A_932 = arith.constant 100 : i32
        %add3A_933 = arith.addi %add3A_932, %scan3A_150 : i32
        %swap3A_934 = arith.index_cast %add3A_933 : i32 to index
        %swap3A_935 = arith.constant 48 : index
        %swap3A_936 = tpu.vector_load %arg10[%swap3A_934, %swap3A_935] {strides = array<i32>} : memref<200x64xf32, #tpu.memory_space<vmem>>, vector<16xf32>,
        tpu.vector_store %arg10[%swap3A_934, %swap3A_935], %add3A_931 {strides = array<i32>} : memref<200x64xf32, #tpu.memory_space<vmem>>, vector<16xf32>,
        %mul3A_937 = arith.mulf %scan3A_153, %add3A_797 : vector<16xf32>
        %mul3A_938 = arith.mulf %scan3A_154, %add3A_816 : vector<16xf32>
        %add3A_939 = arith.addf %mul3A_937, %mul3A_938 : vector<16xf32>
        %add3A_940 = arith.constant 120 : i32
        %add3A_941 = arith.addi %add3A_940, %scan3A_150 : i32
        %swap3A_942 = arith.index_cast %add3A_941 : i32 to index
        %swap3A_943 = arith.constant 48 : index
        %swap3A_944 = tpu.vector_load %arg10[%swap3A_942, %swap3A_943] {strides = array<i32>} : memref<200x64xf32, #tpu.memory_space<vmem>>, vector<16xf32>,
        tpu.vector_store %arg10[%swap3A_942, %swap3A_943], %add3A_939 {strides = array<i32>} : memref<200x64xf32, #tpu.memory_space<vmem>>, vector<16xf32>,
        %mul3A_945 = arith.mulf %scan3A_153, %add3A_816 : vector<16xf32>
        %mul3A_946 = arith.mulf %scan3A_154, %add3A_835 : vector<16xf32>
        %add3A_947 = arith.addf %mul3A_945, %mul3A_946 : vector<16xf32>
        %add3A_948 = arith.constant 140 : i32
        %add3A_949 = arith.addi %add3A_948, %scan3A_150 : i32
        %swap3A_950 = arith.index_cast %add3A_949 : i32 to index
        %swap3A_951 = arith.constant 48 : index
        %swap3A_952 = tpu.vector_load %arg10[%swap3A_950, %swap3A_951] {strides = array<i32>} : memref<200x64xf32, #tpu.memory_space<vmem>>, vector<16xf32>,
        tpu.vector_store %arg10[%swap3A_950, %swap3A_951], %add3A_947 {strides = array<i32>} : memref<200x64xf32, #tpu.memory_space<vmem>>, vector<16xf32>,
        %mul3A_953 = arith.mulf %scan3A_153, %add3A_835 : vector<16xf32>
        %mul3A_954 = arith.mulf %scan3A_154, %add3A_854 : vector<16xf32>
        %add3A_955 = arith.addf %mul3A_953, %mul3A_954 : vector<16xf32>
        %add3A_956 = arith.constant 160 : i32
        %add3A_957 = arith.addi %add3A_956, %scan3A_150 : i32
        %swap3A_958 = arith.index_cast %add3A_957 : i32 to index
        %swap3A_959 = arith.constant 48 : index
        %swap3A_960 = tpu.vector_load %arg10[%swap3A_958, %swap3A_959] {strides = array<i32>} : memref<200x64xf32, #tpu.memory_space<vmem>>, vector<16xf32>,
        tpu.vector_store %arg10[%swap3A_958, %swap3A_959], %add3A_955 {strides = array<i32>} : memref<200x64xf32, #tpu.memory_space<vmem>>, vector<16xf32>,
        %mul3A_961 = arith.mulf %scan3A_153, %add3A_854 : vector<16xf32>
        %mul3A_962 = arith.mulf %scan3A_154, %add3A_683 : vector<16xf32>
        %add3A_963 = arith.addf %mul3A_961, %mul3A_962 : vector<16xf32>
        %add3A_964 = arith.constant 180 : i32
        %add3A_965 = arith.addi %add3A_964, %scan3A_150 : i32
        %swap3A_966 = arith.index_cast %add3A_965 : i32 to index
        %swap3A_967 = arith.constant 48 : index
        %swap3A_968 = tpu.vector_load %arg10[%swap3A_966, %swap3A_967] {strides = array<i32>} : memref<200x64xf32, #tpu.memory_space<vmem>>, vector<16xf32>,
        tpu.vector_store %arg10[%swap3A_966, %swap3A_967], %add3A_963 {strides = array<i32>} : memref<200x64xf32, #tpu.memory_space<vmem>>, vector<16xf32>,
        %sub3A_969 = arith.subf %add3A_863, %add3A_888 : vector<16xf32>
        %mul3A_970 = arith.mulf %scan3A_153, %sub3A_969 : vector<16xf32>
        %sub3A_971 = arith.subf %sub3A_969, %add3A_683 : vector<16xf32>
        %mul3A_972 = arith.mulf %scan3A_154, %sub3A_971 : vector<16xf32>
        %add3A_973 = arith.addf %mul3A_970, %mul3A_972 : vector<16xf32>
        %mul3A_974 = arith.mulf %scan3A_153, %add3A_888 : vector<16xf32>
        %add3A_975 = arith.addf %add3A_888, %add3A_683 : vector<16xf32>
        %mul3A_976 = arith.mulf %scan3A_154, %add3A_975 : vector<16xf32>
        %add3A_977 = arith.addf %mul3A_974, %mul3A_976 : vector<16xf32>
        scf.yield %add3A_560, %add3A_564, %add3A_973, %add3A_977 : vector<16xf32>, vector<16xf32>, vector<16xf32>, vector<16xf32>
      }
      %scan3A_142 = arith.constant 20 : i32
      %mul3A_143 = arith.constant 64 : i32
      %mul3A_144 = arith.muli %add3A_90, %mul3A_143 : i32
      %add3A_145 = arith.addi %mul3A_2, %mul3A_144 : i32
      %dma_start3A_146 = arith.constant 0 : i32
      %dma_start3A_147 = tpu.memref_slice %arg4[%dma_start3A_146, %add3A_145] : memref<200x16384xf32, #tpu.memory_space<hbm>> -> memref<200x64xf32, #tpu.memory_space<hbm>>
      %dma_start3A_148 = arith.constant 0 : i32
      %dma_start3A_149 = tpu.memref_slice %arg4[%dma_start3A_148, %add3A_145] : memref<200x16384xf32, #tpu.memory_space<hbm>> -> memref<200x64xf32, #tpu.memory_space<hbm>>
      tpu.enqueue_dma source(%arg10 : memref<200x64xf32, #tpu.memory_space<vmem>>) target(%dma_start3A_149 : memref<200x64xf32, #tpu.memory_space<hbm>>) target_semaphore(%arg14 : memref<!tpu.dma_semaphore, #tpu.memory_space<semaphore_mem>>)
    }
    %scan3A_16 = arith.constant 4 : i32
    %add3A_17 = arith.constant 384 : i32
    %add3A_18 = arith.addi %mul3A_2, %add3A_17 : i32
    %dma_wait3A = arith.constant 0 : i32
    %dma_wait3A_19 = tpu.memref_slice %arg4[%dma_wait3A, %add3A_18] : memref<200x16384xf32, #tpu.memory_space<hbm>> -> memref<200x64xf32, #tpu.memory_space<hbm>>
    %dma_wait3A_20 = arith.constant 0 : i32
    %dma_wait3A_21 = tpu.memref_slice %arg4[%dma_wait3A_20, %add3A_18] : memref<200x16384xf32, #tpu.memory_space<hbm>> -> memref<200x64xf32, #tpu.memory_space<hbm>>
    tpu.wait_dma2 semaphore(%arg13 : memref<!tpu.dma_semaphore, #tpu.memory_space<semaphore_mem>>) src(%arg7 : memref<200x64xf32, #tpu.memory_space<vmem>>) dst(%dma_wait3A_21 : memref<200x64xf32, #tpu.memory_space<hbm>>)
    %add3A_22 = arith.constant 448 : i32
    %add3A_23 = arith.addi %mul3A_2, %add3A_22 : i32
    %dma_wait3A_24 = arith.constant 0 : i32
    %dma_wait3A_25 = tpu.memref_slice %arg4[%dma_wait3A_24, %add3A_23] : memref<200x16384xf32, #tpu.memory_space<hbm>> -> memref<200x64xf32, #tpu.memory_space<hbm>>
    %dma_wait3A_26 = arith.constant 0 : i32
    %dma_wait3A_27 = tpu.memref_slice %arg4[%dma_wait3A_26, %add3A_23] : memref<200x16384xf32, #tpu.memory_space<hbm>> -> memref<200x64xf32, #tpu.memory_space<hbm>>
    tpu.wait_dma2 semaphore(%arg14 : memref<!tpu.dma_semaphore, #tpu.memory_space<semaphore_mem>>) src(%arg10 : memref<200x64xf32, #tpu.memory_space<vmem>>) dst(%dma_wait3A_27 : memref<200x64xf32, #tpu.memory_space<hbm>>)
    return
  }
}

</mosaic_0001>

<sc_bundles>
// kernel: kernel.3.cloned.1.call-start
scs
__scs_entry_jumppad:
0x0: {  	(pc) =	sbr.rel $0x88, $3  }
0x1: {  	(tag) =	ssettag $0x0;
	lr =	simm.s32 $0x1  }
0x2: {  	[smem:$0x3F9F] =	sst lr;
	_ =	strace $0xD0000000  }
0x3: {  	_ = 	snop  }
0x4: {  	_ = 	snop  }
0x5: {  	_ = 	snop  }
0x6: {  	_ = 	snop  }
0x7: {  	_ = 	snop  }
__scs_overlays_trampoline_lowered:
0x8: {  	[smem:$0x3FAE] =	sst s0  }
0x9: {  	[smem:$0x3FAF] =	sst s1  }
0xa: {  	[smem:$0x3FB0] =	sst s2  }
0xb: {  	[smem:$0x3FB1] =	sst s3  }
0xc: {  	[smem:$0x3FB2] =	sst s4  }
0xd: {  	[smem:$0x3FB3] =	sst s5  }
0xe: {  	[smem:$0x3FB4] =	sst s6  }
0xf: {  	[smem:$0x3FB5] =	sst s7  }
0x10: {  	[smem:$0x3FB6] =	sst s8  }
0x11: {  	[smem:$0x3FB7] =	sst s9;
	s0 =	simm.s32 @!p0 $0x0  }
0x12: {  	s1 =	sld [smem:$0x3F9D];
	s0 =	simm.s32 @p0 $0x1  }
0x13: {  	[smem:$0x3FB8] =	sst s0;
	s0 =	simm.s32 @!p1 $0x0  }
0x14: {  	s2 =	sld [smem:$0x3F9C];
	s0 =	simm.s32 @p1 $0x1  }
0x15: {  	[smem:$0x3FB9] =	sst s0;
	s0 =	simm.s32 @!p2 $0x0  }
0x16: {  	s3 =	sld [smem:$0x3FDB];
	s0 =	simm.s32 @p2 $0x1  }
0x17: {  	s4 =	simm.s32 $0x1BF5;
	[smem:$0x3FBB] =	sst s0  }
0x18: {  	s0 =	sld [smem:$0x3F9E];
	_ =	swait.ge [sflag:s4], $0x0  }
0x19: {  	s7 =	sld [smem:$0x3F9F]  }
0x1a: {  	s8 =	sadd.s32 $0xFFFFE003, lr  }
0x1b: {  	s9 =	sadd.s32 $0xFFFFFEF7, lr;
	s5 =	simm.s32 $0xFFFFFFFF;
	p2 =	slt.u32 s8, $0xFFFFF086  }
0x1c: {  	p1 =	slt.u32 s9, $0xF7A;
	s5 =	simm.s32 @!p2 $0x0  }
0x1d: {  	s5 =	simm.s32 @p1 $0x1;
	p0 =	seq.s32 s7, s2  }
0x1e: {  	s7 =	smul.u32 @!p0 $0xF7A, s2;
	p2 =	seq.s32 @!p0 s5, $0x0  }
0x1f: {  	s9 =	smul.u32 $0xF7A, s1;
	s8 =	simm.s32 @!p0 $0x1BF5;
	p2 =	por !p2, p0  }
0x20: {  	[sflag:s8] =	ssyncset.s32 @!p0 $0xFFFFF086;
	s6 =	sadd.s32 @!p0 s3, s7;
	s7 =	simm.s32 @!p0 $0x108  }
0x21: {  	s3 =	sadd.s32 s3, s9;
	s6 =	sadd.s32 @!p0 $0x88, s6;
	s7 =	simm.s32 @p2 $0x1082  }
0x22: {  	[simem:s7], [sflag:s8] =	dma.local @!p0 [hbm:s6], $0xF7A  }
0x23: {  	s9 =	sor.u32 $0xD0000000, s2;
	s6 =	simm.s32 $0x108;
	_ =	swait.ge @!p0 [sflag:s8], $0x0  }
0x24: {  	s3 =	sadd.s32 $0x88, s3;
	s6 =	simm.s32 @!p1 $0x1082;
	[sflag:s4] =	ssyncset.s32 $0xFFFFF086  }
0x25: {  	[simem:s6], [sflag:s4] =	dma.local [hbm:s3], $0xF7A  }
0x26: {  	[smem:$0x3F9F] =	sst s1;
	(tag) =	ssettag s2;
	_ =	strace s9  }
0x27: {  	s1 =	sld [smem:$0x3FAF]  }
0x28: {  	s2 =	sld [smem:$0x3FB0]  }
0x29: {  	s4 =	sld [smem:$0x3FB2]  }
0x2a: {  	p0 =	seq.s32 s5, $0x0;
	s5 =	sld [smem:$0x3FB3]  }
0x2b: {  	s6 =	sld [smem:$0x3FB4]  }
0x2c: {  	s7 =	sld [smem:$0x3FB5]  }
0x2d: {  	s3 =	simm.s32 $0x108;
	s8 =	sld [smem:$0x3FB6]  }
0x2e: {  	s3 =	simm.s32 @!p0 $0x1082;
	s9 =	sld [smem:$0x3FB7]  }
0x2f: {  	lr =	sadd.s32 s0, s3;
	s0 =	sld [smem:$0x3FAE]  }
0x30: {  	s3 =	sld [smem:$0x3FB1]  }
0x31: {  	[smem:$0x3FBA] =	sst s10  }
0x32: {  	s10 =	sld [smem:$0x3FB8];
	_ =	sdelay $0x3  }
0x33: {  	p0 =	seq.s32 s10, $0x1;
	s10 =	sld [smem:$0x3FBA];
	_ =	sdelay $0x3  }
0x34: {  	[smem:$0x3FBA] =	sst s10  }
0x35: {  	s10 =	sld [smem:$0x3FB9];
	_ =	sdelay $0x3  }
0x36: {  	p1 =	seq.s32 s10, $0x1;
	s10 =	sld [smem:$0x3FBA];
	_ =	sdelay $0x3  }
0x37: {  	[smem:$0x3FBA] =	sst s10  }
0x38: {  	s10 =	sld [smem:$0x3FBB]  }
0x39: {  	_ = 	snop;
	(pc) =	sbr.ind lr, $3  }
0x3a: {  	_ = 	snop  }
0x3b: {  	_ = 	snop  }
0x3c: {  	p2 =	seq.s32 s10, $0x1;
	s10 =	sld [smem:$0x3FBA]  }
0x3d: {  	_ =	shalt  }
0x3e: {  	_ =	shalt  }
0x3f: {  	_ =	shalt  }
0x40: {  	_ =	shalt  }
0x41: {  	_ =	shalt  }
0x42: {  	_ =	shalt  }
0x43: {  	_ =	shalt  }
0x44: {  	_ =	shalt  }
0x45: {  	_ =	shalt  }
0x46: {  	_ =	shalt  }
0x47: {  	_ =	shalt  }
0x48: {  	_ =	shalt  }
0x49: {  	_ =	shalt  }
0x4a: {  	_ =	shalt  }
0x4b: {  	_ =	shalt  }
0x4c: {  	_ =	shalt  }
0x4d: {  	_ =	shalt  }
0x4e: {  	_ =	shalt  }
0x4f: {  	_ =	shalt  }
0x50: {  	_ =	shalt  }
0x51: {  	_ =	shalt  }
0x52: {  	_ =	shalt  }
0x53: {  	_ =	shalt  }
0x54: {  	_ =	shalt  }
0x55: {  	_ =	shalt  }
0x56: {  	_ =	shalt  }
0x57: {  	_ =	shalt  }
0x58: {  	_ =	shalt  }
0x59: {  	_ =	shalt  }
0x5a: {  	_ =	shalt  }
0x5b: {  	_ =	shalt  }
0x5c: {  	_ =	shalt  }
0x5d: {  	_ =	shalt  }
0x5e: {  	_ =	shalt  }
0x5f: {  	_ =	shalt  }
0x60: {  	_ =	shalt  }
0x61: {  	_ =	shalt  }
0x62: {  	_ =	shalt  }
0x63: {  	_ =	shalt  }
0x64: {  	_ =	shalt  }
0x65: {  	_ =	shalt  }
0x66: {  	_ =	shalt  }
0x67: {  	_ =	shalt  }
0x68: {  	_ =	shalt  }
0x69: {  	_ =	shalt  }
0x6a: {  	_ =	shalt  }
0x6b: {  	_ =	shalt  }
0x6c: {  	_ =	shalt  }
0x6d: {  	_ =	shalt  }
0x6e: {  	_ =	shalt  }
0x6f: {  	_ =	shalt  }
0x70: {  	_ =	shalt  }
0x71: {  	_ =	shalt  }
0x72: {  	_ =	shalt  }
0x73: {  	_ =	shalt  }
0x74: {  	_ =	shalt  }
0x75: {  	_ =	shalt  }
0x76: {  	_ =	shalt  }
0x77: {  	_ =	shalt  }
0x78: {  	_ =	shalt  }
0x79: {  	_ =	shalt  }
0x7a: {  	_ =	shalt  }
0x7b: {  	_ =	shalt  }
0x7c: {  	_ =	shalt  }
0x7d: {  	_ =	shalt  }
0x7e: {  	_ =	shalt  }
0x7f: {  	_ =	shalt  }
0x80: {  	_ =	shalt  }
0x81: {  	_ =	shalt  }
0x82: {  	_ =	shalt  }
0x83: {  	_ =	shalt  }
0x84: {  	_ =	shalt  }
0x85: {  	_ =	shalt  }
0x86: {  	_ =	shalt  }
0x87: {  	_ =	shalt  }
.Lfunc_end0:
.L_simem_size_0:
called_computation_lowered:
.L_overlay_start_0:
0x88: {  	s2 =	sld [smem:$0x3FD9]  }
0x89: {  	s3 =	sld [smem:$0x3FFE];
	_ =	sdelay $0x1  }
0x8a: {  	s1 =	srdreg.scid  }
0x8b: {  	s0 =	sand.u32 $0x1, s1  }
0x8c: {  	s17 =	sshll.u32 s0, $0xA;
	s2 =	sadd.s32 s3, s2  }
0x8d: {  	s2 =	sadd.s32 s2, s17  }
0x8e: {  	[smem:$0x3FC6] =	sst s2  }
0x8f: {  	_ = 	snop  }
0x90: {  	s2 =	sld [smem:$0x3FD0];
	(tm) =	ssettm $0x1  }
0x91: {  	s18 =	sld [smem:$0x3FFB];
	_ =	sdelay $0x3  }
0x92: {  	_ =	strace s18  }
0x93: {  	s3 =	sld [smem:$0x3FFC];
	_ =	sdelay $0x3  }
0x94: {  	_ =	strace s3  }
0x95: {  	s3 =	sld [smem:$0x3FFD];
	_ =	sdelay $0x3  }
0x96: {  	_ =	strace s3  }
0x97: {  	_ =	strace $0x8FFFFFFF  }
0x98: {  	s19 =	sld [smem:$0x3FDB];
	_ =	sdelay $0x1  }
0x99: {  	s4 =	simm.s32 $_scs_section_size  }
0x9a: {  	s5 =	simm.s32 $_size__tile_overlayer_lowered;
	s6 =	simm.s32 $_tile_overlayer_lowered  }
0x9b: {  	s22 =	simm.s32 $0x1BFF;
	s21 =	sshll.u32 s6, $0x1;
	s3 =	sadd.s32 s4, s19  }
0x9c: {  	s7 =	simm.s32 $0x0;
	s20 =	sshll.u32 s5, $0x1;
	s5 =	sadd.s32 s21, s3  }
0x9d: {  	[timem:s7], [sflag:s22] =	dma.local [hbm:s5], s20  }
0x9e: {  	_ =	swait.ge [sflag:s22], s20  }
0x9f: {  	s4 =	ssub.s32 $0x0, s20;
	[sflag:s22] =	ssyncset.done $0x0  }
0xa0: {  	[sflag:s22] =	ssyncadd.s32 s4;
	_ =	sdelay $0x1  }
0xa1: {  	s23 =	simm.s32 $0x1B8B  }
0xa2: {  	_ =	swait.ge [sflag:s23], $0x1  }
0xa3: {  	[sflag:s23] =	ssyncset.done $0x0  }
0xa4: {  	s25 =	simm.s32 $0x1B8E;
	s24 =	sld [smem:$0x3FFE];
	[sflag:s23] =	ssyncadd.s32 $0xFFFFFFFF  }
0xa5: {  	s26 =	simm.s32 $execute0_lowered;
	[smem:$0x3FD2] =	sst s25  }
0xa6: {  	s5 =	sshll.u32 s26, $0x1;
	_ =	strace $0x80000046;
	[dreg:$0x1] =	wrdreg $0xFFFFFFFF  }
0xa7: {  	s28 =	simm.s32 $_size_execute0_lowered;
	s3 =	sadd.s32 s3, s5;
	[dreg:$0x0] =	wrdreg $0x0  }
0xa8: {  	s5 =	sshll.u32 s28, $0x1;
	[dreg:$0x2] =	wrdreg s3  }
0xa9: {  	[dreg:$0x3] =	wrdreg s5  }
0xaa: {  	[dreg:$0x4] =	wrdreg $0xC0  }
0xab: {  	_ =	task [dreg:s7], $0x5FFFF  }
0xac: {  	[dreg:$0x1] =	wrdreg $0xFFFFFFFF  }
0xad: {  	[dreg:$0x0] =	wrdreg $0x60  }
0xae: {  	[dreg:$0x2] =	wrdreg s2  }
0xaf: {  	[dreg:$0x3] =	wrdreg s24  }
0xb0: {  	[dreg:$0x4] =	wrdreg $0x9  }
0xb1: {  	_ =	task.clear_ibuf [dreg:s7], $0x5FFFF;
	_ =	strace $0x90000046  }
0xb2: {  	s29 =	simm.s32 $0x9;
	_ =	strace $0x80000048  }
0xb3: {  	_ =	swait.ge [sflag:s29], $0x1  }
0xb4: {  	[sflag:s29] =	ssyncadd.s32 $0xFFFFFFFF  }
0xb5: {  	_ =	strace $0x90000048  }
0xb6: {  	_ =	sfence  }
0xb7: {  	s30 =	sld [smem:$0x0];
	_ =	sdelay $0x2  }
0xb8: {  	s31 =	sshll.u32 s1, $0xD;
	s1 =	sshrl.u32 s1, $0x2  }
0xb9: {  	s3 =	sand.u32 $0x4000, s31;
	s1 =	sadd.s32 s1, s30  }
0xba: {  	s0 =	sor.u32 s3, s0;
	s1 =	sshll.u32 s1, $0x11  }
0xbb: {  	s0 =	sor.u32 s1, s0  }
0xbc: {  	s0 =	sadd.s32 $0x8F2B, s0  }
0xbd: {  	[sflag:s0] =	ssyncadd.remote.s32 $0x1  }
0xbe: {  	_ =	sfence.sel $0xFFFF  }
0xbf: {  	[dreg:$0x0] =	wrdreg $0xFFFFFFFF;
	(pc) =	sbr.abs _section_cstart, $3  }
0xc0: {  	[dreg:$0x1] =	wrdreg $0xFFFFFFFF  }
0xc1: {  	_ =	task.clear_ibuf [dreg:s7], $0x2FFFF;
	_ =	strace $0x9FFFFFFF  }
0xc2: {  	(tm) =	ssettm $0x7FFFFFFF  }
0xc3: {  	_ =	shalt  }
tec
execute0_lowered:
.L_overlay_start_1:
0x0: {  	(tag) =	ssettag $0x1  }
0x1: {  	s1 =	rddreg [dreg:$0x0]  }
0x2: {  	s6 =	rddreg [dreg:$0x1]  }
0x3: {  	s0 =	rddreg [dreg:$0x2];
	s3 =	simm.s32 $0x0;
	s4 =	srdreg.scid  }
0x4: {  	s2 =	stileid.u32;
	s12 =	simm.s32 $0x40;
	s13 =	simm.s32 $0x4000  }
0x5: {  	s14 =	simm.s32 $0x3200;
	s15 =	simm.s32 $0x1;
	s16 =	simm.s32 $0x9600  }
0x6: {  	s17 =	simm.s32 $0xC800;
	s18 =	simm.s32 $0x6400;
	s19 =	simm.s32 $0x2  }
0x7: {  	s20 =	simm.s32 $0xFA00;
	s21 =	simm.s32 $0x3;
	s22 =	simm.s32 $0x4  }
0x8: {  	s23 =	simm.s32 $0x0;
	[smem:$0x7FF] =	sst s3;
	s5 =	sand.u32 $0x1, s4  }
0x9: {  	s7 =	sshll.u32 s2, $0xA;
	s4 =	sadd.s32 $0x1400, s6;
	s8 =	sshll.u32 s5, $0x9  }
0xa: {  	s6 =	sadd.s32 $0x65400, s6;
	s9 =	ssub.s32 $0x2, s5;
	s5 =	sor.u32 s8, s7  }
0xb: {  	_ =	strace $0x80000047;
	s31 =	sshrl.u32 s9, $0x1;
	s8 =	sshrl.u32 s5, $0x3  }
0xc: {  	s11 =	ssub.s32 s9, s31;
	s9 =	sor.u32 $0x40, s5;
	s10 =	sor.u32 $0x80, s5  }
0xd: {  	s7 =	sadd.s32 s1, s8;
	s8 =	sadd.s32 s4, s8;
	s11 =	smax.u32 s11, $0x1  }
.LBB2_1:
0xe: {  	[tilespmem:s3], [sflag:$0x1] =	stream.strided.gather [hbm4b:s7+s12], $0x3200, s13, s12, $0x38;
	[tilespmem:$0x12C00] =	vst v63  }
0xf: {  	s24 =	simm.s32 $0x0  }
0x10: {  	[tilespmem:s14], [sflag:$0x1] =	stream.strided.gather [hbm4b:s8+s12], $0x3200, s13, s12, $0x38;
	[tilespmem:$0x12C00] =	vst v63  }
.LBB2_2:
0x11: {  	_ =	swait.ge [sflag:s15], $0x3200  }
0x12: {  	[sflag:s15] =	ssyncset.done $0x0  }
0x13: {  	s26 =	sshll.u32 s24, $0x7;
	[sflag:s15] =	ssyncadd.s32 $0xFFFFCE00  }
0x14: {  	s25 =	sadd.s32 s9, s26;
	_ =	swait.ge [sflag:s15], $0x3200  }
0x15: {  	s25 =	sshrl.u32 s25, $0x3;
	[sflag:s15] =	ssyncset.done $0x0  }
0x16: {  	s28 =	sadd.s32 s1, s25;
	[sflag:s15] =	ssyncadd.s32 $0xFFFFCE00  }
0x17: {  	[tilespmem:s16], [sflag:$0x2] =	stream.strided.gather [hbm4b:s28+s12], $0x3200, s13, s12, $0x38;
	[tilespmem:$0x12C00] =	vst v63  }
0x18: {  	p0 =	seq.s32 s24, $0x0;
	s28 =	sadd.s32 s4, s25  }
0x19: {  	[tilespmem:s17], [sflag:$0x2] =	stream.strided.gather [hbm4b:s28+s12], $0x3200, s13, s12, $0x38;
	[tilespmem:$0x12C00] =	vst v63  }
0x1a: {  	s28 =	simm.s32 @!p0 $0x3  }
0x1b: {  	_ =	swait.ge @!p0 [sflag:s28], $0x3200  }
0x1c: {  	v1 =	vimm.f32 $1.000000000e+00;
	v0 =	vimm.f32 $0.0e+00;
	v2 =	vimm.f32 $0.0e+00;
	[sflag:s28] =	ssyncset.done @!p0 $0x0  }
0x1d: {  	s29 =	simm.s32 $0xFFFFEC00;
	v3 =	vimm.f32 $1.000000000e+00;
	v4 =	vimm.f32 $0.0e+00;
	v5 =	vimm.f32 $1.000000000e+00;
	[sflag:s28] =	ssyncadd.s32 @!p0 $0xFFFFCE00;
	s28 =	simm.s32 $0xFFFFEC00  }
.LBB2_3:
0x1e: {  	s30 =	sshra.s32 s29, $0x2  }
0x1f: {  	v22 =	vld [tilespmem:s30+$0x500]  }
0x20: {  	v24 =	vld [tilespmem:s30+$0xA00]  }
0x21: {  	v20 =	vld [tilespmem:s30+$0xF00]  }
0x22: {  	v7 =	vld [tilespmem:s30+$0x3700]  }
0x23: {  	v26 =	vld [tilespmem:s30+$0x3C00]  }
0x24: {  	v16 =	vld [tilespmem:s30+$0x1400]  }
0x25: {  	v21 =	vld [tilespmem:s30+$0x4100]  }
0x26: {  	v11 =	vld [tilespmem:s30+$0x1900]  }
0x27: {  	v17 =	vld [tilespmem:s30+$0x4600]  }
0x28: {  	v10 =	vld [tilespmem:s30+$0x1E00]  }
0x29: {  	v15 =	vld [tilespmem:s30+$0x4B00]  }
0x2a: {  	v8 =	vld [tilespmem:s30+$0x6400]  }
0x2b: {  	v13 =	vld [tilespmem:s30+$0x5000]  }
0x2c: {  	v14 =	vld [tilespmem:s30+$0x2300]  }
0x2d: {  	v12 =	vld [tilespmem:s30+$0x5500]  }
0x2e: {  	v6 =	vmul.f32 v7, v22;
	v9 =	vmul.f32 v26, v24  }
0x2f: {  	v58 =	vmul.f32 v21, v20;
	v59 =	vmul.f32 v17, v16  }
0x30: {  	v19 =	vmul.f32 v15, v11;
	v23 =	vmul.f32 v8, v22  }
0x31: {  	v25 =	vmul.f32 v7, v24;
	v27 =	vmul.f32 v13, v10  }
0x32: {  	v18 =	vld [tilespmem:s30+$0x2800];
	v60 =	vmul.f32 v26, v20;
	v61 =	vmul.f32 v12, v14  }
0x33: {  	v28 =	vmul.f32 v21, v16;
	v30 =	vmul.f32 v8, v24  }
0x34: {  	v63 =	vmul.f32 v17, v11;
	v33 =	vmul.f32 v7, v20  }
0x35: {  	v34 =	vmul.f32 v15, v10;
	v35 =	vmul.f32 v26, v16  }
0x36: {  	v37 =	vmul.f32 v13, v14;
	v38 =	vmul.f32 v21, v11  }
0x37: {  	v40 =	vmul.f32 v12, v18;
	v41 =	vmul.f32 v17, v10  }
0x38: {  	v44 =	vmul.f32 v15, v14;
	v45 =	vmul.f32 v8, v20;
	v6 =	vadd.f32 v9, v6  }
0x39: {  	v46 =	vmul.f32 v12, v22;
	v48 =	vmul.f32 v7, v16;
	v9 =	vld [tilespmem:s30+$0x5F00];
	v23 =	vadd.f32 v23, v25  }
0x3a: {  	v49 =	vmul.f32 v13, v18;
	v51 =	vmul.f32 v26, v11;
	v6 =	vadd.f32 v58, v6  }
0x3b: {  	v52 =	vmul.f32 v8, v16;
	v54 =	vmul.f32 v21, v10;
	v25 =	vadd.f32 v23, v60;
	v23 =	vld [tilespmem:s30+$0x2D00]  }
0x3c: {  	v55 =	vmul.f32 v7, v11;
	v56 =	vmul.f32 v17, v14;
	v6 =	vadd.f32 v59, v6  }
0x3d: {  	v58 =	vmul.f32 v26, v10;
	v60 =	vmul.f32 v12, v24;
	v62 =	vadd.f32 v25, v28;
	v25 =	vld [tilespmem:s30+$0x3200]  }
0x3e: {  	v59 =	vmul.f32 v13, v22;
	v29 =	vmul.f32 v9, v22;
	v6 =	vadd.f32 v19, v6  }
0x3f: {  	v32 =	vmul.f32 v9, v24;
	v50 =	vmul.f32 v9, v20;
	v19 =	vld [tilespmem:s30+$0x5A00]  }
0x40: {  	v36 =	vmul.f32 v9, v23;
	v6 =	vadd.f32 v27, v6;
	v27 =	vadd.f32 v62, v63  }
0x41: {  	v29 =	vadd.f32 v30, v29;
	v53 =	vmul.f32 v12, v23;
	v63 =	vmul.f32 v13, v23  }
0x42: {  	v39 =	vmul.f32 v8, v25;
	v6 =	vadd.f32 v61, v6;
	v27 =	vadd.f32 v27, v34  }
0x43: {  	v34 =	vmul.f32 v9, v25;
	v61 =	vadd.f32 v60, v59;
	v59 =	vmul.f32 v13, v16  }
0x44: {  	v29 =	vadd.f32 v29, v33;
	v60 =	vmul.f32 v15, v25;
	v31 =	vmul.f32 v19, v18  }
0x45: {  	v42 =	vmul.f32 v19, v22;
	v43 =	vmul.f32 v19, v23  }
0x46: {  	v29 =	vadd.f32 v29, v35;
	v33 =	vmul.f32 v19, v24;
	v57 =	vmul.f32 v19, v25  }
0x47: {  	v35 =	vmul.f32 v15, v18;
	v62 =	vmul.f32 v19, v20;
	v27 =	vadd.f32 v27, v37  }
0x48: {  	v37 =	vmul.f32 v9, v16;
	v6 =	vadd.f32 v31, v6;
	v29 =	vadd.f32 v29, v38  }
0x49: {  	v31 =	vadd.f32 v32, v42;
	v28 =	vadd.f32 v33, v46;
	v38 =	vmul.f32 v15, v22  }
0x4a: {  	v42 =	vmul.f32 v12, v20;
	v46 =	vmul.f32 v13, v25;
	v27 =	vadd.f32 v27, v40  }
0x4b: {  	v40 =	vmul.f32 v8, v11;
	v6 =	vadd.f32 v36, v6;
	v29 =	vadd.f32 v29, v41  }
0x4c: {  	v47 =	vadd.f32 v45, v31;
	v36 =	vmul.f32 v21, v14;
	v41 =	vmul.f32 v15, v23  }
0x4d: {  	v28 =	vadd.f32 v50, v28;
	v45 =	vmul.f32 v19, v16;
	v50 =	vmul.f32 v17, v23  }
0x4e: {  	v27 =	vadd.f32 v27, v43;
	v43 =	vmul.f32 v12, v25;
	v6 =	vadd.f32 v39, v6  }
0x4f: {  	v29 =	vadd.f32 v29, v44;
	v30 =	vadd.f32 v47, v48;
	v39 =	vmul.f32 v13, v24  }
0x50: {  	v28 =	vadd.f32 v52, v28;
	v44 =	vmul.f32 v7, v10;
	v47 =	vmul.f32 v26, v14  }
0x51: {  	v48 =	vmul.f32 v9, v11;
	v27 =	vadd.f32 v27, v34;
	v29 =	vadd.f32 v29, v49  }
0x52: {  	v52 =	vmul.f32 v17, v22;
	v30 =	vadd.f32 v30, v51;
	v28 =	vadd.f32 v28, v55  }
0x53: {  	v33 =	vadd.f32 v39, v38;
	v49 =	vmul.f32 v21, v18;
	v51 =	vmul.f32 v8, v10  }
0x54: {  	v38 =	vmul.f32 v7, v14;
	v55 =	vmul.f32 v13, v20;
	v29 =	vadd.f32 v29, v53  }
0x55: {  	v39 =	vmul.f32 v17, v25;
	v30 =	vadd.f32 v30, v54;
	v32 =	vadd.f32 v28, v58  }
0x56: {  	v33 =	vadd.f32 v42, v33;
	v53 =	vmul.f32 v15, v24;
	v54 =	vmul.f32 v21, v22  }
0x57: {  	v58 =	vmul.f32 v26, v18;
	v30 =	vadd.f32 v30, v56;
	v28 =	vadd.f32 v29, v57  }
0x58: {  	v42 =	vmul.f32 v8, v14;
	v32 =	vadd.f32 v32, v36;
	v29 =	vadd.f32 v62, v61  }
0x59: {  	v36 =	vmul.f32 v17, v18;
	v33 =	vadd.f32 v45, v33;
	v31 =	vadd.f32 v53, v52  }
0x5a: {  	v56 =	vmul.f32 v15, v20;
	v45 =	vmul.f32 v26, v22;
	v22 =	vadd.f32 v24, v22  }
0x5b: {  	v57 =	vmul.f32 v12, v16;
	v30 =	vadd.f32 v30, v35;
	v32 =	vadd.f32 v32, v36  }
0x5c: {  	v61 =	vmul.f32 v19, v11;
	v29 =	vadd.f32 v37, v29;
	v33 =	vadd.f32 v48, v33  }
0x5d: {  	v37 =	vmul.f32 v17, v24;
	v31 =	vadd.f32 v55, v31;
	v30 =	vadd.f32 v30, v63  }
0x5e: {  	v62 =	vmul.f32 v12, v11;
	v29 =	vadd.f32 v40, v29;
	v32 =	vadd.f32 v32, v41  }
0x5f: {  	v52 =	vmul.f32 v21, v25;
	v33 =	vadd.f32 v51, v33;
	v34 =	vadd.f32 v37, v54  }
0x60: {  	v31 =	vadd.f32 v57, v31;
	v63 =	vmul.f32 v21, v23;
	v40 =	vmul.f32 v9, v10  }
0x61: {  	v41 =	vmul.f32 v19, v10;
	v51 =	vmul.f32 v15, v16;
	v29 =	vadd.f32 v29, v44  }
0x62: {  	v54 =	vmul.f32 v13, v11;
	v30 =	vadd.f32 v30, v43;
	v32 =	vadd.f32 v32, v46  }
0x63: {  	v57 =	vmul.f32 v12, v10;
	v33 =	vadd.f32 v33, v38;
	v34 =	vadd.f32 v56, v34  }
0x64: {  	v31 =	vadd.f32 v61, v31;
	v43 =	vmul.f32 v7, v18;
	v44 =	vmul.f32 v9, v14  }
0x65: {  	v46 =	vmul.f32 v21, v24;
	v29 =	vadd.f32 v29, v47;
	v33 =	vadd.f32 v33, v58  }
0x66: {  	v21 =	vmul.f32 v21, v22;
	v34 =	vadd.f32 v59, v34;
	v31 =	vadd.f32 v40, v31  }
0x67: {  	v47 =	vmul.f32 v8, v18;
	v48 =	vadd.f32 v46, v45;
	v40 =	vmul.f32 v26, v23  }
0x68: {  	v26 =	vmul.f32 v26, v25;
	v58 =	vadd.f32 v27, v6;
	v59 =	vmul.f32 v19, v14  }
0x69: {  	v21 =	vadd.f32 v21, v45;
	v45 =	vmul.f32 v28, v5;
	v29 =	vadd.f32 v29, v49  }
0x6a: {  	v46 =	vmul.f32 v30, v4;
	v34 =	vadd.f32 v62, v34;
	v33 =	vadd.f32 v33, v63  }
0x6b: {  	v31 =	vadd.f32 v42, v31;
	v49 =	vmul.f32 v17, v20;
	v20 =	vadd.f32 v20, v22  }
0x6c: {  	v62 =	vmul.f32 v9, v18;
	v42 =	vmul.f32 v27, v4;
	v29 =	vadd.f32 v29, v50  }
0x6d: {  	v34 =	vadd.f32 v41, v34;
	v31 =	vadd.f32 v31, v43;
	v50 =	vmul.f32 v7, v23  }
0x6e: {  	v33 =	vadd.f32 v33, v39;
	v37 =	vadd.f32 v49, v48;
	v17 =	vmul.f32 v17, v20  }
0x6f: {  	v16 =	vadd.f32 v16, v20;
	v7 =	vmul.f32 v7, v25;
	v41 =	vmul.f32 v6, v5  }
0x70: {  	v43 =	vmul.f32 v27, v5;
	v29 =	vadd.f32 v29, v60;
	v34 =	vadd.f32 v44, v34  }
0x71: {  	v48 =	vmul.f32 v32, v4;
	v31 =	vadd.f32 v31, v40;
	v53 =	vadd.f32 v51, v37  }
0x72: {  	v49 =	vmul.f32 v32, v5;
	v60 =	vadd.f32 v58, v28;
	v11 =	vadd.f32 v11, v16  }
0x73: {  	v17 =	vadd.f32 v17, v21;
	v15 =	vmul.f32 v15, v16;
	v34 =	vadd.f32 v47, v34  }
0x74: {  	v44 =	vmul.f32 v28, v4;
	v55 =	vadd.f32 v31, v52;
	v56 =	vadd.f32 v54, v53  }
0x75: {  	v61 =	vadd.f32 v60, v30;
	v10 =	vadd.f32 v10, v11;
	v11 =	vmul.f32 v13, v11  }
0x76: {  	v38 =	vld [tilespmem:s30+$0x5510];
	v15 =	vadd.f32 v15, v17;
	v47 =	vmul.f32 v30, v5;
	v51 =	vmul.f32 v29, v5  }
0x77: {  	v22 =	vld [tilespmem:s30+$0x1410];
	v52 =	vmul.f32 v33, v4;
	v34 =	vadd.f32 v34, v50;
	v24 =	vadd.f32 v57, v56  }
0x78: {  	v25 =	vld [tilespmem:s30+$0x1910];
	v53 =	vmul.f32 v33, v5;
	v63 =	vadd.f32 v61, v32;
	v14 =	vadd.f32 v14, v10  }
0x79: {  	v27 =	vld [tilespmem:s30+$0x1E10];
	v11 =	vadd.f32 v11, v15;
	v10 =	vmul.f32 v12, v10;
	v26 =	vadd.f32 v34, v26  }
0x7a: {  	v21 =	vld [tilespmem:s30+$0x510];
	v50 =	vmul.f32 v29, v4;
	v24 =	vadd.f32 v59, v24;
	v31 =	vadd.f32 v63, v29  }
0x7b: {  	v28 =	vld [tilespmem:s30+$0x2310];
	v54 =	vmul.f32 v55, v4;
	v36 =	vadd.f32 v18, v14;
	v10 =	vadd.f32 v10, v11  }
0x7c: {  	v39 =	vmul.f32 v19, v14;
	v11 =	vadd.f32 v44, v43;
	v19 =	vld [tilespmem:s30+$0x6410];
	v24 =	vadd.f32 v62, v24  }
0x7d: {  	v34 =	vmul.f32 v8, v23;
	v35 =	vadd.f32 v31, v33;
	v40 =	vadd.f32 v23, v36;
	v23 =	vld [tilespmem:s30+$0xF10]  }
0x7e: {  	v14 =	vadd.f32 v49, v50;
	v10 =	vadd.f32 v39, v10;
	v9 =	vmul.f32 v9, v36;
	v31 =	vld [tilespmem:s30+$0x4110]  }
0x7f: {  	v44 =	vmul.f32 v6, v4;
	v33 =	vld [tilespmem:s30+$0x4610];
	v37 =	vadd.f32 v34, v24;
	v12 =	vadd.f32 v35, v55  }
0x80: {  	v30 =	vld [tilespmem:s30+$0x3C10];
	v49 =	vmul.f32 v38, v28;
	v56 =	vmul.f32 v26, v4;
	v9 =	vadd.f32 v9, v10  }
0x81: {  	v39 =	vld [tilespmem:s30+$0x3210];
	v8 =	vmul.f32 v8, v40;
	v20 =	vadd.f32 v37, v7;
	v7 =	vadd.f32 v12, v26  }
0x82: {  	v24 =	vld [tilespmem:s30+$0xA10];
	v55 =	vmul.f32 v55, v5;
	v61 =	vmul.f32 v19, v21  }
0x83: {  	v26 =	vmul.f32 v26, v5;
	v36 =	vadd.f32 v7, v20;
	v7 =	vadd.f32 v8, v9;
	v9 =	vld [tilespmem:s30+$0x3710]  }
0x84: {  	v13 =	vadd.f32 v47, v48;
	v34 =	vld [tilespmem:s30+$0x4B10];
	v60 =	vmul.f32 v31, v23;
	v63 =	vmul.f32 v33, v22  }
0x85: {  	v35 =	vld [tilespmem:s30+$0x5010];
	v12 =	vadd.f32 v45, v46;
	v45 =	vmul.f32 v30, v23;
	v47 =	vmul.f32 v31, v22  }
0x86: {  	v17 =	vadd.f32 v55, v56;
	v43 =	vmul.f32 v33, v25;
	v56 =	vmul.f32 v19, v39  }
0x87: {  	v15 =	vadd.f32 v51, v52;
	v32 =	vld [tilespmem:s30+$0x5F10];
	v59 =	vmul.f32 v20, v4;
	v20 =	vmul.f32 v20, v5  }
0x88: {  	v16 =	vadd.f32 v53, v54;
	v37 =	vld [tilespmem:s30+$0x2D10];
	v58 =	vmul.f32 v30, v24;
	v57 =	vmul.f32 v9, v21  }
0x89: {  	v10 =	vadd.f32 v42, v41;
	v46 =	vmul.f32 v34, v25;
	v62 =	vmul.f32 v9, v24  }
0x8a: {  	v29 =	vld [tilespmem:s30+$0x2810];
	v42 =	vmul.f32 v35, v27;
	v18 =	vadd.f32 v26, v59;
	v8 =	vadd.f32 v58, v57  }
0x8b: {  	v50 =	vmul.f32 v34, v27;
	v41 =	vsub.f32 v36, v7;
	v36 =	vld [tilespmem:s30+$0x5A10];
	v26 =	vadd.f32 v61, v62  }
0x8c: {  	v51 =	vmul.f32 v35, v28;
	v20 =	vadd.f32 v20, v44;
	v8 =	vadd.f32 v60, v8  }
0x8d: {  	v55 =	vmul.f32 v32, v37;
	v48 =	vsub.f32 v41, v6;
	v26 =	vadd.f32 v26, v45  }
0x8e: {  	v41 =	vmul.f32 v41, v5;
	v5 =	vmul.f32 v7, v5;
	v8 =	vadd.f32 v63, v8  }
0x8f: {  	v54 =	vmul.f32 v9, v23;
	v40 =	vmul.f32 v48, v4;
	v26 =	vadd.f32 v26, v47  }
0x90: {  	v48 =	vmul.f32 v33, v27;
	v44 =	vmul.f32 v36, v29;
	v8 =	vadd.f32 v46, v8  }
0x91: {  	v57 =	vmul.f32 v38, v29;
	v58 =	vmul.f32 v30, v22;
	v26 =	vadd.f32 v26, v43  }
0x92: {  	v59 =	vmul.f32 v36, v21;
	v61 =	vmul.f32 v31, v25;
	v8 =	vadd.f32 v42, v8  }
0x93: {  	v45 =	vmul.f32 v32, v21;
	v46 =	vmul.f32 v19, v24;
	v26 =	vadd.f32 v26, v50  }
0x94: {  	v62 =	vmul.f32 v19, v23;
	v60 =	vmul.f32 v32, v24;
	v42 =	vadd.f32 v49, v8  }
0x95: {  	v47 =	vmul.f32 v36, v37;
	v53 =	vadd.f32 v46, v45;
	v26 =	vadd.f32 v26, v51  }
0x96: {  	v50 =	vmul.f32 v9, v22;
	v8 =	vadd.f32 v40, v41;
	v52 =	vadd.f32 v44, v42  }
0x97: {  	v51 =	vmul.f32 v38, v21;
	v42 =	vadd.f32 v53, v54;
	v40 =	vadd.f32 v26, v57  }
0x98: {  	v44 =	vadd.f32 v60, v59;
	v53 =	vmul.f32 v34, v28;
	v54 =	vmul.f32 v30, v25  }
0x99: {  	v57 =	vmul.f32 v31, v27;
	v59 =	vmul.f32 v19, v22;
	v41 =	vadd.f32 v55, v52  }
0x9a: {  	v60 =	vmul.f32 v33, v28;
	v42 =	vadd.f32 v42, v58;
	v40 =	vadd.f32 v40, v47  }
0x9b: {  	v49 =	vadd.f32 v62, v44;
	v52 =	vmul.f32 v36, v24;
	v55 =	vmul.f32 v32, v39  }
0x9c: {  	v58 =	vmul.f32 v35, v29;
	v62 =	vmul.f32 v38, v37;
	v26 =	vadd.f32 v56, v41  }
0x9d: {  	v63 =	vadd.f32 v42, v61;
	v43 =	vadd.f32 v49, v50;
	v56 =	vmul.f32 v32, v23  }
0x9e: {  	v42 =	vadd.f32 v52, v51;
	v61 =	vmul.f32 v9, v25;
	v52 =	vmul.f32 v34, v29  }
0x9f: {  	v40 =	vadd.f32 v40, v55;
	v55 =	vmul.f32 v31, v28;
	v49 =	vmul.f32 v38, v39  }
0xa0: {  	v50 =	vmul.f32 v33, v37;
	v51 =	vmul.f32 v33, v24  }
0xa1: {  	v41 =	vadd.f32 v63, v48;
	v43 =	vadd.f32 v43, v54;
	v63 =	vmul.f32 v36, v39  }
0xa2: {  	v42 =	vadd.f32 v56, v42;
	v54 =	vmul.f32 v35, v21;
	v48 =	vmul.f32 v38, v24  }
0xa3: {  	v56 =	vmul.f32 v35, v37;
	v41 =	vadd.f32 v41, v53;
	v43 =	vadd.f32 v43, v57  }
0xa4: {  	v42 =	vadd.f32 v59, v42;
	v53 =	vmul.f32 v30, v27;
	v46 =	vadd.f32 v48, v54  }
0xa5: {  	v57 =	vmul.f32 v36, v23;
	v54 =	vmul.f32 v9, v27;
	v41 =	vadd.f32 v41, v58  }
0xa6: {  	v43 =	vadd.f32 v43, v60;
	v42 =	vadd.f32 v42, v61;
	v58 =	vmul.f32 v33, v29  }
0xa7: {  	v59 =	vadd.f32 v57, v46;
	v60 =	vmul.f32 v32, v22;
	v61 =	vmul.f32 v34, v21  }
0xa8: {  	v57 =	vmul.f32 v30, v28;
	v41 =	vadd.f32 v41, v62;
	v43 =	vadd.f32 v43, v52  }
0xa9: {  	v42 =	vadd.f32 v42, v53;
	v62 =	vmul.f32 v35, v24;
	v52 =	vmul.f32 v19, v25  }
0xaa: {  	v45 =	vadd.f32 v60, v59;
	v53 =	vmul.f32 v38, v23;
	v59 =	vmul.f32 v33, v21  }
0xab: {  	v60 =	vmul.f32 v34, v24;
	v41 =	vadd.f32 v41, v63;
	v42 =	vadd.f32 v42, v55  }
0xac: {  	v43 =	vadd.f32 v43, v56;
	v63 =	vmul.f32 v34, v37;
	v44 =	vadd.f32 v62, v61  }
0xad: {  	v45 =	vadd.f32 v52, v45;
	v55 =	vmul.f32 v35, v39;
	v56 =	vmul.f32 v36, v22  }
0xae: {  	v61 =	vmul.f32 v31, v29;
	v62 =	vmul.f32 v19, v27;
	v46 =	vadd.f32 v60, v59  }
0xaf: {  	v60 =	vmul.f32 v35, v22;
	v42 =	vadd.f32 v42, v58;
	v44 =	vadd.f32 v53, v44  }
0xb0: {  	v52 =	vmul.f32 v31, v24;
	v43 =	vadd.f32 v43, v49;
	v45 =	vadd.f32 v45, v54  }
0xb1: {  	v58 =	vmul.f32 v32, v25;
	v54 =	vmul.f32 v31, v21;
	v42 =	vadd.f32 v42, v63  }
0xb2: {  	v44 =	vadd.f32 v56, v44;
	v45 =	vadd.f32 v45, v57;
	v63 =	vmul.f32 v35, v23  }
0xb3: {  	v56 =	vmul.f32 v9, v28;
	v49 =	vadd.f32 v51, v54;
	v57 =	vmul.f32 v34, v23  }
0xb4: {  	v54 =	vmul.f32 v38, v25;
	v42 =	vadd.f32 v42, v55;
	v44 =	vadd.f32 v58, v44  }
0xb5: {  	v45 =	vadd.f32 v45, v61;
	v46 =	vadd.f32 v63, v46;
	v55 =	vmul.f32 v38, v22  }
0xb6: {  	v58 =	vmul.f32 v36, v25;
	v59 =	vadd.f32 v57, v49;
	v61 =	vmul.f32 v30, v29  }
0xb7: {  	v63 =	vmul.f32 v34, v39;
	v57 =	vmul.f32 v36, v27;
	v44 =	vadd.f32 v62, v44  }
0xb8: {  	v45 =	vadd.f32 v45, v50;
	v46 =	vadd.f32 v55, v46;
	v62 =	vmul.f32 v32, v27  }
0xb9: {  	v48 =	vadd.f32 v60, v59;
	v55 =	vmul.f32 v19, v28;
	v59 =	vmul.f32 v32, v28  }
0xba: {  	v60 =	vmul.f32 v33, v39;
	v47 =	vmul.f32 v42, v3;
	v44 =	vadd.f32 v44, v56  }
0xbb: {  	v46 =	vadd.f32 v58, v46;
	v56 =	vmul.f32 v31, v37;
	v48 =	vadd.f32 v54, v48  }
0xbc: {  	v45 =	vadd.f32 v45, v63;
	v58 =	vmul.f32 v9, v29;
	v63 =	vmul.f32 v19, v29  }
0xbd: {  	v44 =	vadd.f32 v44, v61;
	v46 =	vadd.f32 v62, v46;
	v61 =	vmul.f32 v30, v37  }
0xbe: {  	v48 =	vadd.f32 v57, v48;
	v62 =	vmul.f32 v31, v39;
	v57 =	vmul.f32 v9, v37  }
0xbf: {  	v6 =	vadd.f32 v6, v7;
	v9 =	vmul.f32 v9, v39;
	v49 =	vmul.f32 v45, v3  }
0xc0: {  	v46 =	vadd.f32 v55, v46;
	v44 =	vadd.f32 v44, v56;
	v56 =	vmul.f32 v30, v21  }
0xc1: {  	v48 =	vadd.f32 v59, v48;
	v59 =	vmul.f32 v33, v23;
	v30 =	vmul.f32 v30, v39  }
0xc2: {  	v21 =	vadd.f32 v24, v21;
	v55 =	vmul.f32 v38, v27;
	v46 =	vadd.f32 v46, v58  }
0xc3: {  	v39 =	vmul.f32 v41, v3;
	v44 =	vadd.f32 v44, v60;
	v48 =	vadd.f32 v63, v48  }
0xc4: {  	v58 =	vadd.f32 v52, v56;
	v31 =	vmul.f32 v31, v21;
	v21 =	vadd.f32 v23, v21  }
0xc5: {  	v52 =	vmul.f32 v35, v25;
	v46 =	vadd.f32 v46, v61;
	v48 =	vadd.f32 v48, v57  }
0xc6: {  	v60 =	vadd.f32 v59, v58;
	v61 =	vmul.f32 v34, v22;
	v31 =	vadd.f32 v31, v56  }
0xc7: {  	v33 =	vmul.f32 v33, v21;
	v21 =	vadd.f32 v22, v21;
	v46 =	vadd.f32 v46, v62  }
0xc8: {  	v58 =	vmul.f32 v36, v28;
	v62 =	vadd.f32 v40, v26;
	v30 =	vadd.f32 v48, v30  }
0xc9: {  	v50 =	vmul.f32 v44, v2;
	v63 =	vadd.f32 v61, v60;
	v31 =	vadd.f32 v33, v31  }
0xca: {  	v57 =	vmul.f32 v34, v21;
	v21 =	vadd.f32 v25, v21;
	v53 =	vadd.f32 v62, v41  }
0xcb: {  	v48 =	vmul.f32 v45, v2;
	v7 =	vadd.f32 v49, v50;
	v54 =	vadd.f32 v52, v63  }
0xcc: {  	v61 =	vmul.f32 v32, v29;
	v59 =	vadd.f32 v57, v31;
	v56 =	vadd.f32 v53, v43  }
0xcd: {  	v60 =	vmul.f32 v35, v21;
	v21 =	vadd.f32 v27, v21;
	v51 =	vadd.f32 v47, v48  }
0xce: {  	v62 =	vmul.f32 v19, v37;
	v22 =	vadd.f32 v55, v54;
	v24 =	vadd.f32 v56, v42  }
0xcf: {  	[tilespmem:s30+$0x6900] =	vst v10;
	v25 =	vadd.f32 v60, v59;
	v27 =	vmul.f32 v38, v21;
	v21 =	vadd.f32 v28, v21  }
0xd0: {  	[tilespmem:s30+$0x6E00] =	vst v11;
	v35 =	vmul.f32 v26, v3;
	v22 =	vadd.f32 v58, v22;
	v24 =	vadd.f32 v24, v45  }
0xd1: {  	[tilespmem:s30+$0x7300] =	vst v12;
	v25 =	vadd.f32 v27, v25;
	v63 =	vmul.f32 v36, v21;
	v21 =	vadd.f32 v29, v21  }
0xd2: {  	[tilespmem:s30+$0x7800] =	vst v13;
	v52 =	vmul.f32 v44, v3;
	v22 =	vadd.f32 v61, v22;
	v24 =	vadd.f32 v24, v44  }
0xd3: {  	[tilespmem:s30+$0x7D00] =	vst v14;
	v31 =	vadd.f32 v63, v25;
	v32 =	vmul.f32 v32, v21;
	v21 =	vadd.f32 v37, v21  }
0xd4: {  	[tilespmem:s30+$0x8200] =	vst v15;
	v57 =	vmul.f32 v30, v3;
	v28 =	vadd.f32 v62, v22;
	v29 =	vadd.f32 v24, v46  }
0xd5: {  	[tilespmem:s30+$0x8700] =	vst v16;
	v38 =	vmul.f32 v41, v2;
	v53 =	vmul.f32 v46, v2;
	v11 =	vadd.f32 v32, v31  }
0xd6: {  	[tilespmem:s30+$0x8C00] =	vst v17;
	v34 =	vmul.f32 v19, v21;
	v9 =	vadd.f32 v28, v9;
	v33 =	vadd.f32 v29, v30  }
0xd7: {  	[tilespmem:s30+$0x9100] =	vst v18;
	v41 =	vmul.f32 v43, v3;
	v36 =	vmul.f32 v40, v2;
	v54 =	vadd.f32 v52, v53  }
0xd8: {  	[tilespmem:s30+$0x9600] =	vst v20;
	v55 =	vmul.f32 v46, v3;
	v11 =	vadd.f32 v34, v11;
	v10 =	vadd.f32 v33, v9  }
0xd9: {  	[tilespmem:s30+$0x8210] =	vst v7;
	v56 =	vmul.f32 v30, v2;
	v37 =	vmul.f32 v40, v3;
	v13 =	vadd.f32 v36, v35  }
0xda: {  	[tilespmem:s30+$0x7D10] =	vst v51;
	v40 =	vmul.f32 v43, v2;
	v43 =	vmul.f32 v42, v2;
	v10 =	vsub.f32 v10, v11  }
0xdb: {  	v60 =	vadd.f32 v55, v56;
	v61 =	vmul.f32 v26, v2;
	[tilespmem:s30+$0x8710] =	vst v54;
	v12 =	vadd.f32 v38, v37  }
0xdc: {  	v14 =	vadd.f32 v39, v40;
	[tilespmem:s30+$0x6910] =	vst v13;
	v58 =	vmul.f32 v9, v2;
	v59 =	vsub.f32 v10, v26  }
0xdd: {  	p0 =	sne.s32 s29, $0xFFFFFF00;
	v15 =	vadd.f32 v41, v43;
	[tilespmem:s30+$0x8C10] =	vst v60;
	v9 =	vmul.f32 v9, v3;
	v7 =	vmul.f32 v10, v3  }
.Ltmp0:
0xde: {  	[tilespmem:s30+$0x6E10] =	vst v12;
	v63 =	vadd.f32 v26, v11;
	v3 =	vmul.f32 v11, v3;
	v62 =	vmul.f32 v59, v2;
	(pc) =	sbr.rel @p0 .LBB2_3-.Ltmp0, $4  }
0xdf: {  	v4 =	vmul.f32 v6, v4;
	[tilespmem:s30+$0x7310] =	vst v14;
	v6 =	vadd.f32 v57, v58  }
0xe0: {  	[tilespmem:s30+$0x7810] =	vst v15;
	v9 =	vadd.f32 v9, v61;
	v2 =	vmul.f32 v63, v2;
	v7 =	vadd.f32 v62, v7  }
0xe1: {  	[tilespmem:s30+$0x9110] =	vst v6  }
0xe2: {  	s29 =	sadd.s32 $0x100, s29;
	v4 =	vadd.f32 v4, v5;
	v5 =	vmovc v8;
	[tilespmem:s30+$0x9610] =	vst v9;
	v2 =	vadd.f32 v2, v3;
	v3 =	vmov v7  }
0xe3: {  	v2 =	vimm.f32 $0.0e+00;
	v3 =	vimm.f32 $1.000000000e+00  }
.LBB2_5:
0xe4: {  	s29 =	sshra.s32 s28, $0x2  }
0xe5: {  	v20 =	vld [tilespmem:s29+$0x520]  }
0xe6: {  	v22 =	vld [tilespmem:s29+$0xA20]  }
0xe7: {  	v18 =	vld [tilespmem:s29+$0xF20]  }
0xe8: {  	v5 =	vld [tilespmem:s29+$0x3720]  }
0xe9: {  	v24 =	vld [tilespmem:s29+$0x3C20]  }
0xea: {  	v14 =	vld [tilespmem:s29+$0x1420]  }
0xeb: {  	v19 =	vld [tilespmem:s29+$0x4120]  }
0xec: {  	v9 =	vld [tilespmem:s29+$0x1920]  }
0xed: {  	v15 =	vld [tilespmem:s29+$0x4620]  }
0xee: {  	v8 =	vld [tilespmem:s29+$0x1E20]  }
0xef: {  	v13 =	vld [tilespmem:s29+$0x4B20]  }
0xf0: {  	v6 =	vld [tilespmem:s29+$0x6420]  }
0xf1: {  	v11 =	vld [tilespmem:s29+$0x5020]  }
0xf2: {  	v12 =	vld [tilespmem:s29+$0x2320]  }
0xf3: {  	v10 =	vld [tilespmem:s29+$0x5520];
	v4 =	vmul.f32 v5, v20  }
0xf4: {  	v7 =	vmul.f32 v24, v22;
	v39 =	vmul.f32 v19, v18  }
0xf5: {  	v40 =	vmul.f32 v15, v14;
	v17 =	vmul.f32 v13, v9  }
0xf6: {  	v21 =	vmul.f32 v6, v20;
	v23 =	vmul.f32 v5, v22  }
0xf7: {  	v16 =	vld [tilespmem:s29+$0x2820];
	v25 =	vmul.f32 v11, v8;
	v41 =	vmul.f32 v24, v18  }
0xf8: {  	v42 =	vmul.f32 v10, v12;
	v26 =	vmul.f32 v19, v14  }
0xf9: {  	v28 =	vmul.f32 v6, v22;
	v44 =	vmul.f32 v15, v9  }
0xfa: {  	v45 =	vmul.f32 v5, v18;
	v46 =	vmul.f32 v13, v8  }
0xfb: {  	v47 =	vmul.f32 v24, v14;
	v49 =	vmul.f32 v11, v12  }
0xfc: {  	v50 =	vmul.f32 v19, v9;
	v52 =	vmul.f32 v10, v16  }
0xfd: {  	v53 =	vmul.f32 v15, v8;
	v56 =	vmul.f32 v13, v12  }
0xfe: {  	v57 =	vmul.f32 v6, v18;
	v58 =	vmul.f32 v10, v20  }
0xff: {  	v60 =	vmul.f32 v5, v14;
	v4 =	vadd.f32 v7, v4;
	v7 =	vld [tilespmem:s29+$0x5F20];
	v21 =	vadd.f32 v21, v23  }
0x100: {  	v61 =	vmul.f32 v11, v16;
	v63 =	vmul.f32 v24, v9  }
0x101: {  	v33 =	vmul.f32 v6, v14;
	v4 =	vadd.f32 v39, v4;
	v23 =	vadd.f32 v21, v41  }
0x102: {  	v35 =	vmul.f32 v19, v8;
	v36 =	vmul.f32 v5, v9;
	v21 =	vld [tilespmem:s29+$0x2D20]  }
0x103: {  	v37 =	vmul.f32 v15, v12;
	v4 =	vadd.f32 v40, v4;
	v43 =	vadd.f32 v23, v26;
	v23 =	vld [tilespmem:s29+$0x3220]  }
0x104: {  	v39 =	vmul.f32 v24, v8;
	v27 =	vmul.f32 v7, v20  }
0x105: {  	v41 =	vmul.f32 v10, v22;
	v40 =	vmul.f32 v11, v20;
	v4 =	vadd.f32 v17, v4  }
0x106: {  	v30 =	vmul.f32 v7, v22;
	v62 =	vmul.f32 v7, v18;
	v27 =	vadd.f32 v28, v27  }
0x107: {  	v17 =	vld [tilespmem:s29+$0x5A20];
	v48 =	vmul.f32 v7, v21;
	v34 =	vmul.f32 v10, v21;
	v4 =	vadd.f32 v25, v4  }
0x108: {  	v25 =	vadd.f32 v43, v44;
	v44 =	vmul.f32 v11, v21;
	v51 =	vmul.f32 v6, v23  }
0x109: {  	v27 =	vadd.f32 v27, v45;
	v32 =	vmul.f32 v7, v23;
	v45 =	vmul.f32 v15, v16  }
0x10a: {  	v4 =	vadd.f32 v42, v4;
	v25 =	vadd.f32 v25, v46;
	v46 =	vmul.f32 v7, v14  }
0x10b: {  	v42 =	vadd.f32 v41, v40;
	v40 =	vmul.f32 v11, v18;
	v41 =	vmul.f32 v13, v18  }
0x10c: {  	v29 =	vmul.f32 v17, v16;
	v54 =	vmul.f32 v17, v20  }
0x10d: {  	v55 =	vmul.f32 v17, v21;
	v31 =	vmul.f32 v17, v22  }
0x10e: {  	v27 =	vadd.f32 v27, v47;
	v38 =	vmul.f32 v17, v23;
	v43 =	vmul.f32 v17, v18  }
0x10f: {  	v47 =	vmul.f32 v13, v20;
	v25 =	vadd.f32 v25, v49;
	v4 =	vadd.f32 v29, v4  }
0x110: {  	v49 =	vmul.f32 v6, v9;
	v27 =	vadd.f32 v27, v50;
	v29 =	vadd.f32 v30, v54  }
0x111: {  	v26 =	vadd.f32 v31, v58;
	v50 =	vmul.f32 v13, v21;
	v54 =	vmul.f32 v17, v14  }
0x112: {  	v58 =	vmul.f32 v19, v16;
	v25 =	vadd.f32 v25, v52;
	v4 =	vadd.f32 v48, v4  }
0x113: {  	v52 =	vmul.f32 v10, v23;
	v27 =	vadd.f32 v27, v53;
	v59 =	vadd.f32 v57, v29  }
0x114: {  	v26 =	vadd.f32 v62, v26;
	v48 =	vmul.f32 v11, v22;
	v53 =	vmul.f32 v5, v8  }
0x115: {  	v57 =	vmul.f32 v7, v9;
	v62 =	vmul.f32 v13, v22;
	v25 =	vadd.f32 v25, v55  }
0x116: {  	v55 =	vmul.f32 v11, v23;
	v4 =	vadd.f32 v51, v4;
	v27 =	vadd.f32 v27, v56  }
0x117: {  	v26 =	vadd.f32 v33, v26;
	v33 =	vmul.f32 v13, v16;
	v51 =	vmul.f32 v10, v18  }
0x118: {  	v28 =	vadd.f32 v59, v60;
	v56 =	vmul.f32 v24, v12;
	v59 =	vmul.f32 v15, v21  }
0x119: {  	v31 =	vadd.f32 v48, v47;
	v60 =	vmul.f32 v6, v8;
	v47 =	vmul.f32 v10, v9  }
0x11a: {  	v48 =	vmul.f32 v19, v21;
	v25 =	vadd.f32 v25, v32;
	v27 =	vadd.f32 v27, v61  }
0x11b: {  	v28 =	vadd.f32 v28, v63;
	v26 =	vadd.f32 v26, v36;
	v61 =	vmul.f32 v15, v20  }
0x11c: {  	v31 =	vadd.f32 v51, v31;
	v63 =	vmul.f32 v19, v20;
	v36 =	vmul.f32 v5, v12  }
0x11d: {  	v51 =	vmul.f32 v6, v12;
	v27 =	vadd.f32 v27, v34;
	v28 =	vadd.f32 v28, v35  }
0x11e: {  	v30 =	vadd.f32 v26, v39;
	v34 =	vmul.f32 v19, v12;
	v31 =	vadd.f32 v54, v31  }
0x11f: {  	v29 =	vadd.f32 v62, v61;
	v54 =	vmul.f32 v24, v20;
	v20 =	vadd.f32 v22, v20  }
0x120: {  	v35 =	vmul.f32 v15, v22;
	v28 =	vadd.f32 v28, v37;
	v26 =	vadd.f32 v27, v38  }
0x121: {  	v61 =	vmul.f32 v19, v23;
	v30 =	vadd.f32 v30, v34;
	v27 =	vadd.f32 v43, v42  }
0x122: {  	v31 =	vadd.f32 v57, v31;
	v32 =	vadd.f32 v35, v63;
	v42 =	vmul.f32 v10, v14  }
0x123: {  	v29 =	vadd.f32 v40, v29;
	v43 =	vmul.f32 v24, v16;
	v37 =	vmul.f32 v15, v23  }
0x124: {  	v38 =	vmul.f32 v24, v21;
	v24 =	vmul.f32 v24, v23;
	v28 =	vadd.f32 v28, v33  }
0x125: {  	v63 =	vmul.f32 v11, v9;
	v30 =	vadd.f32 v30, v45;
	v27 =	vadd.f32 v46, v27  }
0x126: {  	v40 =	vmul.f32 v10, v8;
	v31 =	vadd.f32 v60, v31;
	v32 =	vadd.f32 v41, v32  }
0x127: {  	v45 =	vmul.f32 v13, v23;
	v29 =	vadd.f32 v42, v29;
	v46 =	vmul.f32 v17, v9  }
0x128: {  	v60 =	vmul.f32 v13, v14;
	v41 =	vadd.f32 v25, v4;
	v28 =	vadd.f32 v28, v44  }
0x129: {  	v42 =	vmul.f32 v17, v12;
	v27 =	vadd.f32 v49, v27;
	v30 =	vadd.f32 v30, v50  }
0x12a: {  	v31 =	vadd.f32 v31, v36;
	v44 =	vmul.f32 v11, v14;
	v29 =	vadd.f32 v46, v29  }
0x12b: {  	v49 =	vmul.f32 v7, v8;
	v27 =	vadd.f32 v27, v53;
	v28 =	vadd.f32 v28, v52  }
0x12c: {  	v50 =	vmul.f32 v17, v8;
	v30 =	vadd.f32 v30, v55;
	v31 =	vadd.f32 v31, v43  }
0x12d: {  	v32 =	vadd.f32 v44, v32;
	v29 =	vadd.f32 v49, v29;
	v52 =	vmul.f32 v5, v16  }
0x12e: {  	v55 =	vmul.f32 v19, v22;
	v43 =	vadd.f32 v41, v26;
	v27 =	vadd.f32 v27, v56  }
0x12f: {  	v19 =	vmul.f32 v19, v20;
	v32 =	vadd.f32 v47, v32;
	v31 =	vadd.f32 v31, v48  }
0x130: {  	v53 =	vmul.f32 v7, v12;
	v29 =	vadd.f32 v51, v29;
	v57 =	vadd.f32 v55, v54  }
0x131: {  	v49 =	vmul.f32 v6, v21;
	v19 =	vadd.f32 v19, v54;
	v44 =	vadd.f32 v43, v28  }
0x132: {  	v56 =	vmul.f32 v6, v16;
	v27 =	vadd.f32 v27, v58;
	v32 =	vadd.f32 v50, v32  }
0x133: {  	v55 =	vmul.f32 v4, v3;
	v29 =	vadd.f32 v29, v52;
	v31 =	vadd.f32 v31, v37  }
0x134: {  	v58 =	vmul.f32 v15, v18;
	v18 =	vadd.f32 v18, v20;
	v46 =	vadd.f32 v44, v30  }
0x135: {  	v27 =	vadd.f32 v27, v59;
	v32 =	vadd.f32 v53, v32;
	v59 =	vmul.f32 v5, v21  }
0x136: {  	v35 =	vadd.f32 v58, v57;
	v29 =	vadd.f32 v29, v38;
	v15 =	vmul.f32 v15, v18  }
0x137: {  	v14 =	vadd.f32 v14, v18;
	v5 =	vmul.f32 v5, v23;
	v58 =	vmul.f32 v25, v3  }
0x138: {  	v37 =	vmul.f32 v31, v2;
	v27 =	vadd.f32 v27, v45;
	v32 =	vadd.f32 v56, v32  }
0x139: {  	v38 =	vmul.f32 v31, v3;
	v62 =	vadd.f32 v60, v35;
	v36 =	vadd.f32 v29, v61  }
0x13a: {  	v9 =	vadd.f32 v9, v14;
	v45 =	vmul.f32 v7, v16;
	v13 =	vmul.f32 v13, v14  }
0x13b: {  	v20 =	vld [tilespmem:s29+$0x1430];
	v15 =	vadd.f32 v15, v19;
	v56 =	vmul.f32 v25, v2;
	v60 =	vmul.f32 v26, v3  }
0x13c: {  	v23 =	vld [tilespmem:s29+$0x1930];
	v61 =	vmul.f32 v28, v2;
	v32 =	vadd.f32 v32, v59;
	v39 =	vadd.f32 v63, v62  }
0x13d: {  	v19 =	vld [tilespmem:s29+$0x530];
	v8 =	vadd.f32 v8, v9;
	v13 =	vadd.f32 v13, v15;
	v9 =	vmul.f32 v11, v9  }
0x13e: {  	v29 =	vld [tilespmem:s29+$0x4130];
	v48 =	vadd.f32 v46, v27;
	v59 =	vmul.f32 v26, v2;
	v62 =	vmul.f32 v28, v3  }
0x13f: {  	v25 =	vld [tilespmem:s29+$0x1E30];
	v63 =	vmul.f32 v30, v2;
	v33 =	vmul.f32 v27, v2;
	v24 =	vadd.f32 v32, v24  }
0x140: {  	v28 =	vld [tilespmem:s29+$0x3C30];
	v35 =	vmul.f32 v27, v3;
	v22 =	vadd.f32 v40, v39;
	v12 =	vadd.f32 v12, v8  }
0x141: {  	v26 =	vld [tilespmem:s29+$0x2330];
	v9 =	vadd.f32 v9, v13;
	v8 =	vmul.f32 v10, v8;
	v50 =	vadd.f32 v48, v31  }
0x142: {  	v27 =	vld [tilespmem:s29+$0x2830];
	v32 =	vmul.f32 v30, v3;
	v11 =	vadd.f32 v62, v63;
	v39 =	vmul.f32 v36, v2  }
0x143: {  	v40 =	vmul.f32 v36, v3;
	v31 =	vld [tilespmem:s29+$0x4630];
	v13 =	vadd.f32 v35, v37;
	v22 =	vadd.f32 v42, v22  }
0x144: {  	v51 =	vadd.f32 v16, v12;
	v8 =	vadd.f32 v8, v9;
	v53 =	vmul.f32 v17, v12;
	v17 =	vld [tilespmem:s29+$0x6430]  }
0x145: {  	v10 =	vadd.f32 v50, v36;
	v12 =	vadd.f32 v32, v33;
	v41 =	vmul.f32 v24, v2;
	v32 =	vld [tilespmem:s29+$0x4B30]  }
0x146: {  	v33 =	vld [tilespmem:s29+$0x5030];
	v63 =	vmul.f32 v28, v20;
	v47 =	vadd.f32 v45, v22;
	v54 =	vadd.f32 v21, v51  }
0x147: {  	v36 =	vld [tilespmem:s29+$0x5530];
	v8 =	vadd.f32 v53, v8;
	v7 =	vmul.f32 v7, v51;
	v15 =	vadd.f32 v40, v41  }
0x148: {  	v30 =	vld [tilespmem:s29+$0x5F30];
	v48 =	vmul.f32 v31, v20;
	v41 =	vmul.f32 v31, v23;
	v52 =	vadd.f32 v49, v47  }
0x149: {  	v35 =	vld [tilespmem:s29+$0x2D30];
	v6 =	vmul.f32 v6, v54;
	v7 =	vadd.f32 v7, v8;
	v49 =	vmul.f32 v4, v2  }
0x14a: {  	v37 =	vld [tilespmem:s29+$0x3230];
	v46 =	vmul.f32 v17, v19;
	v18 =	vadd.f32 v52, v5;
	v5 =	vadd.f32 v10, v24  }
0x14b: {  	v22 =	vld [tilespmem:s29+$0xA30];
	v51 =	vmul.f32 v32, v23;
	v40 =	vmul.f32 v33, v25  }
0x14c: {  	v54 =	vmul.f32 v36, v26;
	v57 =	vadd.f32 v5, v18;
	v5 =	vadd.f32 v6, v7;
	v7 =	vld [tilespmem:s29+$0x3730]  }
0x14d: {  	v8 =	vadd.f32 v56, v55;
	v55 =	vmul.f32 v32, v25;
	v56 =	vmul.f32 v33, v26  }
0x14e: {  	v21 =	vld [tilespmem:s29+$0xF30];
	v62 =	vmul.f32 v36, v27;
	v24 =	vmul.f32 v24, v3  }
0x14f: {  	v10 =	vadd.f32 v60, v61;
	v52 =	vmul.f32 v29, v20;
	v60 =	vmul.f32 v30, v35  }
0x150: {  	v9 =	vadd.f32 v59, v58;
	v61 =	vmul.f32 v17, v37;
	v44 =	vmul.f32 v18, v2  }
0x151: {  	v14 =	vadd.f32 v38, v39;
	v43 =	vmul.f32 v28, v22;
	v42 =	vmul.f32 v7, v19  }
0x152: {  	v18 =	vmul.f32 v18, v3;
	v16 =	vadd.f32 v24, v44;
	v47 =	vmul.f32 v7, v22  }
0x153: {  	v45 =	vmul.f32 v29, v21;
	v39 =	vsub.f32 v57, v5;
	v6 =	vadd.f32 v43, v42  }
0x154: {  	v50 =	vmul.f32 v28, v21;
	v18 =	vadd.f32 v18, v49;
	v24 =	vadd.f32 v46, v47  }
0x155: {  	v34 =	vld [tilespmem:s29+$0x5A30];
	v44 =	vmul.f32 v17, v22;
	v49 =	vmul.f32 v30, v22;
	v6 =	vadd.f32 v45, v6  }
0x156: {  	v53 =	vsub.f32 v39, v4;
	v39 =	vmul.f32 v39, v3;
	v24 =	vadd.f32 v24, v50  }
0x157: {  	v4 =	vadd.f32 v4, v5;
	v3 =	vmul.f32 v5, v3;
	v6 =	vadd.f32 v48, v6  }
0x158: {  	v59 =	vmul.f32 v7, v21;
	v38 =	vmul.f32 v53, v2;
	v24 =	vadd.f32 v24, v52  }
0x159: {  	v53 =	vmul.f32 v31, v25;
	v43 =	vmul.f32 v30, v19;
	v6 =	vadd.f32 v51, v6  }
0x15a: {  	v42 =	vmul.f32 v34, v27;
	v46 =	vmul.f32 v36, v22;
	v24 =	vadd.f32 v24, v41  }
0x15b: {  	v47 =	vmul.f32 v36, v37;
	v58 =	vadd.f32 v44, v43;
	v6 =	vadd.f32 v40, v6  }
0x15c: {  	v50 =	vmul.f32 v29, v23;
	v45 =	vmul.f32 v34, v35;
	v24 =	vadd.f32 v24, v55  }
0x15d: {  	v48 =	vmul.f32 v34, v19;
	v51 =	vmul.f32 v17, v21;
	v40 =	vadd.f32 v54, v6  }
0x15e: {  	v55 =	vmul.f32 v7, v20;
	v6 =	vadd.f32 v38, v39;
	v24 =	vadd.f32 v24, v56  }
0x15f: {  	v56 =	vmul.f32 v36, v19;
	v57 =	vadd.f32 v42, v40;
	v40 =	vadd.f32 v58, v59  }
0x160: {  	v38 =	vadd.f32 v24, v62;
	v58 =	vmul.f32 v32, v26;
	v59 =	vmul.f32 v28, v23  }
0x161: {  	v42 =	vadd.f32 v49, v48;
	v62 =	vmul.f32 v29, v25;
	v48 =	vmul.f32 v17, v20  }
0x162: {  	v49 =	vmul.f32 v31, v26;
	v39 =	vadd.f32 v60, v57;
	v40 =	vadd.f32 v40, v63  }
0x163: {  	v38 =	vadd.f32 v38, v45;
	v54 =	vadd.f32 v51, v42;
	v57 =	vmul.f32 v34, v22  }
0x164: {  	v60 =	vmul.f32 v30, v37;
	v63 =	vmul.f32 v33, v27;
	v24 =	vadd.f32 v61, v39  }
0x165: {  	v51 =	vmul.f32 v36, v35;
	v52 =	vadd.f32 v40, v50;
	v41 =	vadd.f32 v54, v55  }
0x166: {  	v40 =	vadd.f32 v57, v56;
	v61 =	vmul.f32 v30, v21;
	v50 =	vmul.f32 v7, v23  }
0x167: {  	v38 =	vadd.f32 v38, v60;
	v54 =	vmul.f32 v28, v25;
	v55 =	vmul.f32 v33, v19  }
0x168: {  	v56 =	vmul.f32 v29, v26;
	v57 =	vmul.f32 v33, v35;
	v39 =	vadd.f32 v52, v53  }
0x169: {  	v41 =	vadd.f32 v41, v59;
	v40 =	vadd.f32 v61, v40;
	v52 =	vmul.f32 v34, v37  }
0x16a: {  	v53 =	vmul.f32 v32, v27;
	v44 =	vadd.f32 v46, v55;
	v59 =	vmul.f32 v31, v27  }
0x16b: {  	v61 =	vmul.f32 v30, v20;
	v55 =	vmul.f32 v30, v23;
	v39 =	vadd.f32 v39, v58  }
0x16c: {  	v41 =	vadd.f32 v41, v62;
	v40 =	vadd.f32 v48, v40;
	v58 =	vmul.f32 v34, v21  }
0x16d: {  	v62 =	vmul.f32 v32, v19;
	v48 =	vmul.f32 v32, v35;
	v39 =	vadd.f32 v39, v63  }
0x16e: {  	v41 =	vadd.f32 v41, v49;
	v40 =	vadd.f32 v40, v50;
	v63 =	vmul.f32 v33, v22  }
0x16f: {  	v60 =	vadd.f32 v58, v44;
	v49 =	vmul.f32 v17, v23;
	v50 =	vmul.f32 v36, v21  }
0x170: {  	v58 =	vmul.f32 v29, v27;
	v39 =	vadd.f32 v39, v51;
	v41 =	vadd.f32 v41, v53  }
0x171: {  	v40 =	vadd.f32 v40, v54;
	v51 =	vmul.f32 v7, v25;
	v53 =	vmul.f32 v34, v20  }
0x172: {  	v43 =	vadd.f32 v61, v60;
	v54 =	vmul.f32 v28, v26;
	v60 =	vmul.f32 v33, v21  }
0x173: {  	v42 =	vadd.f32 v63, v62;
	v61 =	vmul.f32 v29, v19;
	v62 =	vmul.f32 v36, v20  }
0x174: {  	v63 =	vmul.f32 v7, v26;
	v39 =	vadd.f32 v39, v52;
	v40 =	vadd.f32 v40, v56  }
0x175: {  	v41 =	vadd.f32 v41, v57;
	v43 =	vadd.f32 v49, v43;
	v52 =	vmul.f32 v33, v37  }
0x176: {  	v42 =	vadd.f32 v50, v42;
	v56 =	vmul.f32 v31, v19;
	v57 =	vmul.f32 v32, v22  }
0x177: {  	v49 =	vmul.f32 v31, v22;
	v40 =	vadd.f32 v40, v59;
	v41 =	vadd.f32 v41, v47  }
0x178: {  	v50 =	vmul.f32 v29, v22;
	v43 =	vadd.f32 v43, v51;
	v42 =	vadd.f32 v53, v42  }
0x179: {  	v59 =	vmul.f32 v17, v25;
	v44 =	vadd.f32 v57, v56;
	v53 =	vmul.f32 v34, v23  }
0x17a: {  	v47 =	vadd.f32 v49, v61;
	v56 =	vmul.f32 v28, v27;
	v57 =	vmul.f32 v30, v25  }
0x17b: {  	v61 =	vmul.f32 v29, v35;
	v40 =	vadd.f32 v40, v48;
	v43 =	vadd.f32 v43, v54  }
0x17c: {  	v48 =	vmul.f32 v31, v35;
	v42 =	vadd.f32 v55, v42;
	v44 =	vadd.f32 v60, v44  }
0x17d: {  	v55 =	vmul.f32 v33, v20;
	v60 =	vmul.f32 v17, v26;
	v40 =	vadd.f32 v40, v52  }
0x17e: {  	v45 =	vmul.f32 v41, v1;
	v43 =	vadd.f32 v43, v58;
	v42 =	vadd.f32 v59, v42  }
0x17f: {  	v52 =	vmul.f32 v32, v21;
	v44 =	vadd.f32 v62, v44;
	v58 =	vmul.f32 v32, v37  }
0x180: {  	v59 =	vmul.f32 v36, v23;
	v62 =	vmul.f32 v34, v25;
	v43 =	vadd.f32 v43, v48  }
0x181: {  	v42 =	vadd.f32 v42, v63;
	v54 =	vadd.f32 v52, v47;
	v63 =	vmul.f32 v7, v27  }
0x182: {  	v44 =	vadd.f32 v53, v44;
	v52 =	vmul.f32 v30, v26;
	v53 =	vmul.f32 v31, v37  }
0x183: {  	v47 =	vmul.f32 v40, v1;
	v46 =	vadd.f32 v55, v54;
	v42 =	vadd.f32 v42, v56  }
0x184: {  	v44 =	vadd.f32 v57, v44;
	v54 =	vmul.f32 v28, v35;
	v55 =	vmul.f32 v29, v37  }
0x185: {  	v43 =	vadd.f32 v43, v58;
	v56 =	vmul.f32 v17, v27;
	v57 =	vmul.f32 v28, v19  }
0x186: {  	v58 =	vmul.f32 v7, v35;
	v28 =	vmul.f32 v28, v37;
	v19 =	vadd.f32 v22, v19  }
0x187: {  	v7 =	vmul.f32 v7, v37;
	v46 =	vadd.f32 v59, v46;
	v44 =	vadd.f32 v60, v44  }
0x188: {  	v42 =	vadd.f32 v42, v61;
	v59 =	vadd.f32 v50, v57;
	v60 =	vmul.f32 v31, v21  }
0x189: {  	v29 =	vmul.f32 v29, v19;
	v19 =	vadd.f32 v21, v19;
	v46 =	vadd.f32 v62, v46  }
0x18a: {  	v48 =	vmul.f32 v43, v0;
	v44 =	vadd.f32 v44, v63;
	v42 =	vadd.f32 v42, v53  }
0x18b: {  	v61 =	vadd.f32 v60, v59;
	v62 =	vmul.f32 v32, v20;
	v63 =	vadd.f32 v38, v24  }
0x18c: {  	v29 =	vadd.f32 v29, v57;
	v31 =	vmul.f32 v31, v19;
	v19 =	vadd.f32 v20, v19  }
0x18d: {  	v49 =	vmul.f32 v43, v1;
	v46 =	vadd.f32 v52, v46;
	v44 =	vadd.f32 v44, v54  }
0x18e: {  	v51 =	vadd.f32 v62, v61;
	v52 =	vmul.f32 v33, v23;
	v53 =	vadd.f32 v63, v39  }
0x18f: {  	v29 =	vadd.f32 v31, v29;
	v57 =	vmul.f32 v32, v19;
	v19 =	vadd.f32 v23, v19  }
0x190: {  	v50 =	vmul.f32 v42, v0;
	v46 =	vadd.f32 v56, v46;
	v44 =	vadd.f32 v44, v55  }
0x191: {  	v54 =	vadd.f32 v52, v51;
	v55 =	vmul.f32 v36, v25;
	v56 =	vadd.f32 v53, v41  }
0x192: {  	v59 =	vadd.f32 v57, v29;
	v60 =	vmul.f32 v33, v19;
	v19 =	vadd.f32 v25, v19  }
0x193: {  	v37 =	vmul.f32 v39, v0;
	v51 =	vadd.f32 v47, v48;
	v5 =	vadd.f32 v49, v50  }
0x194: {  	v61 =	vmul.f32 v30, v27;
	v46 =	vadd.f32 v46, v58;
	v20 =	vadd.f32 v55, v54  }
0x195: {  	v58 =	vmul.f32 v34, v26;
	v22 =	vadd.f32 v56, v40;
	v23 =	vadd.f32 v60, v59  }
0x196: {  	[tilespmem:s29+$0x6920] =	vst v8;
	v25 =	vmul.f32 v36, v19;
	v19 =	vadd.f32 v26, v19;
	v28 =	vadd.f32 v46, v28  }
0x197: {  	[tilespmem:s29+$0x6E20] =	vst v9;
	v62 =	vmul.f32 v17, v35;
	v20 =	vadd.f32 v58, v20;
	v22 =	vadd.f32 v22, v43  }
0x198: {  	[tilespmem:s29+$0x7320] =	vst v10;
	v23 =	vadd.f32 v25, v23;
	v63 =	vmul.f32 v34, v19;
	v19 =	vadd.f32 v27, v19  }
0x199: {  	[tilespmem:s29+$0x7820] =	vst v11;
	v52 =	vmul.f32 v42, v1;
	v20 =	vadd.f32 v61, v20;
	v22 =	vadd.f32 v22, v42  }
0x19a: {  	[tilespmem:s29+$0x7D20] =	vst v12;
	v29 =	vadd.f32 v63, v23;
	v31 =	vmul.f32 v30, v19;
	v19 =	vadd.f32 v35, v19  }
0x19b: {  	[tilespmem:s29+$0x8220] =	vst v13;
	v36 =	vmul.f32 v38, v1;
	v26 =	vadd.f32 v62, v20;
	v27 =	vadd.f32 v22, v44  }
0x19c: {  	[tilespmem:s29+$0x8720] =	vst v14;
	v53 =	vmul.f32 v44, v0;
	v55 =	vmul.f32 v44, v1;
	v9 =	vadd.f32 v31, v29  }
0x19d: {  	[tilespmem:s29+$0x8C20] =	vst v15;
	v33 =	vmul.f32 v17, v19;
	v7 =	vadd.f32 v26, v7;
	v32 =	vadd.f32 v27, v28  }
0x19e: {  	[tilespmem:s29+$0x9120] =	vst v16;
	v34 =	vmul.f32 v24, v1;
	v10 =	vadd.f32 v37, v36;
	v46 =	vmul.f32 v40, v0  }
0x19f: {  	[tilespmem:s29+$0x9620] =	vst v18;
	v35 =	vmul.f32 v38, v0;
	v9 =	vadd.f32 v33, v9;
	v8 =	vadd.f32 v32, v7  }
0x1a0: {  	[tilespmem:s29+$0x7D30] =	vst v51;
	v54 =	vadd.f32 v52, v53;
	v38 =	vmul.f32 v39, v1;
	v39 =	vmul.f32 v41, v0  }
0x1a1: {  	[tilespmem:s29+$0x8230] =	vst v5;
	v13 =	vadd.f32 v45, v46;
	v56 =	vmul.f32 v28, v0;
	v8 =	vsub.f32 v8, v9  }
0x1a2: {  	[tilespmem:s29+$0x6E30] =	vst v10;
	v57 =	vmul.f32 v28, v1;
	v61 =	vmul.f32 v24, v0;
	v11 =	vadd.f32 v35, v34  }
0x1a3: {  	[tilespmem:s29+$0x8730] =	vst v54;
	v12 =	vadd.f32 v38, v39;
	v58 =	vmul.f32 v7, v0;
	v59 =	vsub.f32 v8, v24  }
0x1a4: {  	p0 =	sne.s32 s28, $0xFFFFFF00;
	[tilespmem:s29+$0x7830] =	vst v13;
	v60 =	vadd.f32 v55, v56;
	v7 =	vmul.f32 v7, v1;
	v5 =	vmul.f32 v8, v1  }
.Ltmp1:
0x1a5: {  	[tilespmem:s29+$0x6930] =	vst v11;
	v63 =	vadd.f32 v24, v9;
	v1 =	vmul.f32 v9, v1;
	v62 =	vmul.f32 v59, v0;
	(pc) =	sbr.rel @p0 .LBB2_5-.Ltmp1, $4  }
0x1a6: {  	v2 =	vmul.f32 v4, v2;
	[tilespmem:s29+$0x7330] =	vst v12;
	v4 =	vadd.f32 v57, v58  }
0x1a7: {  	[tilespmem:s29+$0x8C30] =	vst v60;
	v7 =	vadd.f32 v7, v61;
	v0 =	vmul.f32 v63, v0;
	v5 =	vadd.f32 v62, v5  }
0x1a8: {  	[tilespmem:s29+$0x9130] =	vst v4  }
0x1a9: {  	s28 =	sadd.s32 $0x100, s28;
	v2 =	vadd.f32 v2, v3;
	v3 =	vmovc v6;
	[tilespmem:s29+$0x9630] =	vst v7;
	v0 =	vadd.f32 v0, v1;
	v1 =	vmov v5  }
0x1aa: {  	s28 =	sor.u32 s5, s26  }
0x1ab: {  	s28 =	sshrl.u32 s28, $0x3  }
0x1ac: {  	s28 =	sadd.s32 s6, s28  }
0x1ad: {  	[hbm4b:s28+s12] =	stream.strided.scatter [tilespmem:s18], [sflag:$0x3], $0x3200, s13, s12, $0x38;
	[tilespmem:$0x12C00] =	vst v63  }
0x1ae: {  	_ =	swait.ge [sflag:s19], $0x3200  }
0x1af: {  	[sflag:s19] =	ssyncset.done $0x0  }
0x1b0: {  	p0 =	seq.s32 s24, $0x3;
	[sflag:s19] =	ssyncadd.s32 $0xFFFFCE00  }
0x1b1: {  	s26 =	sadd.s32 @!p0 s26, s10;
	s29 =	simm.s32 @!p0 $0x40;
	_ =	swait.ge [sflag:s19], $0x3200  }
0x1b2: {  	s30 =	simm.s32 @!p0 $0x4000;
	s26 =	sshrl.u32 @!p0 s26, $0x3;
	[sflag:s19] =	ssyncset.done $0x0  }
0x1b3: {  	s31 =	simm.s32 @!p0 $0x0;
	s28 =	sadd.s32 @!p0 s1, s26;
	[sflag:s19] =	ssyncadd.s32 $0xFFFFCE00  }
0x1b4: {  	[tilespmem:s31], [sflag:$0x1] =	stream.strided.gather @!p0 [hbm4b:s28+s29], $0x3200, s30, s29, $0x38;
	[tilespmem:$0x12C00] =	vst v63  }
0x1b5: {  	p1 =	seq.s32 @!p0 s24, $0x0;
	s26 =	sadd.s32 @!p0 s4, s26;
	s28 =	simm.s32 @!p0 $0x3200  }
0x1b6: {  	[tilespmem:s28], [sflag:$0x1] =	stream.strided.gather @!p0 [hbm4b:s26+s29], $0x3200, s30, s29, $0x38;
	[tilespmem:$0x12C00] =	vst v63  }
0x1b7: {  	p0 =	por p0, !p1  }
0x1b8: {  	_ =	swait.ge @p0 [sflag:s22], $0x3200  }
0x1b9: {  	v1 =	vimm.f32 $1.000000000e+00;
	v0 =	vimm.f32 $0.0e+00;
	v2 =	vimm.f32 $0.0e+00;
	[sflag:s22] =	ssyncset.done @p0 $0x0  }
0x1ba: {  	v3 =	vimm.f32 $1.000000000e+00;
	v4 =	vimm.f32 $0.0e+00;
	v5 =	vimm.f32 $1.000000000e+00;
	s26 =	simm.s32 $0xFFFFEC00;
	s28 =	simm.s32 $0xFFFFEC00;
	[sflag:s22] =	ssyncadd.s32 @p0 $0xFFFFCE00  }
.LBB2_7:
0x1bb: {  	s29 =	sshra.s32 s28, $0x2  }
0x1bc: {  	v22 =	vld [tilespmem:s29+$0x9B00]  }
0x1bd: {  	v24 =	vld [tilespmem:s29+$0xA000]  }
0x1be: {  	v20 =	vld [tilespmem:s29+$0xA500]  }
0x1bf: {  	v7 =	vld [tilespmem:s29+$0xCD00]  }
0x1c0: {  	v26 =	vld [tilespmem:s29+$0xD200]  }
0x1c1: {  	v16 =	vld [tilespmem:s29+$0xAA00]  }
0x1c2: {  	v21 =	vld [tilespmem:s29+$0xD700]  }
0x1c3: {  	v11 =	vld [tilespmem:s29+$0xAF00]  }
0x1c4: {  	v17 =	vld [tilespmem:s29+$0xDC00]  }
0x1c5: {  	v10 =	vld [tilespmem:s29+$0xB400]  }
0x1c6: {  	v15 =	vld [tilespmem:s29+$0xE100]  }
0x1c7: {  	v8 =	vld [tilespmem:s29+$0xFA00]  }
0x1c8: {  	v13 =	vld [tilespmem:s29+$0xE600]  }
0x1c9: {  	v14 =	vld [tilespmem:s29+$0xB900]  }
0x1ca: {  	v12 =	vld [tilespmem:s29+$0xEB00]  }
0x1cb: {  	v6 =	vmul.f32 v7, v22;
	v9 =	vmul.f32 v26, v24  }
0x1cc: {  	v58 =	vmul.f32 v21, v20;
	v59 =	vmul.f32 v17, v16  }
0x1cd: {  	v19 =	vmul.f32 v15, v11;
	v23 =	vmul.f32 v8, v22  }
0x1ce: {  	v25 =	vmul.f32 v7, v24;
	v27 =	vmul.f32 v13, v10  }
0x1cf: {  	v18 =	vld [tilespmem:s29+$0xBE00];
	v60 =	vmul.f32 v26, v20;
	v61 =	vmul.f32 v12, v14  }
0x1d0: {  	v28 =	vmul.f32 v21, v16;
	v30 =	vmul.f32 v8, v24  }
0x1d1: {  	v63 =	vmul.f32 v17, v11;
	v33 =	vmul.f32 v7, v20  }
0x1d2: {  	v34 =	vmul.f32 v15, v10;
	v35 =	vmul.f32 v26, v16  }
0x1d3: {  	v37 =	vmul.f32 v13, v14;
	v38 =	vmul.f32 v21, v11  }
0x1d4: {  	v40 =	vmul.f32 v12, v18;
	v41 =	vmul.f32 v17, v10  }
0x1d5: {  	v44 =	vmul.f32 v15, v14;
	v45 =	vmul.f32 v8, v20;
	v6 =	vadd.f32 v9, v6  }
0x1d6: {  	v46 =	vmul.f32 v12, v22;
	v48 =	vmul.f32 v7, v16;
	v9 =	vld [tilespmem:s29+$0xF500];
	v23 =	vadd.f32 v23, v25  }
0x1d7: {  	v49 =	vmul.f32 v13, v18;
	v51 =	vmul.f32 v26, v11;
	v6 =	vadd.f32 v58, v6  }
0x1d8: {  	v52 =	vmul.f32 v8, v16;
	v54 =	vmul.f32 v21, v10;
	v25 =	vadd.f32 v23, v60;
	v23 =	vld [tilespmem:s29+$0xC300]  }
0x1d9: {  	v55 =	vmul.f32 v7, v11;
	v56 =	vmul.f32 v17, v14;
	v6 =	vadd.f32 v59, v6  }
0x1da: {  	v58 =	vmul.f32 v26, v10;
	v60 =	vmul.f32 v12, v24;
	v62 =	vadd.f32 v25, v28;
	v25 =	vld [tilespmem:s29+$0xC800]  }
0x1db: {  	v59 =	vmul.f32 v13, v22;
	v29 =	vmul.f32 v9, v22;
	v6 =	vadd.f32 v19, v6  }
0x1dc: {  	v32 =	vmul.f32 v9, v24;
	v50 =	vmul.f32 v9, v20;
	v19 =	vld [tilespmem:s29+$0xF000]  }
0x1dd: {  	v36 =	vmul.f32 v9, v23;
	v6 =	vadd.f32 v27, v6;
	v27 =	vadd.f32 v62, v63  }
0x1de: {  	v29 =	vadd.f32 v30, v29;
	v53 =	vmul.f32 v12, v23;
	v63 =	vmul.f32 v13, v23  }
0x1df: {  	v39 =	vmul.f32 v8, v25;
	v6 =	vadd.f32 v61, v6;
	v27 =	vadd.f32 v27, v34  }
0x1e0: {  	v34 =	vmul.f32 v9, v25;
	v61 =	vadd.f32 v60, v59;
	v59 =	vmul.f32 v13, v16  }
0x1e1: {  	v29 =	vadd.f32 v29, v33;
	v60 =	vmul.f32 v15, v25;
	v31 =	vmul.f32 v19, v18  }
0x1e2: {  	v42 =	vmul.f32 v19, v22;
	v43 =	vmul.f32 v19, v23  }
0x1e3: {  	v29 =	vadd.f32 v29, v35;
	v33 =	vmul.f32 v19, v24;
	v57 =	vmul.f32 v19, v25  }
0x1e4: {  	v35 =	vmul.f32 v15, v18;
	v62 =	vmul.f32 v19, v20;
	v27 =	vadd.f32 v27, v37  }
0x1e5: {  	v37 =	vmul.f32 v9, v16;
	v6 =	vadd.f32 v31, v6;
	v29 =	vadd.f32 v29, v38  }
0x1e6: {  	v31 =	vadd.f32 v32, v42;
	v28 =	vadd.f32 v33, v46;
	v38 =	vmul.f32 v15, v22  }
0x1e7: {  	v42 =	vmul.f32 v12, v20;
	v46 =	vmul.f32 v13, v25;
	v27 =	vadd.f32 v27, v40  }
0x1e8: {  	v40 =	vmul.f32 v8, v11;
	v6 =	vadd.f32 v36, v6;
	v29 =	vadd.f32 v29, v41  }
0x1e9: {  	v47 =	vadd.f32 v45, v31;
	v36 =	vmul.f32 v21, v14;
	v41 =	vmul.f32 v15, v23  }
0x1ea: {  	v28 =	vadd.f32 v50, v28;
	v45 =	vmul.f32 v19, v16;
	v50 =	vmul.f32 v17, v23  }
0x1eb: {  	v27 =	vadd.f32 v27, v43;
	v43 =	vmul.f32 v12, v25;
	v6 =	vadd.f32 v39, v6  }
0x1ec: {  	v29 =	vadd.f32 v29, v44;
	v30 =	vadd.f32 v47, v48;
	v39 =	vmul.f32 v13, v24  }
0x1ed: {  	v28 =	vadd.f32 v52, v28;
	v44 =	vmul.f32 v7, v10;
	v47 =	vmul.f32 v26, v14  }
0x1ee: {  	v48 =	vmul.f32 v9, v11;
	v27 =	vadd.f32 v27, v34;
	v29 =	vadd.f32 v29, v49  }
0x1ef: {  	v52 =	vmul.f32 v17, v22;
	v30 =	vadd.f32 v30, v51;
	v28 =	vadd.f32 v28, v55  }
0x1f0: {  	v33 =	vadd.f32 v39, v38;
	v49 =	vmul.f32 v21, v18;
	v51 =	vmul.f32 v8, v10  }
0x1f1: {  	v38 =	vmul.f32 v7, v14;
	v55 =	vmul.f32 v13, v20;
	v29 =	vadd.f32 v29, v53  }
0x1f2: {  	v39 =	vmul.f32 v17, v25;
	v30 =	vadd.f32 v30, v54;
	v32 =	vadd.f32 v28, v58  }
0x1f3: {  	v33 =	vadd.f32 v42, v33;
	v53 =	vmul.f32 v15, v24;
	v54 =	vmul.f32 v21, v22  }
0x1f4: {  	v58 =	vmul.f32 v26, v18;
	v30 =	vadd.f32 v30, v56;
	v28 =	vadd.f32 v29, v57  }
0x1f5: {  	v42 =	vmul.f32 v8, v14;
	v32 =	vadd.f32 v32, v36;
	v29 =	vadd.f32 v62, v61  }
0x1f6: {  	v36 =	vmul.f32 v17, v18;
	v33 =	vadd.f32 v45, v33;
	v31 =	vadd.f32 v53, v52  }
0x1f7: {  	v56 =	vmul.f32 v15, v20;
	v45 =	vmul.f32 v26, v22;
	v22 =	vadd.f32 v24, v22  }
0x1f8: {  	v57 =	vmul.f32 v12, v16;
	v30 =	vadd.f32 v30, v35;
	v32 =	vadd.f32 v32, v36  }
0x1f9: {  	v61 =	vmul.f32 v19, v11;
	v29 =	vadd.f32 v37, v29;
	v33 =	vadd.f32 v48, v33  }
0x1fa: {  	v37 =	vmul.f32 v17, v24;
	v31 =	vadd.f32 v55, v31;
	v30 =	vadd.f32 v30, v63  }
0x1fb: {  	v62 =	vmul.f32 v12, v11;
	v29 =	vadd.f32 v40, v29;
	v32 =	vadd.f32 v32, v41  }
0x1fc: {  	v52 =	vmul.f32 v21, v25;
	v33 =	vadd.f32 v51, v33;
	v34 =	vadd.f32 v37, v54  }
0x1fd: {  	v31 =	vadd.f32 v57, v31;
	v63 =	vmul.f32 v21, v23;
	v40 =	vmul.f32 v9, v10  }
0x1fe: {  	v41 =	vmul.f32 v19, v10;
	v51 =	vmul.f32 v15, v16;
	v29 =	vadd.f32 v29, v44  }
0x1ff: {  	v54 =	vmul.f32 v13, v11;
	v30 =	vadd.f32 v30, v43;
	v32 =	vadd.f32 v32, v46  }
0x200: {  	v57 =	vmul.f32 v12, v10;
	v33 =	vadd.f32 v33, v38;
	v34 =	vadd.f32 v56, v34  }
0x201: {  	v31 =	vadd.f32 v61, v31;
	v43 =	vmul.f32 v7, v18;
	v44 =	vmul.f32 v9, v14  }
0x202: {  	v46 =	vmul.f32 v21, v24;
	v29 =	vadd.f32 v29, v47;
	v33 =	vadd.f32 v33, v58  }
0x203: {  	v21 =	vmul.f32 v21, v22;
	v34 =	vadd.f32 v59, v34;
	v31 =	vadd.f32 v40, v31  }
0x204: {  	v47 =	vmul.f32 v8, v18;
	v48 =	vadd.f32 v46, v45;
	v40 =	vmul.f32 v26, v23  }
0x205: {  	v26 =	vmul.f32 v26, v25;
	v58 =	vadd.f32 v27, v6;
	v59 =	vmul.f32 v19, v14  }
0x206: {  	v21 =	vadd.f32 v21, v45;
	v45 =	vmul.f32 v28, v5;
	v29 =	vadd.f32 v29, v49  }
0x207: {  	v46 =	vmul.f32 v30, v4;
	v34 =	vadd.f32 v62, v34;
	v33 =	vadd.f32 v33, v63  }
0x208: {  	v31 =	vadd.f32 v42, v31;
	v49 =	vmul.f32 v17, v20;
	v20 =	vadd.f32 v20, v22  }
0x209: {  	v62 =	vmul.f32 v9, v18;
	v42 =	vmul.f32 v27, v4;
	v29 =	vadd.f32 v29, v50  }
0x20a: {  	v34 =	vadd.f32 v41, v34;
	v31 =	vadd.f32 v31, v43;
	v50 =	vmul.f32 v7, v23  }
0x20b: {  	v33 =	vadd.f32 v33, v39;
	v37 =	vadd.f32 v49, v48;
	v17 =	vmul.f32 v17, v20  }
0x20c: {  	v16 =	vadd.f32 v16, v20;
	v7 =	vmul.f32 v7, v25;
	v41 =	vmul.f32 v6, v5  }
0x20d: {  	v43 =	vmul.f32 v27, v5;
	v29 =	vadd.f32 v29, v60;
	v34 =	vadd.f32 v44, v34  }
0x20e: {  	v48 =	vmul.f32 v32, v4;
	v31 =	vadd.f32 v31, v40;
	v53 =	vadd.f32 v51, v37  }
0x20f: {  	v49 =	vmul.f32 v32, v5;
	v60 =	vadd.f32 v58, v28;
	v11 =	vadd.f32 v11, v16  }
0x210: {  	v17 =	vadd.f32 v17, v21;
	v15 =	vmul.f32 v15, v16;
	v34 =	vadd.f32 v47, v34  }
0x211: {  	v44 =	vmul.f32 v28, v4;
	v55 =	vadd.f32 v31, v52;
	v56 =	vadd.f32 v54, v53  }
0x212: {  	v61 =	vadd.f32 v60, v30;
	v10 =	vadd.f32 v10, v11;
	v11 =	vmul.f32 v13, v11  }
0x213: {  	v38 =	vld [tilespmem:s29+$0xEB10];
	v15 =	vadd.f32 v15, v17;
	v47 =	vmul.f32 v30, v5;
	v51 =	vmul.f32 v29, v5  }
0x214: {  	v22 =	vld [tilespmem:s29+$0xAA10];
	v52 =	vmul.f32 v33, v4;
	v34 =	vadd.f32 v34, v50;
	v24 =	vadd.f32 v57, v56  }
0x215: {  	v25 =	vld [tilespmem:s29+$0xAF10];
	v53 =	vmul.f32 v33, v5;
	v63 =	vadd.f32 v61, v32;
	v14 =	vadd.f32 v14, v10  }
0x216: {  	v27 =	vld [tilespmem:s29+$0xB410];
	v11 =	vadd.f32 v11, v15;
	v10 =	vmul.f32 v12, v10;
	v26 =	vadd.f32 v34, v26  }
0x217: {  	v21 =	vld [tilespmem:s29+$0x9B10];
	v50 =	vmul.f32 v29, v4;
	v24 =	vadd.f32 v59, v24;
	v31 =	vadd.f32 v63, v29  }
0x218: {  	v28 =	vld [tilespmem:s29+$0xB910];
	v54 =	vmul.f32 v55, v4;
	v36 =	vadd.f32 v18, v14;
	v10 =	vadd.f32 v10, v11  }
0x219: {  	v39 =	vmul.f32 v19, v14;
	v11 =	vadd.f32 v44, v43;
	v19 =	vld [tilespmem:s29+$0xFA10];
	v24 =	vadd.f32 v62, v24  }
0x21a: {  	v34 =	vmul.f32 v8, v23;
	v35 =	vadd.f32 v31, v33;
	v40 =	vadd.f32 v23, v36;
	v23 =	vld [tilespmem:s29+$0xA510]  }
0x21b: {  	v14 =	vadd.f32 v49, v50;
	v10 =	vadd.f32 v39, v10;
	v9 =	vmul.f32 v9, v36;
	v31 =	vld [tilespmem:s29+$0xD710]  }
0x21c: {  	v44 =	vmul.f32 v6, v4;
	v33 =	vld [tilespmem:s29+$0xDC10];
	v37 =	vadd.f32 v34, v24;
	v12 =	vadd.f32 v35, v55  }
0x21d: {  	v30 =	vld [tilespmem:s29+$0xD210];
	v49 =	vmul.f32 v38, v28;
	v56 =	vmul.f32 v26, v4;
	v9 =	vadd.f32 v9, v10  }
0x21e: {  	v39 =	vld [tilespmem:s29+$0xC810];
	v8 =	vmul.f32 v8, v40;
	v20 =	vadd.f32 v37, v7;
	v7 =	vadd.f32 v12, v26  }
0x21f: {  	v24 =	vld [tilespmem:s29+$0xA010];
	v55 =	vmul.f32 v55, v5;
	v61 =	vmul.f32 v19, v21  }
0x220: {  	v26 =	vmul.f32 v26, v5;
	v36 =	vadd.f32 v7, v20;
	v7 =	vadd.f32 v8, v9;
	v9 =	vld [tilespmem:s29+$0xCD10]  }
0x221: {  	v13 =	vadd.f32 v47, v48;
	v34 =	vld [tilespmem:s29+$0xE110];
	v60 =	vmul.f32 v31, v23;
	v63 =	vmul.f32 v33, v22  }
0x222: {  	v35 =	vld [tilespmem:s29+$0xE610];
	v12 =	vadd.f32 v45, v46;
	v45 =	vmul.f32 v30, v23;
	v47 =	vmul.f32 v31, v22  }
0x223: {  	v17 =	vadd.f32 v55, v56;
	v43 =	vmul.f32 v33, v25;
	v56 =	vmul.f32 v19, v39  }
0x224: {  	v15 =	vadd.f32 v51, v52;
	v32 =	vld [tilespmem:s29+$0xF510];
	v59 =	vmul.f32 v20, v4;
	v20 =	vmul.f32 v20, v5  }
0x225: {  	v16 =	vadd.f32 v53, v54;
	v37 =	vld [tilespmem:s29+$0xC310];
	v58 =	vmul.f32 v30, v24;
	v57 =	vmul.f32 v9, v21  }
0x226: {  	v10 =	vadd.f32 v42, v41;
	v46 =	vmul.f32 v34, v25;
	v62 =	vmul.f32 v9, v24  }
0x227: {  	v29 =	vld [tilespmem:s29+$0xBE10];
	v42 =	vmul.f32 v35, v27;
	v18 =	vadd.f32 v26, v59;
	v8 =	vadd.f32 v58, v57  }
0x228: {  	v50 =	vmul.f32 v34, v27;
	v41 =	vsub.f32 v36, v7;
	v36 =	vld [tilespmem:s29+$0xF010];
	v26 =	vadd.f32 v61, v62  }
0x229: {  	v51 =	vmul.f32 v35, v28;
	v20 =	vadd.f32 v20, v44;
	v8 =	vadd.f32 v60, v8  }
0x22a: {  	v55 =	vmul.f32 v32, v37;
	v48 =	vsub.f32 v41, v6;
	v26 =	vadd.f32 v26, v45  }
0x22b: {  	v41 =	vmul.f32 v41, v5;
	v5 =	vmul.f32 v7, v5;
	v8 =	vadd.f32 v63, v8  }
0x22c: {  	v54 =	vmul.f32 v9, v23;
	v40 =	vmul.f32 v48, v4;
	v26 =	vadd.f32 v26, v47  }
0x22d: {  	v48 =	vmul.f32 v33, v27;
	v44 =	vmul.f32 v36, v29;
	v8 =	vadd.f32 v46, v8  }
0x22e: {  	v57 =	vmul.f32 v38, v29;
	v58 =	vmul.f32 v30, v22;
	v26 =	vadd.f32 v26, v43  }
0x22f: {  	v59 =	vmul.f32 v36, v21;
	v61 =	vmul.f32 v31, v25;
	v8 =	vadd.f32 v42, v8  }
0x230: {  	v45 =	vmul.f32 v32, v21;
	v46 =	vmul.f32 v19, v24;
	v26 =	vadd.f32 v26, v50  }
0x231: {  	v62 =	vmul.f32 v19, v23;
	v60 =	vmul.f32 v32, v24;
	v42 =	vadd.f32 v49, v8  }
0x232: {  	v47 =	vmul.f32 v36, v37;
	v53 =	vadd.f32 v46, v45;
	v26 =	vadd.f32 v26, v51  }
0x233: {  	v50 =	vmul.f32 v9, v22;
	v8 =	vadd.f32 v40, v41;
	v52 =	vadd.f32 v44, v42  }
0x234: {  	v51 =	vmul.f32 v38, v21;
	v42 =	vadd.f32 v53, v54;
	v40 =	vadd.f32 v26, v57  }
0x235: {  	v44 =	vadd.f32 v60, v59;
	v53 =	vmul.f32 v34, v28;
	v54 =	vmul.f32 v30, v25  }
0x236: {  	v57 =	vmul.f32 v31, v27;
	v59 =	vmul.f32 v19, v22;
	v41 =	vadd.f32 v55, v52  }
0x237: {  	v60 =	vmul.f32 v33, v28;
	v42 =	vadd.f32 v42, v58;
	v40 =	vadd.f32 v40, v47  }
0x238: {  	v49 =	vadd.f32 v62, v44;
	v52 =	vmul.f32 v36, v24;
	v55 =	vmul.f32 v32, v39  }
0x239: {  	v58 =	vmul.f32 v35, v29;
	v62 =	vmul.f32 v38, v37;
	v26 =	vadd.f32 v56, v41  }
0x23a: {  	v63 =	vadd.f32 v42, v61;
	v43 =	vadd.f32 v49, v50;
	v56 =	vmul.f32 v32, v23  }
0x23b: {  	v42 =	vadd.f32 v52, v51;
	v61 =	vmul.f32 v9, v25;
	v52 =	vmul.f32 v34, v29  }
0x23c: {  	v40 =	vadd.f32 v40, v55;
	v55 =	vmul.f32 v31, v28;
	v49 =	vmul.f32 v38, v39  }
0x23d: {  	v50 =	vmul.f32 v33, v37;
	v51 =	vmul.f32 v33, v24  }
0x23e: {  	v41 =	vadd.f32 v63, v48;
	v43 =	vadd.f32 v43, v54;
	v63 =	vmul.f32 v36, v39  }
0x23f: {  	v42 =	vadd.f32 v56, v42;
	v54 =	vmul.f32 v35, v21;
	v48 =	vmul.f32 v38, v24  }
0x240: {  	v56 =	vmul.f32 v35, v37;
	v41 =	vadd.f32 v41, v53;
	v43 =	vadd.f32 v43, v57  }
0x241: {  	v42 =	vadd.f32 v59, v42;
	v53 =	vmul.f32 v30, v27;
	v46 =	vadd.f32 v48, v54  }
0x242: {  	v57 =	vmul.f32 v36, v23;
	v54 =	vmul.f32 v9, v27;
	v41 =	vadd.f32 v41, v58  }
0x243: {  	v43 =	vadd.f32 v43, v60;
	v42 =	vadd.f32 v42, v61;
	v58 =	vmul.f32 v33, v29  }
0x244: {  	v59 =	vadd.f32 v57, v46;
	v60 =	vmul.f32 v32, v22;
	v61 =	vmul.f32 v34, v21  }
0x245: {  	v57 =	vmul.f32 v30, v28;
	v41 =	vadd.f32 v41, v62;
	v43 =	vadd.f32 v43, v52  }
0x246: {  	v42 =	vadd.f32 v42, v53;
	v62 =	vmul.f32 v35, v24;
	v52 =	vmul.f32 v19, v25  }
0x247: {  	v45 =	vadd.f32 v60, v59;
	v53 =	vmul.f32 v38, v23;
	v59 =	vmul.f32 v33, v21  }
0x248: {  	v60 =	vmul.f32 v34, v24;
	v41 =	vadd.f32 v41, v63;
	v42 =	vadd.f32 v42, v55  }
0x249: {  	v43 =	vadd.f32 v43, v56;
	v63 =	vmul.f32 v34, v37;
	v44 =	vadd.f32 v62, v61  }
0x24a: {  	v45 =	vadd.f32 v52, v45;
	v55 =	vmul.f32 v35, v39;
	v56 =	vmul.f32 v36, v22  }
0x24b: {  	v61 =	vmul.f32 v31, v29;
	v62 =	vmul.f32 v19, v27;
	v46 =	vadd.f32 v60, v59  }
0x24c: {  	v60 =	vmul.f32 v35, v22;
	v42 =	vadd.f32 v42, v58;
	v44 =	vadd.f32 v53, v44  }
0x24d: {  	v52 =	vmul.f32 v31, v24;
	v43 =	vadd.f32 v43, v49;
	v45 =	vadd.f32 v45, v54  }
0x24e: {  	v58 =	vmul.f32 v32, v25;
	v54 =	vmul.f32 v31, v21;
	v42 =	vadd.f32 v42, v63  }
0x24f: {  	v44 =	vadd.f32 v56, v44;
	v45 =	vadd.f32 v45, v57;
	v63 =	vmul.f32 v35, v23  }
0x250: {  	v56 =	vmul.f32 v9, v28;
	v49 =	vadd.f32 v51, v54;
	v57 =	vmul.f32 v34, v23  }
0x251: {  	v54 =	vmul.f32 v38, v25;
	v42 =	vadd.f32 v42, v55;
	v44 =	vadd.f32 v58, v44  }
0x252: {  	v45 =	vadd.f32 v45, v61;
	v46 =	vadd.f32 v63, v46;
	v55 =	vmul.f32 v38, v22  }
0x253: {  	v58 =	vmul.f32 v36, v25;
	v59 =	vadd.f32 v57, v49;
	v61 =	vmul.f32 v30, v29  }
0x254: {  	v63 =	vmul.f32 v34, v39;
	v57 =	vmul.f32 v36, v27;
	v44 =	vadd.f32 v62, v44  }
0x255: {  	v45 =	vadd.f32 v45, v50;
	v46 =	vadd.f32 v55, v46;
	v62 =	vmul.f32 v32, v27  }
0x256: {  	v48 =	vadd.f32 v60, v59;
	v55 =	vmul.f32 v19, v28;
	v59 =	vmul.f32 v32, v28  }
0x257: {  	v60 =	vmul.f32 v33, v39;
	v47 =	vmul.f32 v42, v3;
	v44 =	vadd.f32 v44, v56  }
0x258: {  	v46 =	vadd.f32 v58, v46;
	v56 =	vmul.f32 v31, v37;
	v48 =	vadd.f32 v54, v48  }
0x259: {  	v45 =	vadd.f32 v45, v63;
	v58 =	vmul.f32 v9, v29;
	v63 =	vmul.f32 v19, v29  }
0x25a: {  	v44 =	vadd.f32 v44, v61;
	v46 =	vadd.f32 v62, v46;
	v61 =	vmul.f32 v30, v37  }
0x25b: {  	v48 =	vadd.f32 v57, v48;
	v62 =	vmul.f32 v31, v39;
	v57 =	vmul.f32 v9, v37  }
0x25c: {  	v6 =	vadd.f32 v6, v7;
	v9 =	vmul.f32 v9, v39;
	v49 =	vmul.f32 v45, v3  }
0x25d: {  	v46 =	vadd.f32 v55, v46;
	v44 =	vadd.f32 v44, v56;
	v56 =	vmul.f32 v30, v21  }
0x25e: {  	v48 =	vadd.f32 v59, v48;
	v59 =	vmul.f32 v33, v23;
	v30 =	vmul.f32 v30, v39  }
0x25f: {  	v21 =	vadd.f32 v24, v21;
	v55 =	vmul.f32 v38, v27;
	v46 =	vadd.f32 v46, v58  }
0x260: {  	v39 =	vmul.f32 v41, v3;
	v44 =	vadd.f32 v44, v60;
	v48 =	vadd.f32 v63, v48  }
0x261: {  	v58 =	vadd.f32 v52, v56;
	v31 =	vmul.f32 v31, v21;
	v21 =	vadd.f32 v23, v21  }
0x262: {  	v52 =	vmul.f32 v35, v25;
	v46 =	vadd.f32 v46, v61;
	v48 =	vadd.f32 v48, v57  }
0x263: {  	v60 =	vadd.f32 v59, v58;
	v61 =	vmul.f32 v34, v22;
	v31 =	vadd.f32 v31, v56  }
0x264: {  	v33 =	vmul.f32 v33, v21;
	v21 =	vadd.f32 v22, v21;
	v46 =	vadd.f32 v46, v62  }
0x265: {  	v58 =	vmul.f32 v36, v28;
	v62 =	vadd.f32 v40, v26;
	v30 =	vadd.f32 v48, v30  }
0x266: {  	v50 =	vmul.f32 v44, v2;
	v63 =	vadd.f32 v61, v60;
	v31 =	vadd.f32 v33, v31  }
0x267: {  	v57 =	vmul.f32 v34, v21;
	v21 =	vadd.f32 v25, v21;
	v53 =	vadd.f32 v62, v41  }
0x268: {  	v48 =	vmul.f32 v45, v2;
	v7 =	vadd.f32 v49, v50;
	v54 =	vadd.f32 v52, v63  }
0x269: {  	v61 =	vmul.f32 v32, v29;
	v59 =	vadd.f32 v57, v31;
	v56 =	vadd.f32 v53, v43  }
0x26a: {  	v60 =	vmul.f32 v35, v21;
	v21 =	vadd.f32 v27, v21;
	v51 =	vadd.f32 v47, v48  }
0x26b: {  	v62 =	vmul.f32 v19, v37;
	v22 =	vadd.f32 v55, v54;
	v24 =	vadd.f32 v56, v42  }
0x26c: {  	[tilespmem:s29+$0xFF00] =	vst v10;
	v25 =	vadd.f32 v60, v59;
	v27 =	vmul.f32 v38, v21;
	v21 =	vadd.f32 v28, v21  }
0x26d: {  	[tilespmem:s29+$0x10400] =	vst v11;
	v35 =	vmul.f32 v26, v3;
	v22 =	vadd.f32 v58, v22;
	v24 =	vadd.f32 v24, v45  }
0x26e: {  	[tilespmem:s29+$0x10900] =	vst v12;
	v25 =	vadd.f32 v27, v25;
	v63 =	vmul.f32 v36, v21;
	v21 =	vadd.f32 v29, v21  }
0x26f: {  	[tilespmem:s29+$0x10E00] =	vst v13;
	v52 =	vmul.f32 v44, v3;
	v22 =	vadd.f32 v61, v22;
	v24 =	vadd.f32 v24, v44  }
0x270: {  	[tilespmem:s29+$0x11300] =	vst v14;
	v31 =	vadd.f32 v63, v25;
	v32 =	vmul.f32 v32, v21;
	v21 =	vadd.f32 v37, v21  }
0x271: {  	[tilespmem:s29+$0x11800] =	vst v15;
	v57 =	vmul.f32 v30, v3;
	v28 =	vadd.f32 v62, v22;
	v29 =	vadd.f32 v24, v46  }
0x272: {  	[tilespmem:s29+$0x11D00] =	vst v16;
	v38 =	vmul.f32 v41, v2;
	v53 =	vmul.f32 v46, v2;
	v11 =	vadd.f32 v32, v31  }
0x273: {  	[tilespmem:s29+$0x12200] =	vst v17;
	v34 =	vmul.f32 v19, v21;
	v9 =	vadd.f32 v28, v9;
	v33 =	vadd.f32 v29, v30  }
0x274: {  	[tilespmem:s29+$0x12700] =	vst v18;
	v41 =	vmul.f32 v43, v3;
	v36 =	vmul.f32 v40, v2;
	v54 =	vadd.f32 v52, v53  }
0x275: {  	[tilespmem:s29+$0x12C00] =	vst v20;
	v55 =	vmul.f32 v46, v3;
	v11 =	vadd.f32 v34, v11;
	v10 =	vadd.f32 v33, v9  }
0x276: {  	[tilespmem:s29+$0x11810] =	vst v7;
	v56 =	vmul.f32 v30, v2;
	v37 =	vmul.f32 v40, v3;
	v13 =	vadd.f32 v36, v35  }
0x277: {  	[tilespmem:s29+$0x11310] =	vst v51;
	v40 =	vmul.f32 v43, v2;
	v43 =	vmul.f32 v42, v2;
	v10 =	vsub.f32 v10, v11  }
0x278: {  	v60 =	vadd.f32 v55, v56;
	v61 =	vmul.f32 v26, v2;
	[tilespmem:s29+$0x11D10] =	vst v54;
	v12 =	vadd.f32 v38, v37  }
0x279: {  	v14 =	vadd.f32 v39, v40;
	[tilespmem:s29+$0xFF10] =	vst v13;
	v58 =	vmul.f32 v9, v2;
	v59 =	vsub.f32 v10, v26  }
0x27a: {  	p0 =	sne.s32 s28, $0xFFFFFF00;
	v15 =	vadd.f32 v41, v43;
	[tilespmem:s29+$0x12210] =	vst v60;
	v9 =	vmul.f32 v9, v3;
	v7 =	vmul.f32 v10, v3  }
.Ltmp2:
0x27b: {  	[tilespmem:s29+$0x10410] =	vst v12;
	v63 =	vadd.f32 v26, v11;
	v3 =	vmul.f32 v11, v3;
	v62 =	vmul.f32 v59, v2;
	(pc) =	sbr.rel @p0 .LBB2_7-.Ltmp2, $4  }
0x27c: {  	v4 =	vmul.f32 v6, v4;
	[tilespmem:s29+$0x10910] =	vst v14;
	v6 =	vadd.f32 v57, v58  }
0x27d: {  	[tilespmem:s29+$0x10E10] =	vst v15;
	v9 =	vadd.f32 v9, v61;
	v2 =	vmul.f32 v63, v2;
	v7 =	vadd.f32 v62, v7  }
0x27e: {  	[tilespmem:s29+$0x12710] =	vst v6  }
0x27f: {  	s28 =	sadd.s32 $0x100, s28;
	v4 =	vadd.f32 v4, v5;
	v5 =	vmovc v8;
	[tilespmem:s29+$0x12C10] =	vst v9;
	v2 =	vadd.f32 v2, v3;
	v3 =	vmov v7  }
0x280: {  	v2 =	vimm.f32 $0.0e+00;
	v3 =	vimm.f32 $1.000000000e+00  }
.LBB2_9:
0x281: {  	s28 =	sshra.s32 s26, $0x2  }
0x282: {  	v20 =	vld [tilespmem:s28+$0x9B20]  }
0x283: {  	v22 =	vld [tilespmem:s28+$0xA020]  }
0x284: {  	v18 =	vld [tilespmem:s28+$0xA520]  }
0x285: {  	v5 =	vld [tilespmem:s28+$0xCD20]  }
0x286: {  	v24 =	vld [tilespmem:s28+$0xD220]  }
0x287: {  	v14 =	vld [tilespmem:s28+$0xAA20]  }
0x288: {  	v19 =	vld [tilespmem:s28+$0xD720]  }
0x289: {  	v9 =	vld [tilespmem:s28+$0xAF20]  }
0x28a: {  	v15 =	vld [tilespmem:s28+$0xDC20]  }
0x28b: {  	v8 =	vld [tilespmem:s28+$0xB420]  }
0x28c: {  	v13 =	vld [tilespmem:s28+$0xE120]  }
0x28d: {  	v6 =	vld [tilespmem:s28+$0xFA20]  }
0x28e: {  	v11 =	vld [tilespmem:s28+$0xE620]  }
0x28f: {  	v12 =	vld [tilespmem:s28+$0xB920]  }
0x290: {  	v10 =	vld [tilespmem:s28+$0xEB20];
	v4 =	vmul.f32 v5, v20  }
0x291: {  	v7 =	vmul.f32 v24, v22;
	v39 =	vmul.f32 v19, v18  }
0x292: {  	v40 =	vmul.f32 v15, v14;
	v17 =	vmul.f32 v13, v9  }
0x293: {  	v21 =	vmul.f32 v6, v20;
	v23 =	vmul.f32 v5, v22  }
0x294: {  	v16 =	vld [tilespmem:s28+$0xBE20];
	v25 =	vmul.f32 v11, v8;
	v41 =	vmul.f32 v24, v18  }
0x295: {  	v42 =	vmul.f32 v10, v12;
	v26 =	vmul.f32 v19, v14  }
0x296: {  	v28 =	vmul.f32 v6, v22;
	v44 =	vmul.f32 v15, v9  }
0x297: {  	v45 =	vmul.f32 v5, v18;
	v46 =	vmul.f32 v13, v8  }
0x298: {  	v47 =	vmul.f32 v24, v14;
	v49 =	vmul.f32 v11, v12  }
0x299: {  	v50 =	vmul.f32 v19, v9;
	v52 =	vmul.f32 v10, v16  }
0x29a: {  	v53 =	vmul.f32 v15, v8;
	v56 =	vmul.f32 v13, v12  }
0x29b: {  	v57 =	vmul.f32 v6, v18;
	v58 =	vmul.f32 v10, v20  }
0x29c: {  	v60 =	vmul.f32 v5, v14;
	v4 =	vadd.f32 v7, v4;
	v7 =	vld [tilespmem:s28+$0xF520];
	v21 =	vadd.f32 v21, v23  }
0x29d: {  	v61 =	vmul.f32 v11, v16;
	v63 =	vmul.f32 v24, v9  }
0x29e: {  	v33 =	vmul.f32 v6, v14;
	v4 =	vadd.f32 v39, v4;
	v23 =	vadd.f32 v21, v41  }
0x29f: {  	v35 =	vmul.f32 v19, v8;
	v36 =	vmul.f32 v5, v9;
	v21 =	vld [tilespmem:s28+$0xC320]  }
0x2a0: {  	v37 =	vmul.f32 v15, v12;
	v4 =	vadd.f32 v40, v4;
	v43 =	vadd.f32 v23, v26;
	v23 =	vld [tilespmem:s28+$0xC820]  }
0x2a1: {  	v39 =	vmul.f32 v24, v8;
	v27 =	vmul.f32 v7, v20  }
0x2a2: {  	v41 =	vmul.f32 v10, v22;
	v40 =	vmul.f32 v11, v20;
	v4 =	vadd.f32 v17, v4  }
0x2a3: {  	v30 =	vmul.f32 v7, v22;
	v62 =	vmul.f32 v7, v18;
	v27 =	vadd.f32 v28, v27  }
0x2a4: {  	v17 =	vld [tilespmem:s28+$0xF020];
	v48 =	vmul.f32 v7, v21;
	v34 =	vmul.f32 v10, v21;
	v4 =	vadd.f32 v25, v4  }
0x2a5: {  	v25 =	vadd.f32 v43, v44;
	v44 =	vmul.f32 v11, v21;
	v51 =	vmul.f32 v6, v23  }
0x2a6: {  	v27 =	vadd.f32 v27, v45;
	v32 =	vmul.f32 v7, v23;
	v45 =	vmul.f32 v15, v16  }
0x2a7: {  	v4 =	vadd.f32 v42, v4;
	v25 =	vadd.f32 v25, v46;
	v46 =	vmul.f32 v7, v14  }
0x2a8: {  	v42 =	vadd.f32 v41, v40;
	v40 =	vmul.f32 v11, v18;
	v41 =	vmul.f32 v13, v18  }
0x2a9: {  	v29 =	vmul.f32 v17, v16;
	v54 =	vmul.f32 v17, v20  }
0x2aa: {  	v55 =	vmul.f32 v17, v21;
	v31 =	vmul.f32 v17, v22  }
0x2ab: {  	v27 =	vadd.f32 v27, v47;
	v38 =	vmul.f32 v17, v23;
	v43 =	vmul.f32 v17, v18  }
0x2ac: {  	v47 =	vmul.f32 v13, v20;
	v25 =	vadd.f32 v25, v49;
	v4 =	vadd.f32 v29, v4  }
0x2ad: {  	v49 =	vmul.f32 v6, v9;
	v27 =	vadd.f32 v27, v50;
	v29 =	vadd.f32 v30, v54  }
0x2ae: {  	v26 =	vadd.f32 v31, v58;
	v50 =	vmul.f32 v13, v21;
	v54 =	vmul.f32 v17, v14  }
0x2af: {  	v58 =	vmul.f32 v19, v16;
	v25 =	vadd.f32 v25, v52;
	v4 =	vadd.f32 v48, v4  }
0x2b0: {  	v52 =	vmul.f32 v10, v23;
	v27 =	vadd.f32 v27, v53;
	v59 =	vadd.f32 v57, v29  }
0x2b1: {  	v26 =	vadd.f32 v62, v26;
	v48 =	vmul.f32 v11, v22;
	v53 =	vmul.f32 v5, v8  }
0x2b2: {  	v57 =	vmul.f32 v7, v9;
	v62 =	vmul.f32 v13, v22;
	v25 =	vadd.f32 v25, v55  }
0x2b3: {  	v55 =	vmul.f32 v11, v23;
	v4 =	vadd.f32 v51, v4;
	v27 =	vadd.f32 v27, v56  }
0x2b4: {  	v26 =	vadd.f32 v33, v26;
	v33 =	vmul.f32 v13, v16;
	v51 =	vmul.f32 v10, v18  }
0x2b5: {  	v28 =	vadd.f32 v59, v60;
	v56 =	vmul.f32 v24, v12;
	v59 =	vmul.f32 v15, v21  }
0x2b6: {  	v31 =	vadd.f32 v48, v47;
	v60 =	vmul.f32 v6, v8;
	v47 =	vmul.f32 v10, v9  }
0x2b7: {  	v48 =	vmul.f32 v19, v21;
	v25 =	vadd.f32 v25, v32;
	v27 =	vadd.f32 v27, v61  }
0x2b8: {  	v28 =	vadd.f32 v28, v63;
	v26 =	vadd.f32 v26, v36;
	v61 =	vmul.f32 v15, v20  }
0x2b9: {  	v31 =	vadd.f32 v51, v31;
	v63 =	vmul.f32 v19, v20;
	v36 =	vmul.f32 v5, v12  }
0x2ba: {  	v51 =	vmul.f32 v6, v12;
	v27 =	vadd.f32 v27, v34;
	v28 =	vadd.f32 v28, v35  }
0x2bb: {  	v30 =	vadd.f32 v26, v39;
	v34 =	vmul.f32 v19, v12;
	v31 =	vadd.f32 v54, v31  }
0x2bc: {  	v29 =	vadd.f32 v62, v61;
	v54 =	vmul.f32 v24, v20;
	v20 =	vadd.f32 v22, v20  }
0x2bd: {  	v35 =	vmul.f32 v15, v22;
	v28 =	vadd.f32 v28, v37;
	v26 =	vadd.f32 v27, v38  }
0x2be: {  	v61 =	vmul.f32 v19, v23;
	v30 =	vadd.f32 v30, v34;
	v27 =	vadd.f32 v43, v42  }
0x2bf: {  	v31 =	vadd.f32 v57, v31;
	v32 =	vadd.f32 v35, v63;
	v42 =	vmul.f32 v10, v14  }
0x2c0: {  	v29 =	vadd.f32 v40, v29;
	v43 =	vmul.f32 v24, v16;
	v37 =	vmul.f32 v15, v23  }
0x2c1: {  	v38 =	vmul.f32 v24, v21;
	v24 =	vmul.f32 v24, v23;
	v28 =	vadd.f32 v28, v33  }
0x2c2: {  	v63 =	vmul.f32 v11, v9;
	v30 =	vadd.f32 v30, v45;
	v27 =	vadd.f32 v46, v27  }
0x2c3: {  	v40 =	vmul.f32 v10, v8;
	v31 =	vadd.f32 v60, v31;
	v32 =	vadd.f32 v41, v32  }
0x2c4: {  	v45 =	vmul.f32 v13, v23;
	v29 =	vadd.f32 v42, v29;
	v46 =	vmul.f32 v17, v9  }
0x2c5: {  	v60 =	vmul.f32 v13, v14;
	v41 =	vadd.f32 v25, v4;
	v28 =	vadd.f32 v28, v44  }
0x2c6: {  	v42 =	vmul.f32 v17, v12;
	v27 =	vadd.f32 v49, v27;
	v30 =	vadd.f32 v30, v50  }
0x2c7: {  	v31 =	vadd.f32 v31, v36;
	v44 =	vmul.f32 v11, v14;
	v29 =	vadd.f32 v46, v29  }
0x2c8: {  	v49 =	vmul.f32 v7, v8;
	v27 =	vadd.f32 v27, v53;
	v28 =	vadd.f32 v28, v52  }
0x2c9: {  	v50 =	vmul.f32 v17, v8;
	v30 =	vadd.f32 v30, v55;
	v31 =	vadd.f32 v31, v43  }
0x2ca: {  	v32 =	vadd.f32 v44, v32;
	v29 =	vadd.f32 v49, v29;
	v52 =	vmul.f32 v5, v16  }
0x2cb: {  	v55 =	vmul.f32 v19, v22;
	v43 =	vadd.f32 v41, v26;
	v27 =	vadd.f32 v27, v56  }
0x2cc: {  	v19 =	vmul.f32 v19, v20;
	v32 =	vadd.f32 v47, v32;
	v31 =	vadd.f32 v31, v48  }
0x2cd: {  	v53 =	vmul.f32 v7, v12;
	v29 =	vadd.f32 v51, v29;
	v57 =	vadd.f32 v55, v54  }
0x2ce: {  	v49 =	vmul.f32 v6, v21;
	v19 =	vadd.f32 v19, v54;
	v44 =	vadd.f32 v43, v28  }
0x2cf: {  	v56 =	vmul.f32 v6, v16;
	v27 =	vadd.f32 v27, v58;
	v32 =	vadd.f32 v50, v32  }
0x2d0: {  	v55 =	vmul.f32 v4, v3;
	v29 =	vadd.f32 v29, v52;
	v31 =	vadd.f32 v31, v37  }
0x2d1: {  	v58 =	vmul.f32 v15, v18;
	v18 =	vadd.f32 v18, v20;
	v46 =	vadd.f32 v44, v30  }
0x2d2: {  	v27 =	vadd.f32 v27, v59;
	v32 =	vadd.f32 v53, v32;
	v59 =	vmul.f32 v5, v21  }
0x2d3: {  	v35 =	vadd.f32 v58, v57;
	v29 =	vadd.f32 v29, v38;
	v15 =	vmul.f32 v15, v18  }
0x2d4: {  	v14 =	vadd.f32 v14, v18;
	v5 =	vmul.f32 v5, v23;
	v58 =	vmul.f32 v25, v3  }
0x2d5: {  	v37 =	vmul.f32 v31, v2;
	v27 =	vadd.f32 v27, v45;
	v32 =	vadd.f32 v56, v32  }
0x2d6: {  	v38 =	vmul.f32 v31, v3;
	v62 =	vadd.f32 v60, v35;
	v36 =	vadd.f32 v29, v61  }
0x2d7: {  	v9 =	vadd.f32 v9, v14;
	v45 =	vmul.f32 v7, v16;
	v13 =	vmul.f32 v13, v14  }
0x2d8: {  	v20 =	vld [tilespmem:s28+$0xAA30];
	v15 =	vadd.f32 v15, v19;
	v56 =	vmul.f32 v25, v2;
	v60 =	vmul.f32 v26, v3  }
0x2d9: {  	v23 =	vld [tilespmem:s28+$0xAF30];
	v61 =	vmul.f32 v28, v2;
	v32 =	vadd.f32 v32, v59;
	v39 =	vadd.f32 v63, v62  }
0x2da: {  	v19 =	vld [tilespmem:s28+$0x9B30];
	v8 =	vadd.f32 v8, v9;
	v13 =	vadd.f32 v13, v15;
	v9 =	vmul.f32 v11, v9  }
0x2db: {  	v29 =	vld [tilespmem:s28+$0xD730];
	v48 =	vadd.f32 v46, v27;
	v59 =	vmul.f32 v26, v2;
	v62 =	vmul.f32 v28, v3  }
0x2dc: {  	v25 =	vld [tilespmem:s28+$0xB430];
	v63 =	vmul.f32 v30, v2;
	v33 =	vmul.f32 v27, v2;
	v24 =	vadd.f32 v32, v24  }
0x2dd: {  	v28 =	vld [tilespmem:s28+$0xD230];
	v35 =	vmul.f32 v27, v3;
	v22 =	vadd.f32 v40, v39;
	v12 =	vadd.f32 v12, v8  }
0x2de: {  	v26 =	vld [tilespmem:s28+$0xB930];
	v9 =	vadd.f32 v9, v13;
	v8 =	vmul.f32 v10, v8;
	v50 =	vadd.f32 v48, v31  }
0x2df: {  	v27 =	vld [tilespmem:s28+$0xBE30];
	v32 =	vmul.f32 v30, v3;
	v11 =	vadd.f32 v62, v63;
	v39 =	vmul.f32 v36, v2  }
0x2e0: {  	v40 =	vmul.f32 v36, v3;
	v31 =	vld [tilespmem:s28+$0xDC30];
	v13 =	vadd.f32 v35, v37;
	v22 =	vadd.f32 v42, v22  }
0x2e1: {  	v51 =	vadd.f32 v16, v12;
	v8 =	vadd.f32 v8, v9;
	v53 =	vmul.f32 v17, v12;
	v17 =	vld [tilespmem:s28+$0xFA30]  }
0x2e2: {  	v10 =	vadd.f32 v50, v36;
	v12 =	vadd.f32 v32, v33;
	v41 =	vmul.f32 v24, v2;
	v32 =	vld [tilespmem:s28+$0xE130]  }
0x2e3: {  	v33 =	vld [tilespmem:s28+$0xE630];
	v63 =	vmul.f32 v28, v20;
	v47 =	vadd.f32 v45, v22;
	v54 =	vadd.f32 v21, v51  }
0x2e4: {  	v36 =	vld [tilespmem:s28+$0xEB30];
	v8 =	vadd.f32 v53, v8;
	v7 =	vmul.f32 v7, v51;
	v15 =	vadd.f32 v40, v41  }
0x2e5: {  	v30 =	vld [tilespmem:s28+$0xF530];
	v48 =	vmul.f32 v31, v20;
	v41 =	vmul.f32 v31, v23;
	v52 =	vadd.f32 v49, v47  }
0x2e6: {  	v35 =	vld [tilespmem:s28+$0xC330];
	v6 =	vmul.f32 v6, v54;
	v7 =	vadd.f32 v7, v8;
	v49 =	vmul.f32 v4, v2  }
0x2e7: {  	v37 =	vld [tilespmem:s28+$0xC830];
	v46 =	vmul.f32 v17, v19;
	v18 =	vadd.f32 v52, v5;
	v5 =	vadd.f32 v10, v24  }
0x2e8: {  	v22 =	vld [tilespmem:s28+$0xA030];
	v51 =	vmul.f32 v32, v23;
	v40 =	vmul.f32 v33, v25  }
0x2e9: {  	v54 =	vmul.f32 v36, v26;
	v57 =	vadd.f32 v5, v18;
	v5 =	vadd.f32 v6, v7;
	v7 =	vld [tilespmem:s28+$0xCD30]  }
0x2ea: {  	v8 =	vadd.f32 v56, v55;
	v55 =	vmul.f32 v32, v25;
	v56 =	vmul.f32 v33, v26  }
0x2eb: {  	v21 =	vld [tilespmem:s28+$0xA530];
	v62 =	vmul.f32 v36, v27;
	v24 =	vmul.f32 v24, v3  }
0x2ec: {  	v10 =	vadd.f32 v60, v61;
	v52 =	vmul.f32 v29, v20;
	v60 =	vmul.f32 v30, v35  }
0x2ed: {  	v9 =	vadd.f32 v59, v58;
	v61 =	vmul.f32 v17, v37;
	v44 =	vmul.f32 v18, v2  }
0x2ee: {  	v14 =	vadd.f32 v38, v39;
	v43 =	vmul.f32 v28, v22;
	v42 =	vmul.f32 v7, v19  }
0x2ef: {  	v18 =	vmul.f32 v18, v3;
	v16 =	vadd.f32 v24, v44;
	v47 =	vmul.f32 v7, v22  }
0x2f0: {  	v45 =	vmul.f32 v29, v21;
	v39 =	vsub.f32 v57, v5;
	v6 =	vadd.f32 v43, v42  }
0x2f1: {  	v50 =	vmul.f32 v28, v21;
	v18 =	vadd.f32 v18, v49;
	v24 =	vadd.f32 v46, v47  }
0x2f2: {  	v34 =	vld [tilespmem:s28+$0xF030];
	v44 =	vmul.f32 v17, v22;
	v49 =	vmul.f32 v30, v22;
	v6 =	vadd.f32 v45, v6  }
0x2f3: {  	v53 =	vsub.f32 v39, v4;
	v39 =	vmul.f32 v39, v3;
	v24 =	vadd.f32 v24, v50  }
0x2f4: {  	v4 =	vadd.f32 v4, v5;
	v3 =	vmul.f32 v5, v3;
	v6 =	vadd.f32 v48, v6  }
0x2f5: {  	v59 =	vmul.f32 v7, v21;
	v38 =	vmul.f32 v53, v2;
	v24 =	vadd.f32 v24, v52  }
0x2f6: {  	v53 =	vmul.f32 v31, v25;
	v43 =	vmul.f32 v30, v19;
	v6 =	vadd.f32 v51, v6  }
0x2f7: {  	v42 =	vmul.f32 v34, v27;
	v46 =	vmul.f32 v36, v22;
	v24 =	vadd.f32 v24, v41  }
0x2f8: {  	v47 =	vmul.f32 v36, v37;
	v58 =	vadd.f32 v44, v43;
	v6 =	vadd.f32 v40, v6  }
0x2f9: {  	v50 =	vmul.f32 v29, v23;
	v45 =	vmul.f32 v34, v35;
	v24 =	vadd.f32 v24, v55  }
0x2fa: {  	v48 =	vmul.f32 v34, v19;
	v51 =	vmul.f32 v17, v21;
	v40 =	vadd.f32 v54, v6  }
0x2fb: {  	v55 =	vmul.f32 v7, v20;
	v6 =	vadd.f32 v38, v39;
	v24 =	vadd.f32 v24, v56  }
0x2fc: {  	v56 =	vmul.f32 v36, v19;
	v57 =	vadd.f32 v42, v40;
	v40 =	vadd.f32 v58, v59  }
0x2fd: {  	v38 =	vadd.f32 v24, v62;
	v58 =	vmul.f32 v32, v26;
	v59 =	vmul.f32 v28, v23  }
0x2fe: {  	v42 =	vadd.f32 v49, v48;
	v62 =	vmul.f32 v29, v25;
	v48 =	vmul.f32 v17, v20  }
0x2ff: {  	v49 =	vmul.f32 v31, v26;
	v39 =	vadd.f32 v60, v57;
	v40 =	vadd.f32 v40, v63  }
0x300: {  	v38 =	vadd.f32 v38, v45;
	v54 =	vadd.f32 v51, v42;
	v57 =	vmul.f32 v34, v22  }
0x301: {  	v60 =	vmul.f32 v30, v37;
	v63 =	vmul.f32 v33, v27;
	v24 =	vadd.f32 v61, v39  }
0x302: {  	v51 =	vmul.f32 v36, v35;
	v52 =	vadd.f32 v40, v50;
	v41 =	vadd.f32 v54, v55  }
0x303: {  	v40 =	vadd.f32 v57, v56;
	v61 =	vmul.f32 v30, v21;
	v50 =	vmul.f32 v7, v23  }
0x304: {  	v38 =	vadd.f32 v38, v60;
	v54 =	vmul.f32 v28, v25;
	v55 =	vmul.f32 v33, v19  }
0x305: {  	v56 =	vmul.f32 v29, v26;
	v57 =	vmul.f32 v33, v35;
	v39 =	vadd.f32 v52, v53  }
0x306: {  	v41 =	vadd.f32 v41, v59;
	v40 =	vadd.f32 v61, v40;
	v52 =	vmul.f32 v34, v37  }
0x307: {  	v53 =	vmul.f32 v32, v27;
	v44 =	vadd.f32 v46, v55;
	v59 =	vmul.f32 v31, v27  }
0x308: {  	v61 =	vmul.f32 v30, v20;
	v55 =	vmul.f32 v30, v23;
	v39 =	vadd.f32 v39, v58  }
0x309: {  	v41 =	vadd.f32 v41, v62;
	v40 =	vadd.f32 v48, v40;
	v58 =	vmul.f32 v34, v21  }
0x30a: {  	v62 =	vmul.f32 v32, v19;
	v48 =	vmul.f32 v32, v35;
	v39 =	vadd.f32 v39, v63  }
0x30b: {  	v41 =	vadd.f32 v41, v49;
	v40 =	vadd.f32 v40, v50;
	v63 =	vmul.f32 v33, v22  }
0x30c: {  	v60 =	vadd.f32 v58, v44;
	v49 =	vmul.f32 v17, v23;
	v50 =	vmul.f32 v36, v21  }
0x30d: {  	v58 =	vmul.f32 v29, v27;
	v39 =	vadd.f32 v39, v51;
	v41 =	vadd.f32 v41, v53  }
0x30e: {  	v40 =	vadd.f32 v40, v54;
	v51 =	vmul.f32 v7, v25;
	v53 =	vmul.f32 v34, v20  }
0x30f: {  	v43 =	vadd.f32 v61, v60;
	v54 =	vmul.f32 v28, v26;
	v60 =	vmul.f32 v33, v21  }
0x310: {  	v42 =	vadd.f32 v63, v62;
	v61 =	vmul.f32 v29, v19;
	v62 =	vmul.f32 v36, v20  }
0x311: {  	v63 =	vmul.f32 v7, v26;
	v39 =	vadd.f32 v39, v52;
	v40 =	vadd.f32 v40, v56  }
0x312: {  	v41 =	vadd.f32 v41, v57;
	v43 =	vadd.f32 v49, v43;
	v52 =	vmul.f32 v33, v37  }
0x313: {  	v42 =	vadd.f32 v50, v42;
	v56 =	vmul.f32 v31, v19;
	v57 =	vmul.f32 v32, v22  }
0x314: {  	v49 =	vmul.f32 v31, v22;
	v40 =	vadd.f32 v40, v59;
	v41 =	vadd.f32 v41, v47  }
0x315: {  	v50 =	vmul.f32 v29, v22;
	v43 =	vadd.f32 v43, v51;
	v42 =	vadd.f32 v53, v42  }
0x316: {  	v59 =	vmul.f32 v17, v25;
	v44 =	vadd.f32 v57, v56;
	v53 =	vmul.f32 v34, v23  }
0x317: {  	v47 =	vadd.f32 v49, v61;
	v56 =	vmul.f32 v28, v27;
	v57 =	vmul.f32 v30, v25  }
0x318: {  	v61 =	vmul.f32 v29, v35;
	v40 =	vadd.f32 v40, v48;
	v43 =	vadd.f32 v43, v54  }
0x319: {  	v48 =	vmul.f32 v31, v35;
	v42 =	vadd.f32 v55, v42;
	v44 =	vadd.f32 v60, v44  }
0x31a: {  	v55 =	vmul.f32 v33, v20;
	v60 =	vmul.f32 v17, v26;
	v40 =	vadd.f32 v40, v52  }
0x31b: {  	v45 =	vmul.f32 v41, v1;
	v43 =	vadd.f32 v43, v58;
	v42 =	vadd.f32 v59, v42  }
0x31c: {  	v52 =	vmul.f32 v32, v21;
	v44 =	vadd.f32 v62, v44;
	v58 =	vmul.f32 v32, v37  }
0x31d: {  	v59 =	vmul.f32 v36, v23;
	v62 =	vmul.f32 v34, v25;
	v43 =	vadd.f32 v43, v48  }
0x31e: {  	v42 =	vadd.f32 v42, v63;
	v54 =	vadd.f32 v52, v47;
	v63 =	vmul.f32 v7, v27  }
0x31f: {  	v44 =	vadd.f32 v53, v44;
	v52 =	vmul.f32 v30, v26;
	v53 =	vmul.f32 v31, v37  }
0x320: {  	v47 =	vmul.f32 v40, v1;
	v46 =	vadd.f32 v55, v54;
	v42 =	vadd.f32 v42, v56  }
0x321: {  	v44 =	vadd.f32 v57, v44;
	v54 =	vmul.f32 v28, v35;
	v55 =	vmul.f32 v29, v37  }
0x322: {  	v43 =	vadd.f32 v43, v58;
	v56 =	vmul.f32 v17, v27;
	v57 =	vmul.f32 v28, v19  }
0x323: {  	v58 =	vmul.f32 v7, v35;
	v28 =	vmul.f32 v28, v37;
	v19 =	vadd.f32 v22, v19  }
0x324: {  	v7 =	vmul.f32 v7, v37;
	v46 =	vadd.f32 v59, v46;
	v44 =	vadd.f32 v60, v44  }
0x325: {  	v42 =	vadd.f32 v42, v61;
	v59 =	vadd.f32 v50, v57;
	v60 =	vmul.f32 v31, v21  }
0x326: {  	v29 =	vmul.f32 v29, v19;
	v19 =	vadd.f32 v21, v19;
	v46 =	vadd.f32 v62, v46  }
0x327: {  	v48 =	vmul.f32 v43, v0;
	v44 =	vadd.f32 v44, v63;
	v42 =	vadd.f32 v42, v53  }
0x328: {  	v61 =	vadd.f32 v60, v59;
	v62 =	vmul.f32 v32, v20;
	v63 =	vadd.f32 v38, v24  }
0x329: {  	v29 =	vadd.f32 v29, v57;
	v31 =	vmul.f32 v31, v19;
	v19 =	vadd.f32 v20, v19  }
0x32a: {  	v49 =	vmul.f32 v43, v1;
	v46 =	vadd.f32 v52, v46;
	v44 =	vadd.f32 v44, v54  }
0x32b: {  	v51 =	vadd.f32 v62, v61;
	v52 =	vmul.f32 v33, v23;
	v53 =	vadd.f32 v63, v39  }
0x32c: {  	v29 =	vadd.f32 v31, v29;
	v57 =	vmul.f32 v32, v19;
	v19 =	vadd.f32 v23, v19  }
0x32d: {  	v50 =	vmul.f32 v42, v0;
	v46 =	vadd.f32 v56, v46;
	v44 =	vadd.f32 v44, v55  }
0x32e: {  	v54 =	vadd.f32 v52, v51;
	v55 =	vmul.f32 v36, v25;
	v56 =	vadd.f32 v53, v41  }
0x32f: {  	v59 =	vadd.f32 v57, v29;
	v60 =	vmul.f32 v33, v19;
	v19 =	vadd.f32 v25, v19  }
0x330: {  	v37 =	vmul.f32 v39, v0;
	v51 =	vadd.f32 v47, v48;
	v5 =	vadd.f32 v49, v50  }
0x331: {  	v61 =	vmul.f32 v30, v27;
	v46 =	vadd.f32 v46, v58;
	v20 =	vadd.f32 v55, v54  }
0x332: {  	v58 =	vmul.f32 v34, v26;
	v22 =	vadd.f32 v56, v40;
	v23 =	vadd.f32 v60, v59  }
0x333: {  	[tilespmem:s28+$0xFF20] =	vst v8;
	v25 =	vmul.f32 v36, v19;
	v19 =	vadd.f32 v26, v19;
	v28 =	vadd.f32 v46, v28  }
0x334: {  	[tilespmem:s28+$0x10420] =	vst v9;
	v62 =	vmul.f32 v17, v35;
	v20 =	vadd.f32 v58, v20;
	v22 =	vadd.f32 v22, v43  }
0x335: {  	[tilespmem:s28+$0x10920] =	vst v10;
	v23 =	vadd.f32 v25, v23;
	v63 =	vmul.f32 v34, v19;
	v19 =	vadd.f32 v27, v19  }
0x336: {  	[tilespmem:s28+$0x10E20] =	vst v11;
	v52 =	vmul.f32 v42, v1;
	v20 =	vadd.f32 v61, v20;
	v22 =	vadd.f32 v22, v42  }
0x337: {  	[tilespmem:s28+$0x11320] =	vst v12;
	v29 =	vadd.f32 v63, v23;
	v31 =	vmul.f32 v30, v19;
	v19 =	vadd.f32 v35, v19  }
0x338: {  	[tilespmem:s28+$0x11820] =	vst v13;
	v36 =	vmul.f32 v38, v1;
	v26 =	vadd.f32 v62, v20;
	v27 =	vadd.f32 v22, v44  }
0x339: {  	[tilespmem:s28+$0x11D20] =	vst v14;
	v53 =	vmul.f32 v44, v0;
	v55 =	vmul.f32 v44, v1;
	v9 =	vadd.f32 v31, v29  }
0x33a: {  	[tilespmem:s28+$0x12220] =	vst v15;
	v33 =	vmul.f32 v17, v19;
	v7 =	vadd.f32 v26, v7;
	v32 =	vadd.f32 v27, v28  }
0x33b: {  	[tilespmem:s28+$0x12720] =	vst v16;
	v34 =	vmul.f32 v24, v1;
	v10 =	vadd.f32 v37, v36;
	v46 =	vmul.f32 v40, v0  }
0x33c: {  	[tilespmem:s28+$0x12C20] =	vst v18;
	v35 =	vmul.f32 v38, v0;
	v9 =	vadd.f32 v33, v9;
	v8 =	vadd.f32 v32, v7  }
0x33d: {  	[tilespmem:s28+$0x11330] =	vst v51;
	v54 =	vadd.f32 v52, v53;
	v38 =	vmul.f32 v39, v1;
	v39 =	vmul.f32 v41, v0  }
0x33e: {  	[tilespmem:s28+$0x11830] =	vst v5;
	v13 =	vadd.f32 v45, v46;
	v56 =	vmul.f32 v28, v0;
	v8 =	vsub.f32 v8, v9  }
0x33f: {  	[tilespmem:s28+$0x10430] =	vst v10;
	v57 =	vmul.f32 v28, v1;
	v61 =	vmul.f32 v24, v0;
	v11 =	vadd.f32 v35, v34  }
0x340: {  	[tilespmem:s28+$0x11D30] =	vst v54;
	v12 =	vadd.f32 v38, v39;
	v58 =	vmul.f32 v7, v0;
	v59 =	vsub.f32 v8, v24  }
0x341: {  	p0 =	sne.s32 s26, $0xFFFFFF00;
	[tilespmem:s28+$0x10E30] =	vst v13;
	v60 =	vadd.f32 v55, v56;
	v7 =	vmul.f32 v7, v1;
	v5 =	vmul.f32 v8, v1  }
.Ltmp3:
0x342: {  	[tilespmem:s28+$0xFF30] =	vst v11;
	v63 =	vadd.f32 v24, v9;
	v1 =	vmul.f32 v9, v1;
	v62 =	vmul.f32 v59, v0;
	(pc) =	sbr.rel @p0 .LBB2_9-.Ltmp3, $4  }
0x343: {  	v2 =	vmul.f32 v4, v2;
	[tilespmem:s28+$0x10930] =	vst v12;
	v4 =	vadd.f32 v57, v58  }
0x344: {  	[tilespmem:s28+$0x12230] =	vst v60;
	v7 =	vadd.f32 v7, v61;
	v0 =	vmul.f32 v63, v0;
	v5 =	vadd.f32 v62, v5  }
0x345: {  	[tilespmem:s28+$0x12730] =	vst v4  }
0x346: {  	s26 =	sadd.s32 $0x100, s26;
	v2 =	vadd.f32 v2, v3;
	v3 =	vmovc v6;
	[tilespmem:s28+$0x12C30] =	vst v7;
	v0 =	vadd.f32 v0, v1;
	v1 =	vmov v5  }
0x347: {  	s24 =	sadd.s32 $0x1, s24  }
0x348: {  	p0 =	sne.s32 s24, $0x4  }
.Ltmp4:
0x349: {  	_ = 	snop;
	(pc) =	sbr.rel @p0 .LBB2_2-.Ltmp4, $3  }
0x34a: {  	_ =	sdelay $0x1  }
0x34b: {  	s25 =	sadd.s32 s6, s25  }
0x34c: {  	[hbm4b:s25+s12] =	stream.strided.scatter [tilespmem:s20], [sflag:$0x4], $0x3200, s13, s12, $0x38;
	[tilespmem:$0x12C00] =	vst v63  }
0x34d: {  	s23 =	sadd.s32 $0x1, s23  }
0x34e: {  	_ =	swait.ge [sflag:s21], $0x3200;
	p0 =	sne.s32 s23, s11  }
.Ltmp5:
0x34f: {  	[sflag:s21] =	ssyncset.done $0x0;
	(pc) =	sbr.rel @p0 .LBB2_1-.Ltmp5, $4  }
0x350: {  	[sflag:s21] =	ssyncadd.s32 $0xFFFFCE00  }
0x351: {  	_ =	swait.ge [sflag:s22], $0x3200  }
0x352: {  	[sflag:s22] =	ssyncset.done $0x0  }
0x353: {  	[sflag:s22] =	ssyncadd.s32 $0xFFFFCE00  }
0x354: {  	_ =	sfence.sel $0x180000  }
0x355: {  	[bflag:$0x0] =	sbarrier.arrive $0xFFFF  }
0x356: {  	p0 =	sne.s32 s2, $0x0;
	_ =	strace $0x90000047  }
0x357: {  	s0 =	sadd.s32 @!p0 $0x100000, s0;
	[bflag:$0x2] =	sbarrier.arrive $0xFFFF  }
0x358: {  	[sflag:s0] =	ssyncadd.tile.s32 @!p0 $0x1;
	_ =	shalt  }
.Lfunc_end2:
_tile_overlayer_lowered:
.L_overlay_start_2:
0x359: {  	(tag) =	ssettag $0x2  }
0x35a: {  	s0 =	rddreg [dreg:$0x0];
	s2 =	stileid.u32  }
0x35b: {  	s1 =	rddreg [dreg:$0x1];
	p0 =	sne.s32 s2, $0x0  }
0x35c: {  	s3 =	rddreg [dreg:$0x2];
	[bflag:$0x3] =	sbarrier.arrive $0xFFFF;
	s2 =	simm.s32 @!p0 $0x1C05  }
0x35d: {  	[timem:s3], [sflag:s2] =	dma.local @!p0 [hbm:s0], s1  }
0x35e: {  	s0 =	simm.s32 @!p0 $0x5  }
0x35f: {  	_ =	swait.ge @!p0 [sflag:s0], s1  }
0x360: {  	s1 =	ssub.s32 @!p0 $0x0, s1;
	[sflag:s0] =	ssyncset.done @!p0 $0x0  }
0x361: {  	[sflag:s0] =	ssyncadd.s32 @!p0 s1  }
0x362: {  	[bflag:$0x3] =	sbarrier.arrive $0xFFFF  }
0x363: {  	_ =	shalt  }

</sc_bundles>
